<compile_context>
chip_gen: v7x
topology: tpu7x:2x2x1
jax: 0.10.2.dev20260603
libtpu: 0.0.44.dev20260713+nightly
codegen_flags: <defaults>
</compile_context>

<pallas_src>
import functools

import jax
import jax.numpy as jnp
from jax import lax
from jax.experimental import pallas as pl
from jax.experimental.pallas import tpu as pltpu
from jax.experimental.pallas import tpu_sc as plsc

_CDIMS = (((1,), (1,)), ((), ()))


def _bdot(h, w):
    return lax.dot_general(h.astype(jnp.bfloat16), w, _CDIMS,
                           preferred_element_type=jnp.float32)



def _sqdist(new_xyz, xyz):
    aa = jnp.sum(new_xyz * new_xyz, axis=-1, keepdims=True)
    bb = jnp.sum(xyz * xyz, axis=-1)[:, None, :]
    ab = jnp.einsum('bsc,bnc->bsn', new_xyz, xyz)
    return aa + bb - 2.0 * ab


def _bq_body(sqr_ref, gidx_ref, *, K, r2, NB):
    S, N = sqr_ref.shape[1:]
    valid = sqr_ref[0] <= r2
    vf = valid.astype(jnp.float32)
    tri = (lax.broadcasted_iota(jnp.int32, (N, N), 0)
           < lax.broadcasted_iota(jnp.int32, (N, N), 1))
    rank = lax.dot_general(vf.astype(jnp.bfloat16), tri.astype(jnp.bfloat16),
                           (((1,), (0,)), ((), ())),
                           preferred_element_type=jnp.float32)
    cnt = jnp.sum(vf, axis=1, keepdims=True)
    n_iota = lax.broadcasted_iota(jnp.int32, (1, N), 1).astype(jnp.float32)
    karr = lax.broadcasted_iota(jnp.int32, (1, K), 1).astype(jnp.float32)
    idx = jnp.zeros((S, K), jnp.float32)
    col0 = None
    for k in range(K):
        sel = valid & (rank == float(k))
        colk = jnp.sum(jnp.where(sel, n_iota, 0.0), axis=1, keepdims=True)
        if k == 0:
            col0 = colk
        idx = idx + colk * (karr == float(k)).astype(jnp.float32)
    idx = jnp.where(karr >= cnt, col0, idx)
    boff = (pl.program_id(0) * NB).astype(jnp.float32)
    gidx_ref[0] = (idx + boff).astype(jnp.int32)


def _bq_call(xt, S, K, r2):
    B, N, _ = xt.shape
    sqr = _sqdist(xt[:, :S], xt)
    return pl.pallas_call(
        functools.partial(_bq_body, K=K, r2=r2, NB=N),
        grid=(B,),
        in_specs=[pl.BlockSpec((1, S, N), lambda b: (b, 0, 0))],
        out_specs=pl.BlockSpec((1, S, K), lambda b: (b, 0, 0)),
        out_shape=jax.ShapeDtypeStruct((B, S, K), jnp.int32),
    )(sqr)



def _sc_gather(table, idx2d):
    V, D = table.shape
    M = idx2d.shape[0] * 128
    NW = 32
    per_w = M // NW
    CH = 1024
    mesh = plsc.VectorSubcoreMesh(core_axis_name="c", subcore_axis_name="s")

    @functools.partial(
        pl.kernel,
        out_type=jax.ShapeDtypeStruct((M, D), jnp.float32),
        mesh=mesh,
        scratch_types=[
            pltpu.VMEM((8, 128), jnp.int32),
            pltpu.VMEM((CH, D), jnp.float32),
            pltpu.SemaphoreType.DMA,
        ],
        compiler_params=pltpu.CompilerParams(use_tc_tiling_on_sc=False),
    )
    def k(table_hbm, idx_hbm, out_hbm, idx_v, rows_v, sem):
        wid = lax.axis_index("s") * 2 + lax.axis_index("c")
        base = wid * per_w

        def chunk(i, carry):
            rbase = pl.multiple_of(base + i * CH, CH)
            pltpu.sync_copy(idx_hbm.at[pl.ds(pl.multiple_of(rbase // 128, 8), 8)], idx_v)
            cps = [
                pltpu.async_copy(table_hbm.at[idx_v.at[j]],
                                 rows_v.at[pl.ds(j * 128, 128)], sem)
                for j in range(8)
            ]
            for cp in cps:
                cp.wait()
            pltpu.sync_copy(rows_v, out_hbm.at[pl.ds(rbase, CH)])
            return carry

        lax.fori_loop(0, per_w // CH, chunk, 0)

    return k(table, idx2d)



def _conv_body(gy_ref, c_ref, w1, s1, t1, w2, s2, t2, w3, s3, t3, o_ref, *,
               K, packed):
    g = gy_ref[0]
    stk, cw = g.shape
    st = stk // K
    g3 = g.reshape(st, K, cw)
    if packed:
        rel = g3[:, :, :16] - c_ref[0][:, None, :]
        u = lax.bitcast_convert_type(g3[:, :, 16:], jnp.uint32)
        lo = lax.bitcast_convert_type(u << 16, jnp.float32)
        hi = lax.bitcast_convert_type(u & jnp.uint32(0xFFFF0000), jnp.float32)
        h = jnp.concatenate([rel, lo, hi], axis=2).reshape(stk, 2 * cw - 16)
    else:
        h = (g3 - c_ref[0][:, None, :]).reshape(stk, cw)
    for w, s, t in ((w1, s1, t1), (w2, s2, t2), (w3, s3, t3)):
        h = _bdot(h, w[...])
        h = jnp.maximum(h * s[...] + t[...], 0.0)
    o_ref[0] = jnp.max(h.reshape(st, K, h.shape[1]), axis=1)


def _conv_call(Gy, carg, Ws, gs, bs, K, st, packed=False):
    B, R, C = Gy.shape
    rt = st * K
    grid = (B, R // rt)
    cout = Ws[2].shape[0]
    in_specs = [
        pl.BlockSpec((1, rt, C), lambda b, s: (b, s, 0)),
        pl.BlockSpec((1, st, carg.shape[2]), lambda b, s: (b, s, 0)),
    ]
    args = []
    for w, g, b in zip(Ws, gs, bs):
        for a in (w.astype(jnp.bfloat16), g.reshape(1, -1), b.reshape(1, -1)):
            args.append(a)
            in_specs.append(pl.BlockSpec(a.shape, lambda b, s: (0, 0)))
    return pl.pallas_call(
        functools.partial(_conv_body, K=K, packed=packed),
        grid=grid,
        in_specs=in_specs,
        out_specs=pl.BlockSpec((1, st, cout), lambda b, s: (b, s, 0)),
        out_shape=jax.ShapeDtypeStruct((B, R // K, cout), jnp.float32),
    )(Gy, carg, *args)



def _tail_body(x_ref, w1, s1, t1, w2, s2, t2, w3, s3, t3,
               l1, u1, v1, l2, u2, v2, fw, fb, o_ref):
    h = x_ref[0]
    for w, s, t in ((w1, s1, t1), (w2, s2, t2), (w3, s3, t3)):
        h = _bdot(h, w[...])
        h = jnp.maximum(h * s[...] + t[...], 0.0)
    z = jnp.max(h, axis=0, keepdims=True)
    z = jnp.maximum(_bdot(z, l1[...]) * u1[...] + v1[...], 0.0)
    z = jnp.maximum(_bdot(z, l2[...]) * u2[...] + v2[...], 0.0)
    o_ref[0] = _bdot(z, fw[...]) + fb[...]


def _tail_call(X3, params):
    B = X3.shape[0]
    args = []
    for w, g, b in zip(params['conv3_W'], params['conv3_g'], params['conv3_b']):
        args += [w.astype(jnp.bfloat16), g.reshape(1, -1), b.reshape(1, -1)]
    args += [params['lin1_W'].astype(jnp.bfloat16),
             params['bn1_g'].reshape(1, -1), params['bn1_b'].reshape(1, -1)]
    args += [params['lin2_W'].astype(jnp.bfloat16),
             params['bn2_g'].reshape(1, -1), params['bn2_b'].reshape(1, -1)]
    args += [params['fc_W'].astype(jnp.bfloat16), params['fc_b'].reshape(1, -1)]
    in_specs = [pl.BlockSpec((1,) + X3.shape[1:], lambda b: (b, 0, 0))]
    for a in args:
        in_specs.append(pl.BlockSpec(a.shape, lambda b: tuple(0 for _ in a.shape)))
    out = pl.pallas_call(
        _tail_body,
        grid=(B,),
        in_specs=in_specs,
        out_specs=pl.BlockSpec((1, 1, 40), lambda b: (b, 0, 0)),
        out_shape=jax.ShapeDtypeStruct((B, 1, 40), jnp.float32),
    )(X3, *args)
    return out.reshape(B, 40)



def kernel(x, params):
    B, _, N = x.shape
    xt = jnp.transpose(x, (0, 2, 1))

    S1, K1 = N // 2, 32
    gidx1 = _bq_call(xt, S1, K1, 0.2 * 0.2)
    X1p = jnp.pad(xt, ((0, 0), (0, 0), (0, 13)))
    w1p = jnp.pad(params['conv1_W'][0], ((0, 0), (0, 13)))
    G1 = _sc_gather(X1p.reshape(B * N, 16), gidx1.reshape(-1, 128))
    F1 = _conv_call(G1.reshape(B, S1 * K1, 16), X1p[:, :S1],
                    [w1p] + params['conv1_W'][1:], params['conv1_g'],
                    params['conv1_b'], K1, 256)

    S2, K2 = S1 // 2, 64
    xt2 = xt[:, :S1]
    gidx2 = _bq_call(xt2, S2, K2, 0.4 * 0.4)
    F1b = F1.astype(jnp.bfloat16)
    packF1 = lax.bitcast_convert_type(
        jnp.stack([F1b[:, :, :64], F1b[:, :, 64:]], axis=-1), jnp.float32)
    X2p = jnp.concatenate(
        [xt2, jnp.zeros((B, S1, 13), jnp.float32), packF1], axis=-1)
    w21 = params['conv2_W'][0]
    w2p = jnp.concatenate(
        [w21[:, :3], jnp.zeros((128, 13), jnp.float32), w21[:, 3:]], axis=1)
    c2 = jnp.pad(xt2[:, :S2], ((0, 0), (0, 0), (0, 13)))
    G2 = _sc_gather(X2p.reshape(B * S1, 80), gidx2.reshape(-1, 128))
    F2 = _conv_call(G2.reshape(B, S2 * K2, 80), c2,
                    [w2p] + params['conv2_W'][1:], params['conv2_g'],
                    params['conv2_b'], K2, 64, packed=True)

    X3 = jnp.concatenate([xt2[:, :S2], F2], axis=-1)
    return _tail_call(X3, params)

# --- scband reference (transcript-rebuilt; emitter-appended) ---
"""Pipeline reference for scband-point-net-ssg-49014166782448 (READ-ONLY COPY).

The authoritative reference and input builder live on the scoring server;
editing this copy changes nothing except your own understanding.
"""

import jax, jax.numpy as jnp
import numpy as np


def _square_distance(a, b):
    # a: [B,S,3], b: [B,N,3] -> [B,S,N]
    aa = jnp.sum(a * a, axis=-1, keepdims=True)
    bb = jnp.sum(b * b, axis=-1)[:, None, :]
    ab = jnp.einsum('bsc,bnc->bsn', a, b)
    return aa + bb - 2.0 * ab


def _gather(points, idx):
    # points: [B,N,C], idx: [B,S,K] -> [B,S,K,C]
    return jax.vmap(lambda p, i: p[i])(points, idx)


def _set_conv(x, Ws, gs, bs, nsample, stride, radius):
    # x: [B, C, N]; first 3 channels are xyz, rest are features
    xt = jnp.transpose(x, (0, 2, 1))
    xyz = xt[:, :, :3]
    feats = xt[:, :, 3:]
    B, N, _ = xyz.shape
    if stride is None:
        # group_all: single group over all points, raw coords as relative coords
        grouped = xt[:, None, :, :]
        new_xyz = None
    else:
        S = N // stride
        new_xyz = xyz[:, :S, :]
        sqr = _square_distance(new_xyz, xyz)
        gidx = jnp.broadcast_to(jnp.arange(N, dtype=jnp.int32), (B, S, N))
        gidx = jnp.where(sqr > radius * radius, N, gidx)
        gidx = jnp.sort(gidx, axis=-1)[:, :, :nsample]
        first = jnp.broadcast_to(gidx[:, :, :1], gidx.shape)
        gidx = jnp.where(gidx == N, first, gidx)
        gxyz = _gather(xyz, gidx) - new_xyz[:, :, None, :]
        if feats.shape[-1] > 0:
            gfeat = _gather(feats, gidx)
            grouped = jnp.concatenate([gxyz, gfeat], axis=-1)
        else:
            grouped = gxyz
    h = grouped
    for W, g, b in zip(Ws, gs, bs):
        h = jnp.einsum('bskc,oc->bsko', h, W)
        h = h * g + b  # BN eval mode (running stats 0/1), learned affine
        h = jax.nn.relu(h)
    nf = jnp.max(h, axis=2)  # max over neighborhood
    if stride is None:
        return jnp.transpose(nf, (0, 2, 1))  # [B, Cout, 1]
    out = jnp.concatenate([new_xyz, nf], axis=-1)
    return jnp.transpose(out, (0, 2, 1))  # [B, 3+Cout, S]


def _forward(x, params):
    h = _set_conv(x, params['conv1_W'], params['conv1_g'], params['conv1_b'], 32, 2, 0.2)
    h = _set_conv(h, params['conv2_W'], params['conv2_g'], params['conv2_b'], 64, 2, 0.4)
    h = _set_conv(h, params['conv3_W'], params['conv3_g'], params['conv3_b'], 128, None, None)
    h = jnp.squeeze(h, axis=2)
    h = h @ params['lin1_W'].T
    h = jax.nn.relu(h * params['bn1_g'] + params['bn1_b'])
    h = h @ params['lin2_W'].T
    h = jax.nn.relu(h * params['bn2_g'] + params['bn2_b'])
    return h @ params['fc_W'].T + params['fc_b']


def _make_params(key):
    def mk(key, shapes):
        Ws, gs, bs = [], [], []
        for (o, i) in shapes:
            key, sk = jax.random.split(key)
            Ws.append(jax.random.normal(sk, (o, i), dtype=jnp.float32) * np.sqrt(2.0 / i))
            gs.append(jnp.ones((o,), dtype=jnp.float32))
            bs.append(jnp.zeros((o,), dtype=jnp.float32))
        return key, Ws, gs, bs
    params = {}
    key, params['conv1_W'], params['conv1_g'], params['conv1_b'] = mk(key, [(64, 3), (64, 64), (128, 64)])
    key, params['conv2_W'], params['conv2_g'], params['conv2_b'] = mk(key, [(128, 131), (128, 128), (256, 128)])
    key, params['conv3_W'], params['conv3_g'], params['conv3_b'] = mk(key, [(256, 259), (512, 256), (1024, 512)])
    key, k1, k2, k3 = jax.random.split(key, 4)
    params['lin1_W'] = jax.random.normal(k1, (512, 1024), dtype=jnp.float32) * np.sqrt(2.0 / 1024)
    params['bn1_g'] = jnp.ones((512,), jnp.float32)
    params['bn1_b'] = jnp.zeros((512,), jnp.float32)
    params['lin2_W'] = jax.random.normal(k2, (256, 512), dtype=jnp.float32) * np.sqrt(2.0 / 512)
    params['bn2_g'] = jnp.ones((256,), jnp.float32)
    params['bn2_b'] = jnp.zeros((256,), jnp.float32)
    params['fc_W'] = jax.random.normal(k3, (40, 256), dtype=jnp.float32) * np.sqrt(2.0 / 256)
    params['fc_b'] = jnp.zeros((40,), jnp.float32)
    return params


def setup_inputs(seed: int = 0):
    key = jax.random.key(seed)
    kx, kp = jax.random.split(key)
    x = jax.random.uniform(kx, (32, 3, 1024), dtype=jnp.float32)
    params = _make_params(kp)
    return {'x': x, 'params': params}


def reference(x, params):
    return _forward(x, params)

if __name__ == "__main__":
    import jax
    _d = setup_inputs()
    print(jax.jit(kernel)(*tuple(_d.values())))

</pallas_src>

<mosaic_0001>
#map = affine_map<(d0, d1) -> (0, 0)>
module attributes {stable_mosaic.version = 14 : i64} {
  func.func @k(%arg0: i32, %arg1: i32, %arg2: memref<32768x16xf32, #tpu.memory_space<hbm>>, %arg3: memref<4096x128xi32, #tpu.memory_space<hbm>>, %arg4: memref<524288x16xf32, #tpu.memory_space<hbm>>, %arg5: memref<8x128xi32, #tpu.memory_space<vmem>>, %arg6: memref<1024x16xf32, #tpu.memory_space<vmem>>, %arg7: memref<!tpu.dma_semaphore, #tpu.memory_space<semaphore_mem>>) attributes {dimension_semantics = [#tpu.dimension_semantics<core_parallel>, #tpu.dimension_semantics<subcore_parallel>], iteration_bounds = array<i64: 2, 16>, scalar_prefetch = 0 : i64, scratch_operands = 3 : i64, tpu.core_type = #tpu.core_type<sc_vector_subcore>, window_params = [{transform_indices = #map}, {transform_indices = #map}, {transform_indices = #map}]} {
    %mul3A = arith.constant 2 : i32
    %mul3A_0 = arith.muli %arg1, %mul3A : i32
    %add3A = arith.addi %mul3A_0, %arg0 : i32
    %mul3A_1 = arith.constant 16384 : i32
    %mul3A_2 = arith.muli %add3A, %mul3A_1 : i32
    %scan3A = arith.constant 0 : i32
    %scan3A_3 = arith.constant 0 : i32
    %scan3A_4 = arith.constant 16 : i32
    %scan3A_5 = arith.addi %scan3A_3, %scan3A_4 : i32
    %scan3A_6 = arith.constant 1 : i32
    scf.for %scan3A_8 = %scan3A_3 to %scan3A_5 step %scan3A_6  : i32 {
      %mul3A_9 = arith.constant 1024 : i32
      %mul3A_10 = arith.muli %scan3A_8, %mul3A_9 : i32
      %add3A_11 = arith.addi %mul3A_2, %mul3A_10 : i32
      %multiple_of3A = tpu.assume_multiple %add3A_11, 1024 : i32
      %jit3A = arith.constant 128 : i32
      %div3A = arith.divsi %multiple_of3A, %jit3A : i32
      %sign3A = arith.constant 0 : i32
      %sign3A_12 = arith.cmpi sgt, %multiple_of3A, %sign3A : i32
      %sign3A_13 = arith.extui %sign3A_12 : i1 to i32
      %sign3A_14 = arith.constant 0 : i32
      %sign3A_15 = arith.cmpi slt, %multiple_of3A, %sign3A_14 : i32
      %sign3A_16 = arith.extui %sign3A_15 : i1 to i32
      %sign3A_17 = arith.subi %sign3A_13, %sign3A_16 : i32
      %sign3A_18 = arith.constant 0 : i32
      %sign3A_19 = arith.cmpi sgt, %jit3A, %sign3A_18 : i32
      %sign3A_20 = arith.extui %sign3A_19 : i1 to i32
      %sign3A_21 = arith.constant 0 : i32
      %sign3A_22 = arith.cmpi slt, %jit3A, %sign3A_21 : i32
      %sign3A_23 = arith.extui %sign3A_22 : i1 to i32
      %sign3A_24 = arith.subi %sign3A_20, %sign3A_23 : i32
      %ne3A = arith.cmpi ne, %sign3A_17, %sign3A_24 : i32
      %rem3A = arith.remsi %multiple_of3A, %jit3A : i32
      %ne3A_25 = arith.constant 0 : i32
      %ne3A_26 = arith.cmpi ne, %rem3A, %ne3A_25 : i32
      %and3A = arith.andi %ne3A, %ne3A_26 : i1
      %sub3A = arith.constant 1 : i32
      %sub3A_27 = arith.subi %div3A, %sub3A : i32
      %select_n3A = arith.select %and3A, %sub3A_27, %div3A : i32
      %multiple_of3A_28 = tpu.assume_multiple %select_n3A, 8 : i32
      "tpu.region"() ({
        %run_scoped3A = tpu.sem_alloc : memref<!tpu.dma_semaphore, #tpu.memory_space<semaphore_mem>>
        %dma_start3A_187 = arith.constant 0 : i32
        %dma_start3A_188 = tpu.memref_slice %arg3[%multiple_of3A_28, %dma_start3A_187] : memref<4096x128xi32, #tpu.memory_space<hbm>> -> memref<8x128xi32, #tpu.memory_space<hbm>>
        %dma_start3A_189 = arith.constant 0 : i32
        %dma_start3A_190 = tpu.memref_slice %arg3[%multiple_of3A_28, %dma_start3A_189] : memref<4096x128xi32, #tpu.memory_space<hbm>> -> memref<8x128xi32, #tpu.memory_space<hbm>>
        tpu.enqueue_dma source(%dma_start3A_190 : memref<8x128xi32, #tpu.memory_space<hbm>>) target(%arg5 : memref<8x128xi32, #tpu.memory_space<vmem>>) target_semaphore(%run_scoped3A : memref<!tpu.dma_semaphore, #tpu.memory_space<semaphore_mem>>)
        %dma_wait3A_191 = arith.constant 0 : i32
        %dma_wait3A_192 = tpu.memref_slice %arg3[%multiple_of3A_28, %dma_wait3A_191] : memref<4096x128xi32, #tpu.memory_space<hbm>> -> memref<8x128xi32, #tpu.memory_space<hbm>>
        %dma_wait3A_193 = arith.constant 0 : i32
        %dma_wait3A_194 = tpu.memref_slice %arg3[%multiple_of3A_28, %dma_wait3A_193] : memref<4096x128xi32, #tpu.memory_space<hbm>> -> memref<8x128xi32, #tpu.memory_space<hbm>>
        tpu.wait_dma2 semaphore(%run_scoped3A : memref<!tpu.dma_semaphore, #tpu.memory_space<semaphore_mem>>) src(%dma_wait3A_194 : memref<8x128xi32, #tpu.memory_space<hbm>>) dst(%arg5 : memref<8x128xi32, #tpu.memory_space<vmem>>)
        tpu.yield
      }) : () -> ()
      %dma_start3A = arith.constant 0 : i32
      %dma_start3A_29 = arith.constant 0 : i32
      %dma_start3A_30 = arith.constant 0 : i32
      %dma_start3A_31 = tpu.memref_slice %arg6[%dma_start3A_29, %dma_start3A_30] : memref<1024x16xf32, #tpu.memory_space<vmem>> -> memref<128x16xf32, #tpu.memory_space<vmem>>
      %dma_start3A_32 = arith.constant 0 : i32
      %dma_start3A_33 = tpu.memref_slice %arg5[%dma_start3A, %dma_start3A_32] : memref<8x128xi32, #tpu.memory_space<vmem>> -> memref<1x128xi32, #tpu.memory_space<vmem>>
      %dma_start3A_34 = tpu.memref_squeeze %dma_start3A_33 : memref<1x128xi32, #tpu.memory_space<vmem>> -> memref<128xi32, #tpu.memory_space<vmem>>
      %dma_start3A_35 = arith.constant 0 : i32
      %dma_start3A_36 = arith.constant 0 : i32
      %dma_start3A_37 = tpu.memref_slice %arg2[%dma_start3A_35, %dma_start3A_36] : memref<32768x16xf32, #tpu.memory_space<hbm>> -> memref<32768x16xf32, #tpu.memory_space<hbm>>
      tpu.enqueue_indirect_dma source(%dma_start3A_37 : memref<32768x16xf32, #tpu.memory_space<hbm>>) target(%dma_start3A_31 : memref<128x16xf32, #tpu.memory_space<vmem>>) offsets(%dma_start3A_34 : memref<128xi32, #tpu.memory_space<vmem>>) semaphore(%arg7 : memref<!tpu.dma_semaphore, #tpu.memory_space<semaphore_mem>>)
      %dma_start3A_38 = arith.constant 1 : i32
      %dma_start3A_39 = arith.constant 128 : i32
      %dma_start3A_40 = arith.constant 0 : i32
      %dma_start3A_41 = tpu.memref_slice %arg6[%dma_start3A_39, %dma_start3A_40] : memref<1024x16xf32, #tpu.memory_space<vmem>> -> memref<128x16xf32, #tpu.memory_space<vmem>>
      %dma_start3A_42 = arith.constant 0 : i32
      %dma_start3A_43 = tpu.memref_slice %arg5[%dma_start3A_38, %dma_start3A_42] : memref<8x128xi32, #tpu.memory_space<vmem>> -> memref<1x128xi32, #tpu.memory_space<vmem>>
      %dma_start3A_44 = tpu.memref_squeeze %dma_start3A_43 : memref<1x128xi32, #tpu.memory_space<vmem>> -> memref<128xi32, #tpu.memory_space<vmem>>
      %dma_start3A_45 = arith.constant 0 : i32
      %dma_start3A_46 = arith.constant 0 : i32
      %dma_start3A_47 = tpu.memref_slice %arg2[%dma_start3A_45, %dma_start3A_46] : memref<32768x16xf32, #tpu.memory_space<hbm>> -> memref<32768x16xf32, #tpu.memory_space<hbm>>
      tpu.enqueue_indirect_dma source(%dma_start3A_47 : memref<32768x16xf32, #tpu.memory_space<hbm>>) target(%dma_start3A_41 : memref<128x16xf32, #tpu.memory_space<vmem>>) offsets(%dma_start3A_44 : memref<128xi32, #tpu.memory_space<vmem>>) semaphore(%arg7 : memref<!tpu.dma_semaphore, #tpu.memory_space<semaphore_mem>>)
      %dma_start3A_48 = arith.constant 2 : i32
      %dma_start3A_49 = arith.constant 256 : i32
      %dma_start3A_50 = arith.constant 0 : i32
      %dma_start3A_51 = tpu.memref_slice %arg6[%dma_start3A_49, %dma_start3A_50] : memref<1024x16xf32, #tpu.memory_space<vmem>> -> memref<128x16xf32, #tpu.memory_space<vmem>>
      %dma_start3A_52 = arith.constant 0 : i32
      %dma_start3A_53 = tpu.memref_slice %arg5[%dma_start3A_48, %dma_start3A_52] : memref<8x128xi32, #tpu.memory_space<vmem>> -> memref<1x128xi32, #tpu.memory_space<vmem>>
      %dma_start3A_54 = tpu.memref_squeeze %dma_start3A_53 : memref<1x128xi32, #tpu.memory_space<vmem>> -> memref<128xi32, #tpu.memory_space<vmem>>
      %dma_start3A_55 = arith.constant 0 : i32
      %dma_start3A_56 = arith.constant 0 : i32
      %dma_start3A_57 = tpu.memref_slice %arg2[%dma_start3A_55, %dma_start3A_56] : memref<32768x16xf32, #tpu.memory_space<hbm>> -> memref<32768x16xf32, #tpu.memory_space<hbm>>
      tpu.enqueue_indirect_dma source(%dma_start3A_57 : memref<32768x16xf32, #tpu.memory_space<hbm>>) target(%dma_start3A_51 : memref<128x16xf32, #tpu.memory_space<vmem>>) offsets(%dma_start3A_54 : memref<128xi32, #tpu.memory_space<vmem>>) semaphore(%arg7 : memref<!tpu.dma_semaphore, #tpu.memory_space<semaphore_mem>>)
      %dma_start3A_58 = arith.constant 3 : i32
      %dma_start3A_59 = arith.constant 384 : i32
      %dma_start3A_60 = arith.constant 0 : i32
      %dma_start3A_61 = tpu.memref_slice %arg6[%dma_start3A_59, %dma_start3A_60] : memref<1024x16xf32, #tpu.memory_space<vmem>> -> memref<128x16xf32, #tpu.memory_space<vmem>>
      %dma_start3A_62 = arith.constant 0 : i32
      %dma_start3A_63 = tpu.memref_slice %arg5[%dma_start3A_58, %dma_start3A_62] : memref<8x128xi32, #tpu.memory_space<vmem>> -> memref<1x128xi32, #tpu.memory_space<vmem>>
      %dma_start3A_64 = tpu.memref_squeeze %dma_start3A_63 : memref<1x128xi32, #tpu.memory_space<vmem>> -> memref<128xi32, #tpu.memory_space<vmem>>
      %dma_start3A_65 = arith.constant 0 : i32
      %dma_start3A_66 = arith.constant 0 : i32
      %dma_start3A_67 = tpu.memref_slice %arg2[%dma_start3A_65, %dma_start3A_66] : memref<32768x16xf32, #tpu.memory_space<hbm>> -> memref<32768x16xf32, #tpu.memory_space<hbm>>
      tpu.enqueue_indirect_dma source(%dma_start3A_67 : memref<32768x16xf32, #tpu.memory_space<hbm>>) target(%dma_start3A_61 : memref<128x16xf32, #tpu.memory_space<vmem>>) offsets(%dma_start3A_64 : memref<128xi32, #tpu.memory_space<vmem>>) semaphore(%arg7 : memref<!tpu.dma_semaphore, #tpu.memory_space<semaphore_mem>>)
      %dma_start3A_68 = arith.constant 4 : i32
      %dma_start3A_69 = arith.constant 512 : i32
      %dma_start3A_70 = arith.constant 0 : i32
      %dma_start3A_71 = tpu.memref_slice %arg6[%dma_start3A_69, %dma_start3A_70] : memref<1024x16xf32, #tpu.memory_space<vmem>> -> memref<128x16xf32, #tpu.memory_space<vmem>>
      %dma_start3A_72 = arith.constant 0 : i32
      %dma_start3A_73 = tpu.memref_slice %arg5[%dma_start3A_68, %dma_start3A_72] : memref<8x128xi32, #tpu.memory_space<vmem>> -> memref<1x128xi32, #tpu.memory_space<vmem>>
      %dma_start3A_74 = tpu.memref_squeeze %dma_start3A_73 : memref<1x128xi32, #tpu.memory_space<vmem>> -> memref<128xi32, #tpu.memory_space<vmem>>
      %dma_start3A_75 = arith.constant 0 : i32
      %dma_start3A_76 = arith.constant 0 : i32
      %dma_start3A_77 = tpu.memref_slice %arg2[%dma_start3A_75, %dma_start3A_76] : memref<32768x16xf32, #tpu.memory_space<hbm>> -> memref<32768x16xf32, #tpu.memory_space<hbm>>
      tpu.enqueue_indirect_dma source(%dma_start3A_77 : memref<32768x16xf32, #tpu.memory_space<hbm>>) target(%dma_start3A_71 : memref<128x16xf32, #tpu.memory_space<vmem>>) offsets(%dma_start3A_74 : memref<128xi32, #tpu.memory_space<vmem>>) semaphore(%arg7 : memref<!tpu.dma_semaphore, #tpu.memory_space<semaphore_mem>>)
      %dma_start3A_78 = arith.constant 5 : i32
      %dma_start3A_79 = arith.constant 640 : i32
      %dma_start3A_80 = arith.constant 0 : i32
      %dma_start3A_81 = tpu.memref_slice %arg6[%dma_start3A_79, %dma_start3A_80] : memref<1024x16xf32, #tpu.memory_space<vmem>> -> memref<128x16xf32, #tpu.memory_space<vmem>>
      %dma_start3A_82 = arith.constant 0 : i32
      %dma_start3A_83 = tpu.memref_slice %arg5[%dma_start3A_78, %dma_start3A_82] : memref<8x128xi32, #tpu.memory_space<vmem>> -> memref<1x128xi32, #tpu.memory_space<vmem>>
      %dma_start3A_84 = tpu.memref_squeeze %dma_start3A_83 : memref<1x128xi32, #tpu.memory_space<vmem>> -> memref<128xi32, #tpu.memory_space<vmem>>
      %dma_start3A_85 = arith.constant 0 : i32
      %dma_start3A_86 = arith.constant 0 : i32
      %dma_start3A_87 = tpu.memref_slice %arg2[%dma_start3A_85, %dma_start3A_86] : memref<32768x16xf32, #tpu.memory_space<hbm>> -> memref<32768x16xf32, #tpu.memory_space<hbm>>
      tpu.enqueue_indirect_dma source(%dma_start3A_87 : memref<32768x16xf32, #tpu.memory_space<hbm>>) target(%dma_start3A_81 : memref<128x16xf32, #tpu.memory_space<vmem>>) offsets(%dma_start3A_84 : memref<128xi32, #tpu.memory_space<vmem>>) semaphore(%arg7 : memref<!tpu.dma_semaphore, #tpu.memory_space<semaphore_mem>>)
      %dma_start3A_88 = arith.constant 6 : i32
      %dma_start3A_89 = arith.constant 768 : i32
      %dma_start3A_90 = arith.constant 0 : i32
      %dma_start3A_91 = tpu.memref_slice %arg6[%dma_start3A_89, %dma_start3A_90] : memref<1024x16xf32, #tpu.memory_space<vmem>> -> memref<128x16xf32, #tpu.memory_space<vmem>>
      %dma_start3A_92 = arith.constant 0 : i32
      %dma_start3A_93 = tpu.memref_slice %arg5[%dma_start3A_88, %dma_start3A_92] : memref<8x128xi32, #tpu.memory_space<vmem>> -> memref<1x128xi32, #tpu.memory_space<vmem>>
      %dma_start3A_94 = tpu.memref_squeeze %dma_start3A_93 : memref<1x128xi32, #tpu.memory_space<vmem>> -> memref<128xi32, #tpu.memory_space<vmem>>
      %dma_start3A_95 = arith.constant 0 : i32
      %dma_start3A_96 = arith.constant 0 : i32
      %dma_start3A_97 = tpu.memref_slice %arg2[%dma_start3A_95, %dma_start3A_96] : memref<32768x16xf32, #tpu.memory_space<hbm>> -> memref<32768x16xf32, #tpu.memory_space<hbm>>
      tpu.enqueue_indirect_dma source(%dma_start3A_97 : memref<32768x16xf32, #tpu.memory_space<hbm>>) target(%dma_start3A_91 : memref<128x16xf32, #tpu.memory_space<vmem>>) offsets(%dma_start3A_94 : memref<128xi32, #tpu.memory_space<vmem>>) semaphore(%arg7 : memref<!tpu.dma_semaphore, #tpu.memory_space<semaphore_mem>>)
      %dma_start3A_98 = arith.constant 7 : i32
      %dma_start3A_99 = arith.constant 896 : i32
      %dma_start3A_100 = arith.constant 0 : i32
      %dma_start3A_101 = tpu.memref_slice %arg6[%dma_start3A_99, %dma_start3A_100] : memref<1024x16xf32, #tpu.memory_space<vmem>> -> memref<128x16xf32, #tpu.memory_space<vmem>>
      %dma_start3A_102 = arith.constant 0 : i32
      %dma_start3A_103 = tpu.memref_slice %arg5[%dma_start3A_98, %dma_start3A_102] : memref<8x128xi32, #tpu.memory_space<vmem>> -> memref<1x128xi32, #tpu.memory_space<vmem>>
      %dma_start3A_104 = tpu.memref_squeeze %dma_start3A_103 : memref<1x128xi32, #tpu.memory_space<vmem>> -> memref<128xi32, #tpu.memory_space<vmem>>
      %dma_start3A_105 = arith.constant 0 : i32
      %dma_start3A_106 = arith.constant 0 : i32
      %dma_start3A_107 = tpu.memref_slice %arg2[%dma_start3A_105, %dma_start3A_106] : memref<32768x16xf32, #tpu.memory_space<hbm>> -> memref<32768x16xf32, #tpu.memory_space<hbm>>
      tpu.enqueue_indirect_dma source(%dma_start3A_107 : memref<32768x16xf32, #tpu.memory_space<hbm>>) target(%dma_start3A_101 : memref<128x16xf32, #tpu.memory_space<vmem>>) offsets(%dma_start3A_104 : memref<128xi32, #tpu.memory_space<vmem>>) semaphore(%arg7 : memref<!tpu.dma_semaphore, #tpu.memory_space<semaphore_mem>>)
      %dma_wait3A = arith.constant 0 : i32
      %dma_wait3A_108 = arith.constant 0 : i32
      %dma_wait3A_109 = arith.constant 0 : i32
      %dma_wait3A_110 = tpu.memref_slice %arg6[%dma_wait3A_108, %dma_wait3A_109] : memref<1024x16xf32, #tpu.memory_space<vmem>> -> memref<128x16xf32, #tpu.memory_space<vmem>>
      %dma_wait3A_111 = arith.constant 0 : i32
      %dma_wait3A_112 = tpu.memref_slice %arg5[%dma_wait3A, %dma_wait3A_111] : memref<8x128xi32, #tpu.memory_space<vmem>> -> memref<1x128xi32, #tpu.memory_space<vmem>>
      %dma_wait3A_113 = tpu.memref_squeeze %dma_wait3A_112 : memref<1x128xi32, #tpu.memory_space<vmem>> -> memref<128xi32, #tpu.memory_space<vmem>>
      %dma_wait3A_114 = arith.constant 0 : i32
      %dma_wait3A_115 = arith.constant 0 : i32
      %dma_wait3A_116 = tpu.memref_slice %arg2[%dma_wait3A_114, %dma_wait3A_115] : memref<32768x16xf32, #tpu.memory_space<hbm>> -> memref<32768x16xf32, #tpu.memory_space<hbm>>
      tpu.wait_indirect_dma semaphore(%arg7 : memref<!tpu.dma_semaphore, #tpu.memory_space<semaphore_mem>>) src(%dma_wait3A_116 : memref<32768x16xf32, #tpu.memory_space<hbm>>) dst(%dma_wait3A_110 : memref<128x16xf32, #tpu.memory_space<vmem>>)
      %dma_wait3A_117 = arith.constant 1 : i32
      %dma_wait3A_118 = arith.constant 128 : i32
      %dma_wait3A_119 = arith.constant 0 : i32
      %dma_wait3A_120 = tpu.memref_slice %arg6[%dma_wait3A_118, %dma_wait3A_119] : memref<1024x16xf32, #tpu.memory_space<vmem>> -> memref<128x16xf32, #tpu.memory_space<vmem>>
      %dma_wait3A_121 = arith.constant 0 : i32
      %dma_wait3A_122 = tpu.memref_slice %arg5[%dma_wait3A_117, %dma_wait3A_121] : memref<8x128xi32, #tpu.memory_space<vmem>> -> memref<1x128xi32, #tpu.memory_space<vmem>>
      %dma_wait3A_123 = tpu.memref_squeeze %dma_wait3A_122 : memref<1x128xi32, #tpu.memory_space<vmem>> -> memref<128xi32, #tpu.memory_space<vmem>>
      %dma_wait3A_124 = arith.constant 0 : i32
      %dma_wait3A_125 = arith.constant 0 : i32
      %dma_wait3A_126 = tpu.memref_slice %arg2[%dma_wait3A_124, %dma_wait3A_125] : memref<32768x16xf32, #tpu.memory_space<hbm>> -> memref<32768x16xf32, #tpu.memory_space<hbm>>
      tpu.wait_indirect_dma semaphore(%arg7 : memref<!tpu.dma_semaphore, #tpu.memory_space<semaphore_mem>>) src(%dma_wait3A_126 : memref<32768x16xf32, #tpu.memory_space<hbm>>) dst(%dma_wait3A_120 : memref<128x16xf32, #tpu.memory_space<vmem>>)
      %dma_wait3A_127 = arith.constant 2 : i32
      %dma_wait3A_128 = arith.constant 256 : i32
      %dma_wait3A_129 = arith.constant 0 : i32
      %dma_wait3A_130 = tpu.memref_slice %arg6[%dma_wait3A_128, %dma_wait3A_129] : memref<1024x16xf32, #tpu.memory_space<vmem>> -> memref<128x16xf32, #tpu.memory_space<vmem>>
      %dma_wait3A_131 = arith.constant 0 : i32
      %dma_wait3A_132 = tpu.memref_slice %arg5[%dma_wait3A_127, %dma_wait3A_131] : memref<8x128xi32, #tpu.memory_space<vmem>> -> memref<1x128xi32, #tpu.memory_space<vmem>>
      %dma_wait3A_133 = tpu.memref_squeeze %dma_wait3A_132 : memref<1x128xi32, #tpu.memory_space<vmem>> -> memref<128xi32, #tpu.memory_space<vmem>>
      %dma_wait3A_134 = arith.constant 0 : i32
      %dma_wait3A_135 = arith.constant 0 : i32
      %dma_wait3A_136 = tpu.memref_slice %arg2[%dma_wait3A_134, %dma_wait3A_135] : memref<32768x16xf32, #tpu.memory_space<hbm>> -> memref<32768x16xf32, #tpu.memory_space<hbm>>
      tpu.wait_indirect_dma semaphore(%arg7 : memref<!tpu.dma_semaphore, #tpu.memory_space<semaphore_mem>>) src(%dma_wait3A_136 : memref<32768x16xf32, #tpu.memory_space<hbm>>) dst(%dma_wait3A_130 : memref<128x16xf32, #tpu.memory_space<vmem>>)
      %dma_wait3A_137 = arith.constant 3 : i32
      %dma_wait3A_138 = arith.constant 384 : i32
      %dma_wait3A_139 = arith.constant 0 : i32
      %dma_wait3A_140 = tpu.memref_slice %arg6[%dma_wait3A_138, %dma_wait3A_139] : memref<1024x16xf32, #tpu.memory_space<vmem>> -> memref<128x16xf32, #tpu.memory_space<vmem>>
      %dma_wait3A_141 = arith.constant 0 : i32
      %dma_wait3A_142 = tpu.memref_slice %arg5[%dma_wait3A_137, %dma_wait3A_141] : memref<8x128xi32, #tpu.memory_space<vmem>> -> memref<1x128xi32, #tpu.memory_space<vmem>>
      %dma_wait3A_143 = tpu.memref_squeeze %dma_wait3A_142 : memref<1x128xi32, #tpu.memory_space<vmem>> -> memref<128xi32, #tpu.memory_space<vmem>>
      %dma_wait3A_144 = arith.constant 0 : i32
      %dma_wait3A_145 = arith.constant 0 : i32
      %dma_wait3A_146 = tpu.memref_slice %arg2[%dma_wait3A_144, %dma_wait3A_145] : memref<32768x16xf32, #tpu.memory_space<hbm>> -> memref<32768x16xf32, #tpu.memory_space<hbm>>
      tpu.wait_indirect_dma semaphore(%arg7 : memref<!tpu.dma_semaphore, #tpu.memory_space<semaphore_mem>>) src(%dma_wait3A_146 : memref<32768x16xf32, #tpu.memory_space<hbm>>) dst(%dma_wait3A_140 : memref<128x16xf32, #tpu.memory_space<vmem>>)
      %dma_wait3A_147 = arith.constant 4 : i32
      %dma_wait3A_148 = arith.constant 512 : i32
      %dma_wait3A_149 = arith.constant 0 : i32
      %dma_wait3A_150 = tpu.memref_slice %arg6[%dma_wait3A_148, %dma_wait3A_149] : memref<1024x16xf32, #tpu.memory_space<vmem>> -> memref<128x16xf32, #tpu.memory_space<vmem>>
      %dma_wait3A_151 = arith.constant 0 : i32
      %dma_wait3A_152 = tpu.memref_slice %arg5[%dma_wait3A_147, %dma_wait3A_151] : memref<8x128xi32, #tpu.memory_space<vmem>> -> memref<1x128xi32, #tpu.memory_space<vmem>>
      %dma_wait3A_153 = tpu.memref_squeeze %dma_wait3A_152 : memref<1x128xi32, #tpu.memory_space<vmem>> -> memref<128xi32, #tpu.memory_space<vmem>>
      %dma_wait3A_154 = arith.constant 0 : i32
      %dma_wait3A_155 = arith.constant 0 : i32
      %dma_wait3A_156 = tpu.memref_slice %arg2[%dma_wait3A_154, %dma_wait3A_155] : memref<32768x16xf32, #tpu.memory_space<hbm>> -> memref<32768x16xf32, #tpu.memory_space<hbm>>
      tpu.wait_indirect_dma semaphore(%arg7 : memref<!tpu.dma_semaphore, #tpu.memory_space<semaphore_mem>>) src(%dma_wait3A_156 : memref<32768x16xf32, #tpu.memory_space<hbm>>) dst(%dma_wait3A_150 : memref<128x16xf32, #tpu.memory_space<vmem>>)
      %dma_wait3A_157 = arith.constant 5 : i32
      %dma_wait3A_158 = arith.constant 640 : i32
      %dma_wait3A_159 = arith.constant 0 : i32
      %dma_wait3A_160 = tpu.memref_slice %arg6[%dma_wait3A_158, %dma_wait3A_159] : memref<1024x16xf32, #tpu.memory_space<vmem>> -> memref<128x16xf32, #tpu.memory_space<vmem>>
      %dma_wait3A_161 = arith.constant 0 : i32
      %dma_wait3A_162 = tpu.memref_slice %arg5[%dma_wait3A_157, %dma_wait3A_161] : memref<8x128xi32, #tpu.memory_space<vmem>> -> memref<1x128xi32, #tpu.memory_space<vmem>>
      %dma_wait3A_163 = tpu.memref_squeeze %dma_wait3A_162 : memref<1x128xi32, #tpu.memory_space<vmem>> -> memref<128xi32, #tpu.memory_space<vmem>>
      %dma_wait3A_164 = arith.constant 0 : i32
      %dma_wait3A_165 = arith.constant 0 : i32
      %dma_wait3A_166 = tpu.memref_slice %arg2[%dma_wait3A_164, %dma_wait3A_165] : memref<32768x16xf32, #tpu.memory_space<hbm>> -> memref<32768x16xf32, #tpu.memory_space<hbm>>
      tpu.wait_indirect_dma semaphore(%arg7 : memref<!tpu.dma_semaphore, #tpu.memory_space<semaphore_mem>>) src(%dma_wait3A_166 : memref<32768x16xf32, #tpu.memory_space<hbm>>) dst(%dma_wait3A_160 : memref<128x16xf32, #tpu.memory_space<vmem>>)
      %dma_wait3A_167 = arith.constant 6 : i32
      %dma_wait3A_168 = arith.constant 768 : i32
      %dma_wait3A_169 = arith.constant 0 : i32
      %dma_wait3A_170 = tpu.memref_slice %arg6[%dma_wait3A_168, %dma_wait3A_169] : memref<1024x16xf32, #tpu.memory_space<vmem>> -> memref<128x16xf32, #tpu.memory_space<vmem>>
      %dma_wait3A_171 = arith.constant 0 : i32
      %dma_wait3A_172 = tpu.memref_slice %arg5[%dma_wait3A_167, %dma_wait3A_171] : memref<8x128xi32, #tpu.memory_space<vmem>> -> memref<1x128xi32, #tpu.memory_space<vmem>>
      %dma_wait3A_173 = tpu.memref_squeeze %dma_wait3A_172 : memref<1x128xi32, #tpu.memory_space<vmem>> -> memref<128xi32, #tpu.memory_space<vmem>>
      %dma_wait3A_174 = arith.constant 0 : i32
      %dma_wait3A_175 = arith.constant 0 : i32
      %dma_wait3A_176 = tpu.memref_slice %arg2[%dma_wait3A_174, %dma_wait3A_175] : memref<32768x16xf32, #tpu.memory_space<hbm>> -> memref<32768x16xf32, #tpu.memory_space<hbm>>
      tpu.wait_indirect_dma semaphore(%arg7 : memref<!tpu.dma_semaphore, #tpu.memory_space<semaphore_mem>>) src(%dma_wait3A_176 : memref<32768x16xf32, #tpu.memory_space<hbm>>) dst(%dma_wait3A_170 : memref<128x16xf32, #tpu.memory_space<vmem>>)
      %dma_wait3A_177 = arith.constant 7 : i32
      %dma_wait3A_178 = arith.constant 896 : i32
      %dma_wait3A_179 = arith.constant 0 : i32
      %dma_wait3A_180 = tpu.memref_slice %arg6[%dma_wait3A_178, %dma_wait3A_179] : memref<1024x16xf32, #tpu.memory_space<vmem>> -> memref<128x16xf32, #tpu.memory_space<vmem>>
      %dma_wait3A_181 = arith.constant 0 : i32
      %dma_wait3A_182 = tpu.memref_slice %arg5[%dma_wait3A_177, %dma_wait3A_181] : memref<8x128xi32, #tpu.memory_space<vmem>> -> memref<1x128xi32, #tpu.memory_space<vmem>>
      %dma_wait3A_183 = tpu.memref_squeeze %dma_wait3A_182 : memref<1x128xi32, #tpu.memory_space<vmem>> -> memref<128xi32, #tpu.memory_space<vmem>>
      %dma_wait3A_184 = arith.constant 0 : i32
      %dma_wait3A_185 = arith.constant 0 : i32
      %dma_wait3A_186 = tpu.memref_slice %arg2[%dma_wait3A_184, %dma_wait3A_185] : memref<32768x16xf32, #tpu.memory_space<hbm>> -> memref<32768x16xf32, #tpu.memory_space<hbm>>
      tpu.wait_indirect_dma semaphore(%arg7 : memref<!tpu.dma_semaphore, #tpu.memory_space<semaphore_mem>>) src(%dma_wait3A_186 : memref<32768x16xf32, #tpu.memory_space<hbm>>) dst(%dma_wait3A_180 : memref<128x16xf32, #tpu.memory_space<vmem>>)
      "tpu.region"() ({
        %run_scoped3A = tpu.sem_alloc : memref<!tpu.dma_semaphore, #tpu.memory_space<semaphore_mem>>
        %dma_start3A_187 = arith.constant 0 : i32
        %dma_start3A_188 = tpu.memref_slice %arg4[%multiple_of3A, %dma_start3A_187] : memref<524288x16xf32, #tpu.memory_space<hbm>> -> memref<1024x16xf32, #tpu.memory_space<hbm>>
        %dma_start3A_189 = arith.constant 0 : i32
        %dma_start3A_190 = tpu.memref_slice %arg4[%multiple_of3A, %dma_start3A_189] : memref<524288x16xf32, #tpu.memory_space<hbm>> -> memref<1024x16xf32, #tpu.memory_space<hbm>>
        tpu.enqueue_dma source(%arg6 : memref<1024x16xf32, #tpu.memory_space<vmem>>) target(%dma_start3A_190 : memref<1024x16xf32, #tpu.memory_space<hbm>>) target_semaphore(%run_scoped3A : memref<!tpu.dma_semaphore, #tpu.memory_space<semaphore_mem>>)
        %dma_wait3A_191 = arith.constant 0 : i32
        %dma_wait3A_192 = tpu.memref_slice %arg4[%multiple_of3A, %dma_wait3A_191] : memref<524288x16xf32, #tpu.memory_space<hbm>> -> memref<1024x16xf32, #tpu.memory_space<hbm>>
        %dma_wait3A_193 = arith.constant 0 : i32
        %dma_wait3A_194 = tpu.memref_slice %arg4[%multiple_of3A, %dma_wait3A_193] : memref<524288x16xf32, #tpu.memory_space<hbm>> -> memref<1024x16xf32, #tpu.memory_space<hbm>>
        tpu.wait_dma2 semaphore(%run_scoped3A : memref<!tpu.dma_semaphore, #tpu.memory_space<semaphore_mem>>) src(%arg6 : memref<1024x16xf32, #tpu.memory_space<vmem>>) dst(%dma_wait3A_194 : memref<1024x16xf32, #tpu.memory_space<hbm>>)
        tpu.yield
      }) : () -> ()
    }
    %scan3A_7 = arith.constant 16 : i32
    return
  }
}

#map = affine_map<(d0, d1) -> (0, 0)>
module attributes {stable_mosaic.version = 14 : i64} {
  func.func @k(%arg0: i32, %arg1: i32, %arg2: memref<16384x80xf32, #tpu.memory_space<hbm>>, %arg3: memref<4096x128xi32, #tpu.memory_space<hbm>>, %arg4: memref<524288x80xf32, #tpu.memory_space<hbm>>, %arg5: memref<8x128xi32, #tpu.memory_space<vmem>>, %arg6: memref<1024x80xf32, #tpu.memory_space<vmem>>, %arg7: memref<!tpu.dma_semaphore, #tpu.memory_space<semaphore_mem>>) attributes {dimension_semantics = [#tpu.dimension_semantics<core_parallel>, #tpu.dimension_semantics<subcore_parallel>], iteration_bounds = array<i64: 2, 16>, scalar_prefetch = 0 : i64, scratch_operands = 3 : i64, tpu.core_type = #tpu.core_type<sc_vector_subcore>, window_params = [{transform_indices = #map}, {transform_indices = #map}, {transform_indices = #map}]} {
    %mul3A = arith.constant 2 : i32
    %mul3A_0 = arith.muli %arg1, %mul3A : i32
    %add3A = arith.addi %mul3A_0, %arg0 : i32
    %mul3A_1 = arith.constant 16384 : i32
    %mul3A_2 = arith.muli %add3A, %mul3A_1 : i32
    %scan3A = arith.constant 0 : i32
    %scan3A_3 = arith.constant 0 : i32
    %scan3A_4 = arith.constant 16 : i32
    %scan3A_5 = arith.addi %scan3A_3, %scan3A_4 : i32
    %scan3A_6 = arith.constant 1 : i32
    scf.for %scan3A_8 = %scan3A_3 to %scan3A_5 step %scan3A_6  : i32 {
      %mul3A_9 = arith.constant 1024 : i32
      %mul3A_10 = arith.muli %scan3A_8, %mul3A_9 : i32
      %add3A_11 = arith.addi %mul3A_2, %mul3A_10 : i32
      %multiple_of3A = tpu.assume_multiple %add3A_11, 1024 : i32
      %jit3A = arith.constant 128 : i32
      %div3A = arith.divsi %multiple_of3A, %jit3A : i32
      %sign3A = arith.constant 0 : i32
      %sign3A_12 = arith.cmpi sgt, %multiple_of3A, %sign3A : i32
      %sign3A_13 = arith.extui %sign3A_12 : i1 to i32
      %sign3A_14 = arith.constant 0 : i32
      %sign3A_15 = arith.cmpi slt, %multiple_of3A, %sign3A_14 : i32
      %sign3A_16 = arith.extui %sign3A_15 : i1 to i32
      %sign3A_17 = arith.subi %sign3A_13, %sign3A_16 : i32
      %sign3A_18 = arith.constant 0 : i32
      %sign3A_19 = arith.cmpi sgt, %jit3A, %sign3A_18 : i32
      %sign3A_20 = arith.extui %sign3A_19 : i1 to i32
      %sign3A_21 = arith.constant 0 : i32
      %sign3A_22 = arith.cmpi slt, %jit3A, %sign3A_21 : i32
      %sign3A_23 = arith.extui %sign3A_22 : i1 to i32
      %sign3A_24 = arith.subi %sign3A_20, %sign3A_23 : i32
      %ne3A = arith.cmpi ne, %sign3A_17, %sign3A_24 : i32
      %rem3A = arith.remsi %multiple_of3A, %jit3A : i32
      %ne3A_25 = arith.constant 0 : i32
      %ne3A_26 = arith.cmpi ne, %rem3A, %ne3A_25 : i32
      %and3A = arith.andi %ne3A, %ne3A_26 : i1
      %sub3A = arith.constant 1 : i32
      %sub3A_27 = arith.subi %div3A, %sub3A : i32
      %select_n3A = arith.select %and3A, %sub3A_27, %div3A : i32
      %multiple_of3A_28 = tpu.assume_multiple %select_n3A, 8 : i32
      "tpu.region"() ({
        %run_scoped3A = tpu.sem_alloc : memref<!tpu.dma_semaphore, #tpu.memory_space<semaphore_mem>>
        %dma_start3A_187 = arith.constant 0 : i32
        %dma_start3A_188 = tpu.memref_slice %arg3[%multiple_of3A_28, %dma_start3A_187] : memref<4096x128xi32, #tpu.memory_space<hbm>> -> memref<8x128xi32, #tpu.memory_space<hbm>>
        %dma_start3A_189 = arith.constant 0 : i32
        %dma_start3A_190 = tpu.memref_slice %arg3[%multiple_of3A_28, %dma_start3A_189] : memref<4096x128xi32, #tpu.memory_space<hbm>> -> memref<8x128xi32, #tpu.memory_space<hbm>>
        tpu.enqueue_dma source(%dma_start3A_190 : memref<8x128xi32, #tpu.memory_space<hbm>>) target(%arg5 : memref<8x128xi32, #tpu.memory_space<vmem>>) target_semaphore(%run_scoped3A : memref<!tpu.dma_semaphore, #tpu.memory_space<semaphore_mem>>)
        %dma_wait3A_191 = arith.constant 0 : i32
        %dma_wait3A_192 = tpu.memref_slice %arg3[%multiple_of3A_28, %dma_wait3A_191] : memref<4096x128xi32, #tpu.memory_space<hbm>> -> memref<8x128xi32, #tpu.memory_space<hbm>>
        %dma_wait3A_193 = arith.constant 0 : i32
        %dma_wait3A_194 = tpu.memref_slice %arg3[%multiple_of3A_28, %dma_wait3A_193] : memref<4096x128xi32, #tpu.memory_space<hbm>> -> memref<8x128xi32, #tpu.memory_space<hbm>>
        tpu.wait_dma2 semaphore(%run_scoped3A : memref<!tpu.dma_semaphore, #tpu.memory_space<semaphore_mem>>) src(%dma_wait3A_194 : memref<8x128xi32, #tpu.memory_space<hbm>>) dst(%arg5 : memref<8x128xi32, #tpu.memory_space<vmem>>)
        tpu.yield
      }) : () -> ()
      %dma_start3A = arith.constant 0 : i32
      %dma_start3A_29 = arith.constant 0 : i32
      %dma_start3A_30 = arith.constant 0 : i32
      %dma_start3A_31 = tpu.memref_slice %arg6[%dma_start3A_29, %dma_start3A_30] : memref<1024x80xf32, #tpu.memory_space<vmem>> -> memref<128x80xf32, #tpu.memory_space<vmem>>
      %dma_start3A_32 = arith.constant 0 : i32
      %dma_start3A_33 = tpu.memref_slice %arg5[%dma_start3A, %dma_start3A_32] : memref<8x128xi32, #tpu.memory_space<vmem>> -> memref<1x128xi32, #tpu.memory_space<vmem>>
      %dma_start3A_34 = tpu.memref_squeeze %dma_start3A_33 : memref<1x128xi32, #tpu.memory_space<vmem>> -> memref<128xi32, #tpu.memory_space<vmem>>
      %dma_start3A_35 = arith.constant 0 : i32
      %dma_start3A_36 = arith.constant 0 : i32
      %dma_start3A_37 = tpu.memref_slice %arg2[%dma_start3A_35, %dma_start3A_36] : memref<16384x80xf32, #tpu.memory_space<hbm>> -> memref<16384x80xf32, #tpu.memory_space<hbm>>
      tpu.enqueue_indirect_dma source(%dma_start3A_37 : memref<16384x80xf32, #tpu.memory_space<hbm>>) target(%dma_start3A_31 : memref<128x80xf32, #tpu.memory_space<vmem>>) offsets(%dma_start3A_34 : memref<128xi32, #tpu.memory_space<vmem>>) semaphore(%arg7 : memref<!tpu.dma_semaphore, #tpu.memory_space<semaphore_mem>>)
      %dma_start3A_38 = arith.constant 1 : i32
      %dma_start3A_39 = arith.constant 128 : i32
      %dma_start3A_40 = arith.constant 0 : i32
      %dma_start3A_41 = tpu.memref_slice %arg6[%dma_start3A_39, %dma_start3A_40] : memref<1024x80xf32, #tpu.memory_space<vmem>> -> memref<128x80xf32, #tpu.memory_space<vmem>>
      %dma_start3A_42 = arith.constant 0 : i32
      %dma_start3A_43 = tpu.memref_slice %arg5[%dma_start3A_38, %dma_start3A_42] : memref<8x128xi32, #tpu.memory_space<vmem>> -> memref<1x128xi32, #tpu.memory_space<vmem>>
      %dma_start3A_44 = tpu.memref_squeeze %dma_start3A_43 : memref<1x128xi32, #tpu.memory_space<vmem>> -> memref<128xi32, #tpu.memory_space<vmem>>
      %dma_start3A_45 = arith.constant 0 : i32
      %dma_start3A_46 = arith.constant 0 : i32
      %dma_start3A_47 = tpu.memref_slice %arg2[%dma_start3A_45, %dma_start3A_46] : memref<16384x80xf32, #tpu.memory_space<hbm>> -> memref<16384x80xf32, #tpu.memory_space<hbm>>
      tpu.enqueue_indirect_dma source(%dma_start3A_47 : memref<16384x80xf32, #tpu.memory_space<hbm>>) target(%dma_start3A_41 : memref<128x80xf32, #tpu.memory_space<vmem>>) offsets(%dma_start3A_44 : memref<128xi32, #tpu.memory_space<vmem>>) semaphore(%arg7 : memref<!tpu.dma_semaphore, #tpu.memory_space<semaphore_mem>>)
      %dma_start3A_48 = arith.constant 2 : i32
      %dma_start3A_49 = arith.constant 256 : i32
      %dma_start3A_50 = arith.constant 0 : i32
      %dma_start3A_51 = tpu.memref_slice %arg6[%dma_start3A_49, %dma_start3A_50] : memref<1024x80xf32, #tpu.memory_space<vmem>> -> memref<128x80xf32, #tpu.memory_space<vmem>>
      %dma_start3A_52 = arith.constant 0 : i32
      %dma_start3A_53 = tpu.memref_slice %arg5[%dma_start3A_48, %dma_start3A_52] : memref<8x128xi32, #tpu.memory_space<vmem>> -> memref<1x128xi32, #tpu.memory_space<vmem>>
      %dma_start3A_54 = tpu.memref_squeeze %dma_start3A_53 : memref<1x128xi32, #tpu.memory_space<vmem>> -> memref<128xi32, #tpu.memory_space<vmem>>
      %dma_start3A_55 = arith.constant 0 : i32
      %dma_start3A_56 = arith.constant 0 : i32
      %dma_start3A_57 = tpu.memref_slice %arg2[%dma_start3A_55, %dma_start3A_56] : memref<16384x80xf32, #tpu.memory_space<hbm>> -> memref<16384x80xf32, #tpu.memory_space<hbm>>
      tpu.enqueue_indirect_dma source(%dma_start3A_57 : memref<16384x80xf32, #tpu.memory_space<hbm>>) target(%dma_start3A_51 : memref<128x80xf32, #tpu.memory_space<vmem>>) offsets(%dma_start3A_54 : memref<128xi32, #tpu.memory_space<vmem>>) semaphore(%arg7 : memref<!tpu.dma_semaphore, #tpu.memory_space<semaphore_mem>>)
      %dma_start3A_58 = arith.constant 3 : i32
      %dma_start3A_59 = arith.constant 384 : i32
      %dma_start3A_60 = arith.constant 0 : i32
      %dma_start3A_61 = tpu.memref_slice %arg6[%dma_start3A_59, %dma_start3A_60] : memref<1024x80xf32, #tpu.memory_space<vmem>> -> memref<128x80xf32, #tpu.memory_space<vmem>>
      %dma_start3A_62 = arith.constant 0 : i32
      %dma_start3A_63 = tpu.memref_slice %arg5[%dma_start3A_58, %dma_start3A_62] : memref<8x128xi32, #tpu.memory_space<vmem>> -> memref<1x128xi32, #tpu.memory_space<vmem>>
      %dma_start3A_64 = tpu.memref_squeeze %dma_start3A_63 : memref<1x128xi32, #tpu.memory_space<vmem>> -> memref<128xi32, #tpu.memory_space<vmem>>
      %dma_start3A_65 = arith.constant 0 : i32
      %dma_start3A_66 = arith.constant 0 : i32
      %dma_start3A_67 = tpu.memref_slice %arg2[%dma_start3A_65, %dma_start3A_66] : memref<16384x80xf32, #tpu.memory_space<hbm>> -> memref<16384x80xf32, #tpu.memory_space<hbm>>
      tpu.enqueue_indirect_dma source(%dma_start3A_67 : memref<16384x80xf32, #tpu.memory_space<hbm>>) target(%dma_start3A_61 : memref<128x80xf32, #tpu.memory_space<vmem>>) offsets(%dma_start3A_64 : memref<128xi32, #tpu.memory_space<vmem>>) semaphore(%arg7 : memref<!tpu.dma_semaphore, #tpu.memory_space<semaphore_mem>>)
      %dma_start3A_68 = arith.constant 4 : i32
      %dma_start3A_69 = arith.constant 512 : i32
      %dma_start3A_70 = arith.constant 0 : i32
      %dma_start3A_71 = tpu.memref_slice %arg6[%dma_start3A_69, %dma_start3A_70] : memref<1024x80xf32, #tpu.memory_space<vmem>> -> memref<128x80xf32, #tpu.memory_space<vmem>>
      %dma_start3A_72 = arith.constant 0 : i32
      %dma_start3A_73 = tpu.memref_slice %arg5[%dma_start3A_68, %dma_start3A_72] : memref<8x128xi32, #tpu.memory_space<vmem>> -> memref<1x128xi32, #tpu.memory_space<vmem>>
      %dma_start3A_74 = tpu.memref_squeeze %dma_start3A_73 : memref<1x128xi32, #tpu.memory_space<vmem>> -> memref<128xi32, #tpu.memory_space<vmem>>
      %dma_start3A_75 = arith.constant 0 : i32
      %dma_start3A_76 = arith.constant 0 : i32
      %dma_start3A_77 = tpu.memref_slice %arg2[%dma_start3A_75, %dma_start3A_76] : memref<16384x80xf32, #tpu.memory_space<hbm>> -> memref<16384x80xf32, #tpu.memory_space<hbm>>
      tpu.enqueue_indirect_dma source(%dma_start3A_77 : memref<16384x80xf32, #tpu.memory_space<hbm>>) target(%dma_start3A_71 : memref<128x80xf32, #tpu.memory_space<vmem>>) offsets(%dma_start3A_74 : memref<128xi32, #tpu.memory_space<vmem>>) semaphore(%arg7 : memref<!tpu.dma_semaphore, #tpu.memory_space<semaphore_mem>>)
      %dma_start3A_78 = arith.constant 5 : i32
      %dma_start3A_79 = arith.constant 640 : i32
      %dma_start3A_80 = arith.constant 0 : i32
      %dma_start3A_81 = tpu.memref_slice %arg6[%dma_start3A_79, %dma_start3A_80] : memref<1024x80xf32, #tpu.memory_space<vmem>> -> memref<128x80xf32, #tpu.memory_space<vmem>>
      %dma_start3A_82 = arith.constant 0 : i32
      %dma_start3A_83 = tpu.memref_slice %arg5[%dma_start3A_78, %dma_start3A_82] : memref<8x128xi32, #tpu.memory_space<vmem>> -> memref<1x128xi32, #tpu.memory_space<vmem>>
      %dma_start3A_84 = tpu.memref_squeeze %dma_start3A_83 : memref<1x128xi32, #tpu.memory_space<vmem>> -> memref<128xi32, #tpu.memory_space<vmem>>
      %dma_start3A_85 = arith.constant 0 : i32
      %dma_start3A_86 = arith.constant 0 : i32
      %dma_start3A_87 = tpu.memref_slice %arg2[%dma_start3A_85, %dma_start3A_86] : memref<16384x80xf32, #tpu.memory_space<hbm>> -> memref<16384x80xf32, #tpu.memory_space<hbm>>
      tpu.enqueue_indirect_dma source(%dma_start3A_87 : memref<16384x80xf32, #tpu.memory_space<hbm>>) target(%dma_start3A_81 : memref<128x80xf32, #tpu.memory_space<vmem>>) offsets(%dma_start3A_84 : memref<128xi32, #tpu.memory_space<vmem>>) semaphore(%arg7 : memref<!tpu.dma_semaphore, #tpu.memory_space<semaphore_mem>>)
      %dma_start3A_88 = arith.constant 6 : i32
      %dma_start3A_89 = arith.constant 768 : i32
      %dma_start3A_90 = arith.constant 0 : i32
      %dma_start3A_91 = tpu.memref_slice %arg6[%dma_start3A_89, %dma_start3A_90] : memref<1024x80xf32, #tpu.memory_space<vmem>> -> memref<128x80xf32, #tpu.memory_space<vmem>>
      %dma_start3A_92 = arith.constant 0 : i32
      %dma_start3A_93 = tpu.memref_slice %arg5[%dma_start3A_88, %dma_start3A_92] : memref<8x128xi32, #tpu.memory_space<vmem>> -> memref<1x128xi32, #tpu.memory_space<vmem>>
      %dma_start3A_94 = tpu.memref_squeeze %dma_start3A_93 : memref<1x128xi32, #tpu.memory_space<vmem>> -> memref<128xi32, #tpu.memory_space<vmem>>
      %dma_start3A_95 = arith.constant 0 : i32
      %dma_start3A_96 = arith.constant 0 : i32
      %dma_start3A_97 = tpu.memref_slice %arg2[%dma_start3A_95, %dma_start3A_96] : memref<16384x80xf32, #tpu.memory_space<hbm>> -> memref<16384x80xf32, #tpu.memory_space<hbm>>
      tpu.enqueue_indirect_dma source(%dma_start3A_97 : memref<16384x80xf32, #tpu.memory_space<hbm>>) target(%dma_start3A_91 : memref<128x80xf32, #tpu.memory_space<vmem>>) offsets(%dma_start3A_94 : memref<128xi32, #tpu.memory_space<vmem>>) semaphore(%arg7 : memref<!tpu.dma_semaphore, #tpu.memory_space<semaphore_mem>>)
      %dma_start3A_98 = arith.constant 7 : i32
      %dma_start3A_99 = arith.constant 896 : i32
      %dma_start3A_100 = arith.constant 0 : i32
      %dma_start3A_101 = tpu.memref_slice %arg6[%dma_start3A_99, %dma_start3A_100] : memref<1024x80xf32, #tpu.memory_space<vmem>> -> memref<128x80xf32, #tpu.memory_space<vmem>>
      %dma_start3A_102 = arith.constant 0 : i32
      %dma_start3A_103 = tpu.memref_slice %arg5[%dma_start3A_98, %dma_start3A_102] : memref<8x128xi32, #tpu.memory_space<vmem>> -> memref<1x128xi32, #tpu.memory_space<vmem>>
      %dma_start3A_104 = tpu.memref_squeeze %dma_start3A_103 : memref<1x128xi32, #tpu.memory_space<vmem>> -> memref<128xi32, #tpu.memory_space<vmem>>
      %dma_start3A_105 = arith.constant 0 : i32
      %dma_start3A_106 = arith.constant 0 : i32
      %dma_start3A_107 = tpu.memref_slice %arg2[%dma_start3A_105, %dma_start3A_106] : memref<16384x80xf32, #tpu.memory_space<hbm>> -> memref<16384x80xf32, #tpu.memory_space<hbm>>
      tpu.enqueue_indirect_dma source(%dma_start3A_107 : memref<16384x80xf32, #tpu.memory_space<hbm>>) target(%dma_start3A_101 : memref<128x80xf32, #tpu.memory_space<vmem>>) offsets(%dma_start3A_104 : memref<128xi32, #tpu.memory_space<vmem>>) semaphore(%arg7 : memref<!tpu.dma_semaphore, #tpu.memory_space<semaphore_mem>>)
      %dma_wait3A = arith.constant 0 : i32
      %dma_wait3A_108 = arith.constant 0 : i32
      %dma_wait3A_109 = arith.constant 0 : i32
      %dma_wait3A_110 = tpu.memref_slice %arg6[%dma_wait3A_108, %dma_wait3A_109] : memref<1024x80xf32, #tpu.memory_space<vmem>> -> memref<128x80xf32, #tpu.memory_space<vmem>>
      %dma_wait3A_111 = arith.constant 0 : i32
      %dma_wait3A_112 = tpu.memref_slice %arg5[%dma_wait3A, %dma_wait3A_111] : memref<8x128xi32, #tpu.memory_space<vmem>> -> memref<1x128xi32, #tpu.memory_space<vmem>>
      %dma_wait3A_113 = tpu.memref_squeeze %dma_wait3A_112 : memref<1x128xi32, #tpu.memory_space<vmem>> -> memref<128xi32, #tpu.memory_space<vmem>>
      %dma_wait3A_114 = arith.constant 0 : i32
      %dma_wait3A_115 = arith.constant 0 : i32
      %dma_wait3A_116 = tpu.memref_slice %arg2[%dma_wait3A_114, %dma_wait3A_115] : memref<16384x80xf32, #tpu.memory_space<hbm>> -> memref<16384x80xf32, #tpu.memory_space<hbm>>
      tpu.wait_indirect_dma semaphore(%arg7 : memref<!tpu.dma_semaphore, #tpu.memory_space<semaphore_mem>>) src(%dma_wait3A_116 : memref<16384x80xf32, #tpu.memory_space<hbm>>) dst(%dma_wait3A_110 : memref<128x80xf32, #tpu.memory_space<vmem>>)
      %dma_wait3A_117 = arith.constant 1 : i32
      %dma_wait3A_118 = arith.constant 128 : i32
      %dma_wait3A_119 = arith.constant 0 : i32
      %dma_wait3A_120 = tpu.memref_slice %arg6[%dma_wait3A_118, %dma_wait3A_119] : memref<1024x80xf32, #tpu.memory_space<vmem>> -> memref<128x80xf32, #tpu.memory_space<vmem>>
      %dma_wait3A_121 = arith.constant 0 : i32
      %dma_wait3A_122 = tpu.memref_slice %arg5[%dma_wait3A_117, %dma_wait3A_121] : memref<8x128xi32, #tpu.memory_space<vmem>> -> memref<1x128xi32, #tpu.memory_space<vmem>>
      %dma_wait3A_123 = tpu.memref_squeeze %dma_wait3A_122 : memref<1x128xi32, #tpu.memory_space<vmem>> -> memref<128xi32, #tpu.memory_space<vmem>>
      %dma_wait3A_124 = arith.constant 0 : i32
      %dma_wait3A_125 = arith.constant 0 : i32
      %dma_wait3A_126 = tpu.memref_slice %arg2[%dma_wait3A_124, %dma_wait3A_125] : memref<16384x80xf32, #tpu.memory_space<hbm>> -> memref<16384x80xf32, #tpu.memory_space<hbm>>
      tpu.wait_indirect_dma semaphore(%arg7 : memref<!tpu.dma_semaphore, #tpu.memory_space<semaphore_mem>>) src(%dma_wait3A_126 : memref<16384x80xf32, #tpu.memory_space<hbm>>) dst(%dma_wait3A_120 : memref<128x80xf32, #tpu.memory_space<vmem>>)
      %dma_wait3A_127 = arith.constant 2 : i32
      %dma_wait3A_128 = arith.constant 256 : i32
      %dma_wait3A_129 = arith.constant 0 : i32
      %dma_wait3A_130 = tpu.memref_slice %arg6[%dma_wait3A_128, %dma_wait3A_129] : memref<1024x80xf32, #tpu.memory_space<vmem>> -> memref<128x80xf32, #tpu.memory_space<vmem>>
      %dma_wait3A_131 = arith.constant 0 : i32
      %dma_wait3A_132 = tpu.memref_slice %arg5[%dma_wait3A_127, %dma_wait3A_131] : memref<8x128xi32, #tpu.memory_space<vmem>> -> memref<1x128xi32, #tpu.memory_space<vmem>>
      %dma_wait3A_133 = tpu.memref_squeeze %dma_wait3A_132 : memref<1x128xi32, #tpu.memory_space<vmem>> -> memref<128xi32, #tpu.memory_space<vmem>>
      %dma_wait3A_134 = arith.constant 0 : i32
      %dma_wait3A_135 = arith.constant 0 : i32
      %dma_wait3A_136 = tpu.memref_slice %arg2[%dma_wait3A_134, %dma_wait3A_135] : memref<16384x80xf32, #tpu.memory_space<hbm>> -> memref<16384x80xf32, #tpu.memory_space<hbm>>
      tpu.wait_indirect_dma semaphore(%arg7 : memref<!tpu.dma_semaphore, #tpu.memory_space<semaphore_mem>>) src(%dma_wait3A_136 : memref<16384x80xf32, #tpu.memory_space<hbm>>) dst(%dma_wait3A_130 : memref<128x80xf32, #tpu.memory_space<vmem>>)
      %dma_wait3A_137 = arith.constant 3 : i32
      %dma_wait3A_138 = arith.constant 384 : i32
      %dma_wait3A_139 = arith.constant 0 : i32
      %dma_wait3A_140 = tpu.memref_slice %arg6[%dma_wait3A_138, %dma_wait3A_139] : memref<1024x80xf32, #tpu.memory_space<vmem>> -> memref<128x80xf32, #tpu.memory_space<vmem>>
      %dma_wait3A_141 = arith.constant 0 : i32
      %dma_wait3A_142 = tpu.memref_slice %arg5[%dma_wait3A_137, %dma_wait3A_141] : memref<8x128xi32, #tpu.memory_space<vmem>> -> memref<1x128xi32, #tpu.memory_space<vmem>>
      %dma_wait3A_143 = tpu.memref_squeeze %dma_wait3A_142 : memref<1x128xi32, #tpu.memory_space<vmem>> -> memref<128xi32, #tpu.memory_space<vmem>>
      %dma_wait3A_144 = arith.constant 0 : i32
      %dma_wait3A_145 = arith.constant 0 : i32
      %dma_wait3A_146 = tpu.memref_slice %arg2[%dma_wait3A_144, %dma_wait3A_145] : memref<16384x80xf32, #tpu.memory_space<hbm>> -> memref<16384x80xf32, #tpu.memory_space<hbm>>
      tpu.wait_indirect_dma semaphore(%arg7 : memref<!tpu.dma_semaphore, #tpu.memory_space<semaphore_mem>>) src(%dma_wait3A_146 : memref<16384x80xf32, #tpu.memory_space<hbm>>) dst(%dma_wait3A_140 : memref<128x80xf32, #tpu.memory_space<vmem>>)
      %dma_wait3A_147 = arith.constant 4 : i32
      %dma_wait3A_148 = arith.constant 512 : i32
      %dma_wait3A_149 = arith.constant 0 : i32
      %dma_wait3A_150 = tpu.memref_slice %arg6[%dma_wait3A_148, %dma_wait3A_149] : memref<1024x80xf32, #tpu.memory_space<vmem>> -> memref<128x80xf32, #tpu.memory_space<vmem>>
      %dma_wait3A_151 = arith.constant 0 : i32
      %dma_wait3A_152 = tpu.memref_slice %arg5[%dma_wait3A_147, %dma_wait3A_151] : memref<8x128xi32, #tpu.memory_space<vmem>> -> memref<1x128xi32, #tpu.memory_space<vmem>>
      %dma_wait3A_153 = tpu.memref_squeeze %dma_wait3A_152 : memref<1x128xi32, #tpu.memory_space<vmem>> -> memref<128xi32, #tpu.memory_space<vmem>>
      %dma_wait3A_154 = arith.constant 0 : i32
      %dma_wait3A_155 = arith.constant 0 : i32
      %dma_wait3A_156 = tpu.memref_slice %arg2[%dma_wait3A_154, %dma_wait3A_155] : memref<16384x80xf32, #tpu.memory_space<hbm>> -> memref<16384x80xf32, #tpu.memory_space<hbm>>
      tpu.wait_indirect_dma semaphore(%arg7 : memref<!tpu.dma_semaphore, #tpu.memory_space<semaphore_mem>>) src(%dma_wait3A_156 : memref<16384x80xf32, #tpu.memory_space<hbm>>) dst(%dma_wait3A_150 : memref<128x80xf32, #tpu.memory_space<vmem>>)
      %dma_wait3A_157 = arith.constant 5 : i32
      %dma_wait3A_158 = arith.constant 640 : i32
      %dma_wait3A_159 = arith.constant 0 : i32
      %dma_wait3A_160 = tpu.memref_slice %arg6[%dma_wait3A_158, %dma_wait3A_159] : memref<1024x80xf32, #tpu.memory_space<vmem>> -> memref<128x80xf32, #tpu.memory_space<vmem>>
      %dma_wait3A_161 = arith.constant 0 : i32
      %dma_wait3A_162 = tpu.memref_slice %arg5[%dma_wait3A_157, %dma_wait3A_161] : memref<8x128xi32, #tpu.memory_space<vmem>> -> memref<1x128xi32, #tpu.memory_space<vmem>>
      %dma_wait3A_163 = tpu.memref_squeeze %dma_wait3A_162 : memref<1x128xi32, #tpu.memory_space<vmem>> -> memref<128xi32, #tpu.memory_space<vmem>>
      %dma_wait3A_164 = arith.constant 0 : i32
      %dma_wait3A_165 = arith.constant 0 : i32
      %dma_wait3A_166 = tpu.memref_slice %arg2[%dma_wait3A_164, %dma_wait3A_165] : memref<16384x80xf32, #tpu.memory_space<hbm>> -> memref<16384x80xf32, #tpu.memory_space<hbm>>
      tpu.wait_indirect_dma semaphore(%arg7 : memref<!tpu.dma_semaphore, #tpu.memory_space<semaphore_mem>>) src(%dma_wait3A_166 : memref<16384x80xf32, #tpu.memory_space<hbm>>) dst(%dma_wait3A_160 : memref<128x80xf32, #tpu.memory_space<vmem>>)
      %dma_wait3A_167 = arith.constant 6 : i32
      %dma_wait3A_168 = arith.constant 768 : i32
      %dma_wait3A_169 = arith.constant 0 : i32
      %dma_wait3A_170 = tpu.memref_slice %arg6[%dma_wait3A_168, %dma_wait3A_169] : memref<1024x80xf32, #tpu.memory_space<vmem>> -> memref<128x80xf32, #tpu.memory_space<vmem>>
      %dma_wait3A_171 = arith.constant 0 : i32
      %dma_wait3A_172 = tpu.memref_slice %arg5[%dma_wait3A_167, %dma_wait3A_171] : memref<8x128xi32, #tpu.memory_space<vmem>> -> memref<1x128xi32, #tpu.memory_space<vmem>>
      %dma_wait3A_173 = tpu.memref_squeeze %dma_wait3A_172 : memref<1x128xi32, #tpu.memory_space<vmem>> -> memref<128xi32, #tpu.memory_space<vmem>>
      %dma_wait3A_174 = arith.constant 0 : i32
      %dma_wait3A_175 = arith.constant 0 : i32
      %dma_wait3A_176 = tpu.memref_slice %arg2[%dma_wait3A_174, %dma_wait3A_175] : memref<16384x80xf32, #tpu.memory_space<hbm>> -> memref<16384x80xf32, #tpu.memory_space<hbm>>
      tpu.wait_indirect_dma semaphore(%arg7 : memref<!tpu.dma_semaphore, #tpu.memory_space<semaphore_mem>>) src(%dma_wait3A_176 : memref<16384x80xf32, #tpu.memory_space<hbm>>) dst(%dma_wait3A_170 : memref<128x80xf32, #tpu.memory_space<vmem>>)
      %dma_wait3A_177 = arith.constant 7 : i32
      %dma_wait3A_178 = arith.constant 896 : i32
      %dma_wait3A_179 = arith.constant 0 : i32
      %dma_wait3A_180 = tpu.memref_slice %arg6[%dma_wait3A_178, %dma_wait3A_179] : memref<1024x80xf32, #tpu.memory_space<vmem>> -> memref<128x80xf32, #tpu.memory_space<vmem>>
      %dma_wait3A_181 = arith.constant 0 : i32
      %dma_wait3A_182 = tpu.memref_slice %arg5[%dma_wait3A_177, %dma_wait3A_181] : memref<8x128xi32, #tpu.memory_space<vmem>> -> memref<1x128xi32, #tpu.memory_space<vmem>>
      %dma_wait3A_183 = tpu.memref_squeeze %dma_wait3A_182 : memref<1x128xi32, #tpu.memory_space<vmem>> -> memref<128xi32, #tpu.memory_space<vmem>>
      %dma_wait3A_184 = arith.constant 0 : i32
      %dma_wait3A_185 = arith.constant 0 : i32
      %dma_wait3A_186 = tpu.memref_slice %arg2[%dma_wait3A_184, %dma_wait3A_185] : memref<16384x80xf32, #tpu.memory_space<hbm>> -> memref<16384x80xf32, #tpu.memory_space<hbm>>
      tpu.wait_indirect_dma semaphore(%arg7 : memref<!tpu.dma_semaphore, #tpu.memory_space<semaphore_mem>>) src(%dma_wait3A_186 : memref<16384x80xf32, #tpu.memory_space<hbm>>) dst(%dma_wait3A_180 : memref<128x80xf32, #tpu.memory_space<vmem>>)
      "tpu.region"() ({
        %run_scoped3A = tpu.sem_alloc : memref<!tpu.dma_semaphore, #tpu.memory_space<semaphore_mem>>
        %dma_start3A_187 = arith.constant 0 : i32
        %dma_start3A_188 = tpu.memref_slice %arg4[%multiple_of3A, %dma_start3A_187] : memref<524288x80xf32, #tpu.memory_space<hbm>> -> memref<1024x80xf32, #tpu.memory_space<hbm>>
        %dma_start3A_189 = arith.constant 0 : i32
        %dma_start3A_190 = tpu.memref_slice %arg4[%multiple_of3A, %dma_start3A_189] : memref<524288x80xf32, #tpu.memory_space<hbm>> -> memref<1024x80xf32, #tpu.memory_space<hbm>>
        tpu.enqueue_dma source(%arg6 : memref<1024x80xf32, #tpu.memory_space<vmem>>) target(%dma_start3A_190 : memref<1024x80xf32, #tpu.memory_space<hbm>>) target_semaphore(%run_scoped3A : memref<!tpu.dma_semaphore, #tpu.memory_space<semaphore_mem>>)
        %dma_wait3A_191 = arith.constant 0 : i32
        %dma_wait3A_192 = tpu.memref_slice %arg4[%multiple_of3A, %dma_wait3A_191] : memref<524288x80xf32, #tpu.memory_space<hbm>> -> memref<1024x80xf32, #tpu.memory_space<hbm>>
        %dma_wait3A_193 = arith.constant 0 : i32
        %dma_wait3A_194 = tpu.memref_slice %arg4[%multiple_of3A, %dma_wait3A_193] : memref<524288x80xf32, #tpu.memory_space<hbm>> -> memref<1024x80xf32, #tpu.memory_space<hbm>>
        tpu.wait_dma2 semaphore(%run_scoped3A : memref<!tpu.dma_semaphore, #tpu.memory_space<semaphore_mem>>) src(%arg6 : memref<1024x80xf32, #tpu.memory_space<vmem>>) dst(%dma_wait3A_194 : memref<1024x80xf32, #tpu.memory_space<hbm>>)
        tpu.yield
      }) : () -> ()
    }
    %scan3A_7 = arith.constant 16 : i32
    return
  }
}

module attributes {stable_mosaic.version = 14 : i64} {
  func.func @_bq_body(%arg0: i32, %arg1: memref<1x512x1024xf32, #tpu.memory_space<vmem>>, %arg2: memref<1x512x32xi32, #tpu.memory_space<vmem>>) attributes {dimension_semantics = [#tpu.dimension_semantics<arbitrary>], iteration_bounds = array<i64: 32>, scalar_prefetch = 0 : i64, scratch_operands = 0 : i64, tpu.core_type = #tpu.core_type<tc>, window_params = [{transform_indices = @transform_0, window_bounds = array<i64: 1, 512, 1024>}, {transform_indices = @transform_1, window_bounds = array<i64: 1, 512, 32>}]} {
    %get3A = arith.constant 0 : index
    %get3A_0 = arith.constant 0 : index
    %get3A_1 = arith.constant 0 : index
    %get3A_2 = vector.load %arg1[%get3A, %get3A_0, %get3A_1] : memref<1x512x1024xf32, #tpu.memory_space<vmem>>, vector<1x512x1024xf32>
    %get3A_3 = vector.shape_cast %get3A_2 : vector<1x512x1024xf32> to vector<512x1024xf32>
    %le3A = arith.constant 4.000000e-02 : f32
    %le3A_4 = vector.broadcast %le3A : f32 to vector<512x1024xf32>
    %le3A_5 = arith.cmpf ole, %get3A_3, %le3A_4 : vector<512x1024xf32>
    %convert_element_type3A = arith.extui %le3A_5 : vector<512x1024xi1> to vector<512x1024xi32>
    %convert_element_type3A_6 = arith.sitofp %convert_element_type3A : vector<512x1024xi32> to vector<512x1024xf32>
    %iota3A = tpu.iota {dimensions = array<i32: 0>} : vector<1024x1024xi32>
    %iota3A_7 = tpu.iota {dimensions = array<i32: 1>} : vector<1024x1024xi32>
    %lt3A = arith.cmpi slt, %iota3A, %iota3A_7 : vector<1024x1024xi32>
    %convert_element_type3A_8 = arith.truncf %convert_element_type3A_6 : vector<512x1024xf32> to vector<512x1024xbf16>
    %convert_element_type3A_9 = arith.extui %lt3A : vector<1024x1024xi1> to vector<1024x1024xi32>
    %convert_element_type3A_10 = arith.sitofp %convert_element_type3A_9 : vector<1024x1024xi32> to vector<1024x1024xf32>
    %convert_element_type3A_11 = arith.truncf %convert_element_type3A_10 : vector<1024x1024xf32> to vector<1024x1024xbf16>
    %dot_general3A = arith.constant dense<0.000000e+00> : vector<512x1024xf32>
    %dot_general3A_12 = tpu.matmul %convert_element_type3A_8, %convert_element_type3A_11, %dot_general3A {dimension_numbers = #tpu.dot_dimension_numbers<[1], [0], [0], [1], [0, 0, 1, 1], [], []>, transpose_lhs_hint = false} : vector<512x1024xbf16>, vector<1024x1024xbf16>, vector<512x1024xf32> -> vector<512x1024xf32>
    %reduce_sum3A = arith.constant dense<0.000000e+00> : vector<512xf32>
    %reduce_sum3A_13 = vector.multi_reduction <add>, %convert_element_type3A_6, %reduce_sum3A [1] : vector<512x1024xf32> to vector<512xf32>
    %broadcast_in_dim3A = vector.shape_cast %reduce_sum3A_13 : vector<512xf32> to vector<512x1xf32>
    %iota3A_14 = tpu.iota {dimensions = array<i32: 1>} : vector<1x1024xi32>
    %convert_element_type3A_15 = arith.sitofp %iota3A_14 : vector<1x1024xi32> to vector<1x1024xf32>
    %iota3A_16 = tpu.iota {dimensions = array<i32: 1>} : vector<1x32xi32>
    %convert_element_type3A_17 = arith.sitofp %iota3A_16 : vector<1x32xi32> to vector<1x32xf32>
    %broadcast_in_dim3A_18 = arith.constant 0.000000e+00 : f32
    %broadcast_in_dim3A_19 = vector.broadcast %broadcast_in_dim3A_18 : f32 to vector<512x32xf32>
    %eq3A = arith.constant 0.000000e+00 : f32
    %eq3A_20 = vector.broadcast %eq3A : f32 to vector<512x1024xf32>
    %eq3A_21 = arith.cmpf oeq, %dot_general3A_12, %eq3A_20 : vector<512x1024xf32>
    %and3A = arith.andi %le3A_5, %eq3A_21 : vector<512x1024xi1>
    %jit3A = arith.constant 0.000000e+00 : f32
    %broadcast_in_dim3A_22 = vector.shape_cast %convert_element_type3A_15 : vector<1x1024xf32> to vector<1x1024xf32>
    %broadcast_in_dim3A_23 = vector.broadcast %broadcast_in_dim3A_22 : vector<1x1024xf32> to vector<512x1024xf32>
    %broadcast_in_dim3A_24 = vector.broadcast %jit3A : f32 to vector<512x1024xf32>
    %select_n3A = arith.select %and3A, %broadcast_in_dim3A_23, %broadcast_in_dim3A_24 : vector<512x1024xi1>, vector<512x1024xf32>
    %reduce_sum3A_25 = arith.constant dense<0.000000e+00> : vector<512xf32>
    %reduce_sum3A_26 = vector.multi_reduction <add>, %select_n3A, %reduce_sum3A_25 [1] : vector<512x1024xf32> to vector<512xf32>
    %broadcast_in_dim3A_27 = vector.shape_cast %reduce_sum3A_26 : vector<512xf32> to vector<512x1xf32>
    %eq3A_28 = arith.constant 0.000000e+00 : f32
    %eq3A_29 = vector.broadcast %eq3A_28 : f32 to vector<1x32xf32>
    %eq3A_30 = arith.cmpf oeq, %convert_element_type3A_17, %eq3A_29 : vector<1x32xf32>
    %convert_element_type3A_31 = arith.extui %eq3A_30 : vector<1x32xi1> to vector<1x32xi32>
    %convert_element_type3A_32 = arith.sitofp %convert_element_type3A_31 : vector<1x32xi32> to vector<1x32xf32>
    %mul3A = vector.broadcast %broadcast_in_dim3A_27 : vector<512x1xf32> to vector<512x32xf32>
    %mul3A_33 = vector.broadcast %convert_element_type3A_32 : vector<1x32xf32> to vector<512x32xf32>
    %mul3A_34 = arith.mulf %mul3A, %mul3A_33 : vector<512x32xf32>
    %add3A = arith.addf %broadcast_in_dim3A_19, %mul3A_34 : vector<512x32xf32>
    %eq3A_35 = arith.constant 1.000000e+00 : f32
    %eq3A_36 = vector.broadcast %eq3A_35 : f32 to vector<512x1024xf32>
    %eq3A_37 = arith.cmpf oeq, %dot_general3A_12, %eq3A_36 : vector<512x1024xf32>
    %and3A_38 = arith.andi %le3A_5, %eq3A_37 : vector<512x1024xi1>
    %jit3A_39 = arith.constant 0.000000e+00 : f32
    %broadcast_in_dim3A_40 = vector.shape_cast %convert_element_type3A_15 : vector<1x1024xf32> to vector<1x1024xf32>
    %broadcast_in_dim3A_41 = vector.broadcast %broadcast_in_dim3A_40 : vector<1x1024xf32> to vector<512x1024xf32>
    %broadcast_in_dim3A_42 = vector.broadcast %jit3A_39 : f32 to vector<512x1024xf32>
    %select_n3A_43 = arith.select %and3A_38, %broadcast_in_dim3A_41, %broadcast_in_dim3A_42 : vector<512x1024xi1>, vector<512x1024xf32>
    %reduce_sum3A_44 = arith.constant dense<0.000000e+00> : vector<512xf32>
    %reduce_sum3A_45 = vector.multi_reduction <add>, %select_n3A_43, %reduce_sum3A_44 [1] : vector<512x1024xf32> to vector<512xf32>
    %broadcast_in_dim3A_46 = vector.shape_cast %reduce_sum3A_45 : vector<512xf32> to vector<512x1xf32>
    %eq3A_47 = arith.constant 1.000000e+00 : f32
    %eq3A_48 = vector.broadcast %eq3A_47 : f32 to vector<1x32xf32>
    %eq3A_49 = arith.cmpf oeq, %convert_element_type3A_17, %eq3A_48 : vector<1x32xf32>
    %convert_element_type3A_50 = arith.extui %eq3A_49 : vector<1x32xi1> to vector<1x32xi32>
    %convert_element_type3A_51 = arith.sitofp %convert_element_type3A_50 : vector<1x32xi32> to vector<1x32xf32>
    %mul3A_52 = vector.broadcast %broadcast_in_dim3A_46 : vector<512x1xf32> to vector<512x32xf32>
    %mul3A_53 = vector.broadcast %convert_element_type3A_51 : vector<1x32xf32> to vector<512x32xf32>
    %mul3A_54 = arith.mulf %mul3A_52, %mul3A_53 : vector<512x32xf32>
    %add3A_55 = arith.addf %add3A, %mul3A_54 : vector<512x32xf32>
    %eq3A_56 = arith.constant 2.000000e+00 : f32
    %eq3A_57 = vector.broadcast %eq3A_56 : f32 to vector<512x1024xf32>
    %eq3A_58 = arith.cmpf oeq, %dot_general3A_12, %eq3A_57 : vector<512x1024xf32>
    %and3A_59 = arith.andi %le3A_5, %eq3A_58 : vector<512x1024xi1>
    %jit3A_60 = arith.constant 0.000000e+00 : f32
    %broadcast_in_dim3A_61 = vector.shape_cast %convert_element_type3A_15 : vector<1x1024xf32> to vector<1x1024xf32>
    %broadcast_in_dim3A_62 = vector.broadcast %broadcast_in_dim3A_61 : vector<1x1024xf32> to vector<512x1024xf32>
    %broadcast_in_dim3A_63 = vector.broadcast %jit3A_60 : f32 to vector<512x1024xf32>
    %select_n3A_64 = arith.select %and3A_59, %broadcast_in_dim3A_62, %broadcast_in_dim3A_63 : vector<512x1024xi1>, vector<512x1024xf32>
    %reduce_sum3A_65 = arith.constant dense<0.000000e+00> : vector<512xf32>
    %reduce_sum3A_66 = vector.multi_reduction <add>, %select_n3A_64, %reduce_sum3A_65 [1] : vector<512x1024xf32> to vector<512xf32>
    %broadcast_in_dim3A_67 = vector.shape_cast %reduce_sum3A_66 : vector<512xf32> to vector<512x1xf32>
    %eq3A_68 = arith.constant 2.000000e+00 : f32
    %eq3A_69 = vector.broadcast %eq3A_68 : f32 to vector<1x32xf32>
    %eq3A_70 = arith.cmpf oeq, %convert_element_type3A_17, %eq3A_69 : vector<1x32xf32>
    %convert_element_type3A_71 = arith.extui %eq3A_70 : vector<1x32xi1> to vector<1x32xi32>
    %convert_element_type3A_72 = arith.sitofp %convert_element_type3A_71 : vector<1x32xi32> to vector<1x32xf32>
    %mul3A_73 = vector.broadcast %broadcast_in_dim3A_67 : vector<512x1xf32> to vector<512x32xf32>
    %mul3A_74 = vector.broadcast %convert_element_type3A_72 : vector<1x32xf32> to vector<512x32xf32>
    %mul3A_75 = arith.mulf %mul3A_73, %mul3A_74 : vector<512x32xf32>
    %add3A_76 = arith.addf %add3A_55, %mul3A_75 : vector<512x32xf32>
    %eq3A_77 = arith.constant 3.000000e+00 : f32
    %eq3A_78 = vector.broadcast %eq3A_77 : f32 to vector<512x1024xf32>
    %eq3A_79 = arith.cmpf oeq, %dot_general3A_12, %eq3A_78 : vector<512x1024xf32>
    %and3A_80 = arith.andi %le3A_5, %eq3A_79 : vector<512x1024xi1>
    %jit3A_81 = arith.constant 0.000000e+00 : f32
    %broadcast_in_dim3A_82 = vector.shape_cast %convert_element_type3A_15 : vector<1x1024xf32> to vector<1x1024xf32>
    %broadcast_in_dim3A_83 = vector.broadcast %broadcast_in_dim3A_82 : vector<1x1024xf32> to vector<512x1024xf32>
    %broadcast_in_dim3A_84 = vector.broadcast %jit3A_81 : f32 to vector<512x1024xf32>
    %select_n3A_85 = arith.select %and3A_80, %broadcast_in_dim3A_83, %broadcast_in_dim3A_84 : vector<512x1024xi1>, vector<512x1024xf32>
    %reduce_sum3A_86 = arith.constant dense<0.000000e+00> : vector<512xf32>
    %reduce_sum3A_87 = vector.multi_reduction <add>, %select_n3A_85, %reduce_sum3A_86 [1] : vector<512x1024xf32> to vector<512xf32>
    %broadcast_in_dim3A_88 = vector.shape_cast %reduce_sum3A_87 : vector<512xf32> to vector<512x1xf32>
    %eq3A_89 = arith.constant 3.000000e+00 : f32
    %eq3A_90 = vector.broadcast %eq3A_89 : f32 to vector<1x32xf32>
    %eq3A_91 = arith.cmpf oeq, %convert_element_type3A_17, %eq3A_90 : vector<1x32xf32>
    %convert_element_type3A_92 = arith.extui %eq3A_91 : vector<1x32xi1> to vector<1x32xi32>
    %convert_element_type3A_93 = arith.sitofp %convert_element_type3A_92 : vector<1x32xi32> to vector<1x32xf32>
    %mul3A_94 = vector.broadcast %broadcast_in_dim3A_88 : vector<512x1xf32> to vector<512x32xf32>
    %mul3A_95 = vector.broadcast %convert_element_type3A_93 : vector<1x32xf32> to vector<512x32xf32>
    %mul3A_96 = arith.mulf %mul3A_94, %mul3A_95 : vector<512x32xf32>
    %add3A_97 = arith.addf %add3A_76, %mul3A_96 : vector<512x32xf32>
    %eq3A_98 = arith.constant 4.000000e+00 : f32
    %eq3A_99 = vector.broadcast %eq3A_98 : f32 to vector<512x1024xf32>
    %eq3A_100 = arith.cmpf oeq, %dot_general3A_12, %eq3A_99 : vector<512x1024xf32>
    %and3A_101 = arith.andi %le3A_5, %eq3A_100 : vector<512x1024xi1>
    %jit3A_102 = arith.constant 0.000000e+00 : f32
    %broadcast_in_dim3A_103 = vector.shape_cast %convert_element_type3A_15 : vector<1x1024xf32> to vector<1x1024xf32>
    %broadcast_in_dim3A_104 = vector.broadcast %broadcast_in_dim3A_103 : vector<1x1024xf32> to vector<512x1024xf32>
    %broadcast_in_dim3A_105 = vector.broadcast %jit3A_102 : f32 to vector<512x1024xf32>
    %select_n3A_106 = arith.select %and3A_101, %broadcast_in_dim3A_104, %broadcast_in_dim3A_105 : vector<512x1024xi1>, vector<512x1024xf32>
    %reduce_sum3A_107 = arith.constant dense<0.000000e+00> : vector<512xf32>
    %reduce_sum3A_108 = vector.multi_reduction <add>, %select_n3A_106, %reduce_sum3A_107 [1] : vector<512x1024xf32> to vector<512xf32>
    %broadcast_in_dim3A_109 = vector.shape_cast %reduce_sum3A_108 : vector<512xf32> to vector<512x1xf32>
    %eq3A_110 = arith.constant 4.000000e+00 : f32
    %eq3A_111 = vector.broadcast %eq3A_110 : f32 to vector<1x32xf32>
    %eq3A_112 = arith.cmpf oeq, %convert_element_type3A_17, %eq3A_111 : vector<1x32xf32>
    %convert_element_type3A_113 = arith.extui %eq3A_112 : vector<1x32xi1> to vector<1x32xi32>
    %convert_element_type3A_114 = arith.sitofp %convert_element_type3A_113 : vector<1x32xi32> to vector<1x32xf32>
    %mul3A_115 = vector.broadcast %broadcast_in_dim3A_109 : vector<512x1xf32> to vector<512x32xf32>
    %mul3A_116 = vector.broadcast %convert_element_type3A_114 : vector<1x32xf32> to vector<512x32xf32>
    %mul3A_117 = arith.mulf %mul3A_115, %mul3A_116 : vector<512x32xf32>
    %add3A_118 = arith.addf %add3A_97, %mul3A_117 : vector<512x32xf32>
    %eq3A_119 = arith.constant 5.000000e+00 : f32
    %eq3A_120 = vector.broadcast %eq3A_119 : f32 to vector<512x1024xf32>
    %eq3A_121 = arith.cmpf oeq, %dot_general3A_12, %eq3A_120 : vector<512x1024xf32>
    %and3A_122 = arith.andi %le3A_5, %eq3A_121 : vector<512x1024xi1>
    %jit3A_123 = arith.constant 0.000000e+00 : f32
    %broadcast_in_dim3A_124 = vector.shape_cast %convert_element_type3A_15 : vector<1x1024xf32> to vector<1x1024xf32>
    %broadcast_in_dim3A_125 = vector.broadcast %broadcast_in_dim3A_124 : vector<1x1024xf32> to vector<512x1024xf32>
    %broadcast_in_dim3A_126 = vector.broadcast %jit3A_123 : f32 to vector<512x1024xf32>
    %select_n3A_127 = arith.select %and3A_122, %broadcast_in_dim3A_125, %broadcast_in_dim3A_126 : vector<512x1024xi1>, vector<512x1024xf32>
    %reduce_sum3A_128 = arith.constant dense<0.000000e+00> : vector<512xf32>
    %reduce_sum3A_129 = vector.multi_reduction <add>, %select_n3A_127, %reduce_sum3A_128 [1] : vector<512x1024xf32> to vector<512xf32>
    %broadcast_in_dim3A_130 = vector.shape_cast %reduce_sum3A_129 : vector<512xf32> to vector<512x1xf32>
    %eq3A_131 = arith.constant 5.000000e+00 : f32
    %eq3A_132 = vector.broadcast %eq3A_131 : f32 to vector<1x32xf32>
    %eq3A_133 = arith.cmpf oeq, %convert_element_type3A_17, %eq3A_132 : vector<1x32xf32>
    %convert_element_type3A_134 = arith.extui %eq3A_133 : vector<1x32xi1> to vector<1x32xi32>
    %convert_element_type3A_135 = arith.sitofp %convert_element_type3A_134 : vector<1x32xi32> to vector<1x32xf32>
    %mul3A_136 = vector.broadcast %broadcast_in_dim3A_130 : vector<512x1xf32> to vector<512x32xf32>
    %mul3A_137 = vector.broadcast %convert_element_type3A_135 : vector<1x32xf32> to vector<512x32xf32>
    %mul3A_138 = arith.mulf %mul3A_136, %mul3A_137 : vector<512x32xf32>
    %add3A_139 = arith.addf %add3A_118, %mul3A_138 : vector<512x32xf32>
    %eq3A_140 = arith.constant 6.000000e+00 : f32
    %eq3A_141 = vector.broadcast %eq3A_140 : f32 to vector<512x1024xf32>
    %eq3A_142 = arith.cmpf oeq, %dot_general3A_12, %eq3A_141 : vector<512x1024xf32>
    %and3A_143 = arith.andi %le3A_5, %eq3A_142 : vector<512x1024xi1>
    %jit3A_144 = arith.constant 0.000000e+00 : f32
    %broadcast_in_dim3A_145 = vector.shape_cast %convert_element_type3A_15 : vector<1x1024xf32> to vector<1x1024xf32>
    %broadcast_in_dim3A_146 = vector.broadcast %broadcast_in_dim3A_145 : vector<1x1024xf32> to vector<512x1024xf32>
    %broadcast_in_dim3A_147 = vector.broadcast %jit3A_144 : f32 to vector<512x1024xf32>
    %select_n3A_148 = arith.select %and3A_143, %broadcast_in_dim3A_146, %broadcast_in_dim3A_147 : vector<512x1024xi1>, vector<512x1024xf32>
    %reduce_sum3A_149 = arith.constant dense<0.000000e+00> : vector<512xf32>
    %reduce_sum3A_150 = vector.multi_reduction <add>, %select_n3A_148, %reduce_sum3A_149 [1] : vector<512x1024xf32> to vector<512xf32>
    %broadcast_in_dim3A_151 = vector.shape_cast %reduce_sum3A_150 : vector<512xf32> to vector<512x1xf32>
    %eq3A_152 = arith.constant 6.000000e+00 : f32
    %eq3A_153 = vector.broadcast %eq3A_152 : f32 to vector<1x32xf32>
    %eq3A_154 = arith.cmpf oeq, %convert_element_type3A_17, %eq3A_153 : vector<1x32xf32>
    %convert_element_type3A_155 = arith.extui %eq3A_154 : vector<1x32xi1> to vector<1x32xi32>
    %convert_element_type3A_156 = arith.sitofp %convert_element_type3A_155 : vector<1x32xi32> to vector<1x32xf32>
    %mul3A_157 = vector.broadcast %broadcast_in_dim3A_151 : vector<512x1xf32> to vector<512x32xf32>
    %mul3A_158 = vector.broadcast %convert_element_type3A_156 : vector<1x32xf32> to vector<512x32xf32>
    %mul3A_159 = arith.mulf %mul3A_157, %mul3A_158 : vector<512x32xf32>
    %add3A_160 = arith.addf %add3A_139, %mul3A_159 : vector<512x32xf32>
    %eq3A_161 = arith.constant 7.000000e+00 : f32
    %eq3A_162 = vector.broadcast %eq3A_161 : f32 to vector<512x1024xf32>
    %eq3A_163 = arith.cmpf oeq, %dot_general3A_12, %eq3A_162 : vector<512x1024xf32>
    %and3A_164 = arith.andi %le3A_5, %eq3A_163 : vector<512x1024xi1>
    %jit3A_165 = arith.constant 0.000000e+00 : f32
    %broadcast_in_dim3A_166 = vector.shape_cast %convert_element_type3A_15 : vector<1x1024xf32> to vector<1x1024xf32>
    %broadcast_in_dim3A_167 = vector.broadcast %broadcast_in_dim3A_166 : vector<1x1024xf32> to vector<512x1024xf32>
    %broadcast_in_dim3A_168 = vector.broadcast %jit3A_165 : f32 to vector<512x1024xf32>
    %select_n3A_169 = arith.select %and3A_164, %broadcast_in_dim3A_167, %broadcast_in_dim3A_168 : vector<512x1024xi1>, vector<512x1024xf32>
    %reduce_sum3A_170 = arith.constant dense<0.000000e+00> : vector<512xf32>
    %reduce_sum3A_171 = vector.multi_reduction <add>, %select_n3A_169, %reduce_sum3A_170 [1] : vector<512x1024xf32> to vector<512xf32>
    %broadcast_in_dim3A_172 = vector.shape_cast %reduce_sum3A_171 : vector<512xf32> to vector<512x1xf32>
    %eq3A_173 = arith.constant 7.000000e+00 : f32
    %eq3A_174 = vector.broadcast %eq3A_173 : f32 to vector<1x32xf32>
    %eq3A_175 = arith.cmpf oeq, %convert_element_type3A_17, %eq3A_174 : vector<1x32xf32>
    %convert_element_type3A_176 = arith.extui %eq3A_175 : vector<1x32xi1> to vector<1x32xi32>
    %convert_element_type3A_177 = arith.sitofp %convert_element_type3A_176 : vector<1x32xi32> to vector<1x32xf32>
    %mul3A_178 = vector.broadcast %broadcast_in_dim3A_172 : vector<512x1xf32> to vector<512x32xf32>
    %mul3A_179 = vector.broadcast %convert_element_type3A_177 : vector<1x32xf32> to vector<512x32xf32>
    %mul3A_180 = arith.mulf %mul3A_178, %mul3A_179 : vector<512x32xf32>
    %add3A_181 = arith.addf %add3A_160, %mul3A_180 : vector<512x32xf32>
    %eq3A_182 = arith.constant 8.000000e+00 : f32
    %eq3A_183 = vector.broadcast %eq3A_182 : f32 to vector<512x1024xf32>
    %eq3A_184 = arith.cmpf oeq, %dot_general3A_12, %eq3A_183 : vector<512x1024xf32>
    %and3A_185 = arith.andi %le3A_5, %eq3A_184 : vector<512x1024xi1>
    %jit3A_186 = arith.constant 0.000000e+00 : f32
    %broadcast_in_dim3A_187 = vector.shape_cast %convert_element_type3A_15 : vector<1x1024xf32> to vector<1x1024xf32>
    %broadcast_in_dim3A_188 = vector.broadcast %broadcast_in_dim3A_187 : vector<1x1024xf32> to vector<512x1024xf32>
    %broadcast_in_dim3A_189 = vector.broadcast %jit3A_186 : f32 to vector<512x1024xf32>
    %select_n3A_190 = arith.select %and3A_185, %broadcast_in_dim3A_188, %broadcast_in_dim3A_189 : vector<512x1024xi1>, vector<512x1024xf32>
    %reduce_sum3A_191 = arith.constant dense<0.000000e+00> : vector<512xf32>
    %reduce_sum3A_192 = vector.multi_reduction <add>, %select_n3A_190, %reduce_sum3A_191 [1] : vector<512x1024xf32> to vector<512xf32>
    %broadcast_in_dim3A_193 = vector.shape_cast %reduce_sum3A_192 : vector<512xf32> to vector<512x1xf32>
    %eq3A_194 = arith.constant 8.000000e+00 : f32
    %eq3A_195 = vector.broadcast %eq3A_194 : f32 to vector<1x32xf32>
    %eq3A_196 = arith.cmpf oeq, %convert_element_type3A_17, %eq3A_195 : vector<1x32xf32>
    %convert_element_type3A_197 = arith.extui %eq3A_196 : vector<1x32xi1> to vector<1x32xi32>
    %convert_element_type3A_198 = arith.sitofp %convert_element_type3A_197 : vector<1x32xi32> to vector<1x32xf32>
    %mul3A_199 = vector.broadcast %broadcast_in_dim3A_193 : vector<512x1xf32> to vector<512x32xf32>
    %mul3A_200 = vector.broadcast %convert_element_type3A_198 : vector<1x32xf32> to vector<512x32xf32>
    %mul3A_201 = arith.mulf %mul3A_199, %mul3A_200 : vector<512x32xf32>
    %add3A_202 = arith.addf %add3A_181, %mul3A_201 : vector<512x32xf32>
    %eq3A_203 = arith.constant 9.000000e+00 : f32
    %eq3A_204 = vector.broadcast %eq3A_203 : f32 to vector<512x1024xf32>
    %eq3A_205 = arith.cmpf oeq, %dot_general3A_12, %eq3A_204 : vector<512x1024xf32>
    %and3A_206 = arith.andi %le3A_5, %eq3A_205 : vector<512x1024xi1>
    %jit3A_207 = arith.constant 0.000000e+00 : f32
    %broadcast_in_dim3A_208 = vector.shape_cast %convert_element_type3A_15 : vector<1x1024xf32> to vector<1x1024xf32>
    %broadcast_in_dim3A_209 = vector.broadcast %broadcast_in_dim3A_208 : vector<1x1024xf32> to vector<512x1024xf32>
    %broadcast_in_dim3A_210 = vector.broadcast %jit3A_207 : f32 to vector<512x1024xf32>
    %select_n3A_211 = arith.select %and3A_206, %broadcast_in_dim3A_209, %broadcast_in_dim3A_210 : vector<512x1024xi1>, vector<512x1024xf32>
    %reduce_sum3A_212 = arith.constant dense<0.000000e+00> : vector<512xf32>
    %reduce_sum3A_213 = vector.multi_reduction <add>, %select_n3A_211, %reduce_sum3A_212 [1] : vector<512x1024xf32> to vector<512xf32>
    %broadcast_in_dim3A_214 = vector.shape_cast %reduce_sum3A_213 : vector<512xf32> to vector<512x1xf32>
    %eq3A_215 = arith.constant 9.000000e+00 : f32
    %eq3A_216 = vector.broadcast %eq3A_215 : f32 to vector<1x32xf32>
    %eq3A_217 = arith.cmpf oeq, %convert_element_type3A_17, %eq3A_216 : vector<1x32xf32>
    %convert_element_type3A_218 = arith.extui %eq3A_217 : vector<1x32xi1> to vector<1x32xi32>
    %convert_element_type3A_219 = arith.sitofp %convert_element_type3A_218 : vector<1x32xi32> to vector<1x32xf32>
    %mul3A_220 = vector.broadcast %broadcast_in_dim3A_214 : vector<512x1xf32> to vector<512x32xf32>
    %mul3A_221 = vector.broadcast %convert_element_type3A_219 : vector<1x32xf32> to vector<512x32xf32>
    %mul3A_222 = arith.mulf %mul3A_220, %mul3A_221 : vector<512x32xf32>
    %add3A_223 = arith.addf %add3A_202, %mul3A_222 : vector<512x32xf32>
    %eq3A_224 = arith.constant 1.000000e+01 : f32
    %eq3A_225 = vector.broadcast %eq3A_224 : f32 to vector<512x1024xf32>
    %eq3A_226 = arith.cmpf oeq, %dot_general3A_12, %eq3A_225 : vector<512x1024xf32>
    %and3A_227 = arith.andi %le3A_5, %eq3A_226 : vector<512x1024xi1>
    %jit3A_228 = arith.constant 0.000000e+00 : f32
    %broadcast_in_dim3A_229 = vector.shape_cast %convert_element_type3A_15 : vector<1x1024xf32> to vector<1x1024xf32>
    %broadcast_in_dim3A_230 = vector.broadcast %broadcast_in_dim3A_229 : vector<1x1024xf32> to vector<512x1024xf32>
    %broadcast_in_dim3A_231 = vector.broadcast %jit3A_228 : f32 to vector<512x1024xf32>
    %select_n3A_232 = arith.select %and3A_227, %broadcast_in_dim3A_230, %broadcast_in_dim3A_231 : vector<512x1024xi1>, vector<512x1024xf32>
    %reduce_sum3A_233 = arith.constant dense<0.000000e+00> : vector<512xf32>
    %reduce_sum3A_234 = vector.multi_reduction <add>, %select_n3A_232, %reduce_sum3A_233 [1] : vector<512x1024xf32> to vector<512xf32>
    %broadcast_in_dim3A_235 = vector.shape_cast %reduce_sum3A_234 : vector<512xf32> to vector<512x1xf32>
    %eq3A_236 = arith.constant 1.000000e+01 : f32
    %eq3A_237 = vector.broadcast %eq3A_236 : f32 to vector<1x32xf32>
    %eq3A_238 = arith.cmpf oeq, %convert_element_type3A_17, %eq3A_237 : vector<1x32xf32>
    %convert_element_type3A_239 = arith.extui %eq3A_238 : vector<1x32xi1> to vector<1x32xi32>
    %convert_element_type3A_240 = arith.sitofp %convert_element_type3A_239 : vector<1x32xi32> to vector<1x32xf32>
    %mul3A_241 = vector.broadcast %broadcast_in_dim3A_235 : vector<512x1xf32> to vector<512x32xf32>
    %mul3A_242 = vector.broadcast %convert_element_type3A_240 : vector<1x32xf32> to vector<512x32xf32>
    %mul3A_243 = arith.mulf %mul3A_241, %mul3A_242 : vector<512x32xf32>
    %add3A_244 = arith.addf %add3A_223, %mul3A_243 : vector<512x32xf32>
    %eq3A_245 = arith.constant 1.100000e+01 : f32
    %eq3A_246 = vector.broadcast %eq3A_245 : f32 to vector<512x1024xf32>
    %eq3A_247 = arith.cmpf oeq, %dot_general3A_12, %eq3A_246 : vector<512x1024xf32>
    %and3A_248 = arith.andi %le3A_5, %eq3A_247 : vector<512x1024xi1>
    %jit3A_249 = arith.constant 0.000000e+00 : f32
    %broadcast_in_dim3A_250 = vector.shape_cast %convert_element_type3A_15 : vector<1x1024xf32> to vector<1x1024xf32>
    %broadcast_in_dim3A_251 = vector.broadcast %broadcast_in_dim3A_250 : vector<1x1024xf32> to vector<512x1024xf32>
    %broadcast_in_dim3A_252 = vector.broadcast %jit3A_249 : f32 to vector<512x1024xf32>
    %select_n3A_253 = arith.select %and3A_248, %broadcast_in_dim3A_251, %broadcast_in_dim3A_252 : vector<512x1024xi1>, vector<512x1024xf32>
    %reduce_sum3A_254 = arith.constant dense<0.000000e+00> : vector<512xf32>
    %reduce_sum3A_255 = vector.multi_reduction <add>, %select_n3A_253, %reduce_sum3A_254 [1] : vector<512x1024xf32> to vector<512xf32>
    %broadcast_in_dim3A_256 = vector.shape_cast %reduce_sum3A_255 : vector<512xf32> to vector<512x1xf32>
    %eq3A_257 = arith.constant 1.100000e+01 : f32
    %eq3A_258 = vector.broadcast %eq3A_257 : f32 to vector<1x32xf32>
    %eq3A_259 = arith.cmpf oeq, %convert_element_type3A_17, %eq3A_258 : vector<1x32xf32>
    %convert_element_type3A_260 = arith.extui %eq3A_259 : vector<1x32xi1> to vector<1x32xi32>
    %convert_element_type3A_261 = arith.sitofp %convert_element_type3A_260 : vector<1x32xi32> to vector<1x32xf32>
    %mul3A_262 = vector.broadcast %broadcast_in_dim3A_256 : vector<512x1xf32> to vector<512x32xf32>
    %mul3A_263 = vector.broadcast %convert_element_type3A_261 : vector<1x32xf32> to vector<512x32xf32>
    %mul3A_264 = arith.mulf %mul3A_262, %mul3A_263 : vector<512x32xf32>
    %add3A_265 = arith.addf %add3A_244, %mul3A_264 : vector<512x32xf32>
    %eq3A_266 = arith.constant 1.200000e+01 : f32
    %eq3A_267 = vector.broadcast %eq3A_266 : f32 to vector<512x1024xf32>
    %eq3A_268 = arith.cmpf oeq, %dot_general3A_12, %eq3A_267 : vector<512x1024xf32>
    %and3A_269 = arith.andi %le3A_5, %eq3A_268 : vector<512x1024xi1>
    %jit3A_270 = arith.constant 0.000000e+00 : f32
    %broadcast_in_dim3A_271 = vector.shape_cast %convert_element_type3A_15 : vector<1x1024xf32> to vector<1x1024xf32>
    %broadcast_in_dim3A_272 = vector.broadcast %broadcast_in_dim3A_271 : vector<1x1024xf32> to vector<512x1024xf32>
    %broadcast_in_dim3A_273 = vector.broadcast %jit3A_270 : f32 to vector<512x1024xf32>
    %select_n3A_274 = arith.select %and3A_269, %broadcast_in_dim3A_272, %broadcast_in_dim3A_273 : vector<512x1024xi1>, vector<512x1024xf32>
    %reduce_sum3A_275 = arith.constant dense<0.000000e+00> : vector<512xf32>
    %reduce_sum3A_276 = vector.multi_reduction <add>, %select_n3A_274, %reduce_sum3A_275 [1] : vector<512x1024xf32> to vector<512xf32>
    %broadcast_in_dim3A_277 = vector.shape_cast %reduce_sum3A_276 : vector<512xf32> to vector<512x1xf32>
    %eq3A_278 = arith.constant 1.200000e+01 : f32
    %eq3A_279 = vector.broadcast %eq3A_278 : f32 to vector<1x32xf32>
    %eq3A_280 = arith.cmpf oeq, %convert_element_type3A_17, %eq3A_279 : vector<1x32xf32>
    %convert_element_type3A_281 = arith.extui %eq3A_280 : vector<1x32xi1> to vector<1x32xi32>
    %convert_element_type3A_282 = arith.sitofp %convert_element_type3A_281 : vector<1x32xi32> to vector<1x32xf32>
    %mul3A_283 = vector.broadcast %broadcast_in_dim3A_277 : vector<512x1xf32> to vector<512x32xf32>
    %mul3A_284 = vector.broadcast %convert_element_type3A_282 : vector<1x32xf32> to vector<512x32xf32>
    %mul3A_285 = arith.mulf %mul3A_283, %mul3A_284 : vector<512x32xf32>
    %add3A_286 = arith.addf %add3A_265, %mul3A_285 : vector<512x32xf32>
    %eq3A_287 = arith.constant 1.300000e+01 : f32
    %eq3A_288 = vector.broadcast %eq3A_287 : f32 to vector<512x1024xf32>
    %eq3A_289 = arith.cmpf oeq, %dot_general3A_12, %eq3A_288 : vector<512x1024xf32>
    %and3A_290 = arith.andi %le3A_5, %eq3A_289 : vector<512x1024xi1>
    %jit3A_291 = arith.constant 0.000000e+00 : f32
    %broadcast_in_dim3A_292 = vector.shape_cast %convert_element_type3A_15 : vector<1x1024xf32> to vector<1x1024xf32>
    %broadcast_in_dim3A_293 = vector.broadcast %broadcast_in_dim3A_292 : vector<1x1024xf32> to vector<512x1024xf32>
    %broadcast_in_dim3A_294 = vector.broadcast %jit3A_291 : f32 to vector<512x1024xf32>
    %select_n3A_295 = arith.select %and3A_290, %broadcast_in_dim3A_293, %broadcast_in_dim3A_294 : vector<512x1024xi1>, vector<512x1024xf32>
    %reduce_sum3A_296 = arith.constant dense<0.000000e+00> : vector<512xf32>
    %reduce_sum3A_297 = vector.multi_reduction <add>, %select_n3A_295, %reduce_sum3A_296 [1] : vector<512x1024xf32> to vector<512xf32>
    %broadcast_in_dim3A_298 = vector.shape_cast %reduce_sum3A_297 : vector<512xf32> to vector<512x1xf32>
    %eq3A_299 = arith.constant 1.300000e+01 : f32
    %eq3A_300 = vector.broadcast %eq3A_299 : f32 to vector<1x32xf32>
    %eq3A_301 = arith.cmpf oeq, %convert_element_type3A_17, %eq3A_300 : vector<1x32xf32>
    %convert_element_type3A_302 = arith.extui %eq3A_301 : vector<1x32xi1> to vector<1x32xi32>
    %convert_element_type3A_303 = arith.sitofp %convert_element_type3A_302 : vector<1x32xi32> to vector<1x32xf32>
    %mul3A_304 = vector.broadcast %broadcast_in_dim3A_298 : vector<512x1xf32> to vector<512x32xf32>
    %mul3A_305 = vector.broadcast %convert_element_type3A_303 : vector<1x32xf32> to vector<512x32xf32>
    %mul3A_306 = arith.mulf %mul3A_304, %mul3A_305 : vector<512x32xf32>
    %add3A_307 = arith.addf %add3A_286, %mul3A_306 : vector<512x32xf32>
    %eq3A_308 = arith.constant 1.400000e+01 : f32
    %eq3A_309 = vector.broadcast %eq3A_308 : f32 to vector<512x1024xf32>
    %eq3A_310 = arith.cmpf oeq, %dot_general3A_12, %eq3A_309 : vector<512x1024xf32>
    %and3A_311 = arith.andi %le3A_5, %eq3A_310 : vector<512x1024xi1>
    %jit3A_312 = arith.constant 0.000000e+00 : f32
    %broadcast_in_dim3A_313 = vector.shape_cast %convert_element_type3A_15 : vector<1x1024xf32> to vector<1x1024xf32>
    %broadcast_in_dim3A_314 = vector.broadcast %broadcast_in_dim3A_313 : vector<1x1024xf32> to vector<512x1024xf32>
    %broadcast_in_dim3A_315 = vector.broadcast %jit3A_312 : f32 to vector<512x1024xf32>
    %select_n3A_316 = arith.select %and3A_311, %broadcast_in_dim3A_314, %broadcast_in_dim3A_315 : vector<512x1024xi1>, vector<512x1024xf32>
    %reduce_sum3A_317 = arith.constant dense<0.000000e+00> : vector<512xf32>
    %reduce_sum3A_318 = vector.multi_reduction <add>, %select_n3A_316, %reduce_sum3A_317 [1] : vector<512x1024xf32> to vector<512xf32>
    %broadcast_in_dim3A_319 = vector.shape_cast %reduce_sum3A_318 : vector<512xf32> to vector<512x1xf32>
    %eq3A_320 = arith.constant 1.400000e+01 : f32
    %eq3A_321 = vector.broadcast %eq3A_320 : f32 to vector<1x32xf32>
    %eq3A_322 = arith.cmpf oeq, %convert_element_type3A_17, %eq3A_321 : vector<1x32xf32>
    %convert_element_type3A_323 = arith.extui %eq3A_322 : vector<1x32xi1> to vector<1x32xi32>
    %convert_element_type3A_324 = arith.sitofp %convert_element_type3A_323 : vector<1x32xi32> to vector<1x32xf32>
    %mul3A_325 = vector.broadcast %broadcast_in_dim3A_319 : vector<512x1xf32> to vector<512x32xf32>
    %mul3A_326 = vector.broadcast %convert_element_type3A_324 : vector<1x32xf32> to vector<512x32xf32>
    %mul3A_327 = arith.mulf %mul3A_325, %mul3A_326 : vector<512x32xf32>
    %add3A_328 = arith.addf %add3A_307, %mul3A_327 : vector<512x32xf32>
    %eq3A_329 = arith.constant 1.500000e+01 : f32
    %eq3A_330 = vector.broadcast %eq3A_329 : f32 to vector<512x1024xf32>
    %eq3A_331 = arith.cmpf oeq, %dot_general3A_12, %eq3A_330 : vector<512x1024xf32>
    %and3A_332 = arith.andi %le3A_5, %eq3A_331 : vector<512x1024xi1>
    %jit3A_333 = arith.constant 0.000000e+00 : f32
    %broadcast_in_dim3A_334 = vector.shape_cast %convert_element_type3A_15 : vector<1x1024xf32> to vector<1x1024xf32>
    %broadcast_in_dim3A_335 = vector.broadcast %broadcast_in_dim3A_334 : vector<1x1024xf32> to vector<512x1024xf32>
    %broadcast_in_dim3A_336 = vector.broadcast %jit3A_333 : f32 to vector<512x1024xf32>
    %select_n3A_337 = arith.select %and3A_332, %broadcast_in_dim3A_335, %broadcast_in_dim3A_336 : vector<512x1024xi1>, vector<512x1024xf32>
    %reduce_sum3A_338 = arith.constant dense<0.000000e+00> : vector<512xf32>
    %reduce_sum3A_339 = vector.multi_reduction <add>, %select_n3A_337, %reduce_sum3A_338 [1] : vector<512x1024xf32> to vector<512xf32>
    %broadcast_in_dim3A_340 = vector.shape_cast %reduce_sum3A_339 : vector<512xf32> to vector<512x1xf32>
    %eq3A_341 = arith.constant 1.500000e+01 : f32
    %eq3A_342 = vector.broadcast %eq3A_341 : f32 to vector<1x32xf32>
    %eq3A_343 = arith.cmpf oeq, %convert_element_type3A_17, %eq3A_342 : vector<1x32xf32>
    %convert_element_type3A_344 = arith.extui %eq3A_343 : vector<1x32xi1> to vector<1x32xi32>
    %convert_element_type3A_345 = arith.sitofp %convert_element_type3A_344 : vector<1x32xi32> to vector<1x32xf32>
    %mul3A_346 = vector.broadcast %broadcast_in_dim3A_340 : vector<512x1xf32> to vector<512x32xf32>
    %mul3A_347 = vector.broadcast %convert_element_type3A_345 : vector<1x32xf32> to vector<512x32xf32>
    %mul3A_348 = arith.mulf %mul3A_346, %mul3A_347 : vector<512x32xf32>
    %add3A_349 = arith.addf %add3A_328, %mul3A_348 : vector<512x32xf32>
    %eq3A_350 = arith.constant 1.600000e+01 : f32
    %eq3A_351 = vector.broadcast %eq3A_350 : f32 to vector<512x1024xf32>
    %eq3A_352 = arith.cmpf oeq, %dot_general3A_12, %eq3A_351 : vector<512x1024xf32>
    %and3A_353 = arith.andi %le3A_5, %eq3A_352 : vector<512x1024xi1>
    %jit3A_354 = arith.constant 0.000000e+00 : f32
    %broadcast_in_dim3A_355 = vector.shape_cast %convert_element_type3A_15 : vector<1x1024xf32> to vector<1x1024xf32>
    %broadcast_in_dim3A_356 = vector.broadcast %broadcast_in_dim3A_355 : vector<1x1024xf32> to vector<512x1024xf32>
    %broadcast_in_dim3A_357 = vector.broadcast %jit3A_354 : f32 to vector<512x1024xf32>
    %select_n3A_358 = arith.select %and3A_353, %broadcast_in_dim3A_356, %broadcast_in_dim3A_357 : vector<512x1024xi1>, vector<512x1024xf32>
    %reduce_sum3A_359 = arith.constant dense<0.000000e+00> : vector<512xf32>
    %reduce_sum3A_360 = vector.multi_reduction <add>, %select_n3A_358, %reduce_sum3A_359 [1] : vector<512x1024xf32> to vector<512xf32>
    %broadcast_in_dim3A_361 = vector.shape_cast %reduce_sum3A_360 : vector<512xf32> to vector<512x1xf32>
    %eq3A_362 = arith.constant 1.600000e+01 : f32
    %eq3A_363 = vector.broadcast %eq3A_362 : f32 to vector<1x32xf32>
    %eq3A_364 = arith.cmpf oeq, %convert_element_type3A_17, %eq3A_363 : vector<1x32xf32>
    %convert_element_type3A_365 = arith.extui %eq3A_364 : vector<1x32xi1> to vector<1x32xi32>
    %convert_element_type3A_366 = arith.sitofp %convert_element_type3A_365 : vector<1x32xi32> to vector<1x32xf32>
    %mul3A_367 = vector.broadcast %broadcast_in_dim3A_361 : vector<512x1xf32> to vector<512x32xf32>
    %mul3A_368 = vector.broadcast %convert_element_type3A_366 : vector<1x32xf32> to vector<512x32xf32>
    %mul3A_369 = arith.mulf %mul3A_367, %mul3A_368 : vector<512x32xf32>
    %add3A_370 = arith.addf %add3A_349, %mul3A_369 : vector<512x32xf32>
    %eq3A_371 = arith.constant 1.700000e+01 : f32
    %eq3A_372 = vector.broadcast %eq3A_371 : f32 to vector<512x1024xf32>
    %eq3A_373 = arith.cmpf oeq, %dot_general3A_12, %eq3A_372 : vector<512x1024xf32>
    %and3A_374 = arith.andi %le3A_5, %eq3A_373 : vector<512x1024xi1>
    %jit3A_375 = arith.constant 0.000000e+00 : f32
    %broadcast_in_dim3A_376 = vector.shape_cast %convert_element_type3A_15 : vector<1x1024xf32> to vector<1x1024xf32>
    %broadcast_in_dim3A_377 = vector.broadcast %broadcast_in_dim3A_376 : vector<1x1024xf32> to vector<512x1024xf32>
    %broadcast_in_dim3A_378 = vector.broadcast %jit3A_375 : f32 to vector<512x1024xf32>
    %select_n3A_379 = arith.select %and3A_374, %broadcast_in_dim3A_377, %broadcast_in_dim3A_378 : vector<512x1024xi1>, vector<512x1024xf32>
    %reduce_sum3A_380 = arith.constant dense<0.000000e+00> : vector<512xf32>
    %reduce_sum3A_381 = vector.multi_reduction <add>, %select_n3A_379, %reduce_sum3A_380 [1] : vector<512x1024xf32> to vector<512xf32>
    %broadcast_in_dim3A_382 = vector.shape_cast %reduce_sum3A_381 : vector<512xf32> to vector<512x1xf32>
    %eq3A_383 = arith.constant 1.700000e+01 : f32
    %eq3A_384 = vector.broadcast %eq3A_383 : f32 to vector<1x32xf32>
    %eq3A_385 = arith.cmpf oeq, %convert_element_type3A_17, %eq3A_384 : vector<1x32xf32>
    %convert_element_type3A_386 = arith.extui %eq3A_385 : vector<1x32xi1> to vector<1x32xi32>
    %convert_element_type3A_387 = arith.sitofp %convert_element_type3A_386 : vector<1x32xi32> to vector<1x32xf32>
    %mul3A_388 = vector.broadcast %broadcast_in_dim3A_382 : vector<512x1xf32> to vector<512x32xf32>
    %mul3A_389 = vector.broadcast %convert_element_type3A_387 : vector<1x32xf32> to vector<512x32xf32>
    %mul3A_390 = arith.mulf %mul3A_388, %mul3A_389 : vector<512x32xf32>
    %add3A_391 = arith.addf %add3A_370, %mul3A_390 : vector<512x32xf32>
    %eq3A_392 = arith.constant 1.800000e+01 : f32
    %eq3A_393 = vector.broadcast %eq3A_392 : f32 to vector<512x1024xf32>
    %eq3A_394 = arith.cmpf oeq, %dot_general3A_12, %eq3A_393 : vector<512x1024xf32>
    %and3A_395 = arith.andi %le3A_5, %eq3A_394 : vector<512x1024xi1>
    %jit3A_396 = arith.constant 0.000000e+00 : f32
    %broadcast_in_dim3A_397 = vector.shape_cast %convert_element_type3A_15 : vector<1x1024xf32> to vector<1x1024xf32>
    %broadcast_in_dim3A_398 = vector.broadcast %broadcast_in_dim3A_397 : vector<1x1024xf32> to vector<512x1024xf32>
    %broadcast_in_dim3A_399 = vector.broadcast %jit3A_396 : f32 to vector<512x1024xf32>
    %select_n3A_400 = arith.select %and3A_395, %broadcast_in_dim3A_398, %broadcast_in_dim3A_399 : vector<512x1024xi1>, vector<512x1024xf32>
    %reduce_sum3A_401 = arith.constant dense<0.000000e+00> : vector<512xf32>
    %reduce_sum3A_402 = vector.multi_reduction <add>, %select_n3A_400, %reduce_sum3A_401 [1] : vector<512x1024xf32> to vector<512xf32>
    %broadcast_in_dim3A_403 = vector.shape_cast %reduce_sum3A_402 : vector<512xf32> to vector<512x1xf32>
    %eq3A_404 = arith.constant 1.800000e+01 : f32
    %eq3A_405 = vector.broadcast %eq3A_404 : f32 to vector<1x32xf32>
    %eq3A_406 = arith.cmpf oeq, %convert_element_type3A_17, %eq3A_405 : vector<1x32xf32>
    %convert_element_type3A_407 = arith.extui %eq3A_406 : vector<1x32xi1> to vector<1x32xi32>
    %convert_element_type3A_408 = arith.sitofp %convert_element_type3A_407 : vector<1x32xi32> to vector<1x32xf32>
    %mul3A_409 = vector.broadcast %broadcast_in_dim3A_403 : vector<512x1xf32> to vector<512x32xf32>
    %mul3A_410 = vector.broadcast %convert_element_type3A_408 : vector<1x32xf32> to vector<512x32xf32>
    %mul3A_411 = arith.mulf %mul3A_409, %mul3A_410 : vector<512x32xf32>
    %add3A_412 = arith.addf %add3A_391, %mul3A_411 : vector<512x32xf32>
    %eq3A_413 = arith.constant 1.900000e+01 : f32
    %eq3A_414 = vector.broadcast %eq3A_413 : f32 to vector<512x1024xf32>
    %eq3A_415 = arith.cmpf oeq, %dot_general3A_12, %eq3A_414 : vector<512x1024xf32>
    %and3A_416 = arith.andi %le3A_5, %eq3A_415 : vector<512x1024xi1>
    %jit3A_417 = arith.constant 0.000000e+00 : f32
    %broadcast_in_dim3A_418 = vector.shape_cast %convert_element_type3A_15 : vector<1x1024xf32> to vector<1x1024xf32>
    %broadcast_in_dim3A_419 = vector.broadcast %broadcast_in_dim3A_418 : vector<1x1024xf32> to vector<512x1024xf32>
    %broadcast_in_dim3A_420 = vector.broadcast %jit3A_417 : f32 to vector<512x1024xf32>
    %select_n3A_421 = arith.select %and3A_416, %broadcast_in_dim3A_419, %broadcast_in_dim3A_420 : vector<512x1024xi1>, vector<512x1024xf32>
    %reduce_sum3A_422 = arith.constant dense<0.000000e+00> : vector<512xf32>
    %reduce_sum3A_423 = vector.multi_reduction <add>, %select_n3A_421, %reduce_sum3A_422 [1] : vector<512x1024xf32> to vector<512xf32>
    %broadcast_in_dim3A_424 = vector.shape_cast %reduce_sum3A_423 : vector<512xf32> to vector<512x1xf32>
    %eq3A_425 = arith.constant 1.900000e+01 : f32
    %eq3A_426 = vector.broadcast %eq3A_425 : f32 to vector<1x32xf32>
    %eq3A_427 = arith.cmpf oeq, %convert_element_type3A_17, %eq3A_426 : vector<1x32xf32>
    %convert_element_type3A_428 = arith.extui %eq3A_427 : vector<1x32xi1> to vector<1x32xi32>
    %convert_element_type3A_429 = arith.sitofp %convert_element_type3A_428 : vector<1x32xi32> to vector<1x32xf32>
    %mul3A_430 = vector.broadcast %broadcast_in_dim3A_424 : vector<512x1xf32> to vector<512x32xf32>
    %mul3A_431 = vector.broadcast %convert_element_type3A_429 : vector<1x32xf32> to vector<512x32xf32>
    %mul3A_432 = arith.mulf %mul3A_430, %mul3A_431 : vector<512x32xf32>
    %add3A_433 = arith.addf %add3A_412, %mul3A_432 : vector<512x32xf32>
    %eq3A_434 = arith.constant 2.000000e+01 : f32
    %eq3A_435 = vector.broadcast %eq3A_434 : f32 to vector<512x1024xf32>
    %eq3A_436 = arith.cmpf oeq, %dot_general3A_12, %eq3A_435 : vector<512x1024xf32>
    %and3A_437 = arith.andi %le3A_5, %eq3A_436 : vector<512x1024xi1>
    %jit3A_438 = arith.constant 0.000000e+00 : f32
    %broadcast_in_dim3A_439 = vector.shape_cast %convert_element_type3A_15 : vector<1x1024xf32> to vector<1x1024xf32>
    %broadcast_in_dim3A_440 = vector.broadcast %broadcast_in_dim3A_439 : vector<1x1024xf32> to vector<512x1024xf32>
    %broadcast_in_dim3A_441 = vector.broadcast %jit3A_438 : f32 to vector<512x1024xf32>
    %select_n3A_442 = arith.select %and3A_437, %broadcast_in_dim3A_440, %broadcast_in_dim3A_441 : vector<512x1024xi1>, vector<512x1024xf32>
    %reduce_sum3A_443 = arith.constant dense<0.000000e+00> : vector<512xf32>
    %reduce_sum3A_444 = vector.multi_reduction <add>, %select_n3A_442, %reduce_sum3A_443 [1] : vector<512x1024xf32> to vector<512xf32>
    %broadcast_in_dim3A_445 = vector.shape_cast %reduce_sum3A_444 : vector<512xf32> to vector<512x1xf32>
    %eq3A_446 = arith.constant 2.000000e+01 : f32
    %eq3A_447 = vector.broadcast %eq3A_446 : f32 to vector<1x32xf32>
    %eq3A_448 = arith.cmpf oeq, %convert_element_type3A_17, %eq3A_447 : vector<1x32xf32>
    %convert_element_type3A_449 = arith.extui %eq3A_448 : vector<1x32xi1> to vector<1x32xi32>
    %convert_element_type3A_450 = arith.sitofp %convert_element_type3A_449 : vector<1x32xi32> to vector<1x32xf32>
    %mul3A_451 = vector.broadcast %broadcast_in_dim3A_445 : vector<512x1xf32> to vector<512x32xf32>
    %mul3A_452 = vector.broadcast %convert_element_type3A_450 : vector<1x32xf32> to vector<512x32xf32>
    %mul3A_453 = arith.mulf %mul3A_451, %mul3A_452 : vector<512x32xf32>
    %add3A_454 = arith.addf %add3A_433, %mul3A_453 : vector<512x32xf32>
    %eq3A_455 = arith.constant 2.100000e+01 : f32
    %eq3A_456 = vector.broadcast %eq3A_455 : f32 to vector<512x1024xf32>
    %eq3A_457 = arith.cmpf oeq, %dot_general3A_12, %eq3A_456 : vector<512x1024xf32>
    %and3A_458 = arith.andi %le3A_5, %eq3A_457 : vector<512x1024xi1>
    %jit3A_459 = arith.constant 0.000000e+00 : f32
    %broadcast_in_dim3A_460 = vector.shape_cast %convert_element_type3A_15 : vector<1x1024xf32> to vector<1x1024xf32>
    %broadcast_in_dim3A_461 = vector.broadcast %broadcast_in_dim3A_460 : vector<1x1024xf32> to vector<512x1024xf32>
    %broadcast_in_dim3A_462 = vector.broadcast %jit3A_459 : f32 to vector<512x1024xf32>
    %select_n3A_463 = arith.select %and3A_458, %broadcast_in_dim3A_461, %broadcast_in_dim3A_462 : vector<512x1024xi1>, vector<512x1024xf32>
    %reduce_sum3A_464 = arith.constant dense<0.000000e+00> : vector<512xf32>
    %reduce_sum3A_465 = vector.multi_reduction <add>, %select_n3A_463, %reduce_sum3A_464 [1] : vector<512x1024xf32> to vector<512xf32>
    %broadcast_in_dim3A_466 = vector.shape_cast %reduce_sum3A_465 : vector<512xf32> to vector<512x1xf32>
    %eq3A_467 = arith.constant 2.100000e+01 : f32
    %eq3A_468 = vector.broadcast %eq3A_467 : f32 to vector<1x32xf32>
    %eq3A_469 = arith.cmpf oeq, %convert_element_type3A_17, %eq3A_468 : vector<1x32xf32>
    %convert_element_type3A_470 = arith.extui %eq3A_469 : vector<1x32xi1> to vector<1x32xi32>
    %convert_element_type3A_471 = arith.sitofp %convert_element_type3A_470 : vector<1x32xi32> to vector<1x32xf32>
    %mul3A_472 = vector.broadcast %broadcast_in_dim3A_466 : vector<512x1xf32> to vector<512x32xf32>
    %mul3A_473 = vector.broadcast %convert_element_type3A_471 : vector<1x32xf32> to vector<512x32xf32>
    %mul3A_474 = arith.mulf %mul3A_472, %mul3A_473 : vector<512x32xf32>
    %add3A_475 = arith.addf %add3A_454, %mul3A_474 : vector<512x32xf32>
    %eq3A_476 = arith.constant 2.200000e+01 : f32
    %eq3A_477 = vector.broadcast %eq3A_476 : f32 to vector<512x1024xf32>
    %eq3A_478 = arith.cmpf oeq, %dot_general3A_12, %eq3A_477 : vector<512x1024xf32>
    %and3A_479 = arith.andi %le3A_5, %eq3A_478 : vector<512x1024xi1>
    %jit3A_480 = arith.constant 0.000000e+00 : f32
    %broadcast_in_dim3A_481 = vector.shape_cast %convert_element_type3A_15 : vector<1x1024xf32> to vector<1x1024xf32>
    %broadcast_in_dim3A_482 = vector.broadcast %broadcast_in_dim3A_481 : vector<1x1024xf32> to vector<512x1024xf32>
    %broadcast_in_dim3A_483 = vector.broadcast %jit3A_480 : f32 to vector<512x1024xf32>
    %select_n3A_484 = arith.select %and3A_479, %broadcast_in_dim3A_482, %broadcast_in_dim3A_483 : vector<512x1024xi1>, vector<512x1024xf32>
    %reduce_sum3A_485 = arith.constant dense<0.000000e+00> : vector<512xf32>
    %reduce_sum3A_486 = vector.multi_reduction <add>, %select_n3A_484, %reduce_sum3A_485 [1] : vector<512x1024xf32> to vector<512xf32>
    %broadcast_in_dim3A_487 = vector.shape_cast %reduce_sum3A_486 : vector<512xf32> to vector<512x1xf32>
    %eq3A_488 = arith.constant 2.200000e+01 : f32
    %eq3A_489 = vector.broadcast %eq3A_488 : f32 to vector<1x32xf32>
    %eq3A_490 = arith.cmpf oeq, %convert_element_type3A_17, %eq3A_489 : vector<1x32xf32>
    %convert_element_type3A_491 = arith.extui %eq3A_490 : vector<1x32xi1> to vector<1x32xi32>
    %convert_element_type3A_492 = arith.sitofp %convert_element_type3A_491 : vector<1x32xi32> to vector<1x32xf32>
    %mul3A_493 = vector.broadcast %broadcast_in_dim3A_487 : vector<512x1xf32> to vector<512x32xf32>
    %mul3A_494 = vector.broadcast %convert_element_type3A_492 : vector<1x32xf32> to vector<512x32xf32>
    %mul3A_495 = arith.mulf %mul3A_493, %mul3A_494 : vector<512x32xf32>
    %add3A_496 = arith.addf %add3A_475, %mul3A_495 : vector<512x32xf32>
    %eq3A_497 = arith.constant 2.300000e+01 : f32
    %eq3A_498 = vector.broadcast %eq3A_497 : f32 to vector<512x1024xf32>
    %eq3A_499 = arith.cmpf oeq, %dot_general3A_12, %eq3A_498 : vector<512x1024xf32>
    %and3A_500 = arith.andi %le3A_5, %eq3A_499 : vector<512x1024xi1>
    %jit3A_501 = arith.constant 0.000000e+00 : f32
    %broadcast_in_dim3A_502 = vector.shape_cast %convert_element_type3A_15 : vector<1x1024xf32> to vector<1x1024xf32>
    %broadcast_in_dim3A_503 = vector.broadcast %broadcast_in_dim3A_502 : vector<1x1024xf32> to vector<512x1024xf32>
    %broadcast_in_dim3A_504 = vector.broadcast %jit3A_501 : f32 to vector<512x1024xf32>
    %select_n3A_505 = arith.select %and3A_500, %broadcast_in_dim3A_503, %broadcast_in_dim3A_504 : vector<512x1024xi1>, vector<512x1024xf32>
    %reduce_sum3A_506 = arith.constant dense<0.000000e+00> : vector<512xf32>
    %reduce_sum3A_507 = vector.multi_reduction <add>, %select_n3A_505, %reduce_sum3A_506 [1] : vector<512x1024xf32> to vector<512xf32>
    %broadcast_in_dim3A_508 = vector.shape_cast %reduce_sum3A_507 : vector<512xf32> to vector<512x1xf32>
    %eq3A_509 = arith.constant 2.300000e+01 : f32
    %eq3A_510 = vector.broadcast %eq3A_509 : f32 to vector<1x32xf32>
    %eq3A_511 = arith.cmpf oeq, %convert_element_type3A_17, %eq3A_510 : vector<1x32xf32>
    %convert_element_type3A_512 = arith.extui %eq3A_511 : vector<1x32xi1> to vector<1x32xi32>
    %convert_element_type3A_513 = arith.sitofp %convert_element_type3A_512 : vector<1x32xi32> to vector<1x32xf32>
    %mul3A_514 = vector.broadcast %broadcast_in_dim3A_508 : vector<512x1xf32> to vector<512x32xf32>
    %mul3A_515 = vector.broadcast %convert_element_type3A_513 : vector<1x32xf32> to vector<512x32xf32>
    %mul3A_516 = arith.mulf %mul3A_514, %mul3A_515 : vector<512x32xf32>
    %add3A_517 = arith.addf %add3A_496, %mul3A_516 : vector<512x32xf32>
    %eq3A_518 = arith.constant 2.400000e+01 : f32
    %eq3A_519 = vector.broadcast %eq3A_518 : f32 to vector<512x1024xf32>
    %eq3A_520 = arith.cmpf oeq, %dot_general3A_12, %eq3A_519 : vector<512x1024xf32>
    %and3A_521 = arith.andi %le3A_5, %eq3A_520 : vector<512x1024xi1>
    %jit3A_522 = arith.constant 0.000000e+00 : f32
    %broadcast_in_dim3A_523 = vector.shape_cast %convert_element_type3A_15 : vector<1x1024xf32> to vector<1x1024xf32>
    %broadcast_in_dim3A_524 = vector.broadcast %broadcast_in_dim3A_523 : vector<1x1024xf32> to vector<512x1024xf32>
    %broadcast_in_dim3A_525 = vector.broadcast %jit3A_522 : f32 to vector<512x1024xf32>
    %select_n3A_526 = arith.select %and3A_521, %broadcast_in_dim3A_524, %broadcast_in_dim3A_525 : vector<512x1024xi1>, vector<512x1024xf32>
    %reduce_sum3A_527 = arith.constant dense<0.000000e+00> : vector<512xf32>
    %reduce_sum3A_528 = vector.multi_reduction <add>, %select_n3A_526, %reduce_sum3A_527 [1] : vector<512x1024xf32> to vector<512xf32>
    %broadcast_in_dim3A_529 = vector.shape_cast %reduce_sum3A_528 : vector<512xf32> to vector<512x1xf32>
    %eq3A_530 = arith.constant 2.400000e+01 : f32
    %eq3A_531 = vector.broadcast %eq3A_530 : f32 to vector<1x32xf32>
    %eq3A_532 = arith.cmpf oeq, %convert_element_type3A_17, %eq3A_531 : vector<1x32xf32>
    %convert_element_type3A_533 = arith.extui %eq3A_532 : vector<1x32xi1> to vector<1x32xi32>
    %convert_element_type3A_534 = arith.sitofp %convert_element_type3A_533 : vector<1x32xi32> to vector<1x32xf32>
    %mul3A_535 = vector.broadcast %broadcast_in_dim3A_529 : vector<512x1xf32> to vector<512x32xf32>
    %mul3A_536 = vector.broadcast %convert_element_type3A_534 : vector<1x32xf32> to vector<512x32xf32>
    %mul3A_537 = arith.mulf %mul3A_535, %mul3A_536 : vector<512x32xf32>
    %add3A_538 = arith.addf %add3A_517, %mul3A_537 : vector<512x32xf32>
    %eq3A_539 = arith.constant 2.500000e+01 : f32
    %eq3A_540 = vector.broadcast %eq3A_539 : f32 to vector<512x1024xf32>
    %eq3A_541 = arith.cmpf oeq, %dot_general3A_12, %eq3A_540 : vector<512x1024xf32>
    %and3A_542 = arith.andi %le3A_5, %eq3A_541 : vector<512x1024xi1>
    %jit3A_543 = arith.constant 0.000000e+00 : f32
    %broadcast_in_dim3A_544 = vector.shape_cast %convert_element_type3A_15 : vector<1x1024xf32> to vector<1x1024xf32>
    %broadcast_in_dim3A_545 = vector.broadcast %broadcast_in_dim3A_544 : vector<1x1024xf32> to vector<512x1024xf32>
    %broadcast_in_dim3A_546 = vector.broadcast %jit3A_543 : f32 to vector<512x1024xf32>
    %select_n3A_547 = arith.select %and3A_542, %broadcast_in_dim3A_545, %broadcast_in_dim3A_546 : vector<512x1024xi1>, vector<512x1024xf32>
    %reduce_sum3A_548 = arith.constant dense<0.000000e+00> : vector<512xf32>
    %reduce_sum3A_549 = vector.multi_reduction <add>, %select_n3A_547, %reduce_sum3A_548 [1] : vector<512x1024xf32> to vector<512xf32>
    %broadcast_in_dim3A_550 = vector.shape_cast %reduce_sum3A_549 : vector<512xf32> to vector<512x1xf32>
    %eq3A_551 = arith.constant 2.500000e+01 : f32
    %eq3A_552 = vector.broadcast %eq3A_551 : f32 to vector<1x32xf32>
    %eq3A_553 = arith.cmpf oeq, %convert_element_type3A_17, %eq3A_552 : vector<1x32xf32>
    %convert_element_type3A_554 = arith.extui %eq3A_553 : vector<1x32xi1> to vector<1x32xi32>
    %convert_element_type3A_555 = arith.sitofp %convert_element_type3A_554 : vector<1x32xi32> to vector<1x32xf32>
    %mul3A_556 = vector.broadcast %broadcast_in_dim3A_550 : vector<512x1xf32> to vector<512x32xf32>
    %mul3A_557 = vector.broadcast %convert_element_type3A_555 : vector<1x32xf32> to vector<512x32xf32>
    %mul3A_558 = arith.mulf %mul3A_556, %mul3A_557 : vector<512x32xf32>
    %add3A_559 = arith.addf %add3A_538, %mul3A_558 : vector<512x32xf32>
    %eq3A_560 = arith.constant 2.600000e+01 : f32
    %eq3A_561 = vector.broadcast %eq3A_560 : f32 to vector<512x1024xf32>
    %eq3A_562 = arith.cmpf oeq, %dot_general3A_12, %eq3A_561 : vector<512x1024xf32>
    %and3A_563 = arith.andi %le3A_5, %eq3A_562 : vector<512x1024xi1>
    %jit3A_564 = arith.constant 0.000000e+00 : f32
    %broadcast_in_dim3A_565 = vector.shape_cast %convert_element_type3A_15 : vector<1x1024xf32> to vector<1x1024xf32>
    %broadcast_in_dim3A_566 = vector.broadcast %broadcast_in_dim3A_565 : vector<1x1024xf32> to vector<512x1024xf32>
    %broadcast_in_dim3A_567 = vector.broadcast %jit3A_564 : f32 to vector<512x1024xf32>
    %select_n3A_568 = arith.select %and3A_563, %broadcast_in_dim3A_566, %broadcast_in_dim3A_567 : vector<512x1024xi1>, vector<512x1024xf32>
    %reduce_sum3A_569 = arith.constant dense<0.000000e+00> : vector<512xf32>
    %reduce_sum3A_570 = vector.multi_reduction <add>, %select_n3A_568, %reduce_sum3A_569 [1] : vector<512x1024xf32> to vector<512xf32>
    %broadcast_in_dim3A_571 = vector.shape_cast %reduce_sum3A_570 : vector<512xf32> to vector<512x1xf32>
    %eq3A_572 = arith.constant 2.600000e+01 : f32
    %eq3A_573 = vector.broadcast %eq3A_572 : f32 to vector<1x32xf32>
    %eq3A_574 = arith.cmpf oeq, %convert_element_type3A_17, %eq3A_573 : vector<1x32xf32>
    %convert_element_type3A_575 = arith.extui %eq3A_574 : vector<1x32xi1> to vector<1x32xi32>
    %convert_element_type3A_576 = arith.sitofp %convert_element_type3A_575 : vector<1x32xi32> to vector<1x32xf32>
    %mul3A_577 = vector.broadcast %broadcast_in_dim3A_571 : vector<512x1xf32> to vector<512x32xf32>
    %mul3A_578 = vector.broadcast %convert_element_type3A_576 : vector<1x32xf32> to vector<512x32xf32>
    %mul3A_579 = arith.mulf %mul3A_577, %mul3A_578 : vector<512x32xf32>
    %add3A_580 = arith.addf %add3A_559, %mul3A_579 : vector<512x32xf32>
    %eq3A_581 = arith.constant 2.700000e+01 : f32
    %eq3A_582 = vector.broadcast %eq3A_581 : f32 to vector<512x1024xf32>
    %eq3A_583 = arith.cmpf oeq, %dot_general3A_12, %eq3A_582 : vector<512x1024xf32>
    %and3A_584 = arith.andi %le3A_5, %eq3A_583 : vector<512x1024xi1>
    %jit3A_585 = arith.constant 0.000000e+00 : f32
    %broadcast_in_dim3A_586 = vector.shape_cast %convert_element_type3A_15 : vector<1x1024xf32> to vector<1x1024xf32>
    %broadcast_in_dim3A_587 = vector.broadcast %broadcast_in_dim3A_586 : vector<1x1024xf32> to vector<512x1024xf32>
    %broadcast_in_dim3A_588 = vector.broadcast %jit3A_585 : f32 to vector<512x1024xf32>
    %select_n3A_589 = arith.select %and3A_584, %broadcast_in_dim3A_587, %broadcast_in_dim3A_588 : vector<512x1024xi1>, vector<512x1024xf32>
    %reduce_sum3A_590 = arith.constant dense<0.000000e+00> : vector<512xf32>
    %reduce_sum3A_591 = vector.multi_reduction <add>, %select_n3A_589, %reduce_sum3A_590 [1] : vector<512x1024xf32> to vector<512xf32>
    %broadcast_in_dim3A_592 = vector.shape_cast %reduce_sum3A_591 : vector<512xf32> to vector<512x1xf32>
    %eq3A_593 = arith.constant 2.700000e+01 : f32
    %eq3A_594 = vector.broadcast %eq3A_593 : f32 to vector<1x32xf32>
    %eq3A_595 = arith.cmpf oeq, %convert_element_type3A_17, %eq3A_594 : vector<1x32xf32>
    %convert_element_type3A_596 = arith.extui %eq3A_595 : vector<1x32xi1> to vector<1x32xi32>
    %convert_element_type3A_597 = arith.sitofp %convert_element_type3A_596 : vector<1x32xi32> to vector<1x32xf32>
    %mul3A_598 = vector.broadcast %broadcast_in_dim3A_592 : vector<512x1xf32> to vector<512x32xf32>
    %mul3A_599 = vector.broadcast %convert_element_type3A_597 : vector<1x32xf32> to vector<512x32xf32>
    %mul3A_600 = arith.mulf %mul3A_598, %mul3A_599 : vector<512x32xf32>
    %add3A_601 = arith.addf %add3A_580, %mul3A_600 : vector<512x32xf32>
    %eq3A_602 = arith.constant 2.800000e+01 : f32
    %eq3A_603 = vector.broadcast %eq3A_602 : f32 to vector<512x1024xf32>
    %eq3A_604 = arith.cmpf oeq, %dot_general3A_12, %eq3A_603 : vector<512x1024xf32>
    %and3A_605 = arith.andi %le3A_5, %eq3A_604 : vector<512x1024xi1>
    %jit3A_606 = arith.constant 0.000000e+00 : f32
    %broadcast_in_dim3A_607 = vector.shape_cast %convert_element_type3A_15 : vector<1x1024xf32> to vector<1x1024xf32>
    %broadcast_in_dim3A_608 = vector.broadcast %broadcast_in_dim3A_607 : vector<1x1024xf32> to vector<512x1024xf32>
    %broadcast_in_dim3A_609 = vector.broadcast %jit3A_606 : f32 to vector<512x1024xf32>
    %select_n3A_610 = arith.select %and3A_605, %broadcast_in_dim3A_608, %broadcast_in_dim3A_609 : vector<512x1024xi1>, vector<512x1024xf32>
    %reduce_sum3A_611 = arith.constant dense<0.000000e+00> : vector<512xf32>
    %reduce_sum3A_612 = vector.multi_reduction <add>, %select_n3A_610, %reduce_sum3A_611 [1] : vector<512x1024xf32> to vector<512xf32>
    %broadcast_in_dim3A_613 = vector.shape_cast %reduce_sum3A_612 : vector<512xf32> to vector<512x1xf32>
    %eq3A_614 = arith.constant 2.800000e+01 : f32
    %eq3A_615 = vector.broadcast %eq3A_614 : f32 to vector<1x32xf32>
    %eq3A_616 = arith.cmpf oeq, %convert_element_type3A_17, %eq3A_615 : vector<1x32xf32>
    %convert_element_type3A_617 = arith.extui %eq3A_616 : vector<1x32xi1> to vector<1x32xi32>
    %convert_element_type3A_618 = arith.sitofp %convert_element_type3A_617 : vector<1x32xi32> to vector<1x32xf32>
    %mul3A_619 = vector.broadcast %broadcast_in_dim3A_613 : vector<512x1xf32> to vector<512x32xf32>
    %mul3A_620 = vector.broadcast %convert_element_type3A_618 : vector<1x32xf32> to vector<512x32xf32>
    %mul3A_621 = arith.mulf %mul3A_619, %mul3A_620 : vector<512x32xf32>
    %add3A_622 = arith.addf %add3A_601, %mul3A_621 : vector<512x32xf32>
    %eq3A_623 = arith.constant 2.900000e+01 : f32
    %eq3A_624 = vector.broadcast %eq3A_623 : f32 to vector<512x1024xf32>
    %eq3A_625 = arith.cmpf oeq, %dot_general3A_12, %eq3A_624 : vector<512x1024xf32>
    %and3A_626 = arith.andi %le3A_5, %eq3A_625 : vector<512x1024xi1>
    %jit3A_627 = arith.constant 0.000000e+00 : f32
    %broadcast_in_dim3A_628 = vector.shape_cast %convert_element_type3A_15 : vector<1x1024xf32> to vector<1x1024xf32>
    %broadcast_in_dim3A_629 = vector.broadcast %broadcast_in_dim3A_628 : vector<1x1024xf32> to vector<512x1024xf32>
    %broadcast_in_dim3A_630 = vector.broadcast %jit3A_627 : f32 to vector<512x1024xf32>
    %select_n3A_631 = arith.select %and3A_626, %broadcast_in_dim3A_629, %broadcast_in_dim3A_630 : vector<512x1024xi1>, vector<512x1024xf32>
    %reduce_sum3A_632 = arith.constant dense<0.000000e+00> : vector<512xf32>
    %reduce_sum3A_633 = vector.multi_reduction <add>, %select_n3A_631, %reduce_sum3A_632 [1] : vector<512x1024xf32> to vector<512xf32>
    %broadcast_in_dim3A_634 = vector.shape_cast %reduce_sum3A_633 : vector<512xf32> to vector<512x1xf32>
    %eq3A_635 = arith.constant 2.900000e+01 : f32
    %eq3A_636 = vector.broadcast %eq3A_635 : f32 to vector<1x32xf32>
    %eq3A_637 = arith.cmpf oeq, %convert_element_type3A_17, %eq3A_636 : vector<1x32xf32>
    %convert_element_type3A_638 = arith.extui %eq3A_637 : vector<1x32xi1> to vector<1x32xi32>
    %convert_element_type3A_639 = arith.sitofp %convert_element_type3A_638 : vector<1x32xi32> to vector<1x32xf32>
    %mul3A_640 = vector.broadcast %broadcast_in_dim3A_634 : vector<512x1xf32> to vector<512x32xf32>
    %mul3A_641 = vector.broadcast %convert_element_type3A_639 : vector<1x32xf32> to vector<512x32xf32>
    %mul3A_642 = arith.mulf %mul3A_640, %mul3A_641 : vector<512x32xf32>
    %add3A_643 = arith.addf %add3A_622, %mul3A_642 : vector<512x32xf32>
    %eq3A_644 = arith.constant 3.000000e+01 : f32
    %eq3A_645 = vector.broadcast %eq3A_644 : f32 to vector<512x1024xf32>
    %eq3A_646 = arith.cmpf oeq, %dot_general3A_12, %eq3A_645 : vector<512x1024xf32>
    %and3A_647 = arith.andi %le3A_5, %eq3A_646 : vector<512x1024xi1>
    %jit3A_648 = arith.constant 0.000000e+00 : f32
    %broadcast_in_dim3A_649 = vector.shape_cast %convert_element_type3A_15 : vector<1x1024xf32> to vector<1x1024xf32>
    %broadcast_in_dim3A_650 = vector.broadcast %broadcast_in_dim3A_649 : vector<1x1024xf32> to vector<512x1024xf32>
    %broadcast_in_dim3A_651 = vector.broadcast %jit3A_648 : f32 to vector<512x1024xf32>
    %select_n3A_652 = arith.select %and3A_647, %broadcast_in_dim3A_650, %broadcast_in_dim3A_651 : vector<512x1024xi1>, vector<512x1024xf32>
    %reduce_sum3A_653 = arith.constant dense<0.000000e+00> : vector<512xf32>
    %reduce_sum3A_654 = vector.multi_reduction <add>, %select_n3A_652, %reduce_sum3A_653 [1] : vector<512x1024xf32> to vector<512xf32>
    %broadcast_in_dim3A_655 = vector.shape_cast %reduce_sum3A_654 : vector<512xf32> to vector<512x1xf32>
    %eq3A_656 = arith.constant 3.000000e+01 : f32
    %eq3A_657 = vector.broadcast %eq3A_656 : f32 to vector<1x32xf32>
    %eq3A_658 = arith.cmpf oeq, %convert_element_type3A_17, %eq3A_657 : vector<1x32xf32>
    %convert_element_type3A_659 = arith.extui %eq3A_658 : vector<1x32xi1> to vector<1x32xi32>
    %convert_element_type3A_660 = arith.sitofp %convert_element_type3A_659 : vector<1x32xi32> to vector<1x32xf32>
    %mul3A_661 = vector.broadcast %broadcast_in_dim3A_655 : vector<512x1xf32> to vector<512x32xf32>
    %mul3A_662 = vector.broadcast %convert_element_type3A_660 : vector<1x32xf32> to vector<512x32xf32>
    %mul3A_663 = arith.mulf %mul3A_661, %mul3A_662 : vector<512x32xf32>
    %add3A_664 = arith.addf %add3A_643, %mul3A_663 : vector<512x32xf32>
    %eq3A_665 = arith.constant 3.100000e+01 : f32
    %eq3A_666 = vector.broadcast %eq3A_665 : f32 to vector<512x1024xf32>
    %eq3A_667 = arith.cmpf oeq, %dot_general3A_12, %eq3A_666 : vector<512x1024xf32>
    %and3A_668 = arith.andi %le3A_5, %eq3A_667 : vector<512x1024xi1>
    %jit3A_669 = arith.constant 0.000000e+00 : f32
    %broadcast_in_dim3A_670 = vector.shape_cast %convert_element_type3A_15 : vector<1x1024xf32> to vector<1x1024xf32>
    %broadcast_in_dim3A_671 = vector.broadcast %broadcast_in_dim3A_670 : vector<1x1024xf32> to vector<512x1024xf32>
    %broadcast_in_dim3A_672 = vector.broadcast %jit3A_669 : f32 to vector<512x1024xf32>
    %select_n3A_673 = arith.select %and3A_668, %broadcast_in_dim3A_671, %broadcast_in_dim3A_672 : vector<512x1024xi1>, vector<512x1024xf32>
    %reduce_sum3A_674 = arith.constant dense<0.000000e+00> : vector<512xf32>
    %reduce_sum3A_675 = vector.multi_reduction <add>, %select_n3A_673, %reduce_sum3A_674 [1] : vector<512x1024xf32> to vector<512xf32>
    %broadcast_in_dim3A_676 = vector.shape_cast %reduce_sum3A_675 : vector<512xf32> to vector<512x1xf32>
    %eq3A_677 = arith.constant 3.100000e+01 : f32
    %eq3A_678 = vector.broadcast %eq3A_677 : f32 to vector<1x32xf32>
    %eq3A_679 = arith.cmpf oeq, %convert_element_type3A_17, %eq3A_678 : vector<1x32xf32>
    %convert_element_type3A_680 = arith.extui %eq3A_679 : vector<1x32xi1> to vector<1x32xi32>
    %convert_element_type3A_681 = arith.sitofp %convert_element_type3A_680 : vector<1x32xi32> to vector<1x32xf32>
    %mul3A_682 = vector.broadcast %broadcast_in_dim3A_676 : vector<512x1xf32> to vector<512x32xf32>
    %mul3A_683 = vector.broadcast %convert_element_type3A_681 : vector<1x32xf32> to vector<512x32xf32>
    %mul3A_684 = arith.mulf %mul3A_682, %mul3A_683 : vector<512x32xf32>
    %add3A_685 = arith.addf %add3A_664, %mul3A_684 : vector<512x32xf32>
    %ge3A = vector.broadcast %convert_element_type3A_17 : vector<1x32xf32> to vector<512x32xf32>
    %ge3A_686 = vector.broadcast %broadcast_in_dim3A : vector<512x1xf32> to vector<512x32xf32>
    %ge3A_687 = arith.cmpf oge, %ge3A, %ge3A_686 : vector<512x32xf32>
    %broadcast_in_dim3A_688 = vector.shape_cast %broadcast_in_dim3A_27 : vector<512x1xf32> to vector<512x1xf32>
    %broadcast_in_dim3A_689 = vector.broadcast %broadcast_in_dim3A_688 : vector<512x1xf32> to vector<512x32xf32>
    %select_n3A_690 = arith.select %ge3A_687, %broadcast_in_dim3A_689, %add3A_685 : vector<512x32xi1>, vector<512x32xf32>
    %mul3A_691 = arith.constant 1024 : i32
    %mul3A_692 = arith.muli %arg0, %mul3A_691 : i32
    %convert_element_type3A_693 = arith.sitofp %mul3A_692 : i32 to f32
    %add3A_694 = vector.broadcast %convert_element_type3A_693 : f32 to vector<512x32xf32>
    %add3A_695 = arith.addf %select_n3A_690, %add3A_694 : vector<512x32xf32>
    %convert_element_type3A_696 = arith.fptosi %add3A_695 : vector<512x32xf32> to vector<512x32xi32>
    %swap3A = arith.constant 0 : index
    %swap3A_697 = arith.constant 0 : index
    %swap3A_698 = arith.constant 0 : index
    %swap3A_699 = vector.load %arg2[%swap3A, %swap3A_697, %swap3A_698] : memref<1x512x32xi32, #tpu.memory_space<vmem>>, vector<1x512x32xi32>
    %swap3A_700 = vector.shape_cast %swap3A_699 : vector<1x512x32xi32> to vector<512x32xi32>
    %swap3A_701 = vector.shape_cast %convert_element_type3A_696 : vector<512x32xi32> to vector<1x512x32xi32>
    tpu.vector_store %arg2[%swap3A, %swap3A_697, %swap3A_698], %swap3A_701 {strides = array<i32>} : memref<1x512x32xi32, #tpu.memory_space<vmem>>, vector<1x512x32xi32>,
    return
  }
  func.func @transform_0(%arg0: i32) -> (i32, i32, i32) {
    %c0_i32 = arith.constant 0 : i32
    %c0_i32_0 = arith.constant 0 : i32
    %c0_i32_1 = arith.constant 0 : i32
    return %arg0, %c0_i32, %c0_i32_0 : i32, i32, i32
  }
  func.func @transform_1(%arg0: i32) -> (i32, i32, i32) {
    %c0_i32 = arith.constant 0 : i32
    %c0_i32_0 = arith.constant 0 : i32
    %c0_i32_1 = arith.constant 0 : i32
    return %arg0, %c0_i32, %c0_i32_0 : i32, i32, i32
  }
}

module attributes {stable_mosaic.version = 14 : i64} {
  func.func @_bq_body(%arg0: i32, %arg1: memref<1x256x512xf32, #tpu.memory_space<vmem>>, %arg2: memref<1x256x64xi32, #tpu.memory_space<vmem>>) attributes {dimension_semantics = [#tpu.dimension_semantics<arbitrary>], iteration_bounds = array<i64: 32>, scalar_prefetch = 0 : i64, scratch_operands = 0 : i64, tpu.core_type = #tpu.core_type<tc>, window_params = [{transform_indices = @transform_0, window_bounds = array<i64: 1, 256, 512>}, {transform_indices = @transform_1, window_bounds = array<i64: 1, 256, 64>}]} {
    %get3A = arith.constant 0 : index
    %get3A_0 = arith.constant 0 : index
    %get3A_1 = arith.constant 0 : index
    %get3A_2 = vector.load %arg1[%get3A, %get3A_0, %get3A_1] : memref<1x256x512xf32, #tpu.memory_space<vmem>>, vector<1x256x512xf32>
    %get3A_3 = vector.shape_cast %get3A_2 : vector<1x256x512xf32> to vector<256x512xf32>
    %le3A = arith.constant 1.600000e-01 : f32
    %le3A_4 = vector.broadcast %le3A : f32 to vector<256x512xf32>
    %le3A_5 = arith.cmpf ole, %get3A_3, %le3A_4 : vector<256x512xf32>
    %convert_element_type3A = arith.extui %le3A_5 : vector<256x512xi1> to vector<256x512xi32>
    %convert_element_type3A_6 = arith.sitofp %convert_element_type3A : vector<256x512xi32> to vector<256x512xf32>
    %iota3A = tpu.iota {dimensions = array<i32: 0>} : vector<512x512xi32>
    %iota3A_7 = tpu.iota {dimensions = array<i32: 1>} : vector<512x512xi32>
    %lt3A = arith.cmpi slt, %iota3A, %iota3A_7 : vector<512x512xi32>
    %convert_element_type3A_8 = arith.truncf %convert_element_type3A_6 : vector<256x512xf32> to vector<256x512xbf16>
    %convert_element_type3A_9 = arith.extui %lt3A : vector<512x512xi1> to vector<512x512xi32>
    %convert_element_type3A_10 = arith.sitofp %convert_element_type3A_9 : vector<512x512xi32> to vector<512x512xf32>
    %convert_element_type3A_11 = arith.truncf %convert_element_type3A_10 : vector<512x512xf32> to vector<512x512xbf16>
    %dot_general3A = arith.constant dense<0.000000e+00> : vector<256x512xf32>
    %dot_general3A_12 = tpu.matmul %convert_element_type3A_8, %convert_element_type3A_11, %dot_general3A {dimension_numbers = #tpu.dot_dimension_numbers<[1], [0], [0], [1], [0, 0, 1, 1], [], []>, transpose_lhs_hint = false} : vector<256x512xbf16>, vector<512x512xbf16>, vector<256x512xf32> -> vector<256x512xf32>
    %reduce_sum3A = arith.constant dense<0.000000e+00> : vector<256xf32>
    %reduce_sum3A_13 = vector.multi_reduction <add>, %convert_element_type3A_6, %reduce_sum3A [1] : vector<256x512xf32> to vector<256xf32>
    %broadcast_in_dim3A = vector.shape_cast %reduce_sum3A_13 : vector<256xf32> to vector<256x1xf32>
    %iota3A_14 = tpu.iota {dimensions = array<i32: 1>} : vector<1x512xi32>
    %convert_element_type3A_15 = arith.sitofp %iota3A_14 : vector<1x512xi32> to vector<1x512xf32>
    %iota3A_16 = tpu.iota {dimensions = array<i32: 1>} : vector<1x64xi32>
    %convert_element_type3A_17 = arith.sitofp %iota3A_16 : vector<1x64xi32> to vector<1x64xf32>
    %broadcast_in_dim3A_18 = arith.constant 0.000000e+00 : f32
    %broadcast_in_dim3A_19 = vector.broadcast %broadcast_in_dim3A_18 : f32 to vector<256x64xf32>
    %eq3A = arith.constant 0.000000e+00 : f32
    %eq3A_20 = vector.broadcast %eq3A : f32 to vector<256x512xf32>
    %eq3A_21 = arith.cmpf oeq, %dot_general3A_12, %eq3A_20 : vector<256x512xf32>
    %and3A = arith.andi %le3A_5, %eq3A_21 : vector<256x512xi1>
    %jit3A = arith.constant 0.000000e+00 : f32
    %broadcast_in_dim3A_22 = vector.shape_cast %convert_element_type3A_15 : vector<1x512xf32> to vector<1x512xf32>
    %broadcast_in_dim3A_23 = vector.broadcast %broadcast_in_dim3A_22 : vector<1x512xf32> to vector<256x512xf32>
    %broadcast_in_dim3A_24 = vector.broadcast %jit3A : f32 to vector<256x512xf32>
    %select_n3A = arith.select %and3A, %broadcast_in_dim3A_23, %broadcast_in_dim3A_24 : vector<256x512xi1>, vector<256x512xf32>
    %reduce_sum3A_25 = arith.constant dense<0.000000e+00> : vector<256xf32>
    %reduce_sum3A_26 = vector.multi_reduction <add>, %select_n3A, %reduce_sum3A_25 [1] : vector<256x512xf32> to vector<256xf32>
    %broadcast_in_dim3A_27 = vector.shape_cast %reduce_sum3A_26 : vector<256xf32> to vector<256x1xf32>
    %eq3A_28 = arith.constant 0.000000e+00 : f32
    %eq3A_29 = vector.broadcast %eq3A_28 : f32 to vector<1x64xf32>
    %eq3A_30 = arith.cmpf oeq, %convert_element_type3A_17, %eq3A_29 : vector<1x64xf32>
    %convert_element_type3A_31 = arith.extui %eq3A_30 : vector<1x64xi1> to vector<1x64xi32>
    %convert_element_type3A_32 = arith.sitofp %convert_element_type3A_31 : vector<1x64xi32> to vector<1x64xf32>
    %mul3A = vector.broadcast %broadcast_in_dim3A_27 : vector<256x1xf32> to vector<256x64xf32>
    %mul3A_33 = vector.broadcast %convert_element_type3A_32 : vector<1x64xf32> to vector<256x64xf32>
    %mul3A_34 = arith.mulf %mul3A, %mul3A_33 : vector<256x64xf32>
    %add3A = arith.addf %broadcast_in_dim3A_19, %mul3A_34 : vector<256x64xf32>
    %eq3A_35 = arith.constant 1.000000e+00 : f32
    %eq3A_36 = vector.broadcast %eq3A_35 : f32 to vector<256x512xf32>
    %eq3A_37 = arith.cmpf oeq, %dot_general3A_12, %eq3A_36 : vector<256x512xf32>
    %and3A_38 = arith.andi %le3A_5, %eq3A_37 : vector<256x512xi1>
    %jit3A_39 = arith.constant 0.000000e+00 : f32
    %broadcast_in_dim3A_40 = vector.shape_cast %convert_element_type3A_15 : vector<1x512xf32> to vector<1x512xf32>
    %broadcast_in_dim3A_41 = vector.broadcast %broadcast_in_dim3A_40 : vector<1x512xf32> to vector<256x512xf32>
    %broadcast_in_dim3A_42 = vector.broadcast %jit3A_39 : f32 to vector<256x512xf32>
    %select_n3A_43 = arith.select %and3A_38, %broadcast_in_dim3A_41, %broadcast_in_dim3A_42 : vector<256x512xi1>, vector<256x512xf32>
    %reduce_sum3A_44 = arith.constant dense<0.000000e+00> : vector<256xf32>
    %reduce_sum3A_45 = vector.multi_reduction <add>, %select_n3A_43, %reduce_sum3A_44 [1] : vector<256x512xf32> to vector<256xf32>
    %broadcast_in_dim3A_46 = vector.shape_cast %reduce_sum3A_45 : vector<256xf32> to vector<256x1xf32>
    %eq3A_47 = arith.constant 1.000000e+00 : f32
    %eq3A_48 = vector.broadcast %eq3A_47 : f32 to vector<1x64xf32>
    %eq3A_49 = arith.cmpf oeq, %convert_element_type3A_17, %eq3A_48 : vector<1x64xf32>
    %convert_element_type3A_50 = arith.extui %eq3A_49 : vector<1x64xi1> to vector<1x64xi32>
    %convert_element_type3A_51 = arith.sitofp %convert_element_type3A_50 : vector<1x64xi32> to vector<1x64xf32>
    %mul3A_52 = vector.broadcast %broadcast_in_dim3A_46 : vector<256x1xf32> to vector<256x64xf32>
    %mul3A_53 = vector.broadcast %convert_element_type3A_51 : vector<1x64xf32> to vector<256x64xf32>
    %mul3A_54 = arith.mulf %mul3A_52, %mul3A_53 : vector<256x64xf32>
    %add3A_55 = arith.addf %add3A, %mul3A_54 : vector<256x64xf32>
    %eq3A_56 = arith.constant 2.000000e+00 : f32
    %eq3A_57 = vector.broadcast %eq3A_56 : f32 to vector<256x512xf32>
    %eq3A_58 = arith.cmpf oeq, %dot_general3A_12, %eq3A_57 : vector<256x512xf32>
    %and3A_59 = arith.andi %le3A_5, %eq3A_58 : vector<256x512xi1>
    %jit3A_60 = arith.constant 0.000000e+00 : f32
    %broadcast_in_dim3A_61 = vector.shape_cast %convert_element_type3A_15 : vector<1x512xf32> to vector<1x512xf32>
    %broadcast_in_dim3A_62 = vector.broadcast %broadcast_in_dim3A_61 : vector<1x512xf32> to vector<256x512xf32>
    %broadcast_in_dim3A_63 = vector.broadcast %jit3A_60 : f32 to vector<256x512xf32>
    %select_n3A_64 = arith.select %and3A_59, %broadcast_in_dim3A_62, %broadcast_in_dim3A_63 : vector<256x512xi1>, vector<256x512xf32>
    %reduce_sum3A_65 = arith.constant dense<0.000000e+00> : vector<256xf32>
    %reduce_sum3A_66 = vector.multi_reduction <add>, %select_n3A_64, %reduce_sum3A_65 [1] : vector<256x512xf32> to vector<256xf32>
    %broadcast_in_dim3A_67 = vector.shape_cast %reduce_sum3A_66 : vector<256xf32> to vector<256x1xf32>
    %eq3A_68 = arith.constant 2.000000e+00 : f32
    %eq3A_69 = vector.broadcast %eq3A_68 : f32 to vector<1x64xf32>
    %eq3A_70 = arith.cmpf oeq, %convert_element_type3A_17, %eq3A_69 : vector<1x64xf32>
    %convert_element_type3A_71 = arith.extui %eq3A_70 : vector<1x64xi1> to vector<1x64xi32>
    %convert_element_type3A_72 = arith.sitofp %convert_element_type3A_71 : vector<1x64xi32> to vector<1x64xf32>
    %mul3A_73 = vector.broadcast %broadcast_in_dim3A_67 : vector<256x1xf32> to vector<256x64xf32>
    %mul3A_74 = vector.broadcast %convert_element_type3A_72 : vector<1x64xf32> to vector<256x64xf32>
    %mul3A_75 = arith.mulf %mul3A_73, %mul3A_74 : vector<256x64xf32>
    %add3A_76 = arith.addf %add3A_55, %mul3A_75 : vector<256x64xf32>
    %eq3A_77 = arith.constant 3.000000e+00 : f32
    %eq3A_78 = vector.broadcast %eq3A_77 : f32 to vector<256x512xf32>
    %eq3A_79 = arith.cmpf oeq, %dot_general3A_12, %eq3A_78 : vector<256x512xf32>
    %and3A_80 = arith.andi %le3A_5, %eq3A_79 : vector<256x512xi1>
    %jit3A_81 = arith.constant 0.000000e+00 : f32
    %broadcast_in_dim3A_82 = vector.shape_cast %convert_element_type3A_15 : vector<1x512xf32> to vector<1x512xf32>
    %broadcast_in_dim3A_83 = vector.broadcast %broadcast_in_dim3A_82 : vector<1x512xf32> to vector<256x512xf32>
    %broadcast_in_dim3A_84 = vector.broadcast %jit3A_81 : f32 to vector<256x512xf32>
    %select_n3A_85 = arith.select %and3A_80, %broadcast_in_dim3A_83, %broadcast_in_dim3A_84 : vector<256x512xi1>, vector<256x512xf32>
    %reduce_sum3A_86 = arith.constant dense<0.000000e+00> : vector<256xf32>
    %reduce_sum3A_87 = vector.multi_reduction <add>, %select_n3A_85, %reduce_sum3A_86 [1] : vector<256x512xf32> to vector<256xf32>
    %broadcast_in_dim3A_88 = vector.shape_cast %reduce_sum3A_87 : vector<256xf32> to vector<256x1xf32>
    %eq3A_89 = arith.constant 3.000000e+00 : f32
    %eq3A_90 = vector.broadcast %eq3A_89 : f32 to vector<1x64xf32>
    %eq3A_91 = arith.cmpf oeq, %convert_element_type3A_17, %eq3A_90 : vector<1x64xf32>
    %convert_element_type3A_92 = arith.extui %eq3A_91 : vector<1x64xi1> to vector<1x64xi32>
    %convert_element_type3A_93 = arith.sitofp %convert_element_type3A_92 : vector<1x64xi32> to vector<1x64xf32>
    %mul3A_94 = vector.broadcast %broadcast_in_dim3A_88 : vector<256x1xf32> to vector<256x64xf32>
    %mul3A_95 = vector.broadcast %convert_element_type3A_93 : vector<1x64xf32> to vector<256x64xf32>
    %mul3A_96 = arith.mulf %mul3A_94, %mul3A_95 : vector<256x64xf32>
    %add3A_97 = arith.addf %add3A_76, %mul3A_96 : vector<256x64xf32>
    %eq3A_98 = arith.constant 4.000000e+00 : f32
    %eq3A_99 = vector.broadcast %eq3A_98 : f32 to vector<256x512xf32>
    %eq3A_100 = arith.cmpf oeq, %dot_general3A_12, %eq3A_99 : vector<256x512xf32>
    %and3A_101 = arith.andi %le3A_5, %eq3A_100 : vector<256x512xi1>
    %jit3A_102 = arith.constant 0.000000e+00 : f32
    %broadcast_in_dim3A_103 = vector.shape_cast %convert_element_type3A_15 : vector<1x512xf32> to vector<1x512xf32>
    %broadcast_in_dim3A_104 = vector.broadcast %broadcast_in_dim3A_103 : vector<1x512xf32> to vector<256x512xf32>
    %broadcast_in_dim3A_105 = vector.broadcast %jit3A_102 : f32 to vector<256x512xf32>
    %select_n3A_106 = arith.select %and3A_101, %broadcast_in_dim3A_104, %broadcast_in_dim3A_105 : vector<256x512xi1>, vector<256x512xf32>
    %reduce_sum3A_107 = arith.constant dense<0.000000e+00> : vector<256xf32>
    %reduce_sum3A_108 = vector.multi_reduction <add>, %select_n3A_106, %reduce_sum3A_107 [1] : vector<256x512xf32> to vector<256xf32>
    %broadcast_in_dim3A_109 = vector.shape_cast %reduce_sum3A_108 : vector<256xf32> to vector<256x1xf32>
    %eq3A_110 = arith.constant 4.000000e+00 : f32
    %eq3A_111 = vector.broadcast %eq3A_110 : f32 to vector<1x64xf32>
    %eq3A_112 = arith.cmpf oeq, %convert_element_type3A_17, %eq3A_111 : vector<1x64xf32>
    %convert_element_type3A_113 = arith.extui %eq3A_112 : vector<1x64xi1> to vector<1x64xi32>
    %convert_element_type3A_114 = arith.sitofp %convert_element_type3A_113 : vector<1x64xi32> to vector<1x64xf32>
    %mul3A_115 = vector.broadcast %broadcast_in_dim3A_109 : vector<256x1xf32> to vector<256x64xf32>
    %mul3A_116 = vector.broadcast %convert_element_type3A_114 : vector<1x64xf32> to vector<256x64xf32>
    %mul3A_117 = arith.mulf %mul3A_115, %mul3A_116 : vector<256x64xf32>
    %add3A_118 = arith.addf %add3A_97, %mul3A_117 : vector<256x64xf32>
    %eq3A_119 = arith.constant 5.000000e+00 : f32
    %eq3A_120 = vector.broadcast %eq3A_119 : f32 to vector<256x512xf32>
    %eq3A_121 = arith.cmpf oeq, %dot_general3A_12, %eq3A_120 : vector<256x512xf32>
    %and3A_122 = arith.andi %le3A_5, %eq3A_121 : vector<256x512xi1>
    %jit3A_123 = arith.constant 0.000000e+00 : f32
    %broadcast_in_dim3A_124 = vector.shape_cast %convert_element_type3A_15 : vector<1x512xf32> to vector<1x512xf32>
    %broadcast_in_dim3A_125 = vector.broadcast %broadcast_in_dim3A_124 : vector<1x512xf32> to vector<256x512xf32>
    %broadcast_in_dim3A_126 = vector.broadcast %jit3A_123 : f32 to vector<256x512xf32>
    %select_n3A_127 = arith.select %and3A_122, %broadcast_in_dim3A_125, %broadcast_in_dim3A_126 : vector<256x512xi1>, vector<256x512xf32>
    %reduce_sum3A_128 = arith.constant dense<0.000000e+00> : vector<256xf32>
    %reduce_sum3A_129 = vector.multi_reduction <add>, %select_n3A_127, %reduce_sum3A_128 [1] : vector<256x512xf32> to vector<256xf32>
    %broadcast_in_dim3A_130 = vector.shape_cast %reduce_sum3A_129 : vector<256xf32> to vector<256x1xf32>
    %eq3A_131 = arith.constant 5.000000e+00 : f32
    %eq3A_132 = vector.broadcast %eq3A_131 : f32 to vector<1x64xf32>
    %eq3A_133 = arith.cmpf oeq, %convert_element_type3A_17, %eq3A_132 : vector<1x64xf32>
    %convert_element_type3A_134 = arith.extui %eq3A_133 : vector<1x64xi1> to vector<1x64xi32>
    %convert_element_type3A_135 = arith.sitofp %convert_element_type3A_134 : vector<1x64xi32> to vector<1x64xf32>
    %mul3A_136 = vector.broadcast %broadcast_in_dim3A_130 : vector<256x1xf32> to vector<256x64xf32>
    %mul3A_137 = vector.broadcast %convert_element_type3A_135 : vector<1x64xf32> to vector<256x64xf32>
    %mul3A_138 = arith.mulf %mul3A_136, %mul3A_137 : vector<256x64xf32>
    %add3A_139 = arith.addf %add3A_118, %mul3A_138 : vector<256x64xf32>
    %eq3A_140 = arith.constant 6.000000e+00 : f32
    %eq3A_141 = vector.broadcast %eq3A_140 : f32 to vector<256x512xf32>
    %eq3A_142 = arith.cmpf oeq, %dot_general3A_12, %eq3A_141 : vector<256x512xf32>
    %and3A_143 = arith.andi %le3A_5, %eq3A_142 : vector<256x512xi1>
    %jit3A_144 = arith.constant 0.000000e+00 : f32
    %broadcast_in_dim3A_145 = vector.shape_cast %convert_element_type3A_15 : vector<1x512xf32> to vector<1x512xf32>
    %broadcast_in_dim3A_146 = vector.broadcast %broadcast_in_dim3A_145 : vector<1x512xf32> to vector<256x512xf32>
    %broadcast_in_dim3A_147 = vector.broadcast %jit3A_144 : f32 to vector<256x512xf32>
    %select_n3A_148 = arith.select %and3A_143, %broadcast_in_dim3A_146, %broadcast_in_dim3A_147 : vector<256x512xi1>, vector<256x512xf32>
    %reduce_sum3A_149 = arith.constant dense<0.000000e+00> : vector<256xf32>
    %reduce_sum3A_150 = vector.multi_reduction <add>, %select_n3A_148, %reduce_sum3A_149 [1] : vector<256x512xf32> to vector<256xf32>
    %broadcast_in_dim3A_151 = vector.shape_cast %reduce_sum3A_150 : vector<256xf32> to vector<256x1xf32>
    %eq3A_152 = arith.constant 6.000000e+00 : f32
    %eq3A_153 = vector.broadcast %eq3A_152 : f32 to vector<1x64xf32>
    %eq3A_154 = arith.cmpf oeq, %convert_element_type3A_17, %eq3A_153 : vector<1x64xf32>
    %convert_element_type3A_155 = arith.extui %eq3A_154 : vector<1x64xi1> to vector<1x64xi32>
    %convert_element_type3A_156 = arith.sitofp %convert_element_type3A_155 : vector<1x64xi32> to vector<1x64xf32>
    %mul3A_157 = vector.broadcast %broadcast_in_dim3A_151 : vector<256x1xf32> to vector<256x64xf32>
    %mul3A_158 = vector.broadcast %convert_element_type3A_156 : vector<1x64xf32> to vector<256x64xf32>
    %mul3A_159 = arith.mulf %mul3A_157, %mul3A_158 : vector<256x64xf32>
    %add3A_160 = arith.addf %add3A_139, %mul3A_159 : vector<256x64xf32>
    %eq3A_161 = arith.constant 7.000000e+00 : f32
    %eq3A_162 = vector.broadcast %eq3A_161 : f32 to vector<256x512xf32>
    %eq3A_163 = arith.cmpf oeq, %dot_general3A_12, %eq3A_162 : vector<256x512xf32>
    %and3A_164 = arith.andi %le3A_5, %eq3A_163 : vector<256x512xi1>
    %jit3A_165 = arith.constant 0.000000e+00 : f32
    %broadcast_in_dim3A_166 = vector.shape_cast %convert_element_type3A_15 : vector<1x512xf32> to vector<1x512xf32>
    %broadcast_in_dim3A_167 = vector.broadcast %broadcast_in_dim3A_166 : vector<1x512xf32> to vector<256x512xf32>
    %broadcast_in_dim3A_168 = vector.broadcast %jit3A_165 : f32 to vector<256x512xf32>
    %select_n3A_169 = arith.select %and3A_164, %broadcast_in_dim3A_167, %broadcast_in_dim3A_168 : vector<256x512xi1>, vector<256x512xf32>
    %reduce_sum3A_170 = arith.constant dense<0.000000e+00> : vector<256xf32>
    %reduce_sum3A_171 = vector.multi_reduction <add>, %select_n3A_169, %reduce_sum3A_170 [1] : vector<256x512xf32> to vector<256xf32>
    %broadcast_in_dim3A_172 = vector.shape_cast %reduce_sum3A_171 : vector<256xf32> to vector<256x1xf32>
    %eq3A_173 = arith.constant 7.000000e+00 : f32
    %eq3A_174 = vector.broadcast %eq3A_173 : f32 to vector<1x64xf32>
    %eq3A_175 = arith.cmpf oeq, %convert_element_type3A_17, %eq3A_174 : vector<1x64xf32>
    %convert_element_type3A_176 = arith.extui %eq3A_175 : vector<1x64xi1> to vector<1x64xi32>
    %convert_element_type3A_177 = arith.sitofp %convert_element_type3A_176 : vector<1x64xi32> to vector<1x64xf32>
    %mul3A_178 = vector.broadcast %broadcast_in_dim3A_172 : vector<256x1xf32> to vector<256x64xf32>
    %mul3A_179 = vector.broadcast %convert_element_type3A_177 : vector<1x64xf32> to vector<256x64xf32>
    %mul3A_180 = arith.mulf %mul3A_178, %mul3A_179 : vector<256x64xf32>
    %add3A_181 = arith.addf %add3A_160, %mul3A_180 : vector<256x64xf32>
    %eq3A_182 = arith.constant 8.000000e+00 : f32
    %eq3A_183 = vector.broadcast %eq3A_182 : f32 to vector<256x512xf32>
    %eq3A_184 = arith.cmpf oeq, %dot_general3A_12, %eq3A_183 : vector<256x512xf32>
    %and3A_185 = arith.andi %le3A_5, %eq3A_184 : vector<256x512xi1>
    %jit3A_186 = arith.constant 0.000000e+00 : f32
    %broadcast_in_dim3A_187 = vector.shape_cast %convert_element_type3A_15 : vector<1x512xf32> to vector<1x512xf32>
    %broadcast_in_dim3A_188 = vector.broadcast %broadcast_in_dim3A_187 : vector<1x512xf32> to vector<256x512xf32>
    %broadcast_in_dim3A_189 = vector.broadcast %jit3A_186 : f32 to vector<256x512xf32>
    %select_n3A_190 = arith.select %and3A_185, %broadcast_in_dim3A_188, %broadcast_in_dim3A_189 : vector<256x512xi1>, vector<256x512xf32>
    %reduce_sum3A_191 = arith.constant dense<0.000000e+00> : vector<256xf32>
    %reduce_sum3A_192 = vector.multi_reduction <add>, %select_n3A_190, %reduce_sum3A_191 [1] : vector<256x512xf32> to vector<256xf32>
    %broadcast_in_dim3A_193 = vector.shape_cast %reduce_sum3A_192 : vector<256xf32> to vector<256x1xf32>
    %eq3A_194 = arith.constant 8.000000e+00 : f32
    %eq3A_195 = vector.broadcast %eq3A_194 : f32 to vector<1x64xf32>
    %eq3A_196 = arith.cmpf oeq, %convert_element_type3A_17, %eq3A_195 : vector<1x64xf32>
    %convert_element_type3A_197 = arith.extui %eq3A_196 : vector<1x64xi1> to vector<1x64xi32>
    %convert_element_type3A_198 = arith.sitofp %convert_element_type3A_197 : vector<1x64xi32> to vector<1x64xf32>
    %mul3A_199 = vector.broadcast %broadcast_in_dim3A_193 : vector<256x1xf32> to vector<256x64xf32>
    %mul3A_200 = vector.broadcast %convert_element_type3A_198 : vector<1x64xf32> to vector<256x64xf32>
    %mul3A_201 = arith.mulf %mul3A_199, %mul3A_200 : vector<256x64xf32>
    %add3A_202 = arith.addf %add3A_181, %mul3A_201 : vector<256x64xf32>
    %eq3A_203 = arith.constant 9.000000e+00 : f32
    %eq3A_204 = vector.broadcast %eq3A_203 : f32 to vector<256x512xf32>
    %eq3A_205 = arith.cmpf oeq, %dot_general3A_12, %eq3A_204 : vector<256x512xf32>
    %and3A_206 = arith.andi %le3A_5, %eq3A_205 : vector<256x512xi1>
    %jit3A_207 = arith.constant 0.000000e+00 : f32
    %broadcast_in_dim3A_208 = vector.shape_cast %convert_element_type3A_15 : vector<1x512xf32> to vector<1x512xf32>
    %broadcast_in_dim3A_209 = vector.broadcast %broadcast_in_dim3A_208 : vector<1x512xf32> to vector<256x512xf32>
    %broadcast_in_dim3A_210 = vector.broadcast %jit3A_207 : f32 to vector<256x512xf32>
    %select_n3A_211 = arith.select %and3A_206, %broadcast_in_dim3A_209, %broadcast_in_dim3A_210 : vector<256x512xi1>, vector<256x512xf32>
    %reduce_sum3A_212 = arith.constant dense<0.000000e+00> : vector<256xf32>
    %reduce_sum3A_213 = vector.multi_reduction <add>, %select_n3A_211, %reduce_sum3A_212 [1] : vector<256x512xf32> to vector<256xf32>
    %broadcast_in_dim3A_214 = vector.shape_cast %reduce_sum3A_213 : vector<256xf32> to vector<256x1xf32>
    %eq3A_215 = arith.constant 9.000000e+00 : f32
    %eq3A_216 = vector.broadcast %eq3A_215 : f32 to vector<1x64xf32>
    %eq3A_217 = arith.cmpf oeq, %convert_element_type3A_17, %eq3A_216 : vector<1x64xf32>
    %convert_element_type3A_218 = arith.extui %eq3A_217 : vector<1x64xi1> to vector<1x64xi32>
    %convert_element_type3A_219 = arith.sitofp %convert_element_type3A_218 : vector<1x64xi32> to vector<1x64xf32>
    %mul3A_220 = vector.broadcast %broadcast_in_dim3A_214 : vector<256x1xf32> to vector<256x64xf32>
    %mul3A_221 = vector.broadcast %convert_element_type3A_219 : vector<1x64xf32> to vector<256x64xf32>
    %mul3A_222 = arith.mulf %mul3A_220, %mul3A_221 : vector<256x64xf32>
    %add3A_223 = arith.addf %add3A_202, %mul3A_222 : vector<256x64xf32>
    %eq3A_224 = arith.constant 1.000000e+01 : f32
    %eq3A_225 = vector.broadcast %eq3A_224 : f32 to vector<256x512xf32>
    %eq3A_226 = arith.cmpf oeq, %dot_general3A_12, %eq3A_225 : vector<256x512xf32>
    %and3A_227 = arith.andi %le3A_5, %eq3A_226 : vector<256x512xi1>
    %jit3A_228 = arith.constant 0.000000e+00 : f32
    %broadcast_in_dim3A_229 = vector.shape_cast %convert_element_type3A_15 : vector<1x512xf32> to vector<1x512xf32>
    %broadcast_in_dim3A_230 = vector.broadcast %broadcast_in_dim3A_229 : vector<1x512xf32> to vector<256x512xf32>
    %broadcast_in_dim3A_231 = vector.broadcast %jit3A_228 : f32 to vector<256x512xf32>
    %select_n3A_232 = arith.select %and3A_227, %broadcast_in_dim3A_230, %broadcast_in_dim3A_231 : vector<256x512xi1>, vector<256x512xf32>
    %reduce_sum3A_233 = arith.constant dense<0.000000e+00> : vector<256xf32>
    %reduce_sum3A_234 = vector.multi_reduction <add>, %select_n3A_232, %reduce_sum3A_233 [1] : vector<256x512xf32> to vector<256xf32>
    %broadcast_in_dim3A_235 = vector.shape_cast %reduce_sum3A_234 : vector<256xf32> to vector<256x1xf32>
    %eq3A_236 = arith.constant 1.000000e+01 : f32
    %eq3A_237 = vector.broadcast %eq3A_236 : f32 to vector<1x64xf32>
    %eq3A_238 = arith.cmpf oeq, %convert_element_type3A_17, %eq3A_237 : vector<1x64xf32>
    %convert_element_type3A_239 = arith.extui %eq3A_238 : vector<1x64xi1> to vector<1x64xi32>
    %convert_element_type3A_240 = arith.sitofp %convert_element_type3A_239 : vector<1x64xi32> to vector<1x64xf32>
    %mul3A_241 = vector.broadcast %broadcast_in_dim3A_235 : vector<256x1xf32> to vector<256x64xf32>
    %mul3A_242 = vector.broadcast %convert_element_type3A_240 : vector<1x64xf32> to vector<256x64xf32>
    %mul3A_243 = arith.mulf %mul3A_241, %mul3A_242 : vector<256x64xf32>
    %add3A_244 = arith.addf %add3A_223, %mul3A_243 : vector<256x64xf32>
    %eq3A_245 = arith.constant 1.100000e+01 : f32
    %eq3A_246 = vector.broadcast %eq3A_245 : f32 to vector<256x512xf32>
    %eq3A_247 = arith.cmpf oeq, %dot_general3A_12, %eq3A_246 : vector<256x512xf32>
    %and3A_248 = arith.andi %le3A_5, %eq3A_247 : vector<256x512xi1>
    %jit3A_249 = arith.constant 0.000000e+00 : f32
    %broadcast_in_dim3A_250 = vector.shape_cast %convert_element_type3A_15 : vector<1x512xf32> to vector<1x512xf32>
    %broadcast_in_dim3A_251 = vector.broadcast %broadcast_in_dim3A_250 : vector<1x512xf32> to vector<256x512xf32>
    %broadcast_in_dim3A_252 = vector.broadcast %jit3A_249 : f32 to vector<256x512xf32>
    %select_n3A_253 = arith.select %and3A_248, %broadcast_in_dim3A_251, %broadcast_in_dim3A_252 : vector<256x512xi1>, vector<256x512xf32>
    %reduce_sum3A_254 = arith.constant dense<0.000000e+00> : vector<256xf32>
    %reduce_sum3A_255 = vector.multi_reduction <add>, %select_n3A_253, %reduce_sum3A_254 [1] : vector<256x512xf32> to vector<256xf32>
    %broadcast_in_dim3A_256 = vector.shape_cast %reduce_sum3A_255 : vector<256xf32> to vector<256x1xf32>
    %eq3A_257 = arith.constant 1.100000e+01 : f32
    %eq3A_258 = vector.broadcast %eq3A_257 : f32 to vector<1x64xf32>
    %eq3A_259 = arith.cmpf oeq, %convert_element_type3A_17, %eq3A_258 : vector<1x64xf32>
    %convert_element_type3A_260 = arith.extui %eq3A_259 : vector<1x64xi1> to vector<1x64xi32>
    %convert_element_type3A_261 = arith.sitofp %convert_element_type3A_260 : vector<1x64xi32> to vector<1x64xf32>
    %mul3A_262 = vector.broadcast %broadcast_in_dim3A_256 : vector<256x1xf32> to vector<256x64xf32>
    %mul3A_263 = vector.broadcast %convert_element_type3A_261 : vector<1x64xf32> to vector<256x64xf32>
    %mul3A_264 = arith.mulf %mul3A_262, %mul3A_263 : vector<256x64xf32>
    %add3A_265 = arith.addf %add3A_244, %mul3A_264 : vector<256x64xf32>
    %eq3A_266 = arith.constant 1.200000e+01 : f32
    %eq3A_267 = vector.broadcast %eq3A_266 : f32 to vector<256x512xf32>
    %eq3A_268 = arith.cmpf oeq, %dot_general3A_12, %eq3A_267 : vector<256x512xf32>
    %and3A_269 = arith.andi %le3A_5, %eq3A_268 : vector<256x512xi1>
    %jit3A_270 = arith.constant 0.000000e+00 : f32
    %broadcast_in_dim3A_271 = vector.shape_cast %convert_element_type3A_15 : vector<1x512xf32> to vector<1x512xf32>
    %broadcast_in_dim3A_272 = vector.broadcast %broadcast_in_dim3A_271 : vector<1x512xf32> to vector<256x512xf32>
    %broadcast_in_dim3A_273 = vector.broadcast %jit3A_270 : f32 to vector<256x512xf32>
    %select_n3A_274 = arith.select %and3A_269, %broadcast_in_dim3A_272, %broadcast_in_dim3A_273 : vector<256x512xi1>, vector<256x512xf32>
    %reduce_sum3A_275 = arith.constant dense<0.000000e+00> : vector<256xf32>
    %reduce_sum3A_276 = vector.multi_reduction <add>, %select_n3A_274, %reduce_sum3A_275 [1] : vector<256x512xf32> to vector<256xf32>
    %broadcast_in_dim3A_277 = vector.shape_cast %reduce_sum3A_276 : vector<256xf32> to vector<256x1xf32>
    %eq3A_278 = arith.constant 1.200000e+01 : f32
    %eq3A_279 = vector.broadcast %eq3A_278 : f32 to vector<1x64xf32>
    %eq3A_280 = arith.cmpf oeq, %convert_element_type3A_17, %eq3A_279 : vector<1x64xf32>
    %convert_element_type3A_281 = arith.extui %eq3A_280 : vector<1x64xi1> to vector<1x64xi32>
    %convert_element_type3A_282 = arith.sitofp %convert_element_type3A_281 : vector<1x64xi32> to vector<1x64xf32>
    %mul3A_283 = vector.broadcast %broadcast_in_dim3A_277 : vector<256x1xf32> to vector<256x64xf32>
    %mul3A_284 = vector.broadcast %convert_element_type3A_282 : vector<1x64xf32> to vector<256x64xf32>
    %mul3A_285 = arith.mulf %mul3A_283, %mul3A_284 : vector<256x64xf32>
    %add3A_286 = arith.addf %add3A_265, %mul3A_285 : vector<256x64xf32>
    %eq3A_287 = arith.constant 1.300000e+01 : f32
    %eq3A_288 = vector.broadcast %eq3A_287 : f32 to vector<256x512xf32>
    %eq3A_289 = arith.cmpf oeq, %dot_general3A_12, %eq3A_288 : vector<256x512xf32>
    %and3A_290 = arith.andi %le3A_5, %eq3A_289 : vector<256x512xi1>
    %jit3A_291 = arith.constant 0.000000e+00 : f32
    %broadcast_in_dim3A_292 = vector.shape_cast %convert_element_type3A_15 : vector<1x512xf32> to vector<1x512xf32>
    %broadcast_in_dim3A_293 = vector.broadcast %broadcast_in_dim3A_292 : vector<1x512xf32> to vector<256x512xf32>
    %broadcast_in_dim3A_294 = vector.broadcast %jit3A_291 : f32 to vector<256x512xf32>
    %select_n3A_295 = arith.select %and3A_290, %broadcast_in_dim3A_293, %broadcast_in_dim3A_294 : vector<256x512xi1>, vector<256x512xf32>
    %reduce_sum3A_296 = arith.constant dense<0.000000e+00> : vector<256xf32>
    %reduce_sum3A_297 = vector.multi_reduction <add>, %select_n3A_295, %reduce_sum3A_296 [1] : vector<256x512xf32> to vector<256xf32>
    %broadcast_in_dim3A_298 = vector.shape_cast %reduce_sum3A_297 : vector<256xf32> to vector<256x1xf32>
    %eq3A_299 = arith.constant 1.300000e+01 : f32
    %eq3A_300 = vector.broadcast %eq3A_299 : f32 to vector<1x64xf32>
    %eq3A_301 = arith.cmpf oeq, %convert_element_type3A_17, %eq3A_300 : vector<1x64xf32>
    %convert_element_type3A_302 = arith.extui %eq3A_301 : vector<1x64xi1> to vector<1x64xi32>
    %convert_element_type3A_303 = arith.sitofp %convert_element_type3A_302 : vector<1x64xi32> to vector<1x64xf32>
    %mul3A_304 = vector.broadcast %broadcast_in_dim3A_298 : vector<256x1xf32> to vector<256x64xf32>
    %mul3A_305 = vector.broadcast %convert_element_type3A_303 : vector<1x64xf32> to vector<256x64xf32>
    %mul3A_306 = arith.mulf %mul3A_304, %mul3A_305 : vector<256x64xf32>
    %add3A_307 = arith.addf %add3A_286, %mul3A_306 : vector<256x64xf32>
    %eq3A_308 = arith.constant 1.400000e+01 : f32
    %eq3A_309 = vector.broadcast %eq3A_308 : f32 to vector<256x512xf32>
    %eq3A_310 = arith.cmpf oeq, %dot_general3A_12, %eq3A_309 : vector<256x512xf32>
    %and3A_311 = arith.andi %le3A_5, %eq3A_310 : vector<256x512xi1>
    %jit3A_312 = arith.constant 0.000000e+00 : f32
    %broadcast_in_dim3A_313 = vector.shape_cast %convert_element_type3A_15 : vector<1x512xf32> to vector<1x512xf32>
    %broadcast_in_dim3A_314 = vector.broadcast %broadcast_in_dim3A_313 : vector<1x512xf32> to vector<256x512xf32>
    %broadcast_in_dim3A_315 = vector.broadcast %jit3A_312 : f32 to vector<256x512xf32>
    %select_n3A_316 = arith.select %and3A_311, %broadcast_in_dim3A_314, %broadcast_in_dim3A_315 : vector<256x512xi1>, vector<256x512xf32>
    %reduce_sum3A_317 = arith.constant dense<0.000000e+00> : vector<256xf32>
    %reduce_sum3A_318 = vector.multi_reduction <add>, %select_n3A_316, %reduce_sum3A_317 [1] : vector<256x512xf32> to vector<256xf32>
    %broadcast_in_dim3A_319 = vector.shape_cast %reduce_sum3A_318 : vector<256xf32> to vector<256x1xf32>
    %eq3A_320 = arith.constant 1.400000e+01 : f32
    %eq3A_321 = vector.broadcast %eq3A_320 : f32 to vector<1x64xf32>
    %eq3A_322 = arith.cmpf oeq, %convert_element_type3A_17, %eq3A_321 : vector<1x64xf32>
    %convert_element_type3A_323 = arith.extui %eq3A_322 : vector<1x64xi1> to vector<1x64xi32>
    %convert_element_type3A_324 = arith.sitofp %convert_element_type3A_323 : vector<1x64xi32> to vector<1x64xf32>
    %mul3A_325 = vector.broadcast %broadcast_in_dim3A_319 : vector<256x1xf32> to vector<256x64xf32>
    %mul3A_326 = vector.broadcast %convert_element_type3A_324 : vector<1x64xf32> to vector<256x64xf32>
    %mul3A_327 = arith.mulf %mul3A_325, %mul3A_326 : vector<256x64xf32>
    %add3A_328 = arith.addf %add3A_307, %mul3A_327 : vector<256x64xf32>
    %eq3A_329 = arith.constant 1.500000e+01 : f32
    %eq3A_330 = vector.broadcast %eq3A_329 : f32 to vector<256x512xf32>
    %eq3A_331 = arith.cmpf oeq, %dot_general3A_12, %eq3A_330 : vector<256x512xf32>
    %and3A_332 = arith.andi %le3A_5, %eq3A_331 : vector<256x512xi1>
    %jit3A_333 = arith.constant 0.000000e+00 : f32
    %broadcast_in_dim3A_334 = vector.shape_cast %convert_element_type3A_15 : vector<1x512xf32> to vector<1x512xf32>
    %broadcast_in_dim3A_335 = vector.broadcast %broadcast_in_dim3A_334 : vector<1x512xf32> to vector<256x512xf32>
    %broadcast_in_dim3A_336 = vector.broadcast %jit3A_333 : f32 to vector<256x512xf32>
    %select_n3A_337 = arith.select %and3A_332, %broadcast_in_dim3A_335, %broadcast_in_dim3A_336 : vector<256x512xi1>, vector<256x512xf32>
    %reduce_sum3A_338 = arith.constant dense<0.000000e+00> : vector<256xf32>
    %reduce_sum3A_339 = vector.multi_reduction <add>, %select_n3A_337, %reduce_sum3A_338 [1] : vector<256x512xf32> to vector<256xf32>
    %broadcast_in_dim3A_340 = vector.shape_cast %reduce_sum3A_339 : vector<256xf32> to vector<256x1xf32>
    %eq3A_341 = arith.constant 1.500000e+01 : f32
    %eq3A_342 = vector.broadcast %eq3A_341 : f32 to vector<1x64xf32>
    %eq3A_343 = arith.cmpf oeq, %convert_element_type3A_17, %eq3A_342 : vector<1x64xf32>
    %convert_element_type3A_344 = arith.extui %eq3A_343 : vector<1x64xi1> to vector<1x64xi32>
    %convert_element_type3A_345 = arith.sitofp %convert_element_type3A_344 : vector<1x64xi32> to vector<1x64xf32>
    %mul3A_346 = vector.broadcast %broadcast_in_dim3A_340 : vector<256x1xf32> to vector<256x64xf32>
    %mul3A_347 = vector.broadcast %convert_element_type3A_345 : vector<1x64xf32> to vector<256x64xf32>
    %mul3A_348 = arith.mulf %mul3A_346, %mul3A_347 : vector<256x64xf32>
    %add3A_349 = arith.addf %add3A_328, %mul3A_348 : vector<256x64xf32>
    %eq3A_350 = arith.constant 1.600000e+01 : f32
    %eq3A_351 = vector.broadcast %eq3A_350 : f32 to vector<256x512xf32>
    %eq3A_352 = arith.cmpf oeq, %dot_general3A_12, %eq3A_351 : vector<256x512xf32>
    %and3A_353 = arith.andi %le3A_5, %eq3A_352 : vector<256x512xi1>
    %jit3A_354 = arith.constant 0.000000e+00 : f32
    %broadcast_in_dim3A_355 = vector.shape_cast %convert_element_type3A_15 : vector<1x512xf32> to vector<1x512xf32>
    %broadcast_in_dim3A_356 = vector.broadcast %broadcast_in_dim3A_355 : vector<1x512xf32> to vector<256x512xf32>
    %broadcast_in_dim3A_357 = vector.broadcast %jit3A_354 : f32 to vector<256x512xf32>
    %select_n3A_358 = arith.select %and3A_353, %broadcast_in_dim3A_356, %broadcast_in_dim3A_357 : vector<256x512xi1>, vector<256x512xf32>
    %reduce_sum3A_359 = arith.constant dense<0.000000e+00> : vector<256xf32>
    %reduce_sum3A_360 = vector.multi_reduction <add>, %select_n3A_358, %reduce_sum3A_359 [1] : vector<256x512xf32> to vector<256xf32>
    %broadcast_in_dim3A_361 = vector.shape_cast %reduce_sum3A_360 : vector<256xf32> to vector<256x1xf32>
    %eq3A_362 = arith.constant 1.600000e+01 : f32
    %eq3A_363 = vector.broadcast %eq3A_362 : f32 to vector<1x64xf32>
    %eq3A_364 = arith.cmpf oeq, %convert_element_type3A_17, %eq3A_363 : vector<1x64xf32>
    %convert_element_type3A_365 = arith.extui %eq3A_364 : vector<1x64xi1> to vector<1x64xi32>
    %convert_element_type3A_366 = arith.sitofp %convert_element_type3A_365 : vector<1x64xi32> to vector<1x64xf32>
    %mul3A_367 = vector.broadcast %broadcast_in_dim3A_361 : vector<256x1xf32> to vector<256x64xf32>
    %mul3A_368 = vector.broadcast %convert_element_type3A_366 : vector<1x64xf32> to vector<256x64xf32>
    %mul3A_369 = arith.mulf %mul3A_367, %mul3A_368 : vector<256x64xf32>
    %add3A_370 = arith.addf %add3A_349, %mul3A_369 : vector<256x64xf32>
    %eq3A_371 = arith.constant 1.700000e+01 : f32
    %eq3A_372 = vector.broadcast %eq3A_371 : f32 to vector<256x512xf32>
    %eq3A_373 = arith.cmpf oeq, %dot_general3A_12, %eq3A_372 : vector<256x512xf32>
    %and3A_374 = arith.andi %le3A_5, %eq3A_373 : vector<256x512xi1>
    %jit3A_375 = arith.constant 0.000000e+00 : f32
    %broadcast_in_dim3A_376 = vector.shape_cast %convert_element_type3A_15 : vector<1x512xf32> to vector<1x512xf32>
    %broadcast_in_dim3A_377 = vector.broadcast %broadcast_in_dim3A_376 : vector<1x512xf32> to vector<256x512xf32>
    %broadcast_in_dim3A_378 = vector.broadcast %jit3A_375 : f32 to vector<256x512xf32>
    %select_n3A_379 = arith.select %and3A_374, %broadcast_in_dim3A_377, %broadcast_in_dim3A_378 : vector<256x512xi1>, vector<256x512xf32>
    %reduce_sum3A_380 = arith.constant dense<0.000000e+00> : vector<256xf32>
    %reduce_sum3A_381 = vector.multi_reduction <add>, %select_n3A_379, %reduce_sum3A_380 [1] : vector<256x512xf32> to vector<256xf32>
    %broadcast_in_dim3A_382 = vector.shape_cast %reduce_sum3A_381 : vector<256xf32> to vector<256x1xf32>
    %eq3A_383 = arith.constant 1.700000e+01 : f32
    %eq3A_384 = vector.broadcast %eq3A_383 : f32 to vector<1x64xf32>
    %eq3A_385 = arith.cmpf oeq, %convert_element_type3A_17, %eq3A_384 : vector<1x64xf32>
    %convert_element_type3A_386 = arith.extui %eq3A_385 : vector<1x64xi1> to vector<1x64xi32>
    %convert_element_type3A_387 = arith.sitofp %convert_element_type3A_386 : vector<1x64xi32> to vector<1x64xf32>
    %mul3A_388 = vector.broadcast %broadcast_in_dim3A_382 : vector<256x1xf32> to vector<256x64xf32>
    %mul3A_389 = vector.broadcast %convert_element_type3A_387 : vector<1x64xf32> to vector<256x64xf32>
    %mul3A_390 = arith.mulf %mul3A_388, %mul3A_389 : vector<256x64xf32>
    %add3A_391 = arith.addf %add3A_370, %mul3A_390 : vector<256x64xf32>
    %eq3A_392 = arith.constant 1.800000e+01 : f32
    %eq3A_393 = vector.broadcast %eq3A_392 : f32 to vector<256x512xf32>
    %eq3A_394 = arith.cmpf oeq, %dot_general3A_12, %eq3A_393 : vector<256x512xf32>
    %and3A_395 = arith.andi %le3A_5, %eq3A_394 : vector<256x512xi1>
    %jit3A_396 = arith.constant 0.000000e+00 : f32
    %broadcast_in_dim3A_397 = vector.shape_cast %convert_element_type3A_15 : vector<1x512xf32> to vector<1x512xf32>
    %broadcast_in_dim3A_398 = vector.broadcast %broadcast_in_dim3A_397 : vector<1x512xf32> to vector<256x512xf32>
    %broadcast_in_dim3A_399 = vector.broadcast %jit3A_396 : f32 to vector<256x512xf32>
    %select_n3A_400 = arith.select %and3A_395, %broadcast_in_dim3A_398, %broadcast_in_dim3A_399 : vector<256x512xi1>, vector<256x512xf32>
    %reduce_sum3A_401 = arith.constant dense<0.000000e+00> : vector<256xf32>
    %reduce_sum3A_402 = vector.multi_reduction <add>, %select_n3A_400, %reduce_sum3A_401 [1] : vector<256x512xf32> to vector<256xf32>
    %broadcast_in_dim3A_403 = vector.shape_cast %reduce_sum3A_402 : vector<256xf32> to vector<256x1xf32>
    %eq3A_404 = arith.constant 1.800000e+01 : f32
    %eq3A_405 = vector.broadcast %eq3A_404 : f32 to vector<1x64xf32>
    %eq3A_406 = arith.cmpf oeq, %convert_element_type3A_17, %eq3A_405 : vector<1x64xf32>
    %convert_element_type3A_407 = arith.extui %eq3A_406 : vector<1x64xi1> to vector<1x64xi32>
    %convert_element_type3A_408 = arith.sitofp %convert_element_type3A_407 : vector<1x64xi32> to vector<1x64xf32>
    %mul3A_409 = vector.broadcast %broadcast_in_dim3A_403 : vector<256x1xf32> to vector<256x64xf32>
    %mul3A_410 = vector.broadcast %convert_element_type3A_408 : vector<1x64xf32> to vector<256x64xf32>
    %mul3A_411 = arith.mulf %mul3A_409, %mul3A_410 : vector<256x64xf32>
    %add3A_412 = arith.addf %add3A_391, %mul3A_411 : vector<256x64xf32>
    %eq3A_413 = arith.constant 1.900000e+01 : f32
    %eq3A_414 = vector.broadcast %eq3A_413 : f32 to vector<256x512xf32>
    %eq3A_415 = arith.cmpf oeq, %dot_general3A_12, %eq3A_414 : vector<256x512xf32>
    %and3A_416 = arith.andi %le3A_5, %eq3A_415 : vector<256x512xi1>
    %jit3A_417 = arith.constant 0.000000e+00 : f32
    %broadcast_in_dim3A_418 = vector.shape_cast %convert_element_type3A_15 : vector<1x512xf32> to vector<1x512xf32>
    %broadcast_in_dim3A_419 = vector.broadcast %broadcast_in_dim3A_418 : vector<1x512xf32> to vector<256x512xf32>
    %broadcast_in_dim3A_420 = vector.broadcast %jit3A_417 : f32 to vector<256x512xf32>
    %select_n3A_421 = arith.select %and3A_416, %broadcast_in_dim3A_419, %broadcast_in_dim3A_420 : vector<256x512xi1>, vector<256x512xf32>
    %reduce_sum3A_422 = arith.constant dense<0.000000e+00> : vector<256xf32>
    %reduce_sum3A_423 = vector.multi_reduction <add>, %select_n3A_421, %reduce_sum3A_422 [1] : vector<256x512xf32> to vector<256xf32>
    %broadcast_in_dim3A_424 = vector.shape_cast %reduce_sum3A_423 : vector<256xf32> to vector<256x1xf32>
    %eq3A_425 = arith.constant 1.900000e+01 : f32
    %eq3A_426 = vector.broadcast %eq3A_425 : f32 to vector<1x64xf32>
    %eq3A_427 = arith.cmpf oeq, %convert_element_type3A_17, %eq3A_426 : vector<1x64xf32>
    %convert_element_type3A_428 = arith.extui %eq3A_427 : vector<1x64xi1> to vector<1x64xi32>
    %convert_element_type3A_429 = arith.sitofp %convert_element_type3A_428 : vector<1x64xi32> to vector<1x64xf32>
    %mul3A_430 = vector.broadcast %broadcast_in_dim3A_424 : vector<256x1xf32> to vector<256x64xf32>
    %mul3A_431 = vector.broadcast %convert_element_type3A_429 : vector<1x64xf32> to vector<256x64xf32>
    %mul3A_432 = arith.mulf %mul3A_430, %mul3A_431 : vector<256x64xf32>
    %add3A_433 = arith.addf %add3A_412, %mul3A_432 : vector<256x64xf32>
    %eq3A_434 = arith.constant 2.000000e+01 : f32
    %eq3A_435 = vector.broadcast %eq3A_434 : f32 to vector<256x512xf32>
    %eq3A_436 = arith.cmpf oeq, %dot_general3A_12, %eq3A_435 : vector<256x512xf32>
    %and3A_437 = arith.andi %le3A_5, %eq3A_436 : vector<256x512xi1>
    %jit3A_438 = arith.constant 0.000000e+00 : f32
    %broadcast_in_dim3A_439 = vector.shape_cast %convert_element_type3A_15 : vector<1x512xf32> to vector<1x512xf32>
    %broadcast_in_dim3A_440 = vector.broadcast %broadcast_in_dim3A_439 : vector<1x512xf32> to vector<256x512xf32>
    %broadcast_in_dim3A_441 = vector.broadcast %jit3A_438 : f32 to vector<256x512xf32>
    %select_n3A_442 = arith.select %and3A_437, %broadcast_in_dim3A_440, %broadcast_in_dim3A_441 : vector<256x512xi1>, vector<256x512xf32>
    %reduce_sum3A_443 = arith.constant dense<0.000000e+00> : vector<256xf32>
    %reduce_sum3A_444 = vector.multi_reduction <add>, %select_n3A_442, %reduce_sum3A_443 [1] : vector<256x512xf32> to vector<256xf32>
    %broadcast_in_dim3A_445 = vector.shape_cast %reduce_sum3A_444 : vector<256xf32> to vector<256x1xf32>
    %eq3A_446 = arith.constant 2.000000e+01 : f32
    %eq3A_447 = vector.broadcast %eq3A_446 : f32 to vector<1x64xf32>
    %eq3A_448 = arith.cmpf oeq, %convert_element_type3A_17, %eq3A_447 : vector<1x64xf32>
    %convert_element_type3A_449 = arith.extui %eq3A_448 : vector<1x64xi1> to vector<1x64xi32>
    %convert_element_type3A_450 = arith.sitofp %convert_element_type3A_449 : vector<1x64xi32> to vector<1x64xf32>
    %mul3A_451 = vector.broadcast %broadcast_in_dim3A_445 : vector<256x1xf32> to vector<256x64xf32>
    %mul3A_452 = vector.broadcast %convert_element_type3A_450 : vector<1x64xf32> to vector<256x64xf32>
    %mul3A_453 = arith.mulf %mul3A_451, %mul3A_452 : vector<256x64xf32>
    %add3A_454 = arith.addf %add3A_433, %mul3A_453 : vector<256x64xf32>
    %eq3A_455 = arith.constant 2.100000e+01 : f32
    %eq3A_456 = vector.broadcast %eq3A_455 : f32 to vector<256x512xf32>
    %eq3A_457 = arith.cmpf oeq, %dot_general3A_12, %eq3A_456 : vector<256x512xf32>
    %and3A_458 = arith.andi %le3A_5, %eq3A_457 : vector<256x512xi1>
    %jit3A_459 = arith.constant 0.000000e+00 : f32
    %broadcast_in_dim3A_460 = vector.shape_cast %convert_element_type3A_15 : vector<1x512xf32> to vector<1x512xf32>
    %broadcast_in_dim3A_461 = vector.broadcast %broadcast_in_dim3A_460 : vector<1x512xf32> to vector<256x512xf32>
    %broadcast_in_dim3A_462 = vector.broadcast %jit3A_459 : f32 to vector<256x512xf32>
    %select_n3A_463 = arith.select %and3A_458, %broadcast_in_dim3A_461, %broadcast_in_dim3A_462 : vector<256x512xi1>, vector<256x512xf32>
    %reduce_sum3A_464 = arith.constant dense<0.000000e+00> : vector<256xf32>
    %reduce_sum3A_465 = vector.multi_reduction <add>, %select_n3A_463, %reduce_sum3A_464 [1] : vector<256x512xf32> to vector<256xf32>
    %broadcast_in_dim3A_466 = vector.shape_cast %reduce_sum3A_465 : vector<256xf32> to vector<256x1xf32>
    %eq3A_467 = arith.constant 2.100000e+01 : f32
    %eq3A_468 = vector.broadcast %eq3A_467 : f32 to vector<1x64xf32>
    %eq3A_469 = arith.cmpf oeq, %convert_element_type3A_17, %eq3A_468 : vector<1x64xf32>
    %convert_element_type3A_470 = arith.extui %eq3A_469 : vector<1x64xi1> to vector<1x64xi32>
    %convert_element_type3A_471 = arith.sitofp %convert_element_type3A_470 : vector<1x64xi32> to vector<1x64xf32>
    %mul3A_472 = vector.broadcast %broadcast_in_dim3A_466 : vector<256x1xf32> to vector<256x64xf32>
    %mul3A_473 = vector.broadcast %convert_element_type3A_471 : vector<1x64xf32> to vector<256x64xf32>
    %mul3A_474 = arith.mulf %mul3A_472, %mul3A_473 : vector<256x64xf32>
    %add3A_475 = arith.addf %add3A_454, %mul3A_474 : vector<256x64xf32>
    %eq3A_476 = arith.constant 2.200000e+01 : f32
    %eq3A_477 = vector.broadcast %eq3A_476 : f32 to vector<256x512xf32>
    %eq3A_478 = arith.cmpf oeq, %dot_general3A_12, %eq3A_477 : vector<256x512xf32>
    %and3A_479 = arith.andi %le3A_5, %eq3A_478 : vector<256x512xi1>
    %jit3A_480 = arith.constant 0.000000e+00 : f32
    %broadcast_in_dim3A_481 = vector.shape_cast %convert_element_type3A_15 : vector<1x512xf32> to vector<1x512xf32>
    %broadcast_in_dim3A_482 = vector.broadcast %broadcast_in_dim3A_481 : vector<1x512xf32> to vector<256x512xf32>
    %broadcast_in_dim3A_483 = vector.broadcast %jit3A_480 : f32 to vector<256x512xf32>
    %select_n3A_484 = arith.select %and3A_479, %broadcast_in_dim3A_482, %broadcast_in_dim3A_483 : vector<256x512xi1>, vector<256x512xf32>
    %reduce_sum3A_485 = arith.constant dense<0.000000e+00> : vector<256xf32>
    %reduce_sum3A_486 = vector.multi_reduction <add>, %select_n3A_484, %reduce_sum3A_485 [1] : vector<256x512xf32> to vector<256xf32>
    %broadcast_in_dim3A_487 = vector.shape_cast %reduce_sum3A_486 : vector<256xf32> to vector<256x1xf32>
    %eq3A_488 = arith.constant 2.200000e+01 : f32
    %eq3A_489 = vector.broadcast %eq3A_488 : f32 to vector<1x64xf32>
    %eq3A_490 = arith.cmpf oeq, %convert_element_type3A_17, %eq3A_489 : vector<1x64xf32>
    %convert_element_type3A_491 = arith.extui %eq3A_490 : vector<1x64xi1> to vector<1x64xi32>
    %convert_element_type3A_492 = arith.sitofp %convert_element_type3A_491 : vector<1x64xi32> to vector<1x64xf32>
    %mul3A_493 = vector.broadcast %broadcast_in_dim3A_487 : vector<256x1xf32> to vector<256x64xf32>
    %mul3A_494 = vector.broadcast %convert_element_type3A_492 : vector<1x64xf32> to vector<256x64xf32>
    %mul3A_495 = arith.mulf %mul3A_493, %mul3A_494 : vector<256x64xf32>
    %add3A_496 = arith.addf %add3A_475, %mul3A_495 : vector<256x64xf32>
    %eq3A_497 = arith.constant 2.300000e+01 : f32
    %eq3A_498 = vector.broadcast %eq3A_497 : f32 to vector<256x512xf32>
    %eq3A_499 = arith.cmpf oeq, %dot_general3A_12, %eq3A_498 : vector<256x512xf32>
    %and3A_500 = arith.andi %le3A_5, %eq3A_499 : vector<256x512xi1>
    %jit3A_501 = arith.constant 0.000000e+00 : f32
    %broadcast_in_dim3A_502 = vector.shape_cast %convert_element_type3A_15 : vector<1x512xf32> to vector<1x512xf32>
    %broadcast_in_dim3A_503 = vector.broadcast %broadcast_in_dim3A_502 : vector<1x512xf32> to vector<256x512xf32>
    %broadcast_in_dim3A_504 = vector.broadcast %jit3A_501 : f32 to vector<256x512xf32>
    %select_n3A_505 = arith.select %and3A_500, %broadcast_in_dim3A_503, %broadcast_in_dim3A_504 : vector<256x512xi1>, vector<256x512xf32>
    %reduce_sum3A_506 = arith.constant dense<0.000000e+00> : vector<256xf32>
    %reduce_sum3A_507 = vector.multi_reduction <add>, %select_n3A_505, %reduce_sum3A_506 [1] : vector<256x512xf32> to vector<256xf32>
    %broadcast_in_dim3A_508 = vector.shape_cast %reduce_sum3A_507 : vector<256xf32> to vector<256x1xf32>
    %eq3A_509 = arith.constant 2.300000e+01 : f32
    %eq3A_510 = vector.broadcast %eq3A_509 : f32 to vector<1x64xf32>
    %eq3A_511 = arith.cmpf oeq, %convert_element_type3A_17, %eq3A_510 : vector<1x64xf32>
    %convert_element_type3A_512 = arith.extui %eq3A_511 : vector<1x64xi1> to vector<1x64xi32>
    %convert_element_type3A_513 = arith.sitofp %convert_element_type3A_512 : vector<1x64xi32> to vector<1x64xf32>
    %mul3A_514 = vector.broadcast %broadcast_in_dim3A_508 : vector<256x1xf32> to vector<256x64xf32>
    %mul3A_515 = vector.broadcast %convert_element_type3A_513 : vector<1x64xf32> to vector<256x64xf32>
    %mul3A_516 = arith.mulf %mul3A_514, %mul3A_515 : vector<256x64xf32>
    %add3A_517 = arith.addf %add3A_496, %mul3A_516 : vector<256x64xf32>
    %eq3A_518 = arith.constant 2.400000e+01 : f32
    %eq3A_519 = vector.broadcast %eq3A_518 : f32 to vector<256x512xf32>
    %eq3A_520 = arith.cmpf oeq, %dot_general3A_12, %eq3A_519 : vector<256x512xf32>
    %and3A_521 = arith.andi %le3A_5, %eq3A_520 : vector<256x512xi1>
    %jit3A_522 = arith.constant 0.000000e+00 : f32
    %broadcast_in_dim3A_523 = vector.shape_cast %convert_element_type3A_15 : vector<1x512xf32> to vector<1x512xf32>
    %broadcast_in_dim3A_524 = vector.broadcast %broadcast_in_dim3A_523 : vector<1x512xf32> to vector<256x512xf32>
    %broadcast_in_dim3A_525 = vector.broadcast %jit3A_522 : f32 to vector<256x512xf32>
    %select_n3A_526 = arith.select %and3A_521, %broadcast_in_dim3A_524, %broadcast_in_dim3A_525 : vector<256x512xi1>, vector<256x512xf32>
    %reduce_sum3A_527 = arith.constant dense<0.000000e+00> : vector<256xf32>
    %reduce_sum3A_528 = vector.multi_reduction <add>, %select_n3A_526, %reduce_sum3A_527 [1] : vector<256x512xf32> to vector<256xf32>
    %broadcast_in_dim3A_529 = vector.shape_cast %reduce_sum3A_528 : vector<256xf32> to vector<256x1xf32>
    %eq3A_530 = arith.constant 2.400000e+01 : f32
    %eq3A_531 = vector.broadcast %eq3A_530 : f32 to vector<1x64xf32>
    %eq3A_532 = arith.cmpf oeq, %convert_element_type3A_17, %eq3A_531 : vector<1x64xf32>
    %convert_element_type3A_533 = arith.extui %eq3A_532 : vector<1x64xi1> to vector<1x64xi32>
    %convert_element_type3A_534 = arith.sitofp %convert_element_type3A_533 : vector<1x64xi32> to vector<1x64xf32>
    %mul3A_535 = vector.broadcast %broadcast_in_dim3A_529 : vector<256x1xf32> to vector<256x64xf32>
    %mul3A_536 = vector.broadcast %convert_element_type3A_534 : vector<1x64xf32> to vector<256x64xf32>
    %mul3A_537 = arith.mulf %mul3A_535, %mul3A_536 : vector<256x64xf32>
    %add3A_538 = arith.addf %add3A_517, %mul3A_537 : vector<256x64xf32>
    %eq3A_539 = arith.constant 2.500000e+01 : f32
    %eq3A_540 = vector.broadcast %eq3A_539 : f32 to vector<256x512xf32>
    %eq3A_541 = arith.cmpf oeq, %dot_general3A_12, %eq3A_540 : vector<256x512xf32>
    %and3A_542 = arith.andi %le3A_5, %eq3A_541 : vector<256x512xi1>
    %jit3A_543 = arith.constant 0.000000e+00 : f32
    %broadcast_in_dim3A_544 = vector.shape_cast %convert_element_type3A_15 : vector<1x512xf32> to vector<1x512xf32>
    %broadcast_in_dim3A_545 = vector.broadcast %broadcast_in_dim3A_544 : vector<1x512xf32> to vector<256x512xf32>
    %broadcast_in_dim3A_546 = vector.broadcast %jit3A_543 : f32 to vector<256x512xf32>
    %select_n3A_547 = arith.select %and3A_542, %broadcast_in_dim3A_545, %broadcast_in_dim3A_546 : vector<256x512xi1>, vector<256x512xf32>
    %reduce_sum3A_548 = arith.constant dense<0.000000e+00> : vector<256xf32>
    %reduce_sum3A_549 = vector.multi_reduction <add>, %select_n3A_547, %reduce_sum3A_548 [1] : vector<256x512xf32> to vector<256xf32>
    %broadcast_in_dim3A_550 = vector.shape_cast %reduce_sum3A_549 : vector<256xf32> to vector<256x1xf32>
    %eq3A_551 = arith.constant 2.500000e+01 : f32
    %eq3A_552 = vector.broadcast %eq3A_551 : f32 to vector<1x64xf32>
    %eq3A_553 = arith.cmpf oeq, %convert_element_type3A_17, %eq3A_552 : vector<1x64xf32>
    %convert_element_type3A_554 = arith.extui %eq3A_553 : vector<1x64xi1> to vector<1x64xi32>
    %convert_element_type3A_555 = arith.sitofp %convert_element_type3A_554 : vector<1x64xi32> to vector<1x64xf32>
    %mul3A_556 = vector.broadcast %broadcast_in_dim3A_550 : vector<256x1xf32> to vector<256x64xf32>
    %mul3A_557 = vector.broadcast %convert_element_type3A_555 : vector<1x64xf32> to vector<256x64xf32>
    %mul3A_558 = arith.mulf %mul3A_556, %mul3A_557 : vector<256x64xf32>
    %add3A_559 = arith.addf %add3A_538, %mul3A_558 : vector<256x64xf32>
    %eq3A_560 = arith.constant 2.600000e+01 : f32
    %eq3A_561 = vector.broadcast %eq3A_560 : f32 to vector<256x512xf32>
    %eq3A_562 = arith.cmpf oeq, %dot_general3A_12, %eq3A_561 : vector<256x512xf32>
    %and3A_563 = arith.andi %le3A_5, %eq3A_562 : vector<256x512xi1>
    %jit3A_564 = arith.constant 0.000000e+00 : f32
    %broadcast_in_dim3A_565 = vector.shape_cast %convert_element_type3A_15 : vector<1x512xf32> to vector<1x512xf32>
    %broadcast_in_dim3A_566 = vector.broadcast %broadcast_in_dim3A_565 : vector<1x512xf32> to vector<256x512xf32>
    %broadcast_in_dim3A_567 = vector.broadcast %jit3A_564 : f32 to vector<256x512xf32>
    %select_n3A_568 = arith.select %and3A_563, %broadcast_in_dim3A_566, %broadcast_in_dim3A_567 : vector<256x512xi1>, vector<256x512xf32>
    %reduce_sum3A_569 = arith.constant dense<0.000000e+00> : vector<256xf32>
    %reduce_sum3A_570 = vector.multi_reduction <add>, %select_n3A_568, %reduce_sum3A_569 [1] : vector<256x512xf32> to vector<256xf32>
    %broadcast_in_dim3A_571 = vector.shape_cast %reduce_sum3A_570 : vector<256xf32> to vector<256x1xf32>
    %eq3A_572 = arith.constant 2.600000e+01 : f32
    %eq3A_573 = vector.broadcast %eq3A_572 : f32 to vector<1x64xf32>
    %eq3A_574 = arith.cmpf oeq, %convert_element_type3A_17, %eq3A_573 : vector<1x64xf32>
    %convert_element_type3A_575 = arith.extui %eq3A_574 : vector<1x64xi1> to vector<1x64xi32>
    %convert_element_type3A_576 = arith.sitofp %convert_element_type3A_575 : vector<1x64xi32> to vector<1x64xf32>
    %mul3A_577 = vector.broadcast %broadcast_in_dim3A_571 : vector<256x1xf32> to vector<256x64xf32>
    %mul3A_578 = vector.broadcast %convert_element_type3A_576 : vector<1x64xf32> to vector<256x64xf32>
    %mul3A_579 = arith.mulf %mul3A_577, %mul3A_578 : vector<256x64xf32>
    %add3A_580 = arith.addf %add3A_559, %mul3A_579 : vector<256x64xf32>
    %eq3A_581 = arith.constant 2.700000e+01 : f32
    %eq3A_582 = vector.broadcast %eq3A_581 : f32 to vector<256x512xf32>
    %eq3A_583 = arith.cmpf oeq, %dot_general3A_12, %eq3A_582 : vector<256x512xf32>
    %and3A_584 = arith.andi %le3A_5, %eq3A_583 : vector<256x512xi1>
    %jit3A_585 = arith.constant 0.000000e+00 : f32
    %broadcast_in_dim3A_586 = vector.shape_cast %convert_element_type3A_15 : vector<1x512xf32> to vector<1x512xf32>
    %broadcast_in_dim3A_587 = vector.broadcast %broadcast_in_dim3A_586 : vector<1x512xf32> to vector<256x512xf32>
    %broadcast_in_dim3A_588 = vector.broadcast %jit3A_585 : f32 to vector<256x512xf32>
    %select_n3A_589 = arith.select %and3A_584, %broadcast_in_dim3A_587, %broadcast_in_dim3A_588 : vector<256x512xi1>, vector<256x512xf32>
    %reduce_sum3A_590 = arith.constant dense<0.000000e+00> : vector<256xf32>
    %reduce_sum3A_591 = vector.multi_reduction <add>, %select_n3A_589, %reduce_sum3A_590 [1] : vector<256x512xf32> to vector<256xf32>
    %broadcast_in_dim3A_592 = vector.shape_cast %reduce_sum3A_591 : vector<256xf32> to vector<256x1xf32>
    %eq3A_593 = arith.constant 2.700000e+01 : f32
    %eq3A_594 = vector.broadcast %eq3A_593 : f32 to vector<1x64xf32>
    %eq3A_595 = arith.cmpf oeq, %convert_element_type3A_17, %eq3A_594 : vector<1x64xf32>
    %convert_element_type3A_596 = arith.extui %eq3A_595 : vector<1x64xi1> to vector<1x64xi32>
    %convert_element_type3A_597 = arith.sitofp %convert_element_type3A_596 : vector<1x64xi32> to vector<1x64xf32>
    %mul3A_598 = vector.broadcast %broadcast_in_dim3A_592 : vector<256x1xf32> to vector<256x64xf32>
    %mul3A_599 = vector.broadcast %convert_element_type3A_597 : vector<1x64xf32> to vector<256x64xf32>
    %mul3A_600 = arith.mulf %mul3A_598, %mul3A_599 : vector<256x64xf32>
    %add3A_601 = arith.addf %add3A_580, %mul3A_600 : vector<256x64xf32>
    %eq3A_602 = arith.constant 2.800000e+01 : f32
    %eq3A_603 = vector.broadcast %eq3A_602 : f32 to vector<256x512xf32>
    %eq3A_604 = arith.cmpf oeq, %dot_general3A_12, %eq3A_603 : vector<256x512xf32>
    %and3A_605 = arith.andi %le3A_5, %eq3A_604 : vector<256x512xi1>
    %jit3A_606 = arith.constant 0.000000e+00 : f32
    %broadcast_in_dim3A_607 = vector.shape_cast %convert_element_type3A_15 : vector<1x512xf32> to vector<1x512xf32>
    %broadcast_in_dim3A_608 = vector.broadcast %broadcast_in_dim3A_607 : vector<1x512xf32> to vector<256x512xf32>
    %broadcast_in_dim3A_609 = vector.broadcast %jit3A_606 : f32 to vector<256x512xf32>
    %select_n3A_610 = arith.select %and3A_605, %broadcast_in_dim3A_608, %broadcast_in_dim3A_609 : vector<256x512xi1>, vector<256x512xf32>
    %reduce_sum3A_611 = arith.constant dense<0.000000e+00> : vector<256xf32>
    %reduce_sum3A_612 = vector.multi_reduction <add>, %select_n3A_610, %reduce_sum3A_611 [1] : vector<256x512xf32> to vector<256xf32>
    %broadcast_in_dim3A_613 = vector.shape_cast %reduce_sum3A_612 : vector<256xf32> to vector<256x1xf32>
    %eq3A_614 = arith.constant 2.800000e+01 : f32
    %eq3A_615 = vector.broadcast %eq3A_614 : f32 to vector<1x64xf32>
    %eq3A_616 = arith.cmpf oeq, %convert_element_type3A_17, %eq3A_615 : vector<1x64xf32>
    %convert_element_type3A_617 = arith.extui %eq3A_616 : vector<1x64xi1> to vector<1x64xi32>
    %convert_element_type3A_618 = arith.sitofp %convert_element_type3A_617 : vector<1x64xi32> to vector<1x64xf32>
    %mul3A_619 = vector.broadcast %broadcast_in_dim3A_613 : vector<256x1xf32> to vector<256x64xf32>
    %mul3A_620 = vector.broadcast %convert_element_type3A_618 : vector<1x64xf32> to vector<256x64xf32>
    %mul3A_621 = arith.mulf %mul3A_619, %mul3A_620 : vector<256x64xf32>
    %add3A_622 = arith.addf %add3A_601, %mul3A_621 : vector<256x64xf32>
    %eq3A_623 = arith.constant 2.900000e+01 : f32
    %eq3A_624 = vector.broadcast %eq3A_623 : f32 to vector<256x512xf32>
    %eq3A_625 = arith.cmpf oeq, %dot_general3A_12, %eq3A_624 : vector<256x512xf32>
    %and3A_626 = arith.andi %le3A_5, %eq3A_625 : vector<256x512xi1>
    %jit3A_627 = arith.constant 0.000000e+00 : f32
    %broadcast_in_dim3A_628 = vector.shape_cast %convert_element_type3A_15 : vector<1x512xf32> to vector<1x512xf32>
    %broadcast_in_dim3A_629 = vector.broadcast %broadcast_in_dim3A_628 : vector<1x512xf32> to vector<256x512xf32>
    %broadcast_in_dim3A_630 = vector.broadcast %jit3A_627 : f32 to vector<256x512xf32>
    %select_n3A_631 = arith.select %and3A_626, %broadcast_in_dim3A_629, %broadcast_in_dim3A_630 : vector<256x512xi1>, vector<256x512xf32>
    %reduce_sum3A_632 = arith.constant dense<0.000000e+00> : vector<256xf32>
    %reduce_sum3A_633 = vector.multi_reduction <add>, %select_n3A_631, %reduce_sum3A_632 [1] : vector<256x512xf32> to vector<256xf32>
    %broadcast_in_dim3A_634 = vector.shape_cast %reduce_sum3A_633 : vector<256xf32> to vector<256x1xf32>
    %eq3A_635 = arith.constant 2.900000e+01 : f32
    %eq3A_636 = vector.broadcast %eq3A_635 : f32 to vector<1x64xf32>
    %eq3A_637 = arith.cmpf oeq, %convert_element_type3A_17, %eq3A_636 : vector<1x64xf32>
    %convert_element_type3A_638 = arith.extui %eq3A_637 : vector<1x64xi1> to vector<1x64xi32>
    %convert_element_type3A_639 = arith.sitofp %convert_element_type3A_638 : vector<1x64xi32> to vector<1x64xf32>
    %mul3A_640 = vector.broadcast %broadcast_in_dim3A_634 : vector<256x1xf32> to vector<256x64xf32>
    %mul3A_641 = vector.broadcast %convert_element_type3A_639 : vector<1x64xf32> to vector<256x64xf32>
    %mul3A_642 = arith.mulf %mul3A_640, %mul3A_641 : vector<256x64xf32>
    %add3A_643 = arith.addf %add3A_622, %mul3A_642 : vector<256x64xf32>
    %eq3A_644 = arith.constant 3.000000e+01 : f32
    %eq3A_645 = vector.broadcast %eq3A_644 : f32 to vector<256x512xf32>
    %eq3A_646 = arith.cmpf oeq, %dot_general3A_12, %eq3A_645 : vector<256x512xf32>
    %and3A_647 = arith.andi %le3A_5, %eq3A_646 : vector<256x512xi1>
    %jit3A_648 = arith.constant 0.000000e+00 : f32
    %broadcast_in_dim3A_649 = vector.shape_cast %convert_element_type3A_15 : vector<1x512xf32> to vector<1x512xf32>
    %broadcast_in_dim3A_650 = vector.broadcast %broadcast_in_dim3A_649 : vector<1x512xf32> to vector<256x512xf32>
    %broadcast_in_dim3A_651 = vector.broadcast %jit3A_648 : f32 to vector<256x512xf32>
    %select_n3A_652 = arith.select %and3A_647, %broadcast_in_dim3A_650, %broadcast_in_dim3A_651 : vector<256x512xi1>, vector<256x512xf32>
    %reduce_sum3A_653 = arith.constant dense<0.000000e+00> : vector<256xf32>
    %reduce_sum3A_654 = vector.multi_reduction <add>, %select_n3A_652, %reduce_sum3A_653 [1] : vector<256x512xf32> to vector<256xf32>
    %broadcast_in_dim3A_655 = vector.shape_cast %reduce_sum3A_654 : vector<256xf32> to vector<256x1xf32>
    %eq3A_656 = arith.constant 3.000000e+01 : f32
    %eq3A_657 = vector.broadcast %eq3A_656 : f32 to vector<1x64xf32>
    %eq3A_658 = arith.cmpf oeq, %convert_element_type3A_17, %eq3A_657 : vector<1x64xf32>
    %convert_element_type3A_659 = arith.extui %eq3A_658 : vector<1x64xi1> to vector<1x64xi32>
    %convert_element_type3A_660 = arith.sitofp %convert_element_type3A_659 : vector<1x64xi32> to vector<1x64xf32>
    %mul3A_661 = vector.broadcast %broadcast_in_dim3A_655 : vector<256x1xf32> to vector<256x64xf32>
    %mul3A_662 = vector.broadcast %convert_element_type3A_660 : vector<1x64xf32> to vector<256x64xf32>
    %mul3A_663 = arith.mulf %mul3A_661, %mul3A_662 : vector<256x64xf32>
    %add3A_664 = arith.addf %add3A_643, %mul3A_663 : vector<256x64xf32>
    %eq3A_665 = arith.constant 3.100000e+01 : f32
    %eq3A_666 = vector.broadcast %eq3A_665 : f32 to vector<256x512xf32>
    %eq3A_667 = arith.cmpf oeq, %dot_general3A_12, %eq3A_666 : vector<256x512xf32>
    %and3A_668 = arith.andi %le3A_5, %eq3A_667 : vector<256x512xi1>
    %jit3A_669 = arith.constant 0.000000e+00 : f32
    %broadcast_in_dim3A_670 = vector.shape_cast %convert_element_type3A_15 : vector<1x512xf32> to vector<1x512xf32>
    %broadcast_in_dim3A_671 = vector.broadcast %broadcast_in_dim3A_670 : vector<1x512xf32> to vector<256x512xf32>
    %broadcast_in_dim3A_672 = vector.broadcast %jit3A_669 : f32 to vector<256x512xf32>
    %select_n3A_673 = arith.select %and3A_668, %broadcast_in_dim3A_671, %broadcast_in_dim3A_672 : vector<256x512xi1>, vector<256x512xf32>
    %reduce_sum3A_674 = arith.constant dense<0.000000e+00> : vector<256xf32>
    %reduce_sum3A_675 = vector.multi_reduction <add>, %select_n3A_673, %reduce_sum3A_674 [1] : vector<256x512xf32> to vector<256xf32>
    %broadcast_in_dim3A_676 = vector.shape_cast %reduce_sum3A_675 : vector<256xf32> to vector<256x1xf32>
    %eq3A_677 = arith.constant 3.100000e+01 : f32
    %eq3A_678 = vector.broadcast %eq3A_677 : f32 to vector<1x64xf32>
    %eq3A_679 = arith.cmpf oeq, %convert_element_type3A_17, %eq3A_678 : vector<1x64xf32>
    %convert_element_type3A_680 = arith.extui %eq3A_679 : vector<1x64xi1> to vector<1x64xi32>
    %convert_element_type3A_681 = arith.sitofp %convert_element_type3A_680 : vector<1x64xi32> to vector<1x64xf32>
    %mul3A_682 = vector.broadcast %broadcast_in_dim3A_676 : vector<256x1xf32> to vector<256x64xf32>
    %mul3A_683 = vector.broadcast %convert_element_type3A_681 : vector<1x64xf32> to vector<256x64xf32>
    %mul3A_684 = arith.mulf %mul3A_682, %mul3A_683 : vector<256x64xf32>
    %add3A_685 = arith.addf %add3A_664, %mul3A_684 : vector<256x64xf32>
    %eq3A_686 = arith.constant 3.200000e+01 : f32
    %eq3A_687 = vector.broadcast %eq3A_686 : f32 to vector<256x512xf32>
    %eq3A_688 = arith.cmpf oeq, %dot_general3A_12, %eq3A_687 : vector<256x512xf32>
    %and3A_689 = arith.andi %le3A_5, %eq3A_688 : vector<256x512xi1>
    %jit3A_690 = arith.constant 0.000000e+00 : f32
    %broadcast_in_dim3A_691 = vector.shape_cast %convert_element_type3A_15 : vector<1x512xf32> to vector<1x512xf32>
    %broadcast_in_dim3A_692 = vector.broadcast %broadcast_in_dim3A_691 : vector<1x512xf32> to vector<256x512xf32>
    %broadcast_in_dim3A_693 = vector.broadcast %jit3A_690 : f32 to vector<256x512xf32>
    %select_n3A_694 = arith.select %and3A_689, %broadcast_in_dim3A_692, %broadcast_in_dim3A_693 : vector<256x512xi1>, vector<256x512xf32>
    %reduce_sum3A_695 = arith.constant dense<0.000000e+00> : vector<256xf32>
    %reduce_sum3A_696 = vector.multi_reduction <add>, %select_n3A_694, %reduce_sum3A_695 [1] : vector<256x512xf32> to vector<256xf32>
    %broadcast_in_dim3A_697 = vector.shape_cast %reduce_sum3A_696 : vector<256xf32> to vector<256x1xf32>
    %eq3A_698 = arith.constant 3.200000e+01 : f32
    %eq3A_699 = vector.broadcast %eq3A_698 : f32 to vector<1x64xf32>
    %eq3A_700 = arith.cmpf oeq, %convert_element_type3A_17, %eq3A_699 : vector<1x64xf32>
    %convert_element_type3A_701 = arith.extui %eq3A_700 : vector<1x64xi1> to vector<1x64xi32>
    %convert_element_type3A_702 = arith.sitofp %convert_element_type3A_701 : vector<1x64xi32> to vector<1x64xf32>
    %mul3A_703 = vector.broadcast %broadcast_in_dim3A_697 : vector<256x1xf32> to vector<256x64xf32>
    %mul3A_704 = vector.broadcast %convert_element_type3A_702 : vector<1x64xf32> to vector<256x64xf32>
    %mul3A_705 = arith.mulf %mul3A_703, %mul3A_704 : vector<256x64xf32>
    %add3A_706 = arith.addf %add3A_685, %mul3A_705 : vector<256x64xf32>
    %eq3A_707 = arith.constant 3.300000e+01 : f32
    %eq3A_708 = vector.broadcast %eq3A_707 : f32 to vector<256x512xf32>
    %eq3A_709 = arith.cmpf oeq, %dot_general3A_12, %eq3A_708 : vector<256x512xf32>
    %and3A_710 = arith.andi %le3A_5, %eq3A_709 : vector<256x512xi1>
    %jit3A_711 = arith.constant 0.000000e+00 : f32
    %broadcast_in_dim3A_712 = vector.shape_cast %convert_element_type3A_15 : vector<1x512xf32> to vector<1x512xf32>
    %broadcast_in_dim3A_713 = vector.broadcast %broadcast_in_dim3A_712 : vector<1x512xf32> to vector<256x512xf32>
    %broadcast_in_dim3A_714 = vector.broadcast %jit3A_711 : f32 to vector<256x512xf32>
    %select_n3A_715 = arith.select %and3A_710, %broadcast_in_dim3A_713, %broadcast_in_dim3A_714 : vector<256x512xi1>, vector<256x512xf32>
    %reduce_sum3A_716 = arith.constant dense<0.000000e+00> : vector<256xf32>
    %reduce_sum3A_717 = vector.multi_reduction <add>, %select_n3A_715, %reduce_sum3A_716 [1] : vector<256x512xf32> to vector<256xf32>
    %broadcast_in_dim3A_718 = vector.shape_cast %reduce_sum3A_717 : vector<256xf32> to vector<256x1xf32>
    %eq3A_719 = arith.constant 3.300000e+01 : f32
    %eq3A_720 = vector.broadcast %eq3A_719 : f32 to vector<1x64xf32>
    %eq3A_721 = arith.cmpf oeq, %convert_element_type3A_17, %eq3A_720 : vector<1x64xf32>
    %convert_element_type3A_722 = arith.extui %eq3A_721 : vector<1x64xi1> to vector<1x64xi32>
    %convert_element_type3A_723 = arith.sitofp %convert_element_type3A_722 : vector<1x64xi32> to vector<1x64xf32>
    %mul3A_724 = vector.broadcast %broadcast_in_dim3A_718 : vector<256x1xf32> to vector<256x64xf32>
    %mul3A_725 = vector.broadcast %convert_element_type3A_723 : vector<1x64xf32> to vector<256x64xf32>
    %mul3A_726 = arith.mulf %mul3A_724, %mul3A_725 : vector<256x64xf32>
    %add3A_727 = arith.addf %add3A_706, %mul3A_726 : vector<256x64xf32>
    %eq3A_728 = arith.constant 3.400000e+01 : f32
    %eq3A_729 = vector.broadcast %eq3A_728 : f32 to vector<256x512xf32>
    %eq3A_730 = arith.cmpf oeq, %dot_general3A_12, %eq3A_729 : vector<256x512xf32>
    %and3A_731 = arith.andi %le3A_5, %eq3A_730 : vector<256x512xi1>
    %jit3A_732 = arith.constant 0.000000e+00 : f32
    %broadcast_in_dim3A_733 = vector.shape_cast %convert_element_type3A_15 : vector<1x512xf32> to vector<1x512xf32>
    %broadcast_in_dim3A_734 = vector.broadcast %broadcast_in_dim3A_733 : vector<1x512xf32> to vector<256x512xf32>
    %broadcast_in_dim3A_735 = vector.broadcast %jit3A_732 : f32 to vector<256x512xf32>
    %select_n3A_736 = arith.select %and3A_731, %broadcast_in_dim3A_734, %broadcast_in_dim3A_735 : vector<256x512xi1>, vector<256x512xf32>
    %reduce_sum3A_737 = arith.constant dense<0.000000e+00> : vector<256xf32>
    %reduce_sum3A_738 = vector.multi_reduction <add>, %select_n3A_736, %reduce_sum3A_737 [1] : vector<256x512xf32> to vector<256xf32>
    %broadcast_in_dim3A_739 = vector.shape_cast %reduce_sum3A_738 : vector<256xf32> to vector<256x1xf32>
    %eq3A_740 = arith.constant 3.400000e+01 : f32
    %eq3A_741 = vector.broadcast %eq3A_740 : f32 to vector<1x64xf32>
    %eq3A_742 = arith.cmpf oeq, %convert_element_type3A_17, %eq3A_741 : vector<1x64xf32>
    %convert_element_type3A_743 = arith.extui %eq3A_742 : vector<1x64xi1> to vector<1x64xi32>
    %convert_element_type3A_744 = arith.sitofp %convert_element_type3A_743 : vector<1x64xi32> to vector<1x64xf32>
    %mul3A_745 = vector.broadcast %broadcast_in_dim3A_739 : vector<256x1xf32> to vector<256x64xf32>
    %mul3A_746 = vector.broadcast %convert_element_type3A_744 : vector<1x64xf32> to vector<256x64xf32>
    %mul3A_747 = arith.mulf %mul3A_745, %mul3A_746 : vector<256x64xf32>
    %add3A_748 = arith.addf %add3A_727, %mul3A_747 : vector<256x64xf32>
    %eq3A_749 = arith.constant 3.500000e+01 : f32
    %eq3A_750 = vector.broadcast %eq3A_749 : f32 to vector<256x512xf32>
    %eq3A_751 = arith.cmpf oeq, %dot_general3A_12, %eq3A_750 : vector<256x512xf32>
    %and3A_752 = arith.andi %le3A_5, %eq3A_751 : vector<256x512xi1>
    %jit3A_753 = arith.constant 0.000000e+00 : f32
    %broadcast_in_dim3A_754 = vector.shape_cast %convert_element_type3A_15 : vector<1x512xf32> to vector<1x512xf32>
    %broadcast_in_dim3A_755 = vector.broadcast %broadcast_in_dim3A_754 : vector<1x512xf32> to vector<256x512xf32>
    %broadcast_in_dim3A_756 = vector.broadcast %jit3A_753 : f32 to vector<256x512xf32>
    %select_n3A_757 = arith.select %and3A_752, %broadcast_in_dim3A_755, %broadcast_in_dim3A_756 : vector<256x512xi1>, vector<256x512xf32>
    %reduce_sum3A_758 = arith.constant dense<0.000000e+00> : vector<256xf32>
    %reduce_sum3A_759 = vector.multi_reduction <add>, %select_n3A_757, %reduce_sum3A_758 [1] : vector<256x512xf32> to vector<256xf32>
    %broadcast_in_dim3A_760 = vector.shape_cast %reduce_sum3A_759 : vector<256xf32> to vector<256x1xf32>
    %eq3A_761 = arith.constant 3.500000e+01 : f32
    %eq3A_762 = vector.broadcast %eq3A_761 : f32 to vector<1x64xf32>
    %eq3A_763 = arith.cmpf oeq, %convert_element_type3A_17, %eq3A_762 : vector<1x64xf32>
    %convert_element_type3A_764 = arith.extui %eq3A_763 : vector<1x64xi1> to vector<1x64xi32>
    %convert_element_type3A_765 = arith.sitofp %convert_element_type3A_764 : vector<1x64xi32> to vector<1x64xf32>
    %mul3A_766 = vector.broadcast %broadcast_in_dim3A_760 : vector<256x1xf32> to vector<256x64xf32>
    %mul3A_767 = vector.broadcast %convert_element_type3A_765 : vector<1x64xf32> to vector<256x64xf32>
    %mul3A_768 = arith.mulf %mul3A_766, %mul3A_767 : vector<256x64xf32>
    %add3A_769 = arith.addf %add3A_748, %mul3A_768 : vector<256x64xf32>
    %eq3A_770 = arith.constant 3.600000e+01 : f32
    %eq3A_771 = vector.broadcast %eq3A_770 : f32 to vector<256x512xf32>
    %eq3A_772 = arith.cmpf oeq, %dot_general3A_12, %eq3A_771 : vector<256x512xf32>
    %and3A_773 = arith.andi %le3A_5, %eq3A_772 : vector<256x512xi1>
    %jit3A_774 = arith.constant 0.000000e+00 : f32
    %broadcast_in_dim3A_775 = vector.shape_cast %convert_element_type3A_15 : vector<1x512xf32> to vector<1x512xf32>
    %broadcast_in_dim3A_776 = vector.broadcast %broadcast_in_dim3A_775 : vector<1x512xf32> to vector<256x512xf32>
    %broadcast_in_dim3A_777 = vector.broadcast %jit3A_774 : f32 to vector<256x512xf32>
    %select_n3A_778 = arith.select %and3A_773, %broadcast_in_dim3A_776, %broadcast_in_dim3A_777 : vector<256x512xi1>, vector<256x512xf32>
    %reduce_sum3A_779 = arith.constant dense<0.000000e+00> : vector<256xf32>
    %reduce_sum3A_780 = vector.multi_reduction <add>, %select_n3A_778, %reduce_sum3A_779 [1] : vector<256x512xf32> to vector<256xf32>
    %broadcast_in_dim3A_781 = vector.shape_cast %reduce_sum3A_780 : vector<256xf32> to vector<256x1xf32>
    %eq3A_782 = arith.constant 3.600000e+01 : f32
    %eq3A_783 = vector.broadcast %eq3A_782 : f32 to vector<1x64xf32>
    %eq3A_784 = arith.cmpf oeq, %convert_element_type3A_17, %eq3A_783 : vector<1x64xf32>
    %convert_element_type3A_785 = arith.extui %eq3A_784 : vector<1x64xi1> to vector<1x64xi32>
    %convert_element_type3A_786 = arith.sitofp %convert_element_type3A_785 : vector<1x64xi32> to vector<1x64xf32>
    %mul3A_787 = vector.broadcast %broadcast_in_dim3A_781 : vector<256x1xf32> to vector<256x64xf32>
    %mul3A_788 = vector.broadcast %convert_element_type3A_786 : vector<1x64xf32> to vector<256x64xf32>
    %mul3A_789 = arith.mulf %mul3A_787, %mul3A_788 : vector<256x64xf32>
    %add3A_790 = arith.addf %add3A_769, %mul3A_789 : vector<256x64xf32>
    %eq3A_791 = arith.constant 3.700000e+01 : f32
    %eq3A_792 = vector.broadcast %eq3A_791 : f32 to vector<256x512xf32>
    %eq3A_793 = arith.cmpf oeq, %dot_general3A_12, %eq3A_792 : vector<256x512xf32>
    %and3A_794 = arith.andi %le3A_5, %eq3A_793 : vector<256x512xi1>
    %jit3A_795 = arith.constant 0.000000e+00 : f32
    %broadcast_in_dim3A_796 = vector.shape_cast %convert_element_type3A_15 : vector<1x512xf32> to vector<1x512xf32>
    %broadcast_in_dim3A_797 = vector.broadcast %broadcast_in_dim3A_796 : vector<1x512xf32> to vector<256x512xf32>
    %broadcast_in_dim3A_798 = vector.broadcast %jit3A_795 : f32 to vector<256x512xf32>
    %select_n3A_799 = arith.select %and3A_794, %broadcast_in_dim3A_797, %broadcast_in_dim3A_798 : vector<256x512xi1>, vector<256x512xf32>
    %reduce_sum3A_800 = arith.constant dense<0.000000e+00> : vector<256xf32>
    %reduce_sum3A_801 = vector.multi_reduction <add>, %select_n3A_799, %reduce_sum3A_800 [1] : vector<256x512xf32> to vector<256xf32>
    %broadcast_in_dim3A_802 = vector.shape_cast %reduce_sum3A_801 : vector<256xf32> to vector<256x1xf32>
    %eq3A_803 = arith.constant 3.700000e+01 : f32
    %eq3A_804 = vector.broadcast %eq3A_803 : f32 to vector<1x64xf32>
    %eq3A_805 = arith.cmpf oeq, %convert_element_type3A_17, %eq3A_804 : vector<1x64xf32>
    %convert_element_type3A_806 = arith.extui %eq3A_805 : vector<1x64xi1> to vector<1x64xi32>
    %convert_element_type3A_807 = arith.sitofp %convert_element_type3A_806 : vector<1x64xi32> to vector<1x64xf32>
    %mul3A_808 = vector.broadcast %broadcast_in_dim3A_802 : vector<256x1xf32> to vector<256x64xf32>
    %mul3A_809 = vector.broadcast %convert_element_type3A_807 : vector<1x64xf32> to vector<256x64xf32>
    %mul3A_810 = arith.mulf %mul3A_808, %mul3A_809 : vector<256x64xf32>
    %add3A_811 = arith.addf %add3A_790, %mul3A_810 : vector<256x64xf32>
    %eq3A_812 = arith.constant 3.800000e+01 : f32
    %eq3A_813 = vector.broadcast %eq3A_812 : f32 to vector<256x512xf32>
    %eq3A_814 = arith.cmpf oeq, %dot_general3A_12, %eq3A_813 : vector<256x512xf32>
    %and3A_815 = arith.andi %le3A_5, %eq3A_814 : vector<256x512xi1>
    %jit3A_816 = arith.constant 0.000000e+00 : f32
    %broadcast_in_dim3A_817 = vector.shape_cast %convert_element_type3A_15 : vector<1x512xf32> to vector<1x512xf32>
    %broadcast_in_dim3A_818 = vector.broadcast %broadcast_in_dim3A_817 : vector<1x512xf32> to vector<256x512xf32>
    %broadcast_in_dim3A_819 = vector.broadcast %jit3A_816 : f32 to vector<256x512xf32>
    %select_n3A_820 = arith.select %and3A_815, %broadcast_in_dim3A_818, %broadcast_in_dim3A_819 : vector<256x512xi1>, vector<256x512xf32>
    %reduce_sum3A_821 = arith.constant dense<0.000000e+00> : vector<256xf32>
    %reduce_sum3A_822 = vector.multi_reduction <add>, %select_n3A_820, %reduce_sum3A_821 [1] : vector<256x512xf32> to vector<256xf32>
    %broadcast_in_dim3A_823 = vector.shape_cast %reduce_sum3A_822 : vector<256xf32> to vector<256x1xf32>
    %eq3A_824 = arith.constant 3.800000e+01 : f32
    %eq3A_825 = vector.broadcast %eq3A_824 : f32 to vector<1x64xf32>
    %eq3A_826 = arith.cmpf oeq, %convert_element_type3A_17, %eq3A_825 : vector<1x64xf32>
    %convert_element_type3A_827 = arith.extui %eq3A_826 : vector<1x64xi1> to vector<1x64xi32>
    %convert_element_type3A_828 = arith.sitofp %convert_element_type3A_827 : vector<1x64xi32> to vector<1x64xf32>
    %mul3A_829 = vector.broadcast %broadcast_in_dim3A_823 : vector<256x1xf32> to vector<256x64xf32>
    %mul3A_830 = vector.broadcast %convert_element_type3A_828 : vector<1x64xf32> to vector<256x64xf32>
    %mul3A_831 = arith.mulf %mul3A_829, %mul3A_830 : vector<256x64xf32>
    %add3A_832 = arith.addf %add3A_811, %mul3A_831 : vector<256x64xf32>
    %eq3A_833 = arith.constant 3.900000e+01 : f32
    %eq3A_834 = vector.broadcast %eq3A_833 : f32 to vector<256x512xf32>
    %eq3A_835 = arith.cmpf oeq, %dot_general3A_12, %eq3A_834 : vector<256x512xf32>
    %and3A_836 = arith.andi %le3A_5, %eq3A_835 : vector<256x512xi1>
    %jit3A_837 = arith.constant 0.000000e+00 : f32
    %broadcast_in_dim3A_838 = vector.shape_cast %convert_element_type3A_15 : vector<1x512xf32> to vector<1x512xf32>
    %broadcast_in_dim3A_839 = vector.broadcast %broadcast_in_dim3A_838 : vector<1x512xf32> to vector<256x512xf32>
    %broadcast_in_dim3A_840 = vector.broadcast %jit3A_837 : f32 to vector<256x512xf32>
    %select_n3A_841 = arith.select %and3A_836, %broadcast_in_dim3A_839, %broadcast_in_dim3A_840 : vector<256x512xi1>, vector<256x512xf32>
    %reduce_sum3A_842 = arith.constant dense<0.000000e+00> : vector<256xf32>
    %reduce_sum3A_843 = vector.multi_reduction <add>, %select_n3A_841, %reduce_sum3A_842 [1] : vector<256x512xf32> to vector<256xf32>
    %broadcast_in_dim3A_844 = vector.shape_cast %reduce_sum3A_843 : vector<256xf32> to vector<256x1xf32>
    %eq3A_845 = arith.constant 3.900000e+01 : f32
    %eq3A_846 = vector.broadcast %eq3A_845 : f32 to vector<1x64xf32>
    %eq3A_847 = arith.cmpf oeq, %convert_element_type3A_17, %eq3A_846 : vector<1x64xf32>
    %convert_element_type3A_848 = arith.extui %eq3A_847 : vector<1x64xi1> to vector<1x64xi32>
    %convert_element_type3A_849 = arith.sitofp %convert_element_type3A_848 : vector<1x64xi32> to vector<1x64xf32>
    %mul3A_850 = vector.broadcast %broadcast_in_dim3A_844 : vector<256x1xf32> to vector<256x64xf32>
    %mul3A_851 = vector.broadcast %convert_element_type3A_849 : vector<1x64xf32> to vector<256x64xf32>
    %mul3A_852 = arith.mulf %mul3A_850, %mul3A_851 : vector<256x64xf32>
    %add3A_853 = arith.addf %add3A_832, %mul3A_852 : vector<256x64xf32>
    %eq3A_854 = arith.constant 4.000000e+01 : f32
    %eq3A_855 = vector.broadcast %eq3A_854 : f32 to vector<256x512xf32>
    %eq3A_856 = arith.cmpf oeq, %dot_general3A_12, %eq3A_855 : vector<256x512xf32>
    %and3A_857 = arith.andi %le3A_5, %eq3A_856 : vector<256x512xi1>
    %jit3A_858 = arith.constant 0.000000e+00 : f32
    %broadcast_in_dim3A_859 = vector.shape_cast %convert_element_type3A_15 : vector<1x512xf32> to vector<1x512xf32>
    %broadcast_in_dim3A_860 = vector.broadcast %broadcast_in_dim3A_859 : vector<1x512xf32> to vector<256x512xf32>
    %broadcast_in_dim3A_861 = vector.broadcast %jit3A_858 : f32 to vector<256x512xf32>
    %select_n3A_862 = arith.select %and3A_857, %broadcast_in_dim3A_860, %broadcast_in_dim3A_861 : vector<256x512xi1>, vector<256x512xf32>
    %reduce_sum3A_863 = arith.constant dense<0.000000e+00> : vector<256xf32>
    %reduce_sum3A_864 = vector.multi_reduction <add>, %select_n3A_862, %reduce_sum3A_863 [1] : vector<256x512xf32> to vector<256xf32>
    %broadcast_in_dim3A_865 = vector.shape_cast %reduce_sum3A_864 : vector<256xf32> to vector<256x1xf32>
    %eq3A_866 = arith.constant 4.000000e+01 : f32
    %eq3A_867 = vector.broadcast %eq3A_866 : f32 to vector<1x64xf32>
    %eq3A_868 = arith.cmpf oeq, %convert_element_type3A_17, %eq3A_867 : vector<1x64xf32>
    %convert_element_type3A_869 = arith.extui %eq3A_868 : vector<1x64xi1> to vector<1x64xi32>
    %convert_element_type3A_870 = arith.sitofp %convert_element_type3A_869 : vector<1x64xi32> to vector<1x64xf32>
    %mul3A_871 = vector.broadcast %broadcast_in_dim3A_865 : vector<256x1xf32> to vector<256x64xf32>
    %mul3A_872 = vector.broadcast %convert_element_type3A_870 : vector<1x64xf32> to vector<256x64xf32>
    %mul3A_873 = arith.mulf %mul3A_871, %mul3A_872 : vector<256x64xf32>
    %add3A_874 = arith.addf %add3A_853, %mul3A_873 : vector<256x64xf32>
    %eq3A_875 = arith.constant 4.100000e+01 : f32
    %eq3A_876 = vector.broadcast %eq3A_875 : f32 to vector<256x512xf32>
    %eq3A_877 = arith.cmpf oeq, %dot_general3A_12, %eq3A_876 : vector<256x512xf32>
    %and3A_878 = arith.andi %le3A_5, %eq3A_877 : vector<256x512xi1>
    %jit3A_879 = arith.constant 0.000000e+00 : f32
    %broadcast_in_dim3A_880 = vector.shape_cast %convert_element_type3A_15 : vector<1x512xf32> to vector<1x512xf32>
    %broadcast_in_dim3A_881 = vector.broadcast %broadcast_in_dim3A_880 : vector<1x512xf32> to vector<256x512xf32>
    %broadcast_in_dim3A_882 = vector.broadcast %jit3A_879 : f32 to vector<256x512xf32>
    %select_n3A_883 = arith.select %and3A_878, %broadcast_in_dim3A_881, %broadcast_in_dim3A_882 : vector<256x512xi1>, vector<256x512xf32>
    %reduce_sum3A_884 = arith.constant dense<0.000000e+00> : vector<256xf32>
    %reduce_sum3A_885 = vector.multi_reduction <add>, %select_n3A_883, %reduce_sum3A_884 [1] : vector<256x512xf32> to vector<256xf32>
    %broadcast_in_dim3A_886 = vector.shape_cast %reduce_sum3A_885 : vector<256xf32> to vector<256x1xf32>
    %eq3A_887 = arith.constant 4.100000e+01 : f32
    %eq3A_888 = vector.broadcast %eq3A_887 : f32 to vector<1x64xf32>
    %eq3A_889 = arith.cmpf oeq, %convert_element_type3A_17, %eq3A_888 : vector<1x64xf32>
    %convert_element_type3A_890 = arith.extui %eq3A_889 : vector<1x64xi1> to vector<1x64xi32>
    %convert_element_type3A_891 = arith.sitofp %convert_element_type3A_890 : vector<1x64xi32> to vector<1x64xf32>
    %mul3A_892 = vector.broadcast %broadcast_in_dim3A_886 : vector<256x1xf32> to vector<256x64xf32>
    %mul3A_893 = vector.broadcast %convert_element_type3A_891 : vector<1x64xf32> to vector<256x64xf32>
    %mul3A_894 = arith.mulf %mul3A_892, %mul3A_893 : vector<256x64xf32>
    %add3A_895 = arith.addf %add3A_874, %mul3A_894 : vector<256x64xf32>
    %eq3A_896 = arith.constant 4.200000e+01 : f32
    %eq3A_897 = vector.broadcast %eq3A_896 : f32 to vector<256x512xf32>
    %eq3A_898 = arith.cmpf oeq, %dot_general3A_12, %eq3A_897 : vector<256x512xf32>
    %and3A_899 = arith.andi %le3A_5, %eq3A_898 : vector<256x512xi1>
    %jit3A_900 = arith.constant 0.000000e+00 : f32
    %broadcast_in_dim3A_901 = vector.shape_cast %convert_element_type3A_15 : vector<1x512xf32> to vector<1x512xf32>
    %broadcast_in_dim3A_902 = vector.broadcast %broadcast_in_dim3A_901 : vector<1x512xf32> to vector<256x512xf32>
    %broadcast_in_dim3A_903 = vector.broadcast %jit3A_900 : f32 to vector<256x512xf32>
    %select_n3A_904 = arith.select %and3A_899, %broadcast_in_dim3A_902, %broadcast_in_dim3A_903 : vector<256x512xi1>, vector<256x512xf32>
    %reduce_sum3A_905 = arith.constant dense<0.000000e+00> : vector<256xf32>
    %reduce_sum3A_906 = vector.multi_reduction <add>, %select_n3A_904, %reduce_sum3A_905 [1] : vector<256x512xf32> to vector<256xf32>
    %broadcast_in_dim3A_907 = vector.shape_cast %reduce_sum3A_906 : vector<256xf32> to vector<256x1xf32>
    %eq3A_908 = arith.constant 4.200000e+01 : f32
    %eq3A_909 = vector.broadcast %eq3A_908 : f32 to vector<1x64xf32>
    %eq3A_910 = arith.cmpf oeq, %convert_element_type3A_17, %eq3A_909 : vector<1x64xf32>
    %convert_element_type3A_911 = arith.extui %eq3A_910 : vector<1x64xi1> to vector<1x64xi32>
    %convert_element_type3A_912 = arith.sitofp %convert_element_type3A_911 : vector<1x64xi32> to vector<1x64xf32>
    %mul3A_913 = vector.broadcast %broadcast_in_dim3A_907 : vector<256x1xf32> to vector<256x64xf32>
    %mul3A_914 = vector.broadcast %convert_element_type3A_912 : vector<1x64xf32> to vector<256x64xf32>
    %mul3A_915 = arith.mulf %mul3A_913, %mul3A_914 : vector<256x64xf32>
    %add3A_916 = arith.addf %add3A_895, %mul3A_915 : vector<256x64xf32>
    %eq3A_917 = arith.constant 4.300000e+01 : f32
    %eq3A_918 = vector.broadcast %eq3A_917 : f32 to vector<256x512xf32>
    %eq3A_919 = arith.cmpf oeq, %dot_general3A_12, %eq3A_918 : vector<256x512xf32>
    %and3A_920 = arith.andi %le3A_5, %eq3A_919 : vector<256x512xi1>
    %jit3A_921 = arith.constant 0.000000e+00 : f32
    %broadcast_in_dim3A_922 = vector.shape_cast %convert_element_type3A_15 : vector<1x512xf32> to vector<1x512xf32>
    %broadcast_in_dim3A_923 = vector.broadcast %broadcast_in_dim3A_922 : vector<1x512xf32> to vector<256x512xf32>
    %broadcast_in_dim3A_924 = vector.broadcast %jit3A_921 : f32 to vector<256x512xf32>
    %select_n3A_925 = arith.select %and3A_920, %broadcast_in_dim3A_923, %broadcast_in_dim3A_924 : vector<256x512xi1>, vector<256x512xf32>
    %reduce_sum3A_926 = arith.constant dense<0.000000e+00> : vector<256xf32>
    %reduce_sum3A_927 = vector.multi_reduction <add>, %select_n3A_925, %reduce_sum3A_926 [1] : vector<256x512xf32> to vector<256xf32>
    %broadcast_in_dim3A_928 = vector.shape_cast %reduce_sum3A_927 : vector<256xf32> to vector<256x1xf32>
    %eq3A_929 = arith.constant 4.300000e+01 : f32
    %eq3A_930 = vector.broadcast %eq3A_929 : f32 to vector<1x64xf32>
    %eq3A_931 = arith.cmpf oeq, %convert_element_type3A_17, %eq3A_930 : vector<1x64xf32>
    %convert_element_type3A_932 = arith.extui %eq3A_931 : vector<1x64xi1> to vector<1x64xi32>
    %convert_element_type3A_933 = arith.sitofp %convert_element_type3A_932 : vector<1x64xi32> to vector<1x64xf32>
    %mul3A_934 = vector.broadcast %broadcast_in_dim3A_928 : vector<256x1xf32> to vector<256x64xf32>
    %mul3A_935 = vector.broadcast %convert_element_type3A_933 : vector<1x64xf32> to vector<256x64xf32>
    %mul3A_936 = arith.mulf %mul3A_934, %mul3A_935 : vector<256x64xf32>
    %add3A_937 = arith.addf %add3A_916, %mul3A_936 : vector<256x64xf32>
    %eq3A_938 = arith.constant 4.400000e+01 : f32
    %eq3A_939 = vector.broadcast %eq3A_938 : f32 to vector<256x512xf32>
    %eq3A_940 = arith.cmpf oeq, %dot_general3A_12, %eq3A_939 : vector<256x512xf32>
    %and3A_941 = arith.andi %le3A_5, %eq3A_940 : vector<256x512xi1>
    %jit3A_942 = arith.constant 0.000000e+00 : f32
    %broadcast_in_dim3A_943 = vector.shape_cast %convert_element_type3A_15 : vector<1x512xf32> to vector<1x512xf32>
    %broadcast_in_dim3A_944 = vector.broadcast %broadcast_in_dim3A_943 : vector<1x512xf32> to vector<256x512xf32>
    %broadcast_in_dim3A_945 = vector.broadcast %jit3A_942 : f32 to vector<256x512xf32>
    %select_n3A_946 = arith.select %and3A_941, %broadcast_in_dim3A_944, %broadcast_in_dim3A_945 : vector<256x512xi1>, vector<256x512xf32>
    %reduce_sum3A_947 = arith.constant dense<0.000000e+00> : vector<256xf32>
    %reduce_sum3A_948 = vector.multi_reduction <add>, %select_n3A_946, %reduce_sum3A_947 [1] : vector<256x512xf32> to vector<256xf32>
    %broadcast_in_dim3A_949 = vector.shape_cast %reduce_sum3A_948 : vector<256xf32> to vector<256x1xf32>
    %eq3A_950 = arith.constant 4.400000e+01 : f32
    %eq3A_951 = vector.broadcast %eq3A_950 : f32 to vector<1x64xf32>
    %eq3A_952 = arith.cmpf oeq, %convert_element_type3A_17, %eq3A_951 : vector<1x64xf32>
    %convert_element_type3A_953 = arith.extui %eq3A_952 : vector<1x64xi1> to vector<1x64xi32>
    %convert_element_type3A_954 = arith.sitofp %convert_element_type3A_953 : vector<1x64xi32> to vector<1x64xf32>
    %mul3A_955 = vector.broadcast %broadcast_in_dim3A_949 : vector<256x1xf32> to vector<256x64xf32>
    %mul3A_956 = vector.broadcast %convert_element_type3A_954 : vector<1x64xf32> to vector<256x64xf32>
    %mul3A_957 = arith.mulf %mul3A_955, %mul3A_956 : vector<256x64xf32>
    %add3A_958 = arith.addf %add3A_937, %mul3A_957 : vector<256x64xf32>
    %eq3A_959 = arith.constant 4.500000e+01 : f32
    %eq3A_960 = vector.broadcast %eq3A_959 : f32 to vector<256x512xf32>
    %eq3A_961 = arith.cmpf oeq, %dot_general3A_12, %eq3A_960 : vector<256x512xf32>
    %and3A_962 = arith.andi %le3A_5, %eq3A_961 : vector<256x512xi1>
    %jit3A_963 = arith.constant 0.000000e+00 : f32
    %broadcast_in_dim3A_964 = vector.shape_cast %convert_element_type3A_15 : vector<1x512xf32> to vector<1x512xf32>
    %broadcast_in_dim3A_965 = vector.broadcast %broadcast_in_dim3A_964 : vector<1x512xf32> to vector<256x512xf32>
    %broadcast_in_dim3A_966 = vector.broadcast %jit3A_963 : f32 to vector<256x512xf32>
    %select_n3A_967 = arith.select %and3A_962, %broadcast_in_dim3A_965, %broadcast_in_dim3A_966 : vector<256x512xi1>, vector<256x512xf32>
    %reduce_sum3A_968 = arith.constant dense<0.000000e+00> : vector<256xf32>
    %reduce_sum3A_969 = vector.multi_reduction <add>, %select_n3A_967, %reduce_sum3A_968 [1] : vector<256x512xf32> to vector<256xf32>
    %broadcast_in_dim3A_970 = vector.shape_cast %reduce_sum3A_969 : vector<256xf32> to vector<256x1xf32>
    %eq3A_971 = arith.constant 4.500000e+01 : f32
    %eq3A_972 = vector.broadcast %eq3A_971 : f32 to vector<1x64xf32>
    %eq3A_973 = arith.cmpf oeq, %convert_element_type3A_17, %eq3A_972 : vector<1x64xf32>
    %convert_element_type3A_974 = arith.extui %eq3A_973 : vector<1x64xi1> to vector<1x64xi32>
    %convert_element_type3A_975 = arith.sitofp %convert_element_type3A_974 : vector<1x64xi32> to vector<1x64xf32>
    %mul3A_976 = vector.broadcast %broadcast_in_dim3A_970 : vector<256x1xf32> to vector<256x64xf32>
    %mul3A_977 = vector.broadcast %convert_element_type3A_975 : vector<1x64xf32> to vector<256x64xf32>
    %mul3A_978 = arith.mulf %mul3A_976, %mul3A_977 : vector<256x64xf32>
    %add3A_979 = arith.addf %add3A_958, %mul3A_978 : vector<256x64xf32>
    %eq3A_980 = arith.constant 4.600000e+01 : f32
    %eq3A_981 = vector.broadcast %eq3A_980 : f32 to vector<256x512xf32>
    %eq3A_982 = arith.cmpf oeq, %dot_general3A_12, %eq3A_981 : vector<256x512xf32>
    %and3A_983 = arith.andi %le3A_5, %eq3A_982 : vector<256x512xi1>
    %jit3A_984 = arith.constant 0.000000e+00 : f32
    %broadcast_in_dim3A_985 = vector.shape_cast %convert_element_type3A_15 : vector<1x512xf32> to vector<1x512xf32>
    %broadcast_in_dim3A_986 = vector.broadcast %broadcast_in_dim3A_985 : vector<1x512xf32> to vector<256x512xf32>
    %broadcast_in_dim3A_987 = vector.broadcast %jit3A_984 : f32 to vector<256x512xf32>
    %select_n3A_988 = arith.select %and3A_983, %broadcast_in_dim3A_986, %broadcast_in_dim3A_987 : vector<256x512xi1>, vector<256x512xf32>
    %reduce_sum3A_989 = arith.constant dense<0.000000e+00> : vector<256xf32>
    %reduce_sum3A_990 = vector.multi_reduction <add>, %select_n3A_988, %reduce_sum3A_989 [1] : vector<256x512xf32> to vector<256xf32>
    %broadcast_in_dim3A_991 = vector.shape_cast %reduce_sum3A_990 : vector<256xf32> to vector<256x1xf32>
    %eq3A_992 = arith.constant 4.600000e+01 : f32
    %eq3A_993 = vector.broadcast %eq3A_992 : f32 to vector<1x64xf32>
    %eq3A_994 = arith.cmpf oeq, %convert_element_type3A_17, %eq3A_993 : vector<1x64xf32>
    %convert_element_type3A_995 = arith.extui %eq3A_994 : vector<1x64xi1> to vector<1x64xi32>
    %convert_element_type3A_996 = arith.sitofp %convert_element_type3A_995 : vector<1x64xi32> to vector<1x64xf32>
    %mul3A_997 = vector.broadcast %broadcast_in_dim3A_991 : vector<256x1xf32> to vector<256x64xf32>
    %mul3A_998 = vector.broadcast %convert_element_type3A_996 : vector<1x64xf32> to vector<256x64xf32>
    %mul3A_999 = arith.mulf %mul3A_997, %mul3A_998 : vector<256x64xf32>
    %add3A_1000 = arith.addf %add3A_979, %mul3A_999 : vector<256x64xf32>
    %eq3A_1001 = arith.constant 4.700000e+01 : f32
    %eq3A_1002 = vector.broadcast %eq3A_1001 : f32 to vector<256x512xf32>
    %eq3A_1003 = arith.cmpf oeq, %dot_general3A_12, %eq3A_1002 : vector<256x512xf32>
    %and3A_1004 = arith.andi %le3A_5, %eq3A_1003 : vector<256x512xi1>
    %jit3A_1005 = arith.constant 0.000000e+00 : f32
    %broadcast_in_dim3A_1006 = vector.shape_cast %convert_element_type3A_15 : vector<1x512xf32> to vector<1x512xf32>
    %broadcast_in_dim3A_1007 = vector.broadcast %broadcast_in_dim3A_1006 : vector<1x512xf32> to vector<256x512xf32>
    %broadcast_in_dim3A_1008 = vector.broadcast %jit3A_1005 : f32 to vector<256x512xf32>
    %select_n3A_1009 = arith.select %and3A_1004, %broadcast_in_dim3A_1007, %broadcast_in_dim3A_1008 : vector<256x512xi1>, vector<256x512xf32>
    %reduce_sum3A_1010 = arith.constant dense<0.000000e+00> : vector<256xf32>
    %reduce_sum3A_1011 = vector.multi_reduction <add>, %select_n3A_1009, %reduce_sum3A_1010 [1] : vector<256x512xf32> to vector<256xf32>
    %broadcast_in_dim3A_1012 = vector.shape_cast %reduce_sum3A_1011 : vector<256xf32> to vector<256x1xf32>
    %eq3A_1013 = arith.constant 4.700000e+01 : f32
    %eq3A_1014 = vector.broadcast %eq3A_1013 : f32 to vector<1x64xf32>
    %eq3A_1015 = arith.cmpf oeq, %convert_element_type3A_17, %eq3A_1014 : vector<1x64xf32>
    %convert_element_type3A_1016 = arith.extui %eq3A_1015 : vector<1x64xi1> to vector<1x64xi32>
    %convert_element_type3A_1017 = arith.sitofp %convert_element_type3A_1016 : vector<1x64xi32> to vector<1x64xf32>
    %mul3A_1018 = vector.broadcast %broadcast_in_dim3A_1012 : vector<256x1xf32> to vector<256x64xf32>
    %mul3A_1019 = vector.broadcast %convert_element_type3A_1017 : vector<1x64xf32> to vector<256x64xf32>
    %mul3A_1020 = arith.mulf %mul3A_1018, %mul3A_1019 : vector<256x64xf32>
    %add3A_1021 = arith.addf %add3A_1000, %mul3A_1020 : vector<256x64xf32>
    %eq3A_1022 = arith.constant 4.800000e+01 : f32
    %eq3A_1023 = vector.broadcast %eq3A_1022 : f32 to vector<256x512xf32>
    %eq3A_1024 = arith.cmpf oeq, %dot_general3A_12, %eq3A_1023 : vector<256x512xf32>
    %and3A_1025 = arith.andi %le3A_5, %eq3A_1024 : vector<256x512xi1>
    %jit3A_1026 = arith.constant 0.000000e+00 : f32
    %broadcast_in_dim3A_1027 = vector.shape_cast %convert_element_type3A_15 : vector<1x512xf32> to vector<1x512xf32>
    %broadcast_in_dim3A_1028 = vector.broadcast %broadcast_in_dim3A_1027 : vector<1x512xf32> to vector<256x512xf32>
    %broadcast_in_dim3A_1029 = vector.broadcast %jit3A_1026 : f32 to vector<256x512xf32>
    %select_n3A_1030 = arith.select %and3A_1025, %broadcast_in_dim3A_1028, %broadcast_in_dim3A_1029 : vector<256x512xi1>, vector<256x512xf32>
    %reduce_sum3A_1031 = arith.constant dense<0.000000e+00> : vector<256xf32>
    %reduce_sum3A_1032 = vector.multi_reduction <add>, %select_n3A_1030, %reduce_sum3A_1031 [1] : vector<256x512xf32> to vector<256xf32>
    %broadcast_in_dim3A_1033 = vector.shape_cast %reduce_sum3A_1032 : vector<256xf32> to vector<256x1xf32>
    %eq3A_1034 = arith.constant 4.800000e+01 : f32
    %eq3A_1035 = vector.broadcast %eq3A_1034 : f32 to vector<1x64xf32>
    %eq3A_1036 = arith.cmpf oeq, %convert_element_type3A_17, %eq3A_1035 : vector<1x64xf32>
    %convert_element_type3A_1037 = arith.extui %eq3A_1036 : vector<1x64xi1> to vector<1x64xi32>
    %convert_element_type3A_1038 = arith.sitofp %convert_element_type3A_1037 : vector<1x64xi32> to vector<1x64xf32>
    %mul3A_1039 = vector.broadcast %broadcast_in_dim3A_1033 : vector<256x1xf32> to vector<256x64xf32>
    %mul3A_1040 = vector.broadcast %convert_element_type3A_1038 : vector<1x64xf32> to vector<256x64xf32>
    %mul3A_1041 = arith.mulf %mul3A_1039, %mul3A_1040 : vector<256x64xf32>
    %add3A_1042 = arith.addf %add3A_1021, %mul3A_1041 : vector<256x64xf32>
    %eq3A_1043 = arith.constant 4.900000e+01 : f32
    %eq3A_1044 = vector.broadcast %eq3A_1043 : f32 to vector<256x512xf32>
    %eq3A_1045 = arith.cmpf oeq, %dot_general3A_12, %eq3A_1044 : vector<256x512xf32>
    %and3A_1046 = arith.andi %le3A_5, %eq3A_1045 : vector<256x512xi1>
    %jit3A_1047 = arith.constant 0.000000e+00 : f32
    %broadcast_in_dim3A_1048 = vector.shape_cast %convert_element_type3A_15 : vector<1x512xf32> to vector<1x512xf32>
    %broadcast_in_dim3A_1049 = vector.broadcast %broadcast_in_dim3A_1048 : vector<1x512xf32> to vector<256x512xf32>
    %broadcast_in_dim3A_1050 = vector.broadcast %jit3A_1047 : f32 to vector<256x512xf32>
    %select_n3A_1051 = arith.select %and3A_1046, %broadcast_in_dim3A_1049, %broadcast_in_dim3A_1050 : vector<256x512xi1>, vector<256x512xf32>
    %reduce_sum3A_1052 = arith.constant dense<0.000000e+00> : vector<256xf32>
    %reduce_sum3A_1053 = vector.multi_reduction <add>, %select_n3A_1051, %reduce_sum3A_1052 [1] : vector<256x512xf32> to vector<256xf32>
    %broadcast_in_dim3A_1054 = vector.shape_cast %reduce_sum3A_1053 : vector<256xf32> to vector<256x1xf32>
    %eq3A_1055 = arith.constant 4.900000e+01 : f32
    %eq3A_1056 = vector.broadcast %eq3A_1055 : f32 to vector<1x64xf32>
    %eq3A_1057 = arith.cmpf oeq, %convert_element_type3A_17, %eq3A_1056 : vector<1x64xf32>
    %convert_element_type3A_1058 = arith.extui %eq3A_1057 : vector<1x64xi1> to vector<1x64xi32>
    %convert_element_type3A_1059 = arith.sitofp %convert_element_type3A_1058 : vector<1x64xi32> to vector<1x64xf32>
    %mul3A_1060 = vector.broadcast %broadcast_in_dim3A_1054 : vector<256x1xf32> to vector<256x64xf32>
    %mul3A_1061 = vector.broadcast %convert_element_type3A_1059 : vector<1x64xf32> to vector<256x64xf32>
    %mul3A_1062 = arith.mulf %mul3A_1060, %mul3A_1061 : vector<256x64xf32>
    %add3A_1063 = arith.addf %add3A_1042, %mul3A_1062 : vector<256x64xf32>
    %eq3A_1064 = arith.constant 5.000000e+01 : f32
    %eq3A_1065 = vector.broadcast %eq3A_1064 : f32 to vector<256x512xf32>
    %eq3A_1066 = arith.cmpf oeq, %dot_general3A_12, %eq3A_1065 : vector<256x512xf32>
    %and3A_1067 = arith.andi %le3A_5, %eq3A_1066 : vector<256x512xi1>
    %jit3A_1068 = arith.constant 0.000000e+00 : f32
    %broadcast_in_dim3A_1069 = vector.shape_cast %convert_element_type3A_15 : vector<1x512xf32> to vector<1x512xf32>
    %broadcast_in_dim3A_1070 = vector.broadcast %broadcast_in_dim3A_1069 : vector<1x512xf32> to vector<256x512xf32>
    %broadcast_in_dim3A_1071 = vector.broadcast %jit3A_1068 : f32 to vector<256x512xf32>
    %select_n3A_1072 = arith.select %and3A_1067, %broadcast_in_dim3A_1070, %broadcast_in_dim3A_1071 : vector<256x512xi1>, vector<256x512xf32>
    %reduce_sum3A_1073 = arith.constant dense<0.000000e+00> : vector<256xf32>
    %reduce_sum3A_1074 = vector.multi_reduction <add>, %select_n3A_1072, %reduce_sum3A_1073 [1] : vector<256x512xf32> to vector<256xf32>
    %broadcast_in_dim3A_1075 = vector.shape_cast %reduce_sum3A_1074 : vector<256xf32> to vector<256x1xf32>
    %eq3A_1076 = arith.constant 5.000000e+01 : f32
    %eq3A_1077 = vector.broadcast %eq3A_1076 : f32 to vector<1x64xf32>
    %eq3A_1078 = arith.cmpf oeq, %convert_element_type3A_17, %eq3A_1077 : vector<1x64xf32>
    %convert_element_type3A_1079 = arith.extui %eq3A_1078 : vector<1x64xi1> to vector<1x64xi32>
    %convert_element_type3A_1080 = arith.sitofp %convert_element_type3A_1079 : vector<1x64xi32> to vector<1x64xf32>
    %mul3A_1081 = vector.broadcast %broadcast_in_dim3A_1075 : vector<256x1xf32> to vector<256x64xf32>
    %mul3A_1082 = vector.broadcast %convert_element_type3A_1080 : vector<1x64xf32> to vector<256x64xf32>
    %mul3A_1083 = arith.mulf %mul3A_1081, %mul3A_1082 : vector<256x64xf32>
    %add3A_1084 = arith.addf %add3A_1063, %mul3A_1083 : vector<256x64xf32>
    %eq3A_1085 = arith.constant 5.100000e+01 : f32
    %eq3A_1086 = vector.broadcast %eq3A_1085 : f32 to vector<256x512xf32>
    %eq3A_1087 = arith.cmpf oeq, %dot_general3A_12, %eq3A_1086 : vector<256x512xf32>
    %and3A_1088 = arith.andi %le3A_5, %eq3A_1087 : vector<256x512xi1>
    %jit3A_1089 = arith.constant 0.000000e+00 : f32
    %broadcast_in_dim3A_1090 = vector.shape_cast %convert_element_type3A_15 : vector<1x512xf32> to vector<1x512xf32>
    %broadcast_in_dim3A_1091 = vector.broadcast %broadcast_in_dim3A_1090 : vector<1x512xf32> to vector<256x512xf32>
    %broadcast_in_dim3A_1092 = vector.broadcast %jit3A_1089 : f32 to vector<256x512xf32>
    %select_n3A_1093 = arith.select %and3A_1088, %broadcast_in_dim3A_1091, %broadcast_in_dim3A_1092 : vector<256x512xi1>, vector<256x512xf32>
    %reduce_sum3A_1094 = arith.constant dense<0.000000e+00> : vector<256xf32>
    %reduce_sum3A_1095 = vector.multi_reduction <add>, %select_n3A_1093, %reduce_sum3A_1094 [1] : vector<256x512xf32> to vector<256xf32>
    %broadcast_in_dim3A_1096 = vector.shape_cast %reduce_sum3A_1095 : vector<256xf32> to vector<256x1xf32>
    %eq3A_1097 = arith.constant 5.100000e+01 : f32
    %eq3A_1098 = vector.broadcast %eq3A_1097 : f32 to vector<1x64xf32>
    %eq3A_1099 = arith.cmpf oeq, %convert_element_type3A_17, %eq3A_1098 : vector<1x64xf32>
    %convert_element_type3A_1100 = arith.extui %eq3A_1099 : vector<1x64xi1> to vector<1x64xi32>
    %convert_element_type3A_1101 = arith.sitofp %convert_element_type3A_1100 : vector<1x64xi32> to vector<1x64xf32>
    %mul3A_1102 = vector.broadcast %broadcast_in_dim3A_1096 : vector<256x1xf32> to vector<256x64xf32>
    %mul3A_1103 = vector.broadcast %convert_element_type3A_1101 : vector<1x64xf32> to vector<256x64xf32>
    %mul3A_1104 = arith.mulf %mul3A_1102, %mul3A_1103 : vector<256x64xf32>
    %add3A_1105 = arith.addf %add3A_1084, %mul3A_1104 : vector<256x64xf32>
    %eq3A_1106 = arith.constant 5.200000e+01 : f32
    %eq3A_1107 = vector.broadcast %eq3A_1106 : f32 to vector<256x512xf32>
    %eq3A_1108 = arith.cmpf oeq, %dot_general3A_12, %eq3A_1107 : vector<256x512xf32>
    %and3A_1109 = arith.andi %le3A_5, %eq3A_1108 : vector<256x512xi1>
    %jit3A_1110 = arith.constant 0.000000e+00 : f32
    %broadcast_in_dim3A_1111 = vector.shape_cast %convert_element_type3A_15 : vector<1x512xf32> to vector<1x512xf32>
    %broadcast_in_dim3A_1112 = vector.broadcast %broadcast_in_dim3A_1111 : vector<1x512xf32> to vector<256x512xf32>
    %broadcast_in_dim3A_1113 = vector.broadcast %jit3A_1110 : f32 to vector<256x512xf32>
    %select_n3A_1114 = arith.select %and3A_1109, %broadcast_in_dim3A_1112, %broadcast_in_dim3A_1113 : vector<256x512xi1>, vector<256x512xf32>
    %reduce_sum3A_1115 = arith.constant dense<0.000000e+00> : vector<256xf32>
    %reduce_sum3A_1116 = vector.multi_reduction <add>, %select_n3A_1114, %reduce_sum3A_1115 [1] : vector<256x512xf32> to vector<256xf32>
    %broadcast_in_dim3A_1117 = vector.shape_cast %reduce_sum3A_1116 : vector<256xf32> to vector<256x1xf32>
    %eq3A_1118 = arith.constant 5.200000e+01 : f32
    %eq3A_1119 = vector.broadcast %eq3A_1118 : f32 to vector<1x64xf32>
    %eq3A_1120 = arith.cmpf oeq, %convert_element_type3A_17, %eq3A_1119 : vector<1x64xf32>
    %convert_element_type3A_1121 = arith.extui %eq3A_1120 : vector<1x64xi1> to vector<1x64xi32>
    %convert_element_type3A_1122 = arith.sitofp %convert_element_type3A_1121 : vector<1x64xi32> to vector<1x64xf32>
    %mul3A_1123 = vector.broadcast %broadcast_in_dim3A_1117 : vector<256x1xf32> to vector<256x64xf32>
    %mul3A_1124 = vector.broadcast %convert_element_type3A_1122 : vector<1x64xf32> to vector<256x64xf32>
    %mul3A_1125 = arith.mulf %mul3A_1123, %mul3A_1124 : vector<256x64xf32>
    %add3A_1126 = arith.addf %add3A_1105, %mul3A_1125 : vector<256x64xf32>
    %eq3A_1127 = arith.constant 5.300000e+01 : f32
    %eq3A_1128 = vector.broadcast %eq3A_1127 : f32 to vector<256x512xf32>
    %eq3A_1129 = arith.cmpf oeq, %dot_general3A_12, %eq3A_1128 : vector<256x512xf32>
    %and3A_1130 = arith.andi %le3A_5, %eq3A_1129 : vector<256x512xi1>
    %jit3A_1131 = arith.constant 0.000000e+00 : f32
    %broadcast_in_dim3A_1132 = vector.shape_cast %convert_element_type3A_15 : vector<1x512xf32> to vector<1x512xf32>
    %broadcast_in_dim3A_1133 = vector.broadcast %broadcast_in_dim3A_1132 : vector<1x512xf32> to vector<256x512xf32>
    %broadcast_in_dim3A_1134 = vector.broadcast %jit3A_1131 : f32 to vector<256x512xf32>
    %select_n3A_1135 = arith.select %and3A_1130, %broadcast_in_dim3A_1133, %broadcast_in_dim3A_1134 : vector<256x512xi1>, vector<256x512xf32>
    %reduce_sum3A_1136 = arith.constant dense<0.000000e+00> : vector<256xf32>
    %reduce_sum3A_1137 = vector.multi_reduction <add>, %select_n3A_1135, %reduce_sum3A_1136 [1] : vector<256x512xf32> to vector<256xf32>
    %broadcast_in_dim3A_1138 = vector.shape_cast %reduce_sum3A_1137 : vector<256xf32> to vector<256x1xf32>
    %eq3A_1139 = arith.constant 5.300000e+01 : f32
    %eq3A_1140 = vector.broadcast %eq3A_1139 : f32 to vector<1x64xf32>
    %eq3A_1141 = arith.cmpf oeq, %convert_element_type3A_17, %eq3A_1140 : vector<1x64xf32>
    %convert_element_type3A_1142 = arith.extui %eq3A_1141 : vector<1x64xi1> to vector<1x64xi32>
    %convert_element_type3A_1143 = arith.sitofp %convert_element_type3A_1142 : vector<1x64xi32> to vector<1x64xf32>
    %mul3A_1144 = vector.broadcast %broadcast_in_dim3A_1138 : vector<256x1xf32> to vector<256x64xf32>
    %mul3A_1145 = vector.broadcast %convert_element_type3A_1143 : vector<1x64xf32> to vector<256x64xf32>
    %mul3A_1146 = arith.mulf %mul3A_1144, %mul3A_1145 : vector<256x64xf32>
    %add3A_1147 = arith.addf %add3A_1126, %mul3A_1146 : vector<256x64xf32>
    %eq3A_1148 = arith.constant 5.400000e+01 : f32
    %eq3A_1149 = vector.broadcast %eq3A_1148 : f32 to vector<256x512xf32>
    %eq3A_1150 = arith.cmpf oeq, %dot_general3A_12, %eq3A_1149 : vector<256x512xf32>
    %and3A_1151 = arith.andi %le3A_5, %eq3A_1150 : vector<256x512xi1>
    %jit3A_1152 = arith.constant 0.000000e+00 : f32
    %broadcast_in_dim3A_1153 = vector.shape_cast %convert_element_type3A_15 : vector<1x512xf32> to vector<1x512xf32>
    %broadcast_in_dim3A_1154 = vector.broadcast %broadcast_in_dim3A_1153 : vector<1x512xf32> to vector<256x512xf32>
    %broadcast_in_dim3A_1155 = vector.broadcast %jit3A_1152 : f32 to vector<256x512xf32>
    %select_n3A_1156 = arith.select %and3A_1151, %broadcast_in_dim3A_1154, %broadcast_in_dim3A_1155 : vector<256x512xi1>, vector<256x512xf32>
    %reduce_sum3A_1157 = arith.constant dense<0.000000e+00> : vector<256xf32>
    %reduce_sum3A_1158 = vector.multi_reduction <add>, %select_n3A_1156, %reduce_sum3A_1157 [1] : vector<256x512xf32> to vector<256xf32>
    %broadcast_in_dim3A_1159 = vector.shape_cast %reduce_sum3A_1158 : vector<256xf32> to vector<256x1xf32>
    %eq3A_1160 = arith.constant 5.400000e+01 : f32
    %eq3A_1161 = vector.broadcast %eq3A_1160 : f32 to vector<1x64xf32>
    %eq3A_1162 = arith.cmpf oeq, %convert_element_type3A_17, %eq3A_1161 : vector<1x64xf32>
    %convert_element_type3A_1163 = arith.extui %eq3A_1162 : vector<1x64xi1> to vector<1x64xi32>
    %convert_element_type3A_1164 = arith.sitofp %convert_element_type3A_1163 : vector<1x64xi32> to vector<1x64xf32>
    %mul3A_1165 = vector.broadcast %broadcast_in_dim3A_1159 : vector<256x1xf32> to vector<256x64xf32>
    %mul3A_1166 = vector.broadcast %convert_element_type3A_1164 : vector<1x64xf32> to vector<256x64xf32>
    %mul3A_1167 = arith.mulf %mul3A_1165, %mul3A_1166 : vector<256x64xf32>
    %add3A_1168 = arith.addf %add3A_1147, %mul3A_1167 : vector<256x64xf32>
    %eq3A_1169 = arith.constant 5.500000e+01 : f32
    %eq3A_1170 = vector.broadcast %eq3A_1169 : f32 to vector<256x512xf32>
    %eq3A_1171 = arith.cmpf oeq, %dot_general3A_12, %eq3A_1170 : vector<256x512xf32>
    %and3A_1172 = arith.andi %le3A_5, %eq3A_1171 : vector<256x512xi1>
    %jit3A_1173 = arith.constant 0.000000e+00 : f32
    %broadcast_in_dim3A_1174 = vector.shape_cast %convert_element_type3A_15 : vector<1x512xf32> to vector<1x512xf32>
    %broadcast_in_dim3A_1175 = vector.broadcast %broadcast_in_dim3A_1174 : vector<1x512xf32> to vector<256x512xf32>
    %broadcast_in_dim3A_1176 = vector.broadcast %jit3A_1173 : f32 to vector<256x512xf32>
    %select_n3A_1177 = arith.select %and3A_1172, %broadcast_in_dim3A_1175, %broadcast_in_dim3A_1176 : vector<256x512xi1>, vector<256x512xf32>
    %reduce_sum3A_1178 = arith.constant dense<0.000000e+00> : vector<256xf32>
    %reduce_sum3A_1179 = vector.multi_reduction <add>, %select_n3A_1177, %reduce_sum3A_1178 [1] : vector<256x512xf32> to vector<256xf32>
    %broadcast_in_dim3A_1180 = vector.shape_cast %reduce_sum3A_1179 : vector<256xf32> to vector<256x1xf32>
    %eq3A_1181 = arith.constant 5.500000e+01 : f32
    %eq3A_1182 = vector.broadcast %eq3A_1181 : f32 to vector<1x64xf32>
    %eq3A_1183 = arith.cmpf oeq, %convert_element_type3A_17, %eq3A_1182 : vector<1x64xf32>
    %convert_element_type3A_1184 = arith.extui %eq3A_1183 : vector<1x64xi1> to vector<1x64xi32>
    %convert_element_type3A_1185 = arith.sitofp %convert_element_type3A_1184 : vector<1x64xi32> to vector<1x64xf32>
    %mul3A_1186 = vector.broadcast %broadcast_in_dim3A_1180 : vector<256x1xf32> to vector<256x64xf32>
    %mul3A_1187 = vector.broadcast %convert_element_type3A_1185 : vector<1x64xf32> to vector<256x64xf32>
    %mul3A_1188 = arith.mulf %mul3A_1186, %mul3A_1187 : vector<256x64xf32>
    %add3A_1189 = arith.addf %add3A_1168, %mul3A_1188 : vector<256x64xf32>
    %eq3A_1190 = arith.constant 5.600000e+01 : f32
    %eq3A_1191 = vector.broadcast %eq3A_1190 : f32 to vector<256x512xf32>
    %eq3A_1192 = arith.cmpf oeq, %dot_general3A_12, %eq3A_1191 : vector<256x512xf32>
    %and3A_1193 = arith.andi %le3A_5, %eq3A_1192 : vector<256x512xi1>
    %jit3A_1194 = arith.constant 0.000000e+00 : f32
    %broadcast_in_dim3A_1195 = vector.shape_cast %convert_element_type3A_15 : vector<1x512xf32> to vector<1x512xf32>
    %broadcast_in_dim3A_1196 = vector.broadcast %broadcast_in_dim3A_1195 : vector<1x512xf32> to vector<256x512xf32>
    %broadcast_in_dim3A_1197 = vector.broadcast %jit3A_1194 : f32 to vector<256x512xf32>
    %select_n3A_1198 = arith.select %and3A_1193, %broadcast_in_dim3A_1196, %broadcast_in_dim3A_1197 : vector<256x512xi1>, vector<256x512xf32>
    %reduce_sum3A_1199 = arith.constant dense<0.000000e+00> : vector<256xf32>
    %reduce_sum3A_1200 = vector.multi_reduction <add>, %select_n3A_1198, %reduce_sum3A_1199 [1] : vector<256x512xf32> to vector<256xf32>
    %broadcast_in_dim3A_1201 = vector.shape_cast %reduce_sum3A_1200 : vector<256xf32> to vector<256x1xf32>
    %eq3A_1202 = arith.constant 5.600000e+01 : f32
    %eq3A_1203 = vector.broadcast %eq3A_1202 : f32 to vector<1x64xf32>
    %eq3A_1204 = arith.cmpf oeq, %convert_element_type3A_17, %eq3A_1203 : vector<1x64xf32>
    %convert_element_type3A_1205 = arith.extui %eq3A_1204 : vector<1x64xi1> to vector<1x64xi32>
    %convert_element_type3A_1206 = arith.sitofp %convert_element_type3A_1205 : vector<1x64xi32> to vector<1x64xf32>
    %mul3A_1207 = vector.broadcast %broadcast_in_dim3A_1201 : vector<256x1xf32> to vector<256x64xf32>
    %mul3A_1208 = vector.broadcast %convert_element_type3A_1206 : vector<1x64xf32> to vector<256x64xf32>
    %mul3A_1209 = arith.mulf %mul3A_1207, %mul3A_1208 : vector<256x64xf32>
    %add3A_1210 = arith.addf %add3A_1189, %mul3A_1209 : vector<256x64xf32>
    %eq3A_1211 = arith.constant 5.700000e+01 : f32
    %eq3A_1212 = vector.broadcast %eq3A_1211 : f32 to vector<256x512xf32>
    %eq3A_1213 = arith.cmpf oeq, %dot_general3A_12, %eq3A_1212 : vector<256x512xf32>
    %and3A_1214 = arith.andi %le3A_5, %eq3A_1213 : vector<256x512xi1>
    %jit3A_1215 = arith.constant 0.000000e+00 : f32
    %broadcast_in_dim3A_1216 = vector.shape_cast %convert_element_type3A_15 : vector<1x512xf32> to vector<1x512xf32>
    %broadcast_in_dim3A_1217 = vector.broadcast %broadcast_in_dim3A_1216 : vector<1x512xf32> to vector<256x512xf32>
    %broadcast_in_dim3A_1218 = vector.broadcast %jit3A_1215 : f32 to vector<256x512xf32>
    %select_n3A_1219 = arith.select %and3A_1214, %broadcast_in_dim3A_1217, %broadcast_in_dim3A_1218 : vector<256x512xi1>, vector<256x512xf32>
    %reduce_sum3A_1220 = arith.constant dense<0.000000e+00> : vector<256xf32>
    %reduce_sum3A_1221 = vector.multi_reduction <add>, %select_n3A_1219, %reduce_sum3A_1220 [1] : vector<256x512xf32> to vector<256xf32>
    %broadcast_in_dim3A_1222 = vector.shape_cast %reduce_sum3A_1221 : vector<256xf32> to vector<256x1xf32>
    %eq3A_1223 = arith.constant 5.700000e+01 : f32
    %eq3A_1224 = vector.broadcast %eq3A_1223 : f32 to vector<1x64xf32>
    %eq3A_1225 = arith.cmpf oeq, %convert_element_type3A_17, %eq3A_1224 : vector<1x64xf32>
    %convert_element_type3A_1226 = arith.extui %eq3A_1225 : vector<1x64xi1> to vector<1x64xi32>
    %convert_element_type3A_1227 = arith.sitofp %convert_element_type3A_1226 : vector<1x64xi32> to vector<1x64xf32>
    %mul3A_1228 = vector.broadcast %broadcast_in_dim3A_1222 : vector<256x1xf32> to vector<256x64xf32>
    %mul3A_1229 = vector.broadcast %convert_element_type3A_1227 : vector<1x64xf32> to vector<256x64xf32>
    %mul3A_1230 = arith.mulf %mul3A_1228, %mul3A_1229 : vector<256x64xf32>
    %add3A_1231 = arith.addf %add3A_1210, %mul3A_1230 : vector<256x64xf32>
    %eq3A_1232 = arith.constant 5.800000e+01 : f32
    %eq3A_1233 = vector.broadcast %eq3A_1232 : f32 to vector<256x512xf32>
    %eq3A_1234 = arith.cmpf oeq, %dot_general3A_12, %eq3A_1233 : vector<256x512xf32>
    %and3A_1235 = arith.andi %le3A_5, %eq3A_1234 : vector<256x512xi1>
    %jit3A_1236 = arith.constant 0.000000e+00 : f32
    %broadcast_in_dim3A_1237 = vector.shape_cast %convert_element_type3A_15 : vector<1x512xf32> to vector<1x512xf32>
    %broadcast_in_dim3A_1238 = vector.broadcast %broadcast_in_dim3A_1237 : vector<1x512xf32> to vector<256x512xf32>
    %broadcast_in_dim3A_1239 = vector.broadcast %jit3A_1236 : f32 to vector<256x512xf32>
    %select_n3A_1240 = arith.select %and3A_1235, %broadcast_in_dim3A_1238, %broadcast_in_dim3A_1239 : vector<256x512xi1>, vector<256x512xf32>
    %reduce_sum3A_1241 = arith.constant dense<0.000000e+00> : vector<256xf32>
    %reduce_sum3A_1242 = vector.multi_reduction <add>, %select_n3A_1240, %reduce_sum3A_1241 [1] : vector<256x512xf32> to vector<256xf32>
    %broadcast_in_dim3A_1243 = vector.shape_cast %reduce_sum3A_1242 : vector<256xf32> to vector<256x1xf32>
    %eq3A_1244 = arith.constant 5.800000e+01 : f32
    %eq3A_1245 = vector.broadcast %eq3A_1244 : f32 to vector<1x64xf32>
    %eq3A_1246 = arith.cmpf oeq, %convert_element_type3A_17, %eq3A_1245 : vector<1x64xf32>
    %convert_element_type3A_1247 = arith.extui %eq3A_1246 : vector<1x64xi1> to vector<1x64xi32>
    %convert_element_type3A_1248 = arith.sitofp %convert_element_type3A_1247 : vector<1x64xi32> to vector<1x64xf32>
    %mul3A_1249 = vector.broadcast %broadcast_in_dim3A_1243 : vector<256x1xf32> to vector<256x64xf32>
    %mul3A_1250 = vector.broadcast %convert_element_type3A_1248 : vector<1x64xf32> to vector<256x64xf32>
    %mul3A_1251 = arith.mulf %mul3A_1249, %mul3A_1250 : vector<256x64xf32>
    %add3A_1252 = arith.addf %add3A_1231, %mul3A_1251 : vector<256x64xf32>
    %eq3A_1253 = arith.constant 5.900000e+01 : f32
    %eq3A_1254 = vector.broadcast %eq3A_1253 : f32 to vector<256x512xf32>
    %eq3A_1255 = arith.cmpf oeq, %dot_general3A_12, %eq3A_1254 : vector<256x512xf32>
    %and3A_1256 = arith.andi %le3A_5, %eq3A_1255 : vector<256x512xi1>
    %jit3A_1257 = arith.constant 0.000000e+00 : f32
    %broadcast_in_dim3A_1258 = vector.shape_cast %convert_element_type3A_15 : vector<1x512xf32> to vector<1x512xf32>
    %broadcast_in_dim3A_1259 = vector.broadcast %broadcast_in_dim3A_1258 : vector<1x512xf32> to vector<256x512xf32>
    %broadcast_in_dim3A_1260 = vector.broadcast %jit3A_1257 : f32 to vector<256x512xf32>
    %select_n3A_1261 = arith.select %and3A_1256, %broadcast_in_dim3A_1259, %broadcast_in_dim3A_1260 : vector<256x512xi1>, vector<256x512xf32>
    %reduce_sum3A_1262 = arith.constant dense<0.000000e+00> : vector<256xf32>
    %reduce_sum3A_1263 = vector.multi_reduction <add>, %select_n3A_1261, %reduce_sum3A_1262 [1] : vector<256x512xf32> to vector<256xf32>
    %broadcast_in_dim3A_1264 = vector.shape_cast %reduce_sum3A_1263 : vector<256xf32> to vector<256x1xf32>
    %eq3A_1265 = arith.constant 5.900000e+01 : f32
    %eq3A_1266 = vector.broadcast %eq3A_1265 : f32 to vector<1x64xf32>
    %eq3A_1267 = arith.cmpf oeq, %convert_element_type3A_17, %eq3A_1266 : vector<1x64xf32>
    %convert_element_type3A_1268 = arith.extui %eq3A_1267 : vector<1x64xi1> to vector<1x64xi32>
    %convert_element_type3A_1269 = arith.sitofp %convert_element_type3A_1268 : vector<1x64xi32> to vector<1x64xf32>
    %mul3A_1270 = vector.broadcast %broadcast_in_dim3A_1264 : vector<256x1xf32> to vector<256x64xf32>
    %mul3A_1271 = vector.broadcast %convert_element_type3A_1269 : vector<1x64xf32> to vector<256x64xf32>
    %mul3A_1272 = arith.mulf %mul3A_1270, %mul3A_1271 : vector<256x64xf32>
    %add3A_1273 = arith.addf %add3A_1252, %mul3A_1272 : vector<256x64xf32>
    %eq3A_1274 = arith.constant 6.000000e+01 : f32
    %eq3A_1275 = vector.broadcast %eq3A_1274 : f32 to vector<256x512xf32>
    %eq3A_1276 = arith.cmpf oeq, %dot_general3A_12, %eq3A_1275 : vector<256x512xf32>
    %and3A_1277 = arith.andi %le3A_5, %eq3A_1276 : vector<256x512xi1>
    %jit3A_1278 = arith.constant 0.000000e+00 : f32
    %broadcast_in_dim3A_1279 = vector.shape_cast %convert_element_type3A_15 : vector<1x512xf32> to vector<1x512xf32>
    %broadcast_in_dim3A_1280 = vector.broadcast %broadcast_in_dim3A_1279 : vector<1x512xf32> to vector<256x512xf32>
    %broadcast_in_dim3A_1281 = vector.broadcast %jit3A_1278 : f32 to vector<256x512xf32>
    %select_n3A_1282 = arith.select %and3A_1277, %broadcast_in_dim3A_1280, %broadcast_in_dim3A_1281 : vector<256x512xi1>, vector<256x512xf32>
    %reduce_sum3A_1283 = arith.constant dense<0.000000e+00> : vector<256xf32>
    %reduce_sum3A_1284 = vector.multi_reduction <add>, %select_n3A_1282, %reduce_sum3A_1283 [1] : vector<256x512xf32> to vector<256xf32>
    %broadcast_in_dim3A_1285 = vector.shape_cast %reduce_sum3A_1284 : vector<256xf32> to vector<256x1xf32>
    %eq3A_1286 = arith.constant 6.000000e+01 : f32
    %eq3A_1287 = vector.broadcast %eq3A_1286 : f32 to vector<1x64xf32>
    %eq3A_1288 = arith.cmpf oeq, %convert_element_type3A_17, %eq3A_1287 : vector<1x64xf32>
    %convert_element_type3A_1289 = arith.extui %eq3A_1288 : vector<1x64xi1> to vector<1x64xi32>
    %convert_element_type3A_1290 = arith.sitofp %convert_element_type3A_1289 : vector<1x64xi32> to vector<1x64xf32>
    %mul3A_1291 = vector.broadcast %broadcast_in_dim3A_1285 : vector<256x1xf32> to vector<256x64xf32>
    %mul3A_1292 = vector.broadcast %convert_element_type3A_1290 : vector<1x64xf32> to vector<256x64xf32>
    %mul3A_1293 = arith.mulf %mul3A_1291, %mul3A_1292 : vector<256x64xf32>
    %add3A_1294 = arith.addf %add3A_1273, %mul3A_1293 : vector<256x64xf32>
    %eq3A_1295 = arith.constant 6.100000e+01 : f32
    %eq3A_1296 = vector.broadcast %eq3A_1295 : f32 to vector<256x512xf32>
    %eq3A_1297 = arith.cmpf oeq, %dot_general3A_12, %eq3A_1296 : vector<256x512xf32>
    %and3A_1298 = arith.andi %le3A_5, %eq3A_1297 : vector<256x512xi1>
    %jit3A_1299 = arith.constant 0.000000e+00 : f32
    %broadcast_in_dim3A_1300 = vector.shape_cast %convert_element_type3A_15 : vector<1x512xf32> to vector<1x512xf32>
    %broadcast_in_dim3A_1301 = vector.broadcast %broadcast_in_dim3A_1300 : vector<1x512xf32> to vector<256x512xf32>
    %broadcast_in_dim3A_1302 = vector.broadcast %jit3A_1299 : f32 to vector<256x512xf32>
    %select_n3A_1303 = arith.select %and3A_1298, %broadcast_in_dim3A_1301, %broadcast_in_dim3A_1302 : vector<256x512xi1>, vector<256x512xf32>
    %reduce_sum3A_1304 = arith.constant dense<0.000000e+00> : vector<256xf32>
    %reduce_sum3A_1305 = vector.multi_reduction <add>, %select_n3A_1303, %reduce_sum3A_1304 [1] : vector<256x512xf32> to vector<256xf32>
    %broadcast_in_dim3A_1306 = vector.shape_cast %reduce_sum3A_1305 : vector<256xf32> to vector<256x1xf32>
    %eq3A_1307 = arith.constant 6.100000e+01 : f32
    %eq3A_1308 = vector.broadcast %eq3A_1307 : f32 to vector<1x64xf32>
    %eq3A_1309 = arith.cmpf oeq, %convert_element_type3A_17, %eq3A_1308 : vector<1x64xf32>
    %convert_element_type3A_1310 = arith.extui %eq3A_1309 : vector<1x64xi1> to vector<1x64xi32>
    %convert_element_type3A_1311 = arith.sitofp %convert_element_type3A_1310 : vector<1x64xi32> to vector<1x64xf32>
    %mul3A_1312 = vector.broadcast %broadcast_in_dim3A_1306 : vector<256x1xf32> to vector<256x64xf32>
    %mul3A_1313 = vector.broadcast %convert_element_type3A_1311 : vector<1x64xf32> to vector<256x64xf32>
    %mul3A_1314 = arith.mulf %mul3A_1312, %mul3A_1313 : vector<256x64xf32>
    %add3A_1315 = arith.addf %add3A_1294, %mul3A_1314 : vector<256x64xf32>
    %eq3A_1316 = arith.constant 6.200000e+01 : f32
    %eq3A_1317 = vector.broadcast %eq3A_1316 : f32 to vector<256x512xf32>
    %eq3A_1318 = arith.cmpf oeq, %dot_general3A_12, %eq3A_1317 : vector<256x512xf32>
    %and3A_1319 = arith.andi %le3A_5, %eq3A_1318 : vector<256x512xi1>
    %jit3A_1320 = arith.constant 0.000000e+00 : f32
    %broadcast_in_dim3A_1321 = vector.shape_cast %convert_element_type3A_15 : vector<1x512xf32> to vector<1x512xf32>
    %broadcast_in_dim3A_1322 = vector.broadcast %broadcast_in_dim3A_1321 : vector<1x512xf32> to vector<256x512xf32>
    %broadcast_in_dim3A_1323 = vector.broadcast %jit3A_1320 : f32 to vector<256x512xf32>
    %select_n3A_1324 = arith.select %and3A_1319, %broadcast_in_dim3A_1322, %broadcast_in_dim3A_1323 : vector<256x512xi1>, vector<256x512xf32>
    %reduce_sum3A_1325 = arith.constant dense<0.000000e+00> : vector<256xf32>
    %reduce_sum3A_1326 = vector.multi_reduction <add>, %select_n3A_1324, %reduce_sum3A_1325 [1] : vector<256x512xf32> to vector<256xf32>
    %broadcast_in_dim3A_1327 = vector.shape_cast %reduce_sum3A_1326 : vector<256xf32> to vector<256x1xf32>
    %eq3A_1328 = arith.constant 6.200000e+01 : f32
    %eq3A_1329 = vector.broadcast %eq3A_1328 : f32 to vector<1x64xf32>
    %eq3A_1330 = arith.cmpf oeq, %convert_element_type3A_17, %eq3A_1329 : vector<1x64xf32>
    %convert_element_type3A_1331 = arith.extui %eq3A_1330 : vector<1x64xi1> to vector<1x64xi32>
    %convert_element_type3A_1332 = arith.sitofp %convert_element_type3A_1331 : vector<1x64xi32> to vector<1x64xf32>
    %mul3A_1333 = vector.broadcast %broadcast_in_dim3A_1327 : vector<256x1xf32> to vector<256x64xf32>
    %mul3A_1334 = vector.broadcast %convert_element_type3A_1332 : vector<1x64xf32> to vector<256x64xf32>
    %mul3A_1335 = arith.mulf %mul3A_1333, %mul3A_1334 : vector<256x64xf32>
    %add3A_1336 = arith.addf %add3A_1315, %mul3A_1335 : vector<256x64xf32>
    %eq3A_1337 = arith.constant 6.300000e+01 : f32
    %eq3A_1338 = vector.broadcast %eq3A_1337 : f32 to vector<256x512xf32>
    %eq3A_1339 = arith.cmpf oeq, %dot_general3A_12, %eq3A_1338 : vector<256x512xf32>
    %and3A_1340 = arith.andi %le3A_5, %eq3A_1339 : vector<256x512xi1>
    %jit3A_1341 = arith.constant 0.000000e+00 : f32
    %broadcast_in_dim3A_1342 = vector.shape_cast %convert_element_type3A_15 : vector<1x512xf32> to vector<1x512xf32>
    %broadcast_in_dim3A_1343 = vector.broadcast %broadcast_in_dim3A_1342 : vector<1x512xf32> to vector<256x512xf32>
    %broadcast_in_dim3A_1344 = vector.broadcast %jit3A_1341 : f32 to vector<256x512xf32>
    %select_n3A_1345 = arith.select %and3A_1340, %broadcast_in_dim3A_1343, %broadcast_in_dim3A_1344 : vector<256x512xi1>, vector<256x512xf32>
    %reduce_sum3A_1346 = arith.constant dense<0.000000e+00> : vector<256xf32>
    %reduce_sum3A_1347 = vector.multi_reduction <add>, %select_n3A_1345, %reduce_sum3A_1346 [1] : vector<256x512xf32> to vector<256xf32>
    %broadcast_in_dim3A_1348 = vector.shape_cast %reduce_sum3A_1347 : vector<256xf32> to vector<256x1xf32>
    %eq3A_1349 = arith.constant 6.300000e+01 : f32
    %eq3A_1350 = vector.broadcast %eq3A_1349 : f32 to vector<1x64xf32>
    %eq3A_1351 = arith.cmpf oeq, %convert_element_type3A_17, %eq3A_1350 : vector<1x64xf32>
    %convert_element_type3A_1352 = arith.extui %eq3A_1351 : vector<1x64xi1> to vector<1x64xi32>
    %convert_element_type3A_1353 = arith.sitofp %convert_element_type3A_1352 : vector<1x64xi32> to vector<1x64xf32>
    %mul3A_1354 = vector.broadcast %broadcast_in_dim3A_1348 : vector<256x1xf32> to vector<256x64xf32>
    %mul3A_1355 = vector.broadcast %convert_element_type3A_1353 : vector<1x64xf32> to vector<256x64xf32>
    %mul3A_1356 = arith.mulf %mul3A_1354, %mul3A_1355 : vector<256x64xf32>
    %add3A_1357 = arith.addf %add3A_1336, %mul3A_1356 : vector<256x64xf32>
    %ge3A = vector.broadcast %convert_element_type3A_17 : vector<1x64xf32> to vector<256x64xf32>
    %ge3A_1358 = vector.broadcast %broadcast_in_dim3A : vector<256x1xf32> to vector<256x64xf32>
    %ge3A_1359 = arith.cmpf oge, %ge3A, %ge3A_1358 : vector<256x64xf32>
    %broadcast_in_dim3A_1360 = vector.shape_cast %broadcast_in_dim3A_27 : vector<256x1xf32> to vector<256x1xf32>
    %broadcast_in_dim3A_1361 = vector.broadcast %broadcast_in_dim3A_1360 : vector<256x1xf32> to vector<256x64xf32>
    %select_n3A_1362 = arith.select %ge3A_1359, %broadcast_in_dim3A_1361, %add3A_1357 : vector<256x64xi1>, vector<256x64xf32>
    %mul3A_1363 = arith.constant 512 : i32
    %mul3A_1364 = arith.muli %arg0, %mul3A_1363 : i32
    %convert_element_type3A_1365 = arith.sitofp %mul3A_1364 : i32 to f32
    %add3A_1366 = vector.broadcast %convert_element_type3A_1365 : f32 to vector<256x64xf32>
    %add3A_1367 = arith.addf %select_n3A_1362, %add3A_1366 : vector<256x64xf32>
    %convert_element_type3A_1368 = arith.fptosi %add3A_1367 : vector<256x64xf32> to vector<256x64xi32>
    %swap3A = arith.constant 0 : index
    %swap3A_1369 = arith.constant 0 : index
    %swap3A_1370 = arith.constant 0 : index
    %swap3A_1371 = vector.load %arg2[%swap3A, %swap3A_1369, %swap3A_1370] : memref<1x256x64xi32, #tpu.memory_space<vmem>>, vector<1x256x64xi32>
    %swap3A_1372 = vector.shape_cast %swap3A_1371 : vector<1x256x64xi32> to vector<256x64xi32>
    %swap3A_1373 = vector.shape_cast %convert_element_type3A_1368 : vector<256x64xi32> to vector<1x256x64xi32>
    tpu.vector_store %arg2[%swap3A, %swap3A_1369, %swap3A_1370], %swap3A_1373 {strides = array<i32>} : memref<1x256x64xi32, #tpu.memory_space<vmem>>, vector<1x256x64xi32>,
    return
  }
  func.func @transform_0(%arg0: i32) -> (i32, i32, i32) {
    %c0_i32 = arith.constant 0 : i32
    %c0_i32_0 = arith.constant 0 : i32
    %c0_i32_1 = arith.constant 0 : i32
    return %arg0, %c0_i32, %c0_i32_0 : i32, i32, i32
  }
  func.func @transform_1(%arg0: i32) -> (i32, i32, i32) {
    %c0_i32 = arith.constant 0 : i32
    %c0_i32_0 = arith.constant 0 : i32
    %c0_i32_1 = arith.constant 0 : i32
    return %arg0, %c0_i32, %c0_i32_0 : i32, i32, i32
  }
}

module attributes {stable_mosaic.version = 14 : i64} {
  func.func @_conv_body(%arg0: i32, %arg1: i32, %arg2: memref<1x8192x16xf32, #tpu.memory_space<vmem>>, %arg3: memref<1x256x16xf32, #tpu.memory_space<vmem>>, %arg4: memref<64x16xbf16, #tpu.memory_space<vmem>>, %arg5: memref<1x64xf32, #tpu.memory_space<vmem>>, %arg6: memref<1x64xf32, #tpu.memory_space<vmem>>, %arg7: memref<64x64xbf16, #tpu.memory_space<vmem>>, %arg8: memref<1x64xf32, #tpu.memory_space<vmem>>, %arg9: memref<1x64xf32, #tpu.memory_space<vmem>>, %arg10: memref<128x64xbf16, #tpu.memory_space<vmem>>, %arg11: memref<1x128xf32, #tpu.memory_space<vmem>>, %arg12: memref<1x128xf32, #tpu.memory_space<vmem>>, %arg13: memref<1x256x128xf32, #tpu.memory_space<vmem>>) attributes {dimension_semantics = [#tpu.dimension_semantics<arbitrary>, #tpu.dimension_semantics<arbitrary>], iteration_bounds = array<i64: 32, 2>, scalar_prefetch = 0 : i64, scratch_operands = 0 : i64, tpu.core_type = #tpu.core_type<tc>, window_params = [{transform_indices = @transform_0, window_bounds = array<i64: 1, 8192, 16>}, {transform_indices = @transform_1, window_bounds = array<i64: 1, 256, 16>}, {pipeline_mode = #tpu.pipeline_mode<synchronous>, transform_indices = @transform_2, window_bounds = array<i64: 64, 16>}, {pipeline_mode = #tpu.pipeline_mode<synchronous>, transform_indices = @transform_3, window_bounds = array<i64: 1, 64>}, {pipeline_mode = #tpu.pipeline_mode<synchronous>, transform_indices = @transform_4, window_bounds = array<i64: 1, 64>}, {pipeline_mode = #tpu.pipeline_mode<synchronous>, transform_indices = @transform_5, window_bounds = array<i64: 64, 64>}, {pipeline_mode = #tpu.pipeline_mode<synchronous>, transform_indices = @transform_6, window_bounds = array<i64: 1, 64>}, {pipeline_mode = #tpu.pipeline_mode<synchronous>, transform_indices = @transform_7, window_bounds = array<i64: 1, 64>}, {pipeline_mode = #tpu.pipeline_mode<synchronous>, transform_indices = @transform_8, window_bounds = array<i64: 128, 64>}, {pipeline_mode = #tpu.pipeline_mode<synchronous>, transform_indices = @transform_9, window_bounds = array<i64: 1, 128>}, {pipeline_mode = #tpu.pipeline_mode<synchronous>, transform_indices = @transform_10, window_bounds = array<i64: 1, 128>}, {transform_indices = @transform_11, window_bounds = array<i64: 1, 256, 128>}]} {
    %get3A = arith.constant 0 : index
    %get3A_0 = arith.constant 0 : index
    %get3A_1 = arith.constant 0 : index
    %get3A_2 = vector.load %arg2[%get3A, %get3A_0, %get3A_1] : memref<1x8192x16xf32, #tpu.memory_space<vmem>>, vector<1x8192x16xf32>
    %get3A_3 = vector.shape_cast %get3A_2 : vector<1x8192x16xf32> to vector<8192x16xf32>
    %reshape3A = vector.shape_cast %get3A_3 : vector<8192x16xf32> to vector<256x32x16xf32>
    %get3A_4 = arith.constant 0 : index
    %get3A_5 = arith.constant 0 : index
    %get3A_6 = arith.constant 0 : index
    %get3A_7 = vector.load %arg3[%get3A_4, %get3A_5, %get3A_6] : memref<1x256x16xf32, #tpu.memory_space<vmem>>, vector<1x256x16xf32>
    %get3A_8 = vector.shape_cast %get3A_7 : vector<1x256x16xf32> to vector<256x16xf32>
    %broadcast_in_dim3A = vector.shape_cast %get3A_8 : vector<256x16xf32> to vector<256x1x16xf32>
    %sub3A = vector.broadcast %broadcast_in_dim3A : vector<256x1x16xf32> to vector<256x32x16xf32>
    %sub3A_9 = arith.subf %reshape3A, %sub3A : vector<256x32x16xf32>
    %reshape3A_10 = vector.shape_cast %sub3A_9 : vector<256x32x16xf32> to vector<8192x16xf32>
    %get3A_11 = arith.constant 0 : index
    %get3A_12 = arith.constant 0 : index
    %get3A_13 = vector.load %arg4[%get3A_11, %get3A_12] : memref<64x16xbf16, #tpu.memory_space<vmem>>, vector<64x16xbf16>
    %convert_element_type3A = arith.truncf %reshape3A_10 : vector<8192x16xf32> to vector<8192x16xbf16>
    %dot_general3A = arith.constant dense<0.000000e+00> : vector<8192x64xf32>
    %dot_general3A_14 = tpu.matmul %convert_element_type3A, %get3A_13, %dot_general3A {dimension_numbers = #tpu.dot_dimension_numbers<[1], [1], [0], [0], [0, 0, 1, 0], [], []>, transpose_lhs_hint = false} : vector<8192x16xbf16>, vector<64x16xbf16>, vector<8192x64xf32> -> vector<8192x64xf32>
    %get3A_15 = arith.constant 0 : index
    %get3A_16 = arith.constant 0 : index
    %get3A_17 = vector.load %arg5[%get3A_15, %get3A_16] : memref<1x64xf32, #tpu.memory_space<vmem>>, vector<1x64xf32>
    %mul3A = vector.broadcast %get3A_17 : vector<1x64xf32> to vector<8192x64xf32>
    %mul3A_18 = arith.mulf %dot_general3A_14, %mul3A : vector<8192x64xf32>
    %get3A_19 = arith.constant 0 : index
    %get3A_20 = arith.constant 0 : index
    %get3A_21 = vector.load %arg6[%get3A_19, %get3A_20] : memref<1x64xf32, #tpu.memory_space<vmem>>, vector<1x64xf32>
    %add3A = vector.broadcast %get3A_21 : vector<1x64xf32> to vector<8192x64xf32>
    %add3A_22 = arith.addf %mul3A_18, %add3A : vector<8192x64xf32>
    %max3A = arith.constant 0.000000e+00 : f32
    %max3A_23 = vector.broadcast %max3A : f32 to vector<8192x64xf32>
    %max3A_24 = arith.maximumf %add3A_22, %max3A_23 : vector<8192x64xf32>
    %get3A_25 = arith.constant 0 : index
    %get3A_26 = arith.constant 0 : index
    %get3A_27 = vector.load %arg7[%get3A_25, %get3A_26] : memref<64x64xbf16, #tpu.memory_space<vmem>>, vector<64x64xbf16>
    %convert_element_type3A_28 = arith.truncf %max3A_24 : vector<8192x64xf32> to vector<8192x64xbf16>
    %dot_general3A_29 = arith.constant dense<0.000000e+00> : vector<8192x64xf32>
    %dot_general3A_30 = tpu.matmul %convert_element_type3A_28, %get3A_27, %dot_general3A_29 {dimension_numbers = #tpu.dot_dimension_numbers<[1], [1], [0], [0], [0, 0, 1, 0], [], []>, transpose_lhs_hint = false} : vector<8192x64xbf16>, vector<64x64xbf16>, vector<8192x64xf32> -> vector<8192x64xf32>
    %get3A_31 = arith.constant 0 : index
    %get3A_32 = arith.constant 0 : index
    %get3A_33 = vector.load %arg8[%get3A_31, %get3A_32] : memref<1x64xf32, #tpu.memory_space<vmem>>, vector<1x64xf32>
    %mul3A_34 = vector.broadcast %get3A_33 : vector<1x64xf32> to vector<8192x64xf32>
    %mul3A_35 = arith.mulf %dot_general3A_30, %mul3A_34 : vector<8192x64xf32>
    %get3A_36 = arith.constant 0 : index
    %get3A_37 = arith.constant 0 : index
    %get3A_38 = vector.load %arg9[%get3A_36, %get3A_37] : memref<1x64xf32, #tpu.memory_space<vmem>>, vector<1x64xf32>
    %add3A_39 = vector.broadcast %get3A_38 : vector<1x64xf32> to vector<8192x64xf32>
    %add3A_40 = arith.addf %mul3A_35, %add3A_39 : vector<8192x64xf32>
    %max3A_41 = arith.constant 0.000000e+00 : f32
    %max3A_42 = vector.broadcast %max3A_41 : f32 to vector<8192x64xf32>
    %max3A_43 = arith.maximumf %add3A_40, %max3A_42 : vector<8192x64xf32>
    %get3A_44 = arith.constant 0 : index
    %get3A_45 = arith.constant 0 : index
    %get3A_46 = vector.load %arg10[%get3A_44, %get3A_45] : memref<128x64xbf16, #tpu.memory_space<vmem>>, vector<128x64xbf16>
    %convert_element_type3A_47 = arith.truncf %max3A_43 : vector<8192x64xf32> to vector<8192x64xbf16>
    %dot_general3A_48 = arith.constant dense<0.000000e+00> : vector<8192x128xf32>
    %dot_general3A_49 = tpu.matmul %convert_element_type3A_47, %get3A_46, %dot_general3A_48 {dimension_numbers = #tpu.dot_dimension_numbers<[1], [1], [0], [0], [0, 0, 1, 0], [], []>, transpose_lhs_hint = false} : vector<8192x64xbf16>, vector<128x64xbf16>, vector<8192x128xf32> -> vector<8192x128xf32>
    %get3A_50 = arith.constant 0 : index
    %get3A_51 = arith.constant 0 : index
    %get3A_52 = vector.load %arg11[%get3A_50, %get3A_51] : memref<1x128xf32, #tpu.memory_space<vmem>>, vector<1x128xf32>
    %mul3A_53 = vector.broadcast %get3A_52 : vector<1x128xf32> to vector<8192x128xf32>
    %mul3A_54 = arith.mulf %dot_general3A_49, %mul3A_53 : vector<8192x128xf32>
    %get3A_55 = arith.constant 0 : index
    %get3A_56 = arith.constant 0 : index
    %get3A_57 = vector.load %arg12[%get3A_55, %get3A_56] : memref<1x128xf32, #tpu.memory_space<vmem>>, vector<1x128xf32>
    %add3A_58 = vector.broadcast %get3A_57 : vector<1x128xf32> to vector<8192x128xf32>
    %add3A_59 = arith.addf %mul3A_54, %add3A_58 : vector<8192x128xf32>
    %max3A_60 = arith.constant 0.000000e+00 : f32
    %max3A_61 = vector.broadcast %max3A_60 : f32 to vector<8192x128xf32>
    %max3A_62 = arith.maximumf %add3A_59, %max3A_61 : vector<8192x128xf32>
    %reshape3A_63 = vector.shape_cast %max3A_62 : vector<8192x128xf32> to vector<256x32x128xf32>
    %reduce_max3A = arith.constant dense<0xFF800000> : vector<256x128xf32>
    %reduce_max3A_64 = vector.multi_reduction <maximumf>, %reshape3A_63, %reduce_max3A [1] : vector<256x32x128xf32> to vector<256x128xf32>
    %swap3A = arith.constant 0 : index
    %swap3A_65 = arith.constant 0 : index
    %swap3A_66 = arith.constant 0 : index
    %swap3A_67 = vector.load %arg13[%swap3A, %swap3A_65, %swap3A_66] : memref<1x256x128xf32, #tpu.memory_space<vmem>>, vector<1x256x128xf32>
    %swap3A_68 = vector.shape_cast %swap3A_67 : vector<1x256x128xf32> to vector<256x128xf32>
    %swap3A_69 = vector.shape_cast %reduce_max3A_64 : vector<256x128xf32> to vector<1x256x128xf32>
    tpu.vector_store %arg13[%swap3A, %swap3A_65, %swap3A_66], %swap3A_69 {strides = array<i32>} : memref<1x256x128xf32, #tpu.memory_space<vmem>>, vector<1x256x128xf32>,
    return
  }
  func.func @transform_0(%arg0: i32, %arg1: i32) -> (i32, i32, i32) {
    %c0_i32 = arith.constant 0 : i32
    %c0_i32_0 = arith.constant 0 : i32
    return %arg0, %arg1, %c0_i32 : i32, i32, i32
  }
  func.func @transform_1(%arg0: i32, %arg1: i32) -> (i32, i32, i32) {
    %c0_i32 = arith.constant 0 : i32
    %c0_i32_0 = arith.constant 0 : i32
    return %arg0, %arg1, %c0_i32 : i32, i32, i32
  }
  func.func @transform_2(%arg0: i32, %arg1: i32) -> (i32, i32) {
    %c0_i32 = arith.constant 0 : i32
    %c0_i32_0 = arith.constant 0 : i32
    %c0_i32_1 = arith.constant 0 : i32
    return %c0_i32, %c0_i32_0 : i32, i32
  }
  func.func @transform_3(%arg0: i32, %arg1: i32) -> (i32, i32) {
    %c0_i32 = arith.constant 0 : i32
    %c0_i32_0 = arith.constant 0 : i32
    %c0_i32_1 = arith.constant 0 : i32
    return %c0_i32, %c0_i32_0 : i32, i32
  }
  func.func @transform_4(%arg0: i32, %arg1: i32) -> (i32, i32) {
    %c0_i32 = arith.constant 0 : i32
    %c0_i32_0 = arith.constant 0 : i32
    %c0_i32_1 = arith.constant 0 : i32
    return %c0_i32, %c0_i32_0 : i32, i32
  }
  func.func @transform_5(%arg0: i32, %arg1: i32) -> (i32, i32) {
    %c0_i32 = arith.constant 0 : i32
    %c0_i32_0 = arith.constant 0 : i32
    %c0_i32_1 = arith.constant 0 : i32
    return %c0_i32, %c0_i32_0 : i32, i32
  }
  func.func @transform_6(%arg0: i32, %arg1: i32) -> (i32, i32) {
    %c0_i32 = arith.constant 0 : i32
    %c0_i32_0 = arith.constant 0 : i32
    %c0_i32_1 = arith.constant 0 : i32
    return %c0_i32, %c0_i32_0 : i32, i32
  }
  func.func @transform_7(%arg0: i32, %arg1: i32) -> (i32, i32) {
    %c0_i32 = arith.constant 0 : i32
    %c0_i32_0 = arith.constant 0 : i32
    %c0_i32_1 = arith.constant 0 : i32
    return %c0_i32, %c0_i32_0 : i32, i32
  }
  func.func @transform_8(%arg0: i32, %arg1: i32) -> (i32, i32) {
    %c0_i32 = arith.constant 0 : i32
    %c0_i32_0 = arith.constant 0 : i32
    %c0_i32_1 = arith.constant 0 : i32
    return %c0_i32, %c0_i32_0 : i32, i32
  }
  func.func @transform_9(%arg0: i32, %arg1: i32) -> (i32, i32) {
    %c0_i32 = arith.constant 0 : i32
    %c0_i32_0 = arith.constant 0 : i32
    %c0_i32_1 = arith.constant 0 : i32
    return %c0_i32, %c0_i32_0 : i32, i32
  }
  func.func @transform_10(%arg0: i32, %arg1: i32) -> (i32, i32) {
    %c0_i32 = arith.constant 0 : i32
    %c0_i32_0 = arith.constant 0 : i32
    %c0_i32_1 = arith.constant 0 : i32
    return %c0_i32, %c0_i32_0 : i32, i32
  }
  func.func @transform_11(%arg0: i32, %arg1: i32) -> (i32, i32, i32) {
    %c0_i32 = arith.constant 0 : i32
    %c0_i32_0 = arith.constant 0 : i32
    return %arg0, %arg1, %c0_i32 : i32, i32, i32
  }
}

module attributes {stable_mosaic.version = 14 : i64} {
  func.func @_conv_body(%arg0: i32, %arg1: i32, %arg2: memref<1x4096x80xf32, #tpu.memory_space<vmem>>, %arg3: memref<1x64x16xf32, #tpu.memory_space<vmem>>, %arg4: memref<128x144xbf16, #tpu.memory_space<vmem>>, %arg5: memref<1x128xf32, #tpu.memory_space<vmem>>, %arg6: memref<1x128xf32, #tpu.memory_space<vmem>>, %arg7: memref<128x128xbf16, #tpu.memory_space<vmem>>, %arg8: memref<1x128xf32, #tpu.memory_space<vmem>>, %arg9: memref<1x128xf32, #tpu.memory_space<vmem>>, %arg10: memref<256x128xbf16, #tpu.memory_space<vmem>>, %arg11: memref<1x256xf32, #tpu.memory_space<vmem>>, %arg12: memref<1x256xf32, #tpu.memory_space<vmem>>, %arg13: memref<1x64x256xf32, #tpu.memory_space<vmem>>) attributes {dimension_semantics = [#tpu.dimension_semantics<arbitrary>, #tpu.dimension_semantics<arbitrary>], iteration_bounds = array<i64: 32, 4>, scalar_prefetch = 0 : i64, scratch_operands = 0 : i64, tpu.core_type = #tpu.core_type<tc>, window_params = [{transform_indices = @transform_0, window_bounds = array<i64: 1, 4096, 80>}, {transform_indices = @transform_1, window_bounds = array<i64: 1, 64, 16>}, {pipeline_mode = #tpu.pipeline_mode<synchronous>, transform_indices = @transform_2, window_bounds = array<i64: 128, 144>}, {pipeline_mode = #tpu.pipeline_mode<synchronous>, transform_indices = @transform_3, window_bounds = array<i64: 1, 128>}, {pipeline_mode = #tpu.pipeline_mode<synchronous>, transform_indices = @transform_4, window_bounds = array<i64: 1, 128>}, {pipeline_mode = #tpu.pipeline_mode<synchronous>, transform_indices = @transform_5, window_bounds = array<i64: 128, 128>}, {pipeline_mode = #tpu.pipeline_mode<synchronous>, transform_indices = @transform_6, window_bounds = array<i64: 1, 128>}, {pipeline_mode = #tpu.pipeline_mode<synchronous>, transform_indices = @transform_7, window_bounds = array<i64: 1, 128>}, {pipeline_mode = #tpu.pipeline_mode<synchronous>, transform_indices = @transform_8, window_bounds = array<i64: 256, 128>}, {pipeline_mode = #tpu.pipeline_mode<synchronous>, transform_indices = @transform_9, window_bounds = array<i64: 1, 256>}, {pipeline_mode = #tpu.pipeline_mode<synchronous>, transform_indices = @transform_10, window_bounds = array<i64: 1, 256>}, {transform_indices = @transform_11, window_bounds = array<i64: 1, 64, 256>}]} {
    %get3A = arith.constant 0 : index
    %get3A_0 = arith.constant 0 : index
    %get3A_1 = arith.constant 0 : index
    %get3A_2 = vector.load %arg2[%get3A, %get3A_0, %get3A_1] : memref<1x4096x80xf32, #tpu.memory_space<vmem>>, vector<1x4096x80xf32>
    %get3A_3 = vector.shape_cast %get3A_2 : vector<1x4096x80xf32> to vector<4096x80xf32>
    %reshape3A = vector.shape_cast %get3A_3 : vector<4096x80xf32> to vector<64x64x80xf32>
    %slice3A = vector.extract_strided_slice %reshape3A {offsets = [0, 0, 0], sizes = [64, 64, 16], strides = [1, 1, 1]} : vector<64x64x80xf32> to vector<64x64x16xf32>
    %get3A_4 = arith.constant 0 : index
    %get3A_5 = arith.constant 0 : index
    %get3A_6 = arith.constant 0 : index
    %get3A_7 = vector.load %arg3[%get3A_4, %get3A_5, %get3A_6] : memref<1x64x16xf32, #tpu.memory_space<vmem>>, vector<1x64x16xf32>
    %get3A_8 = vector.shape_cast %get3A_7 : vector<1x64x16xf32> to vector<64x16xf32>
    %broadcast_in_dim3A = vector.shape_cast %get3A_8 : vector<64x16xf32> to vector<64x1x16xf32>
    %sub3A = vector.broadcast %broadcast_in_dim3A : vector<64x1x16xf32> to vector<64x64x16xf32>
    %sub3A_9 = arith.subf %slice3A, %sub3A : vector<64x64x16xf32>
    %slice3A_10 = vector.extract_strided_slice %reshape3A {offsets = [0, 0, 16], sizes = [64, 64, 64], strides = [1, 1, 1]} : vector<64x64x80xf32> to vector<64x64x64xf32>
    %bitcast_convert_type3A = tpu.bitcast %slice3A_10 : vector<64x64x64xf32> -> vector<64x64x64xi32>
    %shift_left3A = arith.constant 16 : i32
    %shift_left3A_11 = vector.broadcast %shift_left3A : i32 to vector<64x64x64xi32>
    %shift_left3A_12 = arith.shli %bitcast_convert_type3A, %shift_left3A_11 : vector<64x64x64xi32>
    %bitcast_convert_type3A_13 = tpu.bitcast %shift_left3A_12 : vector<64x64x64xi32> -> vector<64x64x64xf32>
    %and3A = arith.constant -65536 : i32
    %and3A_14 = vector.broadcast %and3A : i32 to vector<64x64x64xi32>
    %and3A_15 = arith.andi %bitcast_convert_type3A, %and3A_14 : vector<64x64x64xi32>
    %bitcast_convert_type3A_16 = tpu.bitcast %and3A_15 : vector<64x64x64xi32> -> vector<64x64x64xf32>
    %concatenate3A = tpu.concatenate %sub3A_9, %bitcast_convert_type3A_13, %bitcast_convert_type3A_16 in 2 : vector<64x64x16xf32>, vector<64x64x64xf32>, vector<64x64x64xf32> -> vector<64x64x144xf32>
    %reshape3A_17 = vector.shape_cast %concatenate3A : vector<64x64x144xf32> to vector<4096x144xf32>
    %get3A_18 = arith.constant 0 : index
    %get3A_19 = arith.constant 0 : index
    %get3A_20 = vector.load %arg4[%get3A_18, %get3A_19] : memref<128x144xbf16, #tpu.memory_space<vmem>>, vector<128x144xbf16>
    %convert_element_type3A = arith.truncf %reshape3A_17 : vector<4096x144xf32> to vector<4096x144xbf16>
    %dot_general3A = arith.constant dense<0.000000e+00> : vector<4096x128xf32>
    %dot_general3A_21 = tpu.matmul %convert_element_type3A, %get3A_20, %dot_general3A {dimension_numbers = #tpu.dot_dimension_numbers<[1], [1], [0], [0], [0, 0, 1, 0], [], []>, transpose_lhs_hint = false} : vector<4096x144xbf16>, vector<128x144xbf16>, vector<4096x128xf32> -> vector<4096x128xf32>
    %get3A_22 = arith.constant 0 : index
    %get3A_23 = arith.constant 0 : index
    %get3A_24 = vector.load %arg5[%get3A_22, %get3A_23] : memref<1x128xf32, #tpu.memory_space<vmem>>, vector<1x128xf32>
    %mul3A = vector.broadcast %get3A_24 : vector<1x128xf32> to vector<4096x128xf32>
    %mul3A_25 = arith.mulf %dot_general3A_21, %mul3A : vector<4096x128xf32>
    %get3A_26 = arith.constant 0 : index
    %get3A_27 = arith.constant 0 : index
    %get3A_28 = vector.load %arg6[%get3A_26, %get3A_27] : memref<1x128xf32, #tpu.memory_space<vmem>>, vector<1x128xf32>
    %add3A = vector.broadcast %get3A_28 : vector<1x128xf32> to vector<4096x128xf32>
    %add3A_29 = arith.addf %mul3A_25, %add3A : vector<4096x128xf32>
    %max3A = arith.constant 0.000000e+00 : f32
    %max3A_30 = vector.broadcast %max3A : f32 to vector<4096x128xf32>
    %max3A_31 = arith.maximumf %add3A_29, %max3A_30 : vector<4096x128xf32>
    %get3A_32 = arith.constant 0 : index
    %get3A_33 = arith.constant 0 : index
    %get3A_34 = vector.load %arg7[%get3A_32, %get3A_33] : memref<128x128xbf16, #tpu.memory_space<vmem>>, vector<128x128xbf16>
    %convert_element_type3A_35 = arith.truncf %max3A_31 : vector<4096x128xf32> to vector<4096x128xbf16>
    %dot_general3A_36 = arith.constant dense<0.000000e+00> : vector<4096x128xf32>
    %dot_general3A_37 = tpu.matmul %convert_element_type3A_35, %get3A_34, %dot_general3A_36 {dimension_numbers = #tpu.dot_dimension_numbers<[1], [1], [0], [0], [0, 0, 1, 0], [], []>, transpose_lhs_hint = false} : vector<4096x128xbf16>, vector<128x128xbf16>, vector<4096x128xf32> -> vector<4096x128xf32>
    %get3A_38 = arith.constant 0 : index
    %get3A_39 = arith.constant 0 : index
    %get3A_40 = vector.load %arg8[%get3A_38, %get3A_39] : memref<1x128xf32, #tpu.memory_space<vmem>>, vector<1x128xf32>
    %mul3A_41 = vector.broadcast %get3A_40 : vector<1x128xf32> to vector<4096x128xf32>
    %mul3A_42 = arith.mulf %dot_general3A_37, %mul3A_41 : vector<4096x128xf32>
    %get3A_43 = arith.constant 0 : index
    %get3A_44 = arith.constant 0 : index
    %get3A_45 = vector.load %arg9[%get3A_43, %get3A_44] : memref<1x128xf32, #tpu.memory_space<vmem>>, vector<1x128xf32>
    %add3A_46 = vector.broadcast %get3A_45 : vector<1x128xf32> to vector<4096x128xf32>
    %add3A_47 = arith.addf %mul3A_42, %add3A_46 : vector<4096x128xf32>
    %max3A_48 = arith.constant 0.000000e+00 : f32
    %max3A_49 = vector.broadcast %max3A_48 : f32 to vector<4096x128xf32>
    %max3A_50 = arith.maximumf %add3A_47, %max3A_49 : vector<4096x128xf32>
    %get3A_51 = arith.constant 0 : index
    %get3A_52 = arith.constant 0 : index
    %get3A_53 = vector.load %arg10[%get3A_51, %get3A_52] : memref<256x128xbf16, #tpu.memory_space<vmem>>, vector<256x128xbf16>
    %convert_element_type3A_54 = arith.truncf %max3A_50 : vector<4096x128xf32> to vector<4096x128xbf16>
    %dot_general3A_55 = arith.constant dense<0.000000e+00> : vector<4096x256xf32>
    %dot_general3A_56 = tpu.matmul %convert_element_type3A_54, %get3A_53, %dot_general3A_55 {dimension_numbers = #tpu.dot_dimension_numbers<[1], [1], [0], [0], [0, 0, 1, 0], [], []>, transpose_lhs_hint = false} : vector<4096x128xbf16>, vector<256x128xbf16>, vector<4096x256xf32> -> vector<4096x256xf32>
    %get3A_57 = arith.constant 0 : index
    %get3A_58 = arith.constant 0 : index
    %get3A_59 = vector.load %arg11[%get3A_57, %get3A_58] : memref<1x256xf32, #tpu.memory_space<vmem>>, vector<1x256xf32>
    %mul3A_60 = vector.broadcast %get3A_59 : vector<1x256xf32> to vector<4096x256xf32>
    %mul3A_61 = arith.mulf %dot_general3A_56, %mul3A_60 : vector<4096x256xf32>
    %get3A_62 = arith.constant 0 : index
    %get3A_63 = arith.constant 0 : index
    %get3A_64 = vector.load %arg12[%get3A_62, %get3A_63] : memref<1x256xf32, #tpu.memory_space<vmem>>, vector<1x256xf32>
    %add3A_65 = vector.broadcast %get3A_64 : vector<1x256xf32> to vector<4096x256xf32>
    %add3A_66 = arith.addf %mul3A_61, %add3A_65 : vector<4096x256xf32>
    %max3A_67 = arith.constant 0.000000e+00 : f32
    %max3A_68 = vector.broadcast %max3A_67 : f32 to vector<4096x256xf32>
    %max3A_69 = arith.maximumf %add3A_66, %max3A_68 : vector<4096x256xf32>
    %reshape3A_70 = vector.shape_cast %max3A_69 : vector<4096x256xf32> to vector<64x64x256xf32>
    %reduce_max3A = arith.constant dense<0xFF800000> : vector<64x256xf32>
    %reduce_max3A_71 = vector.multi_reduction <maximumf>, %reshape3A_70, %reduce_max3A [1] : vector<64x64x256xf32> to vector<64x256xf32>
    %swap3A = arith.constant 0 : index
    %swap3A_72 = arith.constant 0 : index
    %swap3A_73 = arith.constant 0 : index
    %swap3A_74 = vector.load %arg13[%swap3A, %swap3A_72, %swap3A_73] : memref<1x64x256xf32, #tpu.memory_space<vmem>>, vector<1x64x256xf32>
    %swap3A_75 = vector.shape_cast %swap3A_74 : vector<1x64x256xf32> to vector<64x256xf32>
    %swap3A_76 = vector.shape_cast %reduce_max3A_71 : vector<64x256xf32> to vector<1x64x256xf32>
    tpu.vector_store %arg13[%swap3A, %swap3A_72, %swap3A_73], %swap3A_76 {strides = array<i32>} : memref<1x64x256xf32, #tpu.memory_space<vmem>>, vector<1x64x256xf32>,
    return
  }
  func.func @transform_0(%arg0: i32, %arg1: i32) -> (i32, i32, i32) {
    %c0_i32 = arith.constant 0 : i32
    %c0_i32_0 = arith.constant 0 : i32
    return %arg0, %arg1, %c0_i32 : i32, i32, i32
  }
  func.func @transform_1(%arg0: i32, %arg1: i32) -> (i32, i32, i32) {
    %c0_i32 = arith.constant 0 : i32
    %c0_i32_0 = arith.constant 0 : i32
    return %arg0, %arg1, %c0_i32 : i32, i32, i32
  }
  func.func @transform_2(%arg0: i32, %arg1: i32) -> (i32, i32) {
    %c0_i32 = arith.constant 0 : i32
    %c0_i32_0 = arith.constant 0 : i32
    %c0_i32_1 = arith.constant 0 : i32
    return %c0_i32, %c0_i32_0 : i32, i32
  }
  func.func @transform_3(%arg0: i32, %arg1: i32) -> (i32, i32) {
    %c0_i32 = arith.constant 0 : i32
    %c0_i32_0 = arith.constant 0 : i32
    %c0_i32_1 = arith.constant 0 : i32
    return %c0_i32, %c0_i32_0 : i32, i32
  }
  func.func @transform_4(%arg0: i32, %arg1: i32) -> (i32, i32) {
    %c0_i32 = arith.constant 0 : i32
    %c0_i32_0 = arith.constant 0 : i32
    %c0_i32_1 = arith.constant 0 : i32
    return %c0_i32, %c0_i32_0 : i32, i32
  }
  func.func @transform_5(%arg0: i32, %arg1: i32) -> (i32, i32) {
    %c0_i32 = arith.constant 0 : i32
    %c0_i32_0 = arith.constant 0 : i32
    %c0_i32_1 = arith.constant 0 : i32
    return %c0_i32, %c0_i32_0 : i32, i32
  }
  func.func @transform_6(%arg0: i32, %arg1: i32) -> (i32, i32) {
    %c0_i32 = arith.constant 0 : i32
    %c0_i32_0 = arith.constant 0 : i32
    %c0_i32_1 = arith.constant 0 : i32
    return %c0_i32, %c0_i32_0 : i32, i32
  }
  func.func @transform_7(%arg0: i32, %arg1: i32) -> (i32, i32) {
    %c0_i32 = arith.constant 0 : i32
    %c0_i32_0 = arith.constant 0 : i32
    %c0_i32_1 = arith.constant 0 : i32
    return %c0_i32, %c0_i32_0 : i32, i32
  }
  func.func @transform_8(%arg0: i32, %arg1: i32) -> (i32, i32) {
    %c0_i32 = arith.constant 0 : i32
    %c0_i32_0 = arith.constant 0 : i32
    %c0_i32_1 = arith.constant 0 : i32
    return %c0_i32, %c0_i32_0 : i32, i32
  }
  func.func @transform_9(%arg0: i32, %arg1: i32) -> (i32, i32) {
    %c0_i32 = arith.constant 0 : i32
    %c0_i32_0 = arith.constant 0 : i32
    %c0_i32_1 = arith.constant 0 : i32
    return %c0_i32, %c0_i32_0 : i32, i32
  }
  func.func @transform_10(%arg0: i32, %arg1: i32) -> (i32, i32) {
    %c0_i32 = arith.constant 0 : i32
    %c0_i32_0 = arith.constant 0 : i32
    %c0_i32_1 = arith.constant 0 : i32
    return %c0_i32, %c0_i32_0 : i32, i32
  }
  func.func @transform_11(%arg0: i32, %arg1: i32) -> (i32, i32, i32) {
    %c0_i32 = arith.constant 0 : i32
    %c0_i32_0 = arith.constant 0 : i32
    return %arg0, %arg1, %c0_i32 : i32, i32, i32
  }
}

module attributes {stable_mosaic.version = 14 : i64} {
  func.func @_tail_body(%arg0: i32, %arg1: memref<1x256x259xf32, #tpu.memory_space<vmem>>, %arg2: memref<256x259xbf16, #tpu.memory_space<vmem>>, %arg3: memref<1x256xf32, #tpu.memory_space<vmem>>, %arg4: memref<1x256xf32, #tpu.memory_space<vmem>>, %arg5: memref<512x256xbf16, #tpu.memory_space<vmem>>, %arg6: memref<1x512xf32, #tpu.memory_space<vmem>>, %arg7: memref<1x512xf32, #tpu.memory_space<vmem>>, %arg8: memref<1024x512xbf16, #tpu.memory_space<vmem>>, %arg9: memref<1x1024xf32, #tpu.memory_space<vmem>>, %arg10: memref<1x1024xf32, #tpu.memory_space<vmem>>, %arg11: memref<512x1024xbf16, #tpu.memory_space<vmem>>, %arg12: memref<1x512xf32, #tpu.memory_space<vmem>>, %arg13: memref<1x512xf32, #tpu.memory_space<vmem>>, %arg14: memref<256x512xbf16, #tpu.memory_space<vmem>>, %arg15: memref<1x256xf32, #tpu.memory_space<vmem>>, %arg16: memref<1x256xf32, #tpu.memory_space<vmem>>, %arg17: memref<40x256xbf16, #tpu.memory_space<vmem>>, %arg18: memref<1x40xf32, #tpu.memory_space<vmem>>, %arg19: memref<1x1x40xf32, #tpu.memory_space<vmem>>) attributes {dimension_semantics = [#tpu.dimension_semantics<arbitrary>], iteration_bounds = array<i64: 32>, scalar_prefetch = 0 : i64, scratch_operands = 0 : i64, tpu.core_type = #tpu.core_type<tc>, window_params = [{transform_indices = @transform_0, window_bounds = array<i64: 1, 256, 259>}, {pipeline_mode = #tpu.pipeline_mode<synchronous>, transform_indices = @transform_1, window_bounds = array<i64: 256, 259>}, {pipeline_mode = #tpu.pipeline_mode<synchronous>, transform_indices = @transform_2, window_bounds = array<i64: 1, 256>}, {pipeline_mode = #tpu.pipeline_mode<synchronous>, transform_indices = @transform_3, window_bounds = array<i64: 1, 256>}, {pipeline_mode = #tpu.pipeline_mode<synchronous>, transform_indices = @transform_4, window_bounds = array<i64: 512, 256>}, {pipeline_mode = #tpu.pipeline_mode<synchronous>, transform_indices = @transform_5, window_bounds = array<i64: 1, 512>}, {pipeline_mode = #tpu.pipeline_mode<synchronous>, transform_indices = @transform_6, window_bounds = array<i64: 1, 512>}, {pipeline_mode = #tpu.pipeline_mode<synchronous>, transform_indices = @transform_7, window_bounds = array<i64: 1024, 512>}, {pipeline_mode = #tpu.pipeline_mode<synchronous>, transform_indices = @transform_8, window_bounds = array<i64: 1, 1024>}, {pipeline_mode = #tpu.pipeline_mode<synchronous>, transform_indices = @transform_9, window_bounds = array<i64: 1, 1024>}, {pipeline_mode = #tpu.pipeline_mode<synchronous>, transform_indices = @transform_10, window_bounds = array<i64: 512, 1024>}, {pipeline_mode = #tpu.pipeline_mode<synchronous>, transform_indices = @transform_11, window_bounds = array<i64: 1, 512>}, {pipeline_mode = #tpu.pipeline_mode<synchronous>, transform_indices = @transform_12, window_bounds = array<i64: 1, 512>}, {pipeline_mode = #tpu.pipeline_mode<synchronous>, transform_indices = @transform_13, window_bounds = array<i64: 256, 512>}, {pipeline_mode = #tpu.pipeline_mode<synchronous>, transform_indices = @transform_14, window_bounds = array<i64: 1, 256>}, {pipeline_mode = #tpu.pipeline_mode<synchronous>, transform_indices = @transform_15, window_bounds = array<i64: 1, 256>}, {pipeline_mode = #tpu.pipeline_mode<synchronous>, transform_indices = @transform_16, window_bounds = array<i64: 40, 256>}, {pipeline_mode = #tpu.pipeline_mode<synchronous>, transform_indices = @transform_17, window_bounds = array<i64: 1, 40>}, {transform_indices = @transform_18, window_bounds = array<i64: 1, 1, 40>}]} {
    %get3A = arith.constant 0 : index
    %get3A_0 = arith.constant 0 : index
    %get3A_1 = arith.constant 0 : index
    %get3A_2 = vector.load %arg1[%get3A, %get3A_0, %get3A_1] : memref<1x256x259xf32, #tpu.memory_space<vmem>>, vector<1x256x259xf32>
    %get3A_3 = vector.shape_cast %get3A_2 : vector<1x256x259xf32> to vector<256x259xf32>
    %get3A_4 = arith.constant 0 : index
    %get3A_5 = arith.constant 0 : index
    %get3A_6 = vector.load %arg2[%get3A_4, %get3A_5] : memref<256x259xbf16, #tpu.memory_space<vmem>>, vector<256x259xbf16>
    %convert_element_type3A = arith.truncf %get3A_3 : vector<256x259xf32> to vector<256x259xbf16>
    %dot_general3A = arith.constant dense<0.000000e+00> : vector<256x256xf32>
    %dot_general3A_7 = tpu.matmul %convert_element_type3A, %get3A_6, %dot_general3A {dimension_numbers = #tpu.dot_dimension_numbers<[1], [1], [0], [0], [0, 0, 1, 0], [], []>, transpose_lhs_hint = false} : vector<256x259xbf16>, vector<256x259xbf16>, vector<256x256xf32> -> vector<256x256xf32>
    %get3A_8 = arith.constant 0 : index
    %get3A_9 = arith.constant 0 : index
    %get3A_10 = vector.load %arg3[%get3A_8, %get3A_9] : memref<1x256xf32, #tpu.memory_space<vmem>>, vector<1x256xf32>
    %mul3A = vector.broadcast %get3A_10 : vector<1x256xf32> to vector<256x256xf32>
    %mul3A_11 = arith.mulf %dot_general3A_7, %mul3A : vector<256x256xf32>
    %get3A_12 = arith.constant 0 : index
    %get3A_13 = arith.constant 0 : index
    %get3A_14 = vector.load %arg4[%get3A_12, %get3A_13] : memref<1x256xf32, #tpu.memory_space<vmem>>, vector<1x256xf32>
    %add3A = vector.broadcast %get3A_14 : vector<1x256xf32> to vector<256x256xf32>
    %add3A_15 = arith.addf %mul3A_11, %add3A : vector<256x256xf32>
    %max3A = arith.constant 0.000000e+00 : f32
    %max3A_16 = vector.broadcast %max3A : f32 to vector<256x256xf32>
    %max3A_17 = arith.maximumf %add3A_15, %max3A_16 : vector<256x256xf32>
    %get3A_18 = arith.constant 0 : index
    %get3A_19 = arith.constant 0 : index
    %get3A_20 = vector.load %arg5[%get3A_18, %get3A_19] : memref<512x256xbf16, #tpu.memory_space<vmem>>, vector<512x256xbf16>
    %convert_element_type3A_21 = arith.truncf %max3A_17 : vector<256x256xf32> to vector<256x256xbf16>
    %dot_general3A_22 = arith.constant dense<0.000000e+00> : vector<256x512xf32>
    %dot_general3A_23 = tpu.matmul %convert_element_type3A_21, %get3A_20, %dot_general3A_22 {dimension_numbers = #tpu.dot_dimension_numbers<[1], [1], [0], [0], [0, 0, 1, 0], [], []>, transpose_lhs_hint = false} : vector<256x256xbf16>, vector<512x256xbf16>, vector<256x512xf32> -> vector<256x512xf32>
    %get3A_24 = arith.constant 0 : index
    %get3A_25 = arith.constant 0 : index
    %get3A_26 = vector.load %arg6[%get3A_24, %get3A_25] : memref<1x512xf32, #tpu.memory_space<vmem>>, vector<1x512xf32>
    %mul3A_27 = vector.broadcast %get3A_26 : vector<1x512xf32> to vector<256x512xf32>
    %mul3A_28 = arith.mulf %dot_general3A_23, %mul3A_27 : vector<256x512xf32>
    %get3A_29 = arith.constant 0 : index
    %get3A_30 = arith.constant 0 : index
    %get3A_31 = vector.load %arg7[%get3A_29, %get3A_30] : memref<1x512xf32, #tpu.memory_space<vmem>>, vector<1x512xf32>
    %add3A_32 = vector.broadcast %get3A_31 : vector<1x512xf32> to vector<256x512xf32>
    %add3A_33 = arith.addf %mul3A_28, %add3A_32 : vector<256x512xf32>
    %max3A_34 = arith.constant 0.000000e+00 : f32
    %max3A_35 = vector.broadcast %max3A_34 : f32 to vector<256x512xf32>
    %max3A_36 = arith.maximumf %add3A_33, %max3A_35 : vector<256x512xf32>
    %get3A_37 = arith.constant 0 : index
    %get3A_38 = arith.constant 0 : index
    %get3A_39 = vector.load %arg8[%get3A_37, %get3A_38] : memref<1024x512xbf16, #tpu.memory_space<vmem>>, vector<1024x512xbf16>
    %convert_element_type3A_40 = arith.truncf %max3A_36 : vector<256x512xf32> to vector<256x512xbf16>
    %dot_general3A_41 = arith.constant dense<0.000000e+00> : vector<256x1024xf32>
    %dot_general3A_42 = tpu.matmul %convert_element_type3A_40, %get3A_39, %dot_general3A_41 {dimension_numbers = #tpu.dot_dimension_numbers<[1], [1], [0], [0], [0, 0, 1, 0], [], []>, transpose_lhs_hint = false} : vector<256x512xbf16>, vector<1024x512xbf16>, vector<256x1024xf32> -> vector<256x1024xf32>
    %get3A_43 = arith.constant 0 : index
    %get3A_44 = arith.constant 0 : index
    %get3A_45 = vector.load %arg9[%get3A_43, %get3A_44] : memref<1x1024xf32, #tpu.memory_space<vmem>>, vector<1x1024xf32>
    %mul3A_46 = vector.broadcast %get3A_45 : vector<1x1024xf32> to vector<256x1024xf32>
    %mul3A_47 = arith.mulf %dot_general3A_42, %mul3A_46 : vector<256x1024xf32>
    %get3A_48 = arith.constant 0 : index
    %get3A_49 = arith.constant 0 : index
    %get3A_50 = vector.load %arg10[%get3A_48, %get3A_49] : memref<1x1024xf32, #tpu.memory_space<vmem>>, vector<1x1024xf32>
    %add3A_51 = vector.broadcast %get3A_50 : vector<1x1024xf32> to vector<256x1024xf32>
    %add3A_52 = arith.addf %mul3A_47, %add3A_51 : vector<256x1024xf32>
    %max3A_53 = arith.constant 0.000000e+00 : f32
    %max3A_54 = vector.broadcast %max3A_53 : f32 to vector<256x1024xf32>
    %max3A_55 = arith.maximumf %add3A_52, %max3A_54 : vector<256x1024xf32>
    %reduce_max3A = arith.constant dense<0xFF800000> : vector<1024xf32>
    %reduce_max3A_56 = vector.multi_reduction <maximumf>, %max3A_55, %reduce_max3A [0] : vector<256x1024xf32> to vector<1024xf32>
    %broadcast_in_dim3A = vector.shape_cast %reduce_max3A_56 : vector<1024xf32> to vector<1x1024xf32>
    %get3A_57 = arith.constant 0 : index
    %get3A_58 = arith.constant 0 : index
    %get3A_59 = vector.load %arg11[%get3A_57, %get3A_58] : memref<512x1024xbf16, #tpu.memory_space<vmem>>, vector<512x1024xbf16>
    %convert_element_type3A_60 = arith.truncf %broadcast_in_dim3A : vector<1x1024xf32> to vector<1x1024xbf16>
    %dot_general3A_61 = arith.constant dense<0.000000e+00> : vector<1x512xf32>
    %dot_general3A_62 = tpu.matmul %convert_element_type3A_60, %get3A_59, %dot_general3A_61 {dimension_numbers = #tpu.dot_dimension_numbers<[1], [1], [0], [0], [0, 0, 1, 0], [], []>, transpose_lhs_hint = false} : vector<1x1024xbf16>, vector<512x1024xbf16>, vector<1x512xf32> -> vector<1x512xf32>
    %get3A_63 = arith.constant 0 : index
    %get3A_64 = arith.constant 0 : index
    %get3A_65 = vector.load %arg12[%get3A_63, %get3A_64] : memref<1x512xf32, #tpu.memory_space<vmem>>, vector<1x512xf32>
    %mul3A_66 = arith.mulf %dot_general3A_62, %get3A_65 : vector<1x512xf32>
    %get3A_67 = arith.constant 0 : index
    %get3A_68 = arith.constant 0 : index
    %get3A_69 = vector.load %arg13[%get3A_67, %get3A_68] : memref<1x512xf32, #tpu.memory_space<vmem>>, vector<1x512xf32>
    %add3A_70 = arith.addf %mul3A_66, %get3A_69 : vector<1x512xf32>
    %max3A_71 = arith.constant 0.000000e+00 : f32
    %max3A_72 = vector.broadcast %max3A_71 : f32 to vector<1x512xf32>
    %max3A_73 = arith.maximumf %add3A_70, %max3A_72 : vector<1x512xf32>
    %get3A_74 = arith.constant 0 : index
    %get3A_75 = arith.constant 0 : index
    %get3A_76 = vector.load %arg14[%get3A_74, %get3A_75] : memref<256x512xbf16, #tpu.memory_space<vmem>>, vector<256x512xbf16>
    %convert_element_type3A_77 = arith.truncf %max3A_73 : vector<1x512xf32> to vector<1x512xbf16>
    %dot_general3A_78 = arith.constant dense<0.000000e+00> : vector<1x256xf32>
    %dot_general3A_79 = tpu.matmul %convert_element_type3A_77, %get3A_76, %dot_general3A_78 {dimension_numbers = #tpu.dot_dimension_numbers<[1], [1], [0], [0], [0, 0, 1, 0], [], []>, transpose_lhs_hint = false} : vector<1x512xbf16>, vector<256x512xbf16>, vector<1x256xf32> -> vector<1x256xf32>
    %get3A_80 = arith.constant 0 : index
    %get3A_81 = arith.constant 0 : index
    %get3A_82 = vector.load %arg15[%get3A_80, %get3A_81] : memref<1x256xf32, #tpu.memory_space<vmem>>, vector<1x256xf32>
    %mul3A_83 = arith.mulf %dot_general3A_79, %get3A_82 : vector<1x256xf32>
    %get3A_84 = arith.constant 0 : index
    %get3A_85 = arith.constant 0 : index
    %get3A_86 = vector.load %arg16[%get3A_84, %get3A_85] : memref<1x256xf32, #tpu.memory_space<vmem>>, vector<1x256xf32>
    %add3A_87 = arith.addf %mul3A_83, %get3A_86 : vector<1x256xf32>
    %max3A_88 = arith.constant 0.000000e+00 : f32
    %max3A_89 = vector.broadcast %max3A_88 : f32 to vector<1x256xf32>
    %max3A_90 = arith.maximumf %add3A_87, %max3A_89 : vector<1x256xf32>
    %get3A_91 = arith.constant 0 : index
    %get3A_92 = arith.constant 0 : index
    %get3A_93 = vector.load %arg17[%get3A_91, %get3A_92] : memref<40x256xbf16, #tpu.memory_space<vmem>>, vector<40x256xbf16>
    %convert_element_type3A_94 = arith.truncf %max3A_90 : vector<1x256xf32> to vector<1x256xbf16>
    %dot_general3A_95 = arith.constant dense<0.000000e+00> : vector<1x40xf32>
    %dot_general3A_96 = tpu.matmul %convert_element_type3A_94, %get3A_93, %dot_general3A_95 {dimension_numbers = #tpu.dot_dimension_numbers<[1], [1], [0], [0], [0, 0, 1, 0], [], []>, transpose_lhs_hint = false} : vector<1x256xbf16>, vector<40x256xbf16>, vector<1x40xf32> -> vector<1x40xf32>
    %get3A_97 = arith.constant 0 : index
    %get3A_98 = arith.constant 0 : index
    %get3A_99 = vector.load %arg18[%get3A_97, %get3A_98] : memref<1x40xf32, #tpu.memory_space<vmem>>, vector<1x40xf32>
    %add3A_100 = arith.addf %dot_general3A_96, %get3A_99 : vector<1x40xf32>
    %swap3A = arith.constant 0 : index
    %swap3A_101 = arith.constant 0 : index
    %swap3A_102 = arith.constant 0 : index
    %swap3A_103 = vector.load %arg19[%swap3A, %swap3A_101, %swap3A_102] : memref<1x1x40xf32, #tpu.memory_space<vmem>>, vector<1x1x40xf32>
    %swap3A_104 = vector.shape_cast %swap3A_103 : vector<1x1x40xf32> to vector<1x40xf32>
    %swap3A_105 = vector.shape_cast %add3A_100 : vector<1x40xf32> to vector<1x1x40xf32>
    tpu.vector_store %arg19[%swap3A, %swap3A_101, %swap3A_102], %swap3A_105 {strides = array<i32>} : memref<1x1x40xf32, #tpu.memory_space<vmem>>, vector<1x1x40xf32>,
    return
  }
  func.func @transform_0(%arg0: i32) -> (i32, i32, i32) {
    %c0_i32 = arith.constant 0 : i32
    %c0_i32_0 = arith.constant 0 : i32
    %c0_i32_1 = arith.constant 0 : i32
    return %arg0, %c0_i32, %c0_i32_0 : i32, i32, i32
  }
  func.func @transform_1(%arg0: i32) -> (i32, i32) {
    %c0_i32 = arith.constant 0 : i32
    %c0_i32_0 = arith.constant 0 : i32
    %c0_i32_1 = arith.constant 0 : i32
    return %c0_i32, %c0_i32_0 : i32, i32
  }
  func.func @transform_2(%arg0: i32) -> (i32, i32) {
    %c0_i32 = arith.constant 0 : i32
    %c0_i32_0 = arith.constant 0 : i32
    %c0_i32_1 = arith.constant 0 : i32
    return %c0_i32, %c0_i32_0 : i32, i32
  }
  func.func @transform_3(%arg0: i32) -> (i32, i32) {
    %c0_i32 = arith.constant 0 : i32
    %c0_i32_0 = arith.constant 0 : i32
    %c0_i32_1 = arith.constant 0 : i32
    return %c0_i32, %c0_i32_0 : i32, i32
  }
  func.func @transform_4(%arg0: i32) -> (i32, i32) {
    %c0_i32 = arith.constant 0 : i32
    %c0_i32_0 = arith.constant 0 : i32
    %c0_i32_1 = arith.constant 0 : i32
    return %c0_i32, %c0_i32_0 : i32, i32
  }
  func.func @transform_5(%arg0: i32) -> (i32, i32) {
    %c0_i32 = arith.constant 0 : i32
    %c0_i32_0 = arith.constant 0 : i32
    %c0_i32_1 = arith.constant 0 : i32
    return %c0_i32, %c0_i32_0 : i32, i32
  }
  func.func @transform_6(%arg0: i32) -> (i32, i32) {
    %c0_i32 = arith.constant 0 : i32
    %c0_i32_0 = arith.constant 0 : i32
    %c0_i32_1 = arith.constant 0 : i32
    return %c0_i32, %c0_i32_0 : i32, i32
  }
  func.func @transform_7(%arg0: i32) -> (i32, i32) {
    %c0_i32 = arith.constant 0 : i32
    %c0_i32_0 = arith.constant 0 : i32
    %c0_i32_1 = arith.constant 0 : i32
    return %c0_i32, %c0_i32_0 : i32, i32
  }
  func.func @transform_8(%arg0: i32) -> (i32, i32) {
    %c0_i32 = arith.constant 0 : i32
    %c0_i32_0 = arith.constant 0 : i32
    %c0_i32_1 = arith.constant 0 : i32
    return %c0_i32, %c0_i32_0 : i32, i32
  }
  func.func @transform_9(%arg0: i32) -> (i32, i32) {
    %c0_i32 = arith.constant 0 : i32
    %c0_i32_0 = arith.constant 0 : i32
    %c0_i32_1 = arith.constant 0 : i32
    return %c0_i32, %c0_i32_0 : i32, i32
  }
  func.func @transform_10(%arg0: i32) -> (i32, i32) {
    %c0_i32 = arith.constant 0 : i32
    %c0_i32_0 = arith.constant 0 : i32
    %c0_i32_1 = arith.constant 0 : i32
    return %c0_i32, %c0_i32_0 : i32, i32
  }
  func.func @transform_11(%arg0: i32) -> (i32, i32) {
    %c0_i32 = arith.constant 0 : i32
    %c0_i32_0 = arith.constant 0 : i32
    %c0_i32_1 = arith.constant 0 : i32
    return %c0_i32, %c0_i32_0 : i32, i32
  }
  func.func @transform_12(%arg0: i32) -> (i32, i32) {
    %c0_i32 = arith.constant 0 : i32
    %c0_i32_0 = arith.constant 0 : i32
    %c0_i32_1 = arith.constant 0 : i32
    return %c0_i32, %c0_i32_0 : i32, i32
  }
  func.func @transform_13(%arg0: i32) -> (i32, i32) {
    %c0_i32 = arith.constant 0 : i32
    %c0_i32_0 = arith.constant 0 : i32
    %c0_i32_1 = arith.constant 0 : i32
    return %c0_i32, %c0_i32_0 : i32, i32
  }
  func.func @transform_14(%arg0: i32) -> (i32, i32) {
    %c0_i32 = arith.constant 0 : i32
    %c0_i32_0 = arith.constant 0 : i32
    %c0_i32_1 = arith.constant 0 : i32
    return %c0_i32, %c0_i32_0 : i32, i32
  }
  func.func @transform_15(%arg0: i32) -> (i32, i32) {
    %c0_i32 = arith.constant 0 : i32
    %c0_i32_0 = arith.constant 0 : i32
    %c0_i32_1 = arith.constant 0 : i32
    return %c0_i32, %c0_i32_0 : i32, i32
  }
  func.func @transform_16(%arg0: i32) -> (i32, i32) {
    %c0_i32 = arith.constant 0 : i32
    %c0_i32_0 = arith.constant 0 : i32
    %c0_i32_1 = arith.constant 0 : i32
    return %c0_i32, %c0_i32_0 : i32, i32
  }
  func.func @transform_17(%arg0: i32) -> (i32, i32) {
    %c0_i32 = arith.constant 0 : i32
    %c0_i32_0 = arith.constant 0 : i32
    %c0_i32_1 = arith.constant 0 : i32
    return %c0_i32, %c0_i32_0 : i32, i32
  }
  func.func @transform_18(%arg0: i32) -> (i32, i32, i32) {
    %c0_i32 = arith.constant 0 : i32
    %c0_i32_0 = arith.constant 0 : i32
    %c0_i32_1 = arith.constant 0 : i32
    return %arg0, %c0_i32, %c0_i32_0 : i32, i32, i32
  }
}

</mosaic_0001>

<sc_bundles>
// kernel: kernel.12.cloned.1.call-start
scs
__scs_entry_jumppad:
0x0: {  	(pc) =	sbr.rel $0x88, $3  }
0x1: {  	(tag) =	ssettag $0x0;
	lr =	simm.s32 $0x1  }
0x2: {  	[smem:$0x3F7D] =	sst lr;
	_ =	strace $0xD0000000  }
0x3: {  	_ = 	snop  }
0x4: {  	_ = 	snop  }
0x5: {  	_ = 	snop  }
0x6: {  	_ = 	snop  }
0x7: {  	_ = 	snop  }
__scs_overlays_trampoline_lowered:
0x8: {  	[smem:$0x3F8C] =	sst s0  }
0x9: {  	[smem:$0x3F8D] =	sst s1  }
0xa: {  	[smem:$0x3F8E] =	sst s2  }
0xb: {  	[smem:$0x3F8F] =	sst s3  }
0xc: {  	[smem:$0x3F90] =	sst s4  }
0xd: {  	[smem:$0x3F91] =	sst s5  }
0xe: {  	[smem:$0x3F92] =	sst s6  }
0xf: {  	[smem:$0x3F93] =	sst s7  }
0x10: {  	[smem:$0x3F94] =	sst s8  }
0x11: {  	[smem:$0x3F95] =	sst s9;
	s0 =	simm.s32 @!p0 $0x0  }
0x12: {  	s1 =	sld [smem:$0x3F7B];
	s0 =	simm.s32 @p0 $0x1  }
0x13: {  	[smem:$0x3F96] =	sst s0;
	s0 =	simm.s32 @!p1 $0x0  }
0x14: {  	s2 =	sld [smem:$0x3F7A];
	s0 =	simm.s32 @p1 $0x1  }
0x15: {  	[smem:$0x3F97] =	sst s0;
	s0 =	simm.s32 @!p2 $0x0  }
0x16: {  	s3 =	sld [smem:$0x3FDB];
	s0 =	simm.s32 @p2 $0x1  }
0x17: {  	s4 =	simm.s32 $0x1BF5;
	[smem:$0x3F99] =	sst s0  }
0x18: {  	s0 =	sld [smem:$0x3F7C];
	_ =	swait.ge [sflag:s4], $0x0  }
0x19: {  	s7 =	sld [smem:$0x3F7D]  }
0x1a: {  	s8 =	sadd.s32 $0xFFFFE003, lr  }
0x1b: {  	s9 =	sadd.s32 $0xFFFFFEF7, lr;
	s5 =	simm.s32 $0xFFFFFFFF;
	p2 =	slt.u32 s8, $0xFFFFF086  }
0x1c: {  	p1 =	slt.u32 s9, $0xF7A;
	s5 =	simm.s32 @!p2 $0x0  }
0x1d: {  	s5 =	simm.s32 @p1 $0x1;
	p0 =	seq.s32 s7, s2  }
0x1e: {  	s7 =	smul.u32 @!p0 $0xF7A, s2;
	p2 =	seq.s32 @!p0 s5, $0x0  }
0x1f: {  	s9 =	smul.u32 $0xF7A, s1;
	s8 =	simm.s32 @!p0 $0x1BF5;
	p2 =	por !p2, p0  }
0x20: {  	[sflag:s8] =	ssyncset.s32 @!p0 $0xFFFFF086;
	s6 =	sadd.s32 @!p0 s3, s7;
	s7 =	simm.s32 @!p0 $0x108  }
0x21: {  	s3 =	sadd.s32 s3, s9;
	s6 =	sadd.s32 @!p0 $0x88, s6;
	s7 =	simm.s32 @p2 $0x1082  }
0x22: {  	[simem:s7], [sflag:s8] =	dma.local @!p0 [hbm:s6], $0xF7A  }
0x23: {  	s9 =	sor.u32 $0xD0000000, s2;
	s6 =	simm.s32 $0x108;
	_ =	swait.ge @!p0 [sflag:s8], $0x0  }
0x24: {  	s3 =	sadd.s32 $0x88, s3;
	s6 =	simm.s32 @!p1 $0x1082;
	[sflag:s4] =	ssyncset.s32 $0xFFFFF086  }
0x25: {  	[simem:s6], [sflag:s4] =	dma.local [hbm:s3], $0xF7A  }
0x26: {  	[smem:$0x3F7D] =	sst s1;
	(tag) =	ssettag s2;
	_ =	strace s9  }
0x27: {  	s1 =	sld [smem:$0x3F8D]  }
0x28: {  	s2 =	sld [smem:$0x3F8E]  }
0x29: {  	s4 =	sld [smem:$0x3F90]  }
0x2a: {  	p0 =	seq.s32 s5, $0x0;
	s5 =	sld [smem:$0x3F91]  }
0x2b: {  	s6 =	sld [smem:$0x3F92]  }
0x2c: {  	s7 =	sld [smem:$0x3F93]  }
0x2d: {  	s3 =	simm.s32 $0x108;
	s8 =	sld [smem:$0x3F94]  }
0x2e: {  	s3 =	simm.s32 @!p0 $0x1082;
	s9 =	sld [smem:$0x3F95]  }
0x2f: {  	lr =	sadd.s32 s0, s3;
	s0 =	sld [smem:$0x3F8C]  }
0x30: {  	s3 =	sld [smem:$0x3F8F]  }
0x31: {  	[smem:$0x3F98] =	sst s10  }
0x32: {  	s10 =	sld [smem:$0x3F96];
	_ =	sdelay $0x3  }
0x33: {  	p0 =	seq.s32 s10, $0x1;
	s10 =	sld [smem:$0x3F98];
	_ =	sdelay $0x3  }
0x34: {  	[smem:$0x3F98] =	sst s10  }
0x35: {  	s10 =	sld [smem:$0x3F97];
	_ =	sdelay $0x3  }
0x36: {  	p1 =	seq.s32 s10, $0x1;
	s10 =	sld [smem:$0x3F98];
	_ =	sdelay $0x3  }
0x37: {  	[smem:$0x3F98] =	sst s10  }
0x38: {  	s10 =	sld [smem:$0x3F99]  }
0x39: {  	_ = 	snop;
	(pc) =	sbr.ind lr, $3  }
0x3a: {  	_ = 	snop  }
0x3b: {  	_ = 	snop  }
0x3c: {  	p2 =	seq.s32 s10, $0x1;
	s10 =	sld [smem:$0x3F98]  }
0x3d: {  	_ =	shalt  }
0x3e: {  	_ =	shalt  }
0x3f: {  	_ =	shalt  }
0x40: {  	_ =	shalt  }
0x41: {  	_ =	shalt  }
0x42: {  	_ =	shalt  }
0x43: {  	_ =	shalt  }
0x44: {  	_ =	shalt  }
0x45: {  	_ =	shalt  }
0x46: {  	_ =	shalt  }
0x47: {  	_ =	shalt  }
0x48: {  	_ =	shalt  }
0x49: {  	_ =	shalt  }
0x4a: {  	_ =	shalt  }
0x4b: {  	_ =	shalt  }
0x4c: {  	_ =	shalt  }
0x4d: {  	_ =	shalt  }
0x4e: {  	_ =	shalt  }
0x4f: {  	_ =	shalt  }
0x50: {  	_ =	shalt  }
0x51: {  	_ =	shalt  }
0x52: {  	_ =	shalt  }
0x53: {  	_ =	shalt  }
0x54: {  	_ =	shalt  }
0x55: {  	_ =	shalt  }
0x56: {  	_ =	shalt  }
0x57: {  	_ =	shalt  }
0x58: {  	_ =	shalt  }
0x59: {  	_ =	shalt  }
0x5a: {  	_ =	shalt  }
0x5b: {  	_ =	shalt  }
0x5c: {  	_ =	shalt  }
0x5d: {  	_ =	shalt  }
0x5e: {  	_ =	shalt  }
0x5f: {  	_ =	shalt  }
0x60: {  	_ =	shalt  }
0x61: {  	_ =	shalt  }
0x62: {  	_ =	shalt  }
0x63: {  	_ =	shalt  }
0x64: {  	_ =	shalt  }
0x65: {  	_ =	shalt  }
0x66: {  	_ =	shalt  }
0x67: {  	_ =	shalt  }
0x68: {  	_ =	shalt  }
0x69: {  	_ =	shalt  }
0x6a: {  	_ =	shalt  }
0x6b: {  	_ =	shalt  }
0x6c: {  	_ =	shalt  }
0x6d: {  	_ =	shalt  }
0x6e: {  	_ =	shalt  }
0x6f: {  	_ =	shalt  }
0x70: {  	_ =	shalt  }
0x71: {  	_ =	shalt  }
0x72: {  	_ =	shalt  }
0x73: {  	_ =	shalt  }
0x74: {  	_ =	shalt  }
0x75: {  	_ =	shalt  }
0x76: {  	_ =	shalt  }
0x77: {  	_ =	shalt  }
0x78: {  	_ =	shalt  }
0x79: {  	_ =	shalt  }
0x7a: {  	_ =	shalt  }
0x7b: {  	_ =	shalt  }
0x7c: {  	_ =	shalt  }
0x7d: {  	_ =	shalt  }
0x7e: {  	_ =	shalt  }
0x7f: {  	_ =	shalt  }
0x80: {  	_ =	shalt  }
0x81: {  	_ =	shalt  }
0x82: {  	_ =	shalt  }
0x83: {  	_ =	shalt  }
0x84: {  	_ =	shalt  }
0x85: {  	_ =	shalt  }
0x86: {  	_ =	shalt  }
0x87: {  	_ =	shalt  }
.Lfunc_end0:
.L_simem_size_0:
called_computation.1_lowered:
.L_overlay_start_0:
0x88: {  	s2 =	sld [smem:$0x3FD9]  }
0x89: {  	s3 =	sld [smem:$0x3FFE];
	_ =	sdelay $0x1  }
0x8a: {  	s1 =	srdreg.scid  }
0x8b: {  	s0 =	sand.u32 $0x1, s1  }
0x8c: {  	s16 =	sshll.u32 s0, $0xA;
	s2 =	sadd.s32 s3, s2  }
0x8d: {  	s2 =	sadd.s32 s2, s16  }
0x8e: {  	[smem:$0x3FA4] =	sst s2  }
0x8f: {  	_ = 	snop  }
0x90: {  	(tm) =	ssettm $0x1  }
0x91: {  	s17 =	sld [smem:$0x3FFB];
	_ =	sdelay $0x3  }
0x92: {  	_ =	strace s17  }
0x93: {  	s2 =	sld [smem:$0x3FFC];
	_ =	sdelay $0x3  }
0x94: {  	_ =	strace s2  }
0x95: {  	s2 =	sld [smem:$0x3FFD];
	_ =	sdelay $0x3  }
0x96: {  	_ =	strace s2  }
0x97: {  	_ =	strace $0x8FFFFFFF  }
0x98: {  	s18 =	sld [smem:$0x3FDB];
	_ =	sdelay $0x1  }
0x99: {  	s19 =	simm.s32 $_scs_section_size  }
0x9a: {  	s4 =	simm.s32 $_size__tile_overlayer_lowered;
	s5 =	simm.s32 $_tile_overlayer_lowered  }
0x9b: {  	s22 =	simm.s32 $0x1BFF;
	s21 =	sshll.u32 s5, $0x1;
	s2 =	sadd.s32 s19, s18  }
0x9c: {  	s6 =	simm.s32 $0x0;
	s20 =	sshll.u32 s4, $0x1;
	s4 =	sadd.s32 s21, s2  }
0x9d: {  	[timem:s6], [sflag:s22] =	dma.local [hbm:s4], s20  }
0x9e: {  	_ =	swait.ge [sflag:s22], s20  }
0x9f: {  	s3 =	ssub.s32 $0x0, s20;
	[sflag:s22] =	ssyncset.done $0x0  }
0xa0: {  	[sflag:s22] =	ssyncadd.s32 s3;
	_ =	sdelay $0x1  }
0xa1: {  	s23 =	simm.s32 $0x1B8B  }
0xa2: {  	_ =	swait.ge [sflag:s23], $0x1  }
0xa3: {  	[sflag:s23] =	ssyncset.done $0x0  }
0xa4: {  	s25 =	simm.s32 $0x1B8E;
	s24 =	sld [smem:$0x3FFE];
	[sflag:s23] =	ssyncadd.s32 $0xFFFFFFFF  }
0xa5: {  	s26 =	simm.s32 $execute0_lowered;
	[smem:$0x3FD2] =	sst s25  }
0xa6: {  	s4 =	sshll.u32 s26, $0x1;
	_ =	strace $0x80000049;
	[dreg:$0x1] =	wrdreg $0xFFFFFFFF  }
0xa7: {  	s28 =	simm.s32 $_size_execute0_lowered;
	s2 =	sadd.s32 s2, s4;
	[dreg:$0x0] =	wrdreg $0x0  }
0xa8: {  	s4 =	sshll.u32 s28, $0x1;
	[dreg:$0x2] =	wrdreg s2  }
0xa9: {  	[dreg:$0x3] =	wrdreg s4  }
0xaa: {  	[dreg:$0x4] =	wrdreg $0xC0  }
0xab: {  	_ =	task [dreg:s6], $0x5FFFF  }
0xac: {  	[dreg:$0x1] =	wrdreg $0xFFFFFFFF  }
0xad: {  	[dreg:$0x0] =	wrdreg $0x60  }
0xae: {  	[dreg:$0x2] =	wrdreg s24  }
0xaf: {  	[dreg:$0x3] =	wrdreg $0x9  }
0xb0: {  	_ =	task.clear_ibuf [dreg:s6], $0x4FFFF;
	_ =	strace $0x90000049  }
0xb1: {  	s29 =	simm.s32 $0x9;
	_ =	strace $0x8000004B  }
0xb2: {  	_ =	swait.ge [sflag:s29], $0x1  }
0xb3: {  	[sflag:s29] =	ssyncadd.s32 $0xFFFFFFFF  }
0xb4: {  	_ =	strace $0x9000004B  }
0xb5: {  	_ =	sfence  }
0xb6: {  	s30 =	sld [smem:$0x0];
	_ =	sdelay $0x2  }
0xb7: {  	s31 =	sshll.u32 s1, $0xD;
	s1 =	sshrl.u32 s1, $0x2  }
0xb8: {  	s3 =	sand.u32 $0x4000, s31;
	s1 =	sadd.s32 s1, s30  }
0xb9: {  	s0 =	sor.u32 s3, s0;
	s1 =	sshll.u32 s1, $0x11  }
0xba: {  	s0 =	sor.u32 s1, s0  }
0xbb: {  	s0 =	sadd.s32 $0x8F2B, s0  }
0xbc: {  	[sflag:s0] =	ssyncadd.remote.s32 $0x1  }
0xbd: {  	_ =	sfence.sel $0xFFFF  }
0xbe: {  	[dreg:$0x0] =	wrdreg $0xFFFFFFFF;
	(pc) =	sbr.abs _section_cstart, $3  }
0xbf: {  	[dreg:$0x1] =	wrdreg $0xFFFFFFFF  }
0xc0: {  	_ =	task.clear_ibuf [dreg:s6], $0x2FFFF;
	_ =	strace $0x9FFFFFFF  }
0xc1: {  	(tm) =	ssettm $0x7FFFFFFF  }
tec
execute0_lowered:
.L_overlay_start_1:
0x0: {  	(tag) =	ssettag $0x1  }
0x1: {  	s4 =	rddreg [dreg:$0x0]  }
0x2: {  	s0 =	rddreg [dreg:$0x1];
	s1 =	simm.s32 $0x0  }
0x3: {  	s5 =	srdreg.scid;
	s2 =	stileid.u32;
	s10 =	simm.s32 $0x2C00  }
0x4: {  	s11 =	simm.s32 $0x100;
	s12 =	simm.s32 $0x5400;
	s13 =	simm.s32 $0x180  }
0x5: {  	s14 =	simm.s32 $0x7C00;
	s15 =	simm.s32 $0x200;
	s16 =	simm.s32 $0xA400  }
0x6: {  	s17 =	simm.s32 $0x280;
	s18 =	simm.s32 $0xCC00;
	s19 =	simm.s32 $0x300  }
0x7: {  	s20 =	simm.s32 $0xF400;
	s21 =	simm.s32 $0x380;
	s22 =	simm.s32 $0x11C00  }
0x8: {  	s23 =	simm.s32 $0x1;
	s24 =	simm.s32 $0x0;
	[smem:$0x7FF] =	sst s1  }
0x9: {  	s3 =	sadd.s32 $0x5800, s4;
	s5 =	sand.u32 $0x1, s5;
	s6 =	sshll.u32 s2, $0xF  }
0xa: {  	s8 =	smul.u32 $0x50000, s2;
	_ =	strace $0x8000004A;
	s7 =	sshll.u32 s5, $0xE  }
0xb: {  	s29 =	ssub.s32 $0x2, s5;
	s5 =	smul.u32 $0x28000, s5;
	s6 =	sor.u32 s7, s6  }
0xc: {  	s8 =	sadd.s32 s8, s4;
	s9 =	sshrl.u32 s29, $0x1;
	s7 =	simm.s32 $0x2  }
0xd: {  	s6 =	sshrl.u32 s6, $0x3;
	s30 =	ssub.s32 s29, s9;
	s31 =	sadd.s32 s5, s8  }
0xe: {  	s8 =	simm.s32 $0x80;
	s9 =	simm.s32 $0x400;
	s6 =	sadd.s32 s6, s4  }
0xf: {  	s4 =	smax.u32 s30, $0x1;
	s5 =	sadd.s32 $0xF5800, s6;
	s6 =	sadd.s32 $0x105800, s31  }
.LBB2_1:
0x10: {  	s25 =	sadd.s32 $0x0, s5  }
0x11: {  	[tilespmem:s1], [sflag:$0x2] =	stream.linear.gather [hbm4b:s25+s1], $0x400, $0x38;
	[tilespmem:$0x14400] =	vst v63  }
0x12: {  	_ =	swait.ge [sflag:s7], $0x400  }
0x13: {  	[sflag:s7] =	ssyncset.done $0x0  }
0x14: {  	[sflag:s7] =	ssyncadd.s32 $0xFFFFFC00  }
0x15: {  	[tilespmem:s9], [sflag:$0x1] =	stream.indirect.gather [hbm4b:s3+s8], $0x50, s1, s8, $0xb8;
	[tilespmem:$0x14400] =	vst v63  }
0x16: {  	_ = 	snop  }
0x17: {  	[tilespmem:s10], [sflag:$0x1] =	stream.indirect.gather [hbm4b:s3+s8], $0x50, s8, s8, $0xb8;
	[tilespmem:$0x14400] =	vst v63  }
0x18: {  	_ = 	snop  }
0x19: {  	[tilespmem:s12], [sflag:$0x1] =	stream.indirect.gather [hbm4b:s3+s8], $0x50, s11, s8, $0xb8;
	[tilespmem:$0x14400] =	vst v63  }
0x1a: {  	_ = 	snop  }
0x1b: {  	[tilespmem:s14], [sflag:$0x1] =	stream.indirect.gather [hbm4b:s3+s8], $0x50, s13, s8, $0xb8;
	[tilespmem:$0x14400] =	vst v63  }
0x1c: {  	_ = 	snop  }
0x1d: {  	[tilespmem:s16], [sflag:$0x1] =	stream.indirect.gather [hbm4b:s3+s8], $0x50, s15, s8, $0xb8;
	[tilespmem:$0x14400] =	vst v63  }
0x1e: {  	_ = 	snop  }
0x1f: {  	[tilespmem:s18], [sflag:$0x1] =	stream.indirect.gather [hbm4b:s3+s8], $0x50, s17, s8, $0xb8;
	[tilespmem:$0x14400] =	vst v63  }
0x20: {  	_ = 	snop  }
0x21: {  	[tilespmem:s20], [sflag:$0x1] =	stream.indirect.gather [hbm4b:s3+s8], $0x50, s19, s8, $0xb8;
	[tilespmem:$0x14400] =	vst v63  }
0x22: {  	_ = 	snop  }
0x23: {  	[tilespmem:s22], [sflag:$0x1] =	stream.indirect.gather [hbm4b:s3+s8], $0x50, s21, s8, $0xb8;
	[tilespmem:$0x14400] =	vst v63  }
0x24: {  	_ =	swait.ge [sflag:s23], $0x2800  }
0x25: {  	[sflag:s23] =	ssyncset.done $0x0  }
0x26: {  	[sflag:s23] =	ssyncadd.s32 $0xFFFFD800  }
0x27: {  	_ =	swait.ge [sflag:s23], $0x2800  }
0x28: {  	[sflag:s23] =	ssyncset.done $0x0  }
0x29: {  	[sflag:s23] =	ssyncadd.s32 $0xFFFFD800  }
0x2a: {  	_ =	swait.ge [sflag:s23], $0x2800  }
0x2b: {  	[sflag:s23] =	ssyncset.done $0x0  }
0x2c: {  	[sflag:s23] =	ssyncadd.s32 $0xFFFFD800  }
0x2d: {  	_ =	swait.ge [sflag:s23], $0x2800  }
0x2e: {  	[sflag:s23] =	ssyncset.done $0x0  }
0x2f: {  	[sflag:s23] =	ssyncadd.s32 $0xFFFFD800  }
0x30: {  	_ =	swait.ge [sflag:s23], $0x2800  }
0x31: {  	[sflag:s23] =	ssyncset.done $0x0  }
0x32: {  	[sflag:s23] =	ssyncadd.s32 $0xFFFFD800  }
0x33: {  	_ =	swait.ge [sflag:s23], $0x2800  }
0x34: {  	[sflag:s23] =	ssyncset.done $0x0  }
0x35: {  	[sflag:s23] =	ssyncadd.s32 $0xFFFFD800  }
0x36: {  	_ =	swait.ge [sflag:s23], $0x2800  }
0x37: {  	[sflag:s23] =	ssyncset.done $0x0  }
0x38: {  	[sflag:s23] =	ssyncadd.s32 $0xFFFFD800  }
0x39: {  	_ =	swait.ge [sflag:s23], $0x2800  }
0x3a: {  	[sflag:s23] =	ssyncset.done $0x0  }
0x3b: {  	[sflag:s23] =	ssyncadd.s32 $0xFFFFD800  }
0x3c: {  	[hbm4b:s6+s1] =	stream.linear.scatter [tilespmem:s9], [sflag:$0x2], $0x14000, $0x38;
	[tilespmem:$0x14400] =	vst v63  }
0x3d: {  	s26 =	simm.s32 $0x80;
	_ =	swait.ge [sflag:s7], $0x14000  }
0x3e: {  	s29 =	simm.s32 $0x100;
	s25 =	sadd.s32 $0x2800, s6;
	[sflag:s7] =	ssyncset.done $0x0  }
.LBB2_2:
0x3f: {  	s30 =	sadd.s32 s26, s5  }
0x40: {  	[sflag:s7] =	ssyncadd.s32 $0xFFFEC000;
	s26 =	smov.u32 s29;
	s28 =	sadd.s32 $0x80, s29  }
0x41: {  	[tilespmem:s1], [sflag:$0x2] =	stream.linear.gather [hbm4b:s30+s1], $0x400, $0x38;
	[tilespmem:$0x14400] =	vst v63  }
0x42: {  	p0 =	sne.s32 s29, $0x780;
	_ =	swait.ge [sflag:s7], $0x400  }
0x43: {  	[sflag:s7] =	ssyncset.done $0x0  }
0x44: {  	[sflag:s7] =	ssyncadd.s32 $0xFFFFFC00  }
0x45: {  	[tilespmem:s9], [sflag:$0x1] =	stream.indirect.gather [hbm4b:s3+s8], $0x50, s1, s8, $0xb8;
	[tilespmem:$0x14400] =	vst v63  }
0x46: {  	_ = 	snop  }
0x47: {  	[tilespmem:s10], [sflag:$0x1] =	stream.indirect.gather [hbm4b:s3+s8], $0x50, s8, s8, $0xb8;
	[tilespmem:$0x14400] =	vst v63  }
0x48: {  	_ = 	snop  }
0x49: {  	[tilespmem:s12], [sflag:$0x1] =	stream.indirect.gather [hbm4b:s3+s8], $0x50, s11, s8, $0xb8;
	[tilespmem:$0x14400] =	vst v63  }
0x4a: {  	_ = 	snop  }
0x4b: {  	[tilespmem:s14], [sflag:$0x1] =	stream.indirect.gather [hbm4b:s3+s8], $0x50, s13, s8, $0xb8;
	[tilespmem:$0x14400] =	vst v63  }
0x4c: {  	_ = 	snop  }
0x4d: {  	[tilespmem:s16], [sflag:$0x1] =	stream.indirect.gather [hbm4b:s3+s8], $0x50, s15, s8, $0xb8;
	[tilespmem:$0x14400] =	vst v63  }
0x4e: {  	_ = 	snop  }
0x4f: {  	[tilespmem:s18], [sflag:$0x1] =	stream.indirect.gather [hbm4b:s3+s8], $0x50, s17, s8, $0xb8;
	[tilespmem:$0x14400] =	vst v63  }
0x50: {  	_ = 	snop  }
0x51: {  	[tilespmem:s20], [sflag:$0x1] =	stream.indirect.gather [hbm4b:s3+s8], $0x50, s19, s8, $0xb8;
	[tilespmem:$0x14400] =	vst v63  }
0x52: {  	_ = 	snop  }
0x53: {  	[tilespmem:s22], [sflag:$0x1] =	stream.indirect.gather [hbm4b:s3+s8], $0x50, s21, s8, $0xb8;
	[tilespmem:$0x14400] =	vst v63  }
0x54: {  	_ =	swait.ge [sflag:s23], $0x2800  }
0x55: {  	[sflag:s23] =	ssyncset.done $0x0  }
0x56: {  	[sflag:s23] =	ssyncadd.s32 $0xFFFFD800  }
0x57: {  	_ =	swait.ge [sflag:s23], $0x2800  }
0x58: {  	[sflag:s23] =	ssyncset.done $0x0  }
0x59: {  	[sflag:s23] =	ssyncadd.s32 $0xFFFFD800  }
0x5a: {  	_ =	swait.ge [sflag:s23], $0x2800  }
0x5b: {  	[sflag:s23] =	ssyncset.done $0x0  }
0x5c: {  	[sflag:s23] =	ssyncadd.s32 $0xFFFFD800  }
0x5d: {  	_ =	swait.ge [sflag:s23], $0x2800  }
0x5e: {  	[sflag:s23] =	ssyncset.done $0x0  }
0x5f: {  	[sflag:s23] =	ssyncadd.s32 $0xFFFFD800  }
0x60: {  	_ =	swait.ge [sflag:s23], $0x2800  }
0x61: {  	[sflag:s23] =	ssyncset.done $0x0  }
0x62: {  	[sflag:s23] =	ssyncadd.s32 $0xFFFFD800  }
0x63: {  	_ =	swait.ge [sflag:s23], $0x2800  }
0x64: {  	[sflag:s23] =	ssyncset.done $0x0  }
0x65: {  	[sflag:s23] =	ssyncadd.s32 $0xFFFFD800  }
0x66: {  	_ =	swait.ge [sflag:s23], $0x2800  }
0x67: {  	[sflag:s23] =	ssyncset.done $0x0  }
0x68: {  	[sflag:s23] =	ssyncadd.s32 $0xFFFFD800  }
0x69: {  	_ =	swait.ge [sflag:s23], $0x2800  }
.Ltmp0:
0x6a: {  	[sflag:s23] =	ssyncset.done $0x0;
	(pc) =	sbr.rel @p0 .LBB2_2-.Ltmp0, $4  }
0x6b: {  	[sflag:s23] =	ssyncadd.s32 $0xFFFFD800  }
0x6c: {  	[hbm4b:s25+s1] =	stream.linear.scatter [tilespmem:s9], [sflag:$0x2], $0x14000, $0x38;
	[tilespmem:$0x14400] =	vst v63  }
0x6d: {  	_ =	swait.ge [sflag:s7], $0x14000  }
0x6e: {  	s29 =	smov.u32 s28;
	s25 =	sadd.s32 $0x2800, s25;
	[sflag:s7] =	ssyncset.done $0x0  }
0x6f: {  	s26 =	sadd.s32 s26, s5;
	[sflag:s7] =	ssyncadd.s32 $0xFFFEC000  }
0x70: {  	[tilespmem:s1], [sflag:$0x2] =	stream.linear.gather [hbm4b:s26+s1], $0x400, $0x38;
	[tilespmem:$0x14400] =	vst v63  }
0x71: {  	_ =	swait.ge [sflag:s7], $0x400  }
0x72: {  	[sflag:s7] =	ssyncset.done $0x0  }
0x73: {  	[sflag:s7] =	ssyncadd.s32 $0xFFFFFC00  }
0x74: {  	[tilespmem:s9], [sflag:$0x1] =	stream.indirect.gather [hbm4b:s3+s8], $0x50, s1, s8, $0xb8;
	[tilespmem:$0x14400] =	vst v63  }
0x75: {  	_ = 	snop  }
0x76: {  	[tilespmem:s10], [sflag:$0x1] =	stream.indirect.gather [hbm4b:s3+s8], $0x50, s8, s8, $0xb8;
	[tilespmem:$0x14400] =	vst v63  }
0x77: {  	_ = 	snop  }
0x78: {  	[tilespmem:s12], [sflag:$0x1] =	stream.indirect.gather [hbm4b:s3+s8], $0x50, s11, s8, $0xb8;
	[tilespmem:$0x14400] =	vst v63  }
0x79: {  	_ = 	snop  }
0x7a: {  	[tilespmem:s14], [sflag:$0x1] =	stream.indirect.gather [hbm4b:s3+s8], $0x50, s13, s8, $0xb8;
	[tilespmem:$0x14400] =	vst v63  }
0x7b: {  	_ = 	snop  }
0x7c: {  	[tilespmem:s16], [sflag:$0x1] =	stream.indirect.gather [hbm4b:s3+s8], $0x50, s15, s8, $0xb8;
	[tilespmem:$0x14400] =	vst v63  }
0x7d: {  	_ = 	snop  }
0x7e: {  	[tilespmem:s18], [sflag:$0x1] =	stream.indirect.gather [hbm4b:s3+s8], $0x50, s17, s8, $0xb8;
	[tilespmem:$0x14400] =	vst v63  }
0x7f: {  	_ = 	snop  }
0x80: {  	[tilespmem:s20], [sflag:$0x1] =	stream.indirect.gather [hbm4b:s3+s8], $0x50, s19, s8, $0xb8;
	[tilespmem:$0x14400] =	vst v63  }
0x81: {  	_ = 	snop  }
0x82: {  	[tilespmem:s22], [sflag:$0x1] =	stream.indirect.gather [hbm4b:s3+s8], $0x50, s21, s8, $0xb8;
	[tilespmem:$0x14400] =	vst v63  }
0x83: {  	_ =	swait.ge [sflag:s23], $0x2800  }
0x84: {  	[sflag:s23] =	ssyncset.done $0x0  }
0x85: {  	[sflag:s23] =	ssyncadd.s32 $0xFFFFD800  }
0x86: {  	_ =	swait.ge [sflag:s23], $0x2800  }
0x87: {  	[sflag:s23] =	ssyncset.done $0x0  }
0x88: {  	[sflag:s23] =	ssyncadd.s32 $0xFFFFD800  }
0x89: {  	_ =	swait.ge [sflag:s23], $0x2800  }
0x8a: {  	[sflag:s23] =	ssyncset.done $0x0  }
0x8b: {  	[sflag:s23] =	ssyncadd.s32 $0xFFFFD800  }
0x8c: {  	_ =	swait.ge [sflag:s23], $0x2800  }
0x8d: {  	[sflag:s23] =	ssyncset.done $0x0  }
0x8e: {  	[sflag:s23] =	ssyncadd.s32 $0xFFFFD800  }
0x8f: {  	_ =	swait.ge [sflag:s23], $0x2800  }
0x90: {  	[sflag:s23] =	ssyncset.done $0x0  }
0x91: {  	[sflag:s23] =	ssyncadd.s32 $0xFFFFD800  }
0x92: {  	_ =	swait.ge [sflag:s23], $0x2800  }
0x93: {  	[sflag:s23] =	ssyncset.done $0x0  }
0x94: {  	[sflag:s23] =	ssyncadd.s32 $0xFFFFD800  }
0x95: {  	_ =	swait.ge [sflag:s23], $0x2800  }
0x96: {  	[sflag:s23] =	ssyncset.done $0x0  }
0x97: {  	[sflag:s23] =	ssyncadd.s32 $0xFFFFD800  }
0x98: {  	s24 =	sadd.s32 $0x1, s24;
	_ =	swait.ge [sflag:s23], $0x2800  }
0x99: {  	p0 =	sne.s32 s24, s4;
	[sflag:s23] =	ssyncset.done $0x0  }
.Ltmp1:
0x9a: {  	[sflag:s23] =	ssyncadd.s32 $0xFFFFD800;
	(pc) =	sbr.rel @p0 .LBB2_1-.Ltmp1, $4  }
0x9b: {  	[hbm4b:s25+s1] =	stream.linear.scatter [tilespmem:s9], [sflag:$0x2], $0x14000, $0x38;
	[tilespmem:$0x14400] =	vst v63  }
0x9c: {  	_ =	swait.ge [sflag:s7], $0x14000  }
0x9d: {  	[sflag:s7] =	ssyncset.done $0x0  }
0x9e: {  	[sflag:s7] =	ssyncadd.s32 $0xFFFEC000  }
0x9f: {  	_ =	sfence.sel $0x180000  }
0xa0: {  	[bflag:$0x0] =	sbarrier.arrive $0xFFFF  }
0xa1: {  	p0 =	sne.s32 s2, $0x0;
	_ =	strace $0x9000004A  }
0xa2: {  	s0 =	sadd.s32 @!p0 $0x100000, s0;
	[bflag:$0x2] =	sbarrier.arrive $0xFFFF  }
0xa3: {  	[sflag:s0] =	ssyncadd.tile.s32 @!p0 $0x1;
	_ =	shalt  }
.Lfunc_end2:
_tile_overlayer_lowered:
.L_overlay_start_2:
0xa4: {  	(tag) =	ssettag $0x2  }
0xa5: {  	s0 =	rddreg [dreg:$0x0];
	s2 =	stileid.u32  }
0xa6: {  	s1 =	rddreg [dreg:$0x1];
	p0 =	sne.s32 s2, $0x0  }
0xa7: {  	s3 =	rddreg [dreg:$0x2];
	[bflag:$0x3] =	sbarrier.arrive $0xFFFF;
	s2 =	simm.s32 @!p0 $0x1C02  }
0xa8: {  	[timem:s3], [sflag:s2] =	dma.local @!p0 [hbm:s0], s1  }
0xa9: {  	s0 =	simm.s32 @!p0 $0x2  }
0xaa: {  	_ =	swait.ge @!p0 [sflag:s0], s1  }
0xab: {  	s1 =	ssub.s32 @!p0 $0x0, s1;
	[sflag:s0] =	ssyncset.done @!p0 $0x0  }
0xac: {  	[sflag:s0] =	ssyncadd.s32 @!p0 s1  }
0xad: {  	[bflag:$0x3] =	sbarrier.arrive $0xFFFF  }
0xae: {  	_ =	shalt  }

// kernel: kernel.9.cloned.1.call-start
scs
__scs_entry_jumppad:
0x0: {  	(pc) =	sbr.rel $0x88, $3  }
0x1: {  	(tag) =	ssettag $0x0;
	lr =	simm.s32 $0x1  }
0x2: {  	[smem:$0x3F7D] =	sst lr;
	_ =	strace $0xD0000000  }
0x3: {  	_ = 	snop  }
0x4: {  	_ = 	snop  }
0x5: {  	_ = 	snop  }
0x6: {  	_ = 	snop  }
0x7: {  	_ = 	snop  }
__scs_overlays_trampoline_lowered:
0x8: {  	[smem:$0x3F8C] =	sst s0  }
0x9: {  	[smem:$0x3F8D] =	sst s1  }
0xa: {  	[smem:$0x3F8E] =	sst s2  }
0xb: {  	[smem:$0x3F8F] =	sst s3  }
0xc: {  	[smem:$0x3F90] =	sst s4  }
0xd: {  	[smem:$0x3F91] =	sst s5  }
0xe: {  	[smem:$0x3F92] =	sst s6  }
0xf: {  	[smem:$0x3F93] =	sst s7  }
0x10: {  	[smem:$0x3F94] =	sst s8  }
0x11: {  	[smem:$0x3F95] =	sst s9;
	s0 =	simm.s32 @!p0 $0x0  }
0x12: {  	s1 =	sld [smem:$0x3F7B];
	s0 =	simm.s32 @p0 $0x1  }
0x13: {  	[smem:$0x3F96] =	sst s0;
	s0 =	simm.s32 @!p1 $0x0  }
0x14: {  	s2 =	sld [smem:$0x3F7A];
	s0 =	simm.s32 @p1 $0x1  }
0x15: {  	[smem:$0x3F97] =	sst s0;
	s0 =	simm.s32 @!p2 $0x0  }
0x16: {  	s3 =	sld [smem:$0x3FDB];
	s0 =	simm.s32 @p2 $0x1  }
0x17: {  	s4 =	simm.s32 $0x1BF5;
	[smem:$0x3F99] =	sst s0  }
0x18: {  	s0 =	sld [smem:$0x3F7C];
	_ =	swait.ge [sflag:s4], $0x0  }
0x19: {  	s7 =	sld [smem:$0x3F7D]  }
0x1a: {  	s8 =	sadd.s32 $0xFFFFE003, lr  }
0x1b: {  	s9 =	sadd.s32 $0xFFFFFEF7, lr;
	s5 =	simm.s32 $0xFFFFFFFF;
	p2 =	slt.u32 s8, $0xFFFFF086  }
0x1c: {  	p1 =	slt.u32 s9, $0xF7A;
	s5 =	simm.s32 @!p2 $0x0  }
0x1d: {  	s5 =	simm.s32 @p1 $0x1;
	p0 =	seq.s32 s7, s2  }
0x1e: {  	s7 =	smul.u32 @!p0 $0xF7A, s2;
	p2 =	seq.s32 @!p0 s5, $0x0  }
0x1f: {  	s9 =	smul.u32 $0xF7A, s1;
	s8 =	simm.s32 @!p0 $0x1BF5;
	p2 =	por !p2, p0  }
0x20: {  	[sflag:s8] =	ssyncset.s32 @!p0 $0xFFFFF086;
	s6 =	sadd.s32 @!p0 s3, s7;
	s7 =	simm.s32 @!p0 $0x108  }
0x21: {  	s3 =	sadd.s32 s3, s9;
	s6 =	sadd.s32 @!p0 $0x88, s6;
	s7 =	simm.s32 @p2 $0x1082  }
0x22: {  	[simem:s7], [sflag:s8] =	dma.local @!p0 [hbm:s6], $0xF7A  }
0x23: {  	s9 =	sor.u32 $0xD0000000, s2;
	s6 =	simm.s32 $0x108;
	_ =	swait.ge @!p0 [sflag:s8], $0x0  }
0x24: {  	s3 =	sadd.s32 $0x88, s3;
	s6 =	simm.s32 @!p1 $0x1082;
	[sflag:s4] =	ssyncset.s32 $0xFFFFF086  }
0x25: {  	[simem:s6], [sflag:s4] =	dma.local [hbm:s3], $0xF7A  }
0x26: {  	[smem:$0x3F7D] =	sst s1;
	(tag) =	ssettag s2;
	_ =	strace s9  }
0x27: {  	s1 =	sld [smem:$0x3F8D]  }
0x28: {  	s2 =	sld [smem:$0x3F8E]  }
0x29: {  	s4 =	sld [smem:$0x3F90]  }
0x2a: {  	p0 =	seq.s32 s5, $0x0;
	s5 =	sld [smem:$0x3F91]  }
0x2b: {  	s6 =	sld [smem:$0x3F92]  }
0x2c: {  	s7 =	sld [smem:$0x3F93]  }
0x2d: {  	s3 =	simm.s32 $0x108;
	s8 =	sld [smem:$0x3F94]  }
0x2e: {  	s3 =	simm.s32 @!p0 $0x1082;
	s9 =	sld [smem:$0x3F95]  }
0x2f: {  	lr =	sadd.s32 s0, s3;
	s0 =	sld [smem:$0x3F8C]  }
0x30: {  	s3 =	sld [smem:$0x3F8F]  }
0x31: {  	[smem:$0x3F98] =	sst s10  }
0x32: {  	s10 =	sld [smem:$0x3F96];
	_ =	sdelay $0x3  }
0x33: {  	p0 =	seq.s32 s10, $0x1;
	s10 =	sld [smem:$0x3F98];
	_ =	sdelay $0x3  }
0x34: {  	[smem:$0x3F98] =	sst s10  }
0x35: {  	s10 =	sld [smem:$0x3F97];
	_ =	sdelay $0x3  }
0x36: {  	p1 =	seq.s32 s10, $0x1;
	s10 =	sld [smem:$0x3F98];
	_ =	sdelay $0x3  }
0x37: {  	[smem:$0x3F98] =	sst s10  }
0x38: {  	s10 =	sld [smem:$0x3F99]  }
0x39: {  	_ = 	snop;
	(pc) =	sbr.ind lr, $3  }
0x3a: {  	_ = 	snop  }
0x3b: {  	_ = 	snop  }
0x3c: {  	p2 =	seq.s32 s10, $0x1;
	s10 =	sld [smem:$0x3F98]  }
0x3d: {  	_ =	shalt  }
0x3e: {  	_ =	shalt  }
0x3f: {  	_ =	shalt  }
0x40: {  	_ =	shalt  }
0x41: {  	_ =	shalt  }
0x42: {  	_ =	shalt  }
0x43: {  	_ =	shalt  }
0x44: {  	_ =	shalt  }
0x45: {  	_ =	shalt  }
0x46: {  	_ =	shalt  }
0x47: {  	_ =	shalt  }
0x48: {  	_ =	shalt  }
0x49: {  	_ =	shalt  }
0x4a: {  	_ =	shalt  }
0x4b: {  	_ =	shalt  }
0x4c: {  	_ =	shalt  }
0x4d: {  	_ =	shalt  }
0x4e: {  	_ =	shalt  }
0x4f: {  	_ =	shalt  }
0x50: {  	_ =	shalt  }
0x51: {  	_ =	shalt  }
0x52: {  	_ =	shalt  }
0x53: {  	_ =	shalt  }
0x54: {  	_ =	shalt  }
0x55: {  	_ =	shalt  }
0x56: {  	_ =	shalt  }
0x57: {  	_ =	shalt  }
0x58: {  	_ =	shalt  }
0x59: {  	_ =	shalt  }
0x5a: {  	_ =	shalt  }
0x5b: {  	_ =	shalt  }
0x5c: {  	_ =	shalt  }
0x5d: {  	_ =	shalt  }
0x5e: {  	_ =	shalt  }
0x5f: {  	_ =	shalt  }
0x60: {  	_ =	shalt  }
0x61: {  	_ =	shalt  }
0x62: {  	_ =	shalt  }
0x63: {  	_ =	shalt  }
0x64: {  	_ =	shalt  }
0x65: {  	_ =	shalt  }
0x66: {  	_ =	shalt  }
0x67: {  	_ =	shalt  }
0x68: {  	_ =	shalt  }
0x69: {  	_ =	shalt  }
0x6a: {  	_ =	shalt  }
0x6b: {  	_ =	shalt  }
0x6c: {  	_ =	shalt  }
0x6d: {  	_ =	shalt  }
0x6e: {  	_ =	shalt  }
0x6f: {  	_ =	shalt  }
0x70: {  	_ =	shalt  }
0x71: {  	_ =	shalt  }
0x72: {  	_ =	shalt  }
0x73: {  	_ =	shalt  }
0x74: {  	_ =	shalt  }
0x75: {  	_ =	shalt  }
0x76: {  	_ =	shalt  }
0x77: {  	_ =	shalt  }
0x78: {  	_ =	shalt  }
0x79: {  	_ =	shalt  }
0x7a: {  	_ =	shalt  }
0x7b: {  	_ =	shalt  }
0x7c: {  	_ =	shalt  }
0x7d: {  	_ =	shalt  }
0x7e: {  	_ =	shalt  }
0x7f: {  	_ =	shalt  }
0x80: {  	_ =	shalt  }
0x81: {  	_ =	shalt  }
0x82: {  	_ =	shalt  }
0x83: {  	_ =	shalt  }
0x84: {  	_ =	shalt  }
0x85: {  	_ =	shalt  }
0x86: {  	_ =	shalt  }
0x87: {  	_ =	shalt  }
.Lfunc_end0:
.L_simem_size_0:
called_computation_lowered:
.L_overlay_start_0:
0x88: {  	s2 =	sld [smem:$0x3FD9]  }
0x89: {  	s3 =	sld [smem:$0x3FFE];
	_ =	sdelay $0x1  }
0x8a: {  	s1 =	srdreg.scid  }
0x8b: {  	s0 =	sand.u32 $0x1, s1  }
0x8c: {  	s16 =	sshll.u32 s0, $0xA;
	s2 =	sadd.s32 s3, s2  }
0x8d: {  	s2 =	sadd.s32 s2, s16  }
0x8e: {  	[smem:$0x3FA4] =	sst s2  }
0x8f: {  	_ = 	snop  }
0x90: {  	(tm) =	ssettm $0x1  }
0x91: {  	s17 =	sld [smem:$0x3FFB];
	_ =	sdelay $0x3  }
0x92: {  	_ =	strace s17  }
0x93: {  	s2 =	sld [smem:$0x3FFC];
	_ =	sdelay $0x3  }
0x94: {  	_ =	strace s2  }
0x95: {  	s2 =	sld [smem:$0x3FFD];
	_ =	sdelay $0x3  }
0x96: {  	_ =	strace s2  }
0x97: {  	_ =	strace $0x8FFFFFFF  }
0x98: {  	s18 =	sld [smem:$0x3FDB];
	_ =	sdelay $0x1  }
0x99: {  	s19 =	simm.s32 $_scs_section_size  }
0x9a: {  	s4 =	simm.s32 $_size__tile_overlayer_lowered;
	s5 =	simm.s32 $_tile_overlayer_lowered  }
0x9b: {  	s22 =	simm.s32 $0x1BFF;
	s21 =	sshll.u32 s5, $0x1;
	s2 =	sadd.s32 s19, s18  }
0x9c: {  	s6 =	simm.s32 $0x0;
	s20 =	sshll.u32 s4, $0x1;
	s4 =	sadd.s32 s21, s2  }
0x9d: {  	[timem:s6], [sflag:s22] =	dma.local [hbm:s4], s20  }
0x9e: {  	_ =	swait.ge [sflag:s22], s20  }
0x9f: {  	s3 =	ssub.s32 $0x0, s20;
	[sflag:s22] =	ssyncset.done $0x0  }
0xa0: {  	[sflag:s22] =	ssyncadd.s32 s3;
	_ =	sdelay $0x1  }
0xa1: {  	s23 =	simm.s32 $0x1B8B  }
0xa2: {  	_ =	swait.ge [sflag:s23], $0x1  }
0xa3: {  	[sflag:s23] =	ssyncset.done $0x0  }
0xa4: {  	s25 =	simm.s32 $0x1B8E;
	s24 =	sld [smem:$0x3FFE];
	[sflag:s23] =	ssyncadd.s32 $0xFFFFFFFF  }
0xa5: {  	s26 =	simm.s32 $execute0_lowered;
	[smem:$0x3FD2] =	sst s25  }
0xa6: {  	s4 =	sshll.u32 s26, $0x1;
	_ =	strace $0x80000046;
	[dreg:$0x1] =	wrdreg $0xFFFFFFFF  }
0xa7: {  	s28 =	simm.s32 $_size_execute0_lowered;
	s2 =	sadd.s32 s2, s4;
	[dreg:$0x0] =	wrdreg $0x0  }
0xa8: {  	s4 =	sshll.u32 s28, $0x1;
	[dreg:$0x2] =	wrdreg s2  }
0xa9: {  	[dreg:$0x3] =	wrdreg s4  }
0xaa: {  	[dreg:$0x4] =	wrdreg $0xC0  }
0xab: {  	_ =	task [dreg:s6], $0x5FFFF  }
0xac: {  	[dreg:$0x1] =	wrdreg $0xFFFFFFFF  }
0xad: {  	[dreg:$0x0] =	wrdreg $0x60  }
0xae: {  	[dreg:$0x2] =	wrdreg s24  }
0xaf: {  	[dreg:$0x3] =	wrdreg $0x9  }
0xb0: {  	_ =	task.clear_ibuf [dreg:s6], $0x4FFFF;
	_ =	strace $0x90000046  }
0xb1: {  	s29 =	simm.s32 $0x9;
	_ =	strace $0x80000048  }
0xb2: {  	_ =	swait.ge [sflag:s29], $0x1  }
0xb3: {  	[sflag:s29] =	ssyncadd.s32 $0xFFFFFFFF  }
0xb4: {  	_ =	strace $0x90000048  }
0xb5: {  	_ =	sfence  }
0xb6: {  	s30 =	sld [smem:$0x0];
	_ =	sdelay $0x2  }
0xb7: {  	s31 =	sshll.u32 s1, $0xD;
	s1 =	sshrl.u32 s1, $0x2  }
0xb8: {  	s3 =	sand.u32 $0x4000, s31;
	s1 =	sadd.s32 s1, s30  }
0xb9: {  	s0 =	sor.u32 s3, s0;
	s1 =	sshll.u32 s1, $0x11  }
0xba: {  	s0 =	sor.u32 s1, s0  }
0xbb: {  	s0 =	sadd.s32 $0x8F2B, s0  }
0xbc: {  	[sflag:s0] =	ssyncadd.remote.s32 $0x1  }
0xbd: {  	_ =	sfence.sel $0xFFFF  }
0xbe: {  	[dreg:$0x0] =	wrdreg $0xFFFFFFFF;
	(pc) =	sbr.abs _section_cstart, $3  }
0xbf: {  	[dreg:$0x1] =	wrdreg $0xFFFFFFFF  }
0xc0: {  	_ =	task.clear_ibuf [dreg:s6], $0x2FFFF;
	_ =	strace $0x9FFFFFFF  }
0xc1: {  	(tm) =	ssettm $0x7FFFFFFF  }
tec
execute0_lowered:
.L_overlay_start_1:
0x0: {  	(tag) =	ssettag $0x1  }
0x1: {  	s4 =	rddreg [dreg:$0x0]  }
0x2: {  	s0 =	rddreg [dreg:$0x1];
	s3 =	srdreg.scid  }
0x3: {  	s2 =	simm.s32 $0x0;
	s1 =	stileid.u32;
	s10 =	simm.s32 $0xC00  }
0x4: {  	s11 =	simm.s32 $0x100;
	s12 =	simm.s32 $0x1400;
	s13 =	simm.s32 $0x180  }
0x5: {  	s14 =	simm.s32 $0x1C00;
	s15 =	simm.s32 $0x200;
	s16 =	simm.s32 $0x2400  }
0x6: {  	s17 =	simm.s32 $0x280;
	s18 =	simm.s32 $0x2C00;
	s19 =	simm.s32 $0x300  }
0x7: {  	s20 =	simm.s32 $0x3400;
	s21 =	simm.s32 $0x380;
	s22 =	simm.s32 $0x3C00  }
0x8: {  	s23 =	simm.s32 $0x1;
	s24 =	simm.s32 $0x0;
	s5 =	sand.u32 $0x1, s3  }
0x9: {  	[smem:$0x7FF] =	sst s2;
	s6 =	sshll.u32 s1, $0xF;
	s3 =	sadd.s32 $0x155800, s4  }
0xa: {  	s30 =	sshll.u32 s1, $0x10;
	s7 =	sshll.u32 s5, $0xE;
	_ =	strace $0x80000047  }
0xb: {  	s8 =	ssub.s32 $0x2, s5;
	s5 =	sshll.u32 s5, $0xF;
	s6 =	sor.u32 s7, s6  }
0xc: {  	s7 =	sadd.s32 s30, s4;
	s9 =	sshrl.u32 s8, $0x1;
	s6 =	sshrl.u32 s6, $0x3  }
0xd: {  	s31 =	ssub.s32 s8, s9;
	s5 =	sadd.s32 s5, s7;
	s7 =	simm.s32 $0x2  }
0xe: {  	s8 =	simm.s32 $0x80;
	s9 =	simm.s32 $0x400;
	s6 =	sadd.s32 s6, s4  }
0xf: {  	s4 =	smax.u32 s31, $0x1;
	s5 =	sadd.s32 $0x165800, s5;
	s6 =	sadd.s32 $0xC5800, s6  }
.LBB2_1:
0x10: {  	s25 =	sadd.s32 $0x0, s6  }
0x11: {  	[tilespmem:s2], [sflag:$0x2] =	stream.linear.gather [hbm4b:s25+s2], $0x400, $0x38;
	[tilespmem:$0x4400] =	vst v63  }
0x12: {  	_ =	swait.ge [sflag:s7], $0x400  }
0x13: {  	[sflag:s7] =	ssyncset.done $0x0  }
0x14: {  	[sflag:s7] =	ssyncadd.s32 $0xFFFFFC00  }
0x15: {  	[tilespmem:s9], [sflag:$0x1] =	stream.indirect.gather [hbm4b:s3+s8], $0x10, s2, s8, $0xb8;
	[tilespmem:$0x4400] =	vst v63  }
0x16: {  	_ = 	snop  }
0x17: {  	[tilespmem:s10], [sflag:$0x1] =	stream.indirect.gather [hbm4b:s3+s8], $0x10, s8, s8, $0xb8;
	[tilespmem:$0x4400] =	vst v63  }
0x18: {  	_ = 	snop  }
0x19: {  	[tilespmem:s12], [sflag:$0x1] =	stream.indirect.gather [hbm4b:s3+s8], $0x10, s11, s8, $0xb8;
	[tilespmem:$0x4400] =	vst v63  }
0x1a: {  	_ = 	snop  }
0x1b: {  	[tilespmem:s14], [sflag:$0x1] =	stream.indirect.gather [hbm4b:s3+s8], $0x10, s13, s8, $0xb8;
	[tilespmem:$0x4400] =	vst v63  }
0x1c: {  	_ = 	snop  }
0x1d: {  	[tilespmem:s16], [sflag:$0x1] =	stream.indirect.gather [hbm4b:s3+s8], $0x10, s15, s8, $0xb8;
	[tilespmem:$0x4400] =	vst v63  }
0x1e: {  	_ = 	snop  }
0x1f: {  	[tilespmem:s18], [sflag:$0x1] =	stream.indirect.gather [hbm4b:s3+s8], $0x10, s17, s8, $0xb8;
	[tilespmem:$0x4400] =	vst v63  }
0x20: {  	_ = 	snop  }
0x21: {  	[tilespmem:s20], [sflag:$0x1] =	stream.indirect.gather [hbm4b:s3+s8], $0x10, s19, s8, $0xb8;
	[tilespmem:$0x4400] =	vst v63  }
0x22: {  	_ = 	snop  }
0x23: {  	[tilespmem:s22], [sflag:$0x1] =	stream.indirect.gather [hbm4b:s3+s8], $0x10, s21, s8, $0xb8;
	[tilespmem:$0x4400] =	vst v63  }
0x24: {  	_ =	swait.ge [sflag:s23], $0x800  }
0x25: {  	[sflag:s23] =	ssyncset.done $0x0  }
0x26: {  	[sflag:s23] =	ssyncadd.s32 $0xFFFFF800  }
0x27: {  	_ =	swait.ge [sflag:s23], $0x800  }
0x28: {  	[sflag:s23] =	ssyncset.done $0x0  }
0x29: {  	[sflag:s23] =	ssyncadd.s32 $0xFFFFF800  }
0x2a: {  	_ =	swait.ge [sflag:s23], $0x800  }
0x2b: {  	[sflag:s23] =	ssyncset.done $0x0  }
0x2c: {  	[sflag:s23] =	ssyncadd.s32 $0xFFFFF800  }
0x2d: {  	_ =	swait.ge [sflag:s23], $0x800  }
0x2e: {  	[sflag:s23] =	ssyncset.done $0x0  }
0x2f: {  	[sflag:s23] =	ssyncadd.s32 $0xFFFFF800  }
0x30: {  	_ =	swait.ge [sflag:s23], $0x800  }
0x31: {  	[sflag:s23] =	ssyncset.done $0x0  }
0x32: {  	[sflag:s23] =	ssyncadd.s32 $0xFFFFF800  }
0x33: {  	_ =	swait.ge [sflag:s23], $0x800  }
0x34: {  	[sflag:s23] =	ssyncset.done $0x0  }
0x35: {  	[sflag:s23] =	ssyncadd.s32 $0xFFFFF800  }
0x36: {  	_ =	swait.ge [sflag:s23], $0x800  }
0x37: {  	[sflag:s23] =	ssyncset.done $0x0  }
0x38: {  	[sflag:s23] =	ssyncadd.s32 $0xFFFFF800  }
0x39: {  	_ =	swait.ge [sflag:s23], $0x800  }
0x3a: {  	[sflag:s23] =	ssyncset.done $0x0  }
0x3b: {  	[sflag:s23] =	ssyncadd.s32 $0xFFFFF800  }
0x3c: {  	[hbm4b:s5+s2] =	stream.linear.scatter [tilespmem:s9], [sflag:$0x2], $0x4000, $0x38;
	[tilespmem:$0x4400] =	vst v63  }
0x3d: {  	s26 =	simm.s32 $0x80;
	_ =	swait.ge [sflag:s7], $0x4000  }
0x3e: {  	s29 =	simm.s32 $0x100;
	s25 =	sadd.s32 $0x800, s5;
	[sflag:s7] =	ssyncset.done $0x0  }
.LBB2_2:
0x3f: {  	s30 =	sadd.s32 s26, s6  }
0x40: {  	[sflag:s7] =	ssyncadd.s32 $0xFFFFC000;
	s26 =	smov.u32 s29;
	s28 =	sadd.s32 $0x80, s29  }
0x41: {  	[tilespmem:s2], [sflag:$0x2] =	stream.linear.gather [hbm4b:s30+s2], $0x400, $0x38;
	[tilespmem:$0x4400] =	vst v63  }
0x42: {  	p0 =	sne.s32 s29, $0x780;
	_ =	swait.ge [sflag:s7], $0x400  }
0x43: {  	[sflag:s7] =	ssyncset.done $0x0  }
0x44: {  	[sflag:s7] =	ssyncadd.s32 $0xFFFFFC00  }
0x45: {  	[tilespmem:s9], [sflag:$0x1] =	stream.indirect.gather [hbm4b:s3+s8], $0x10, s2, s8, $0xb8;
	[tilespmem:$0x4400] =	vst v63  }
0x46: {  	_ = 	snop  }
0x47: {  	[tilespmem:s10], [sflag:$0x1] =	stream.indirect.gather [hbm4b:s3+s8], $0x10, s8, s8, $0xb8;
	[tilespmem:$0x4400] =	vst v63  }
0x48: {  	_ = 	snop  }
0x49: {  	[tilespmem:s12], [sflag:$0x1] =	stream.indirect.gather [hbm4b:s3+s8], $0x10, s11, s8, $0xb8;
	[tilespmem:$0x4400] =	vst v63  }
0x4a: {  	_ = 	snop  }
0x4b: {  	[tilespmem:s14], [sflag:$0x1] =	stream.indirect.gather [hbm4b:s3+s8], $0x10, s13, s8, $0xb8;
	[tilespmem:$0x4400] =	vst v63  }
0x4c: {  	_ = 	snop  }
0x4d: {  	[tilespmem:s16], [sflag:$0x1] =	stream.indirect.gather [hbm4b:s3+s8], $0x10, s15, s8, $0xb8;
	[tilespmem:$0x4400] =	vst v63  }
0x4e: {  	_ = 	snop  }
0x4f: {  	[tilespmem:s18], [sflag:$0x1] =	stream.indirect.gather [hbm4b:s3+s8], $0x10, s17, s8, $0xb8;
	[tilespmem:$0x4400] =	vst v63  }
0x50: {  	_ = 	snop  }
0x51: {  	[tilespmem:s20], [sflag:$0x1] =	stream.indirect.gather [hbm4b:s3+s8], $0x10, s19, s8, $0xb8;
	[tilespmem:$0x4400] =	vst v63  }
0x52: {  	_ = 	snop  }
0x53: {  	[tilespmem:s22], [sflag:$0x1] =	stream.indirect.gather [hbm4b:s3+s8], $0x10, s21, s8, $0xb8;
	[tilespmem:$0x4400] =	vst v63  }
0x54: {  	_ =	swait.ge [sflag:s23], $0x800  }
0x55: {  	[sflag:s23] =	ssyncset.done $0x0  }
0x56: {  	[sflag:s23] =	ssyncadd.s32 $0xFFFFF800  }
0x57: {  	_ =	swait.ge [sflag:s23], $0x800  }
0x58: {  	[sflag:s23] =	ssyncset.done $0x0  }
0x59: {  	[sflag:s23] =	ssyncadd.s32 $0xFFFFF800  }
0x5a: {  	_ =	swait.ge [sflag:s23], $0x800  }
0x5b: {  	[sflag:s23] =	ssyncset.done $0x0  }
0x5c: {  	[sflag:s23] =	ssyncadd.s32 $0xFFFFF800  }
0x5d: {  	_ =	swait.ge [sflag:s23], $0x800  }
0x5e: {  	[sflag:s23] =	ssyncset.done $0x0  }
0x5f: {  	[sflag:s23] =	ssyncadd.s32 $0xFFFFF800  }
0x60: {  	_ =	swait.ge [sflag:s23], $0x800  }
0x61: {  	[sflag:s23] =	ssyncset.done $0x0  }
0x62: {  	[sflag:s23] =	ssyncadd.s32 $0xFFFFF800  }
0x63: {  	_ =	swait.ge [sflag:s23], $0x800  }
0x64: {  	[sflag:s23] =	ssyncset.done $0x0  }
0x65: {  	[sflag:s23] =	ssyncadd.s32 $0xFFFFF800  }
0x66: {  	_ =	swait.ge [sflag:s23], $0x800  }
0x67: {  	[sflag:s23] =	ssyncset.done $0x0  }
0x68: {  	[sflag:s23] =	ssyncadd.s32 $0xFFFFF800  }
0x69: {  	_ =	swait.ge [sflag:s23], $0x800  }
.Ltmp0:
0x6a: {  	[sflag:s23] =	ssyncset.done $0x0;
	(pc) =	sbr.rel @p0 .LBB2_2-.Ltmp0, $4  }
0x6b: {  	[sflag:s23] =	ssyncadd.s32 $0xFFFFF800  }
0x6c: {  	[hbm4b:s25+s2] =	stream.linear.scatter [tilespmem:s9], [sflag:$0x2], $0x4000, $0x38;
	[tilespmem:$0x4400] =	vst v63  }
0x6d: {  	_ =	swait.ge [sflag:s7], $0x4000  }
0x6e: {  	s29 =	smov.u32 s28;
	s25 =	sadd.s32 $0x800, s25;
	[sflag:s7] =	ssyncset.done $0x0  }
0x6f: {  	s26 =	sadd.s32 s26, s6;
	[sflag:s7] =	ssyncadd.s32 $0xFFFFC000  }
0x70: {  	[tilespmem:s2], [sflag:$0x2] =	stream.linear.gather [hbm4b:s26+s2], $0x400, $0x38;
	[tilespmem:$0x4400] =	vst v63  }
0x71: {  	_ =	swait.ge [sflag:s7], $0x400  }
0x72: {  	[sflag:s7] =	ssyncset.done $0x0  }
0x73: {  	[sflag:s7] =	ssyncadd.s32 $0xFFFFFC00  }
0x74: {  	[tilespmem:s9], [sflag:$0x1] =	stream.indirect.gather [hbm4b:s3+s8], $0x10, s2, s8, $0xb8;
	[tilespmem:$0x4400] =	vst v63  }
0x75: {  	_ = 	snop  }
0x76: {  	[tilespmem:s10], [sflag:$0x1] =	stream.indirect.gather [hbm4b:s3+s8], $0x10, s8, s8, $0xb8;
	[tilespmem:$0x4400] =	vst v63  }
0x77: {  	_ = 	snop  }
0x78: {  	[tilespmem:s12], [sflag:$0x1] =	stream.indirect.gather [hbm4b:s3+s8], $0x10, s11, s8, $0xb8;
	[tilespmem:$0x4400] =	vst v63  }
0x79: {  	_ = 	snop  }
0x7a: {  	[tilespmem:s14], [sflag:$0x1] =	stream.indirect.gather [hbm4b:s3+s8], $0x10, s13, s8, $0xb8;
	[tilespmem:$0x4400] =	vst v63  }
0x7b: {  	_ = 	snop  }
0x7c: {  	[tilespmem:s16], [sflag:$0x1] =	stream.indirect.gather [hbm4b:s3+s8], $0x10, s15, s8, $0xb8;
	[tilespmem:$0x4400] =	vst v63  }
0x7d: {  	_ = 	snop  }
0x7e: {  	[tilespmem:s18], [sflag:$0x1] =	stream.indirect.gather [hbm4b:s3+s8], $0x10, s17, s8, $0xb8;
	[tilespmem:$0x4400] =	vst v63  }
0x7f: {  	_ = 	snop  }
0x80: {  	[tilespmem:s20], [sflag:$0x1] =	stream.indirect.gather [hbm4b:s3+s8], $0x10, s19, s8, $0xb8;
	[tilespmem:$0x4400] =	vst v63  }
0x81: {  	_ = 	snop  }
0x82: {  	[tilespmem:s22], [sflag:$0x1] =	stream.indirect.gather [hbm4b:s3+s8], $0x10, s21, s8, $0xb8;
	[tilespmem:$0x4400] =	vst v63  }
0x83: {  	_ =	swait.ge [sflag:s23], $0x800  }
0x84: {  	[sflag:s23] =	ssyncset.done $0x0  }
0x85: {  	[sflag:s23] =	ssyncadd.s32 $0xFFFFF800  }
0x86: {  	_ =	swait.ge [sflag:s23], $0x800  }
0x87: {  	[sflag:s23] =	ssyncset.done $0x0  }
0x88: {  	[sflag:s23] =	ssyncadd.s32 $0xFFFFF800  }
0x89: {  	_ =	swait.ge [sflag:s23], $0x800  }
0x8a: {  	[sflag:s23] =	ssyncset.done $0x0  }
0x8b: {  	[sflag:s23] =	ssyncadd.s32 $0xFFFFF800  }
0x8c: {  	_ =	swait.ge [sflag:s23], $0x800  }
0x8d: {  	[sflag:s23] =	ssyncset.done $0x0  }
0x8e: {  	[sflag:s23] =	ssyncadd.s32 $0xFFFFF800  }
0x8f: {  	_ =	swait.ge [sflag:s23], $0x800  }
0x90: {  	[sflag:s23] =	ssyncset.done $0x0  }
0x91: {  	[sflag:s23] =	ssyncadd.s32 $0xFFFFF800  }
0x92: {  	_ =	swait.ge [sflag:s23], $0x800  }
0x93: {  	[sflag:s23] =	ssyncset.done $0x0  }
0x94: {  	[sflag:s23] =	ssyncadd.s32 $0xFFFFF800  }
0x95: {  	_ =	swait.ge [sflag:s23], $0x800  }
0x96: {  	[sflag:s23] =	ssyncset.done $0x0  }
0x97: {  	[sflag:s23] =	ssyncadd.s32 $0xFFFFF800  }
0x98: {  	s24 =	sadd.s32 $0x1, s24;
	_ =	swait.ge [sflag:s23], $0x800  }
0x99: {  	p0 =	sne.s32 s24, s4;
	[sflag:s23] =	ssyncset.done $0x0  }
.Ltmp1:
0x9a: {  	[sflag:s23] =	ssyncadd.s32 $0xFFFFF800;
	(pc) =	sbr.rel @p0 .LBB2_1-.Ltmp1, $4  }
0x9b: {  	[hbm4b:s25+s2] =	stream.linear.scatter [tilespmem:s9], [sflag:$0x2], $0x4000, $0x38;
	[tilespmem:$0x4400] =	vst v63  }
0x9c: {  	_ =	swait.ge [sflag:s7], $0x4000  }
0x9d: {  	[sflag:s7] =	ssyncset.done $0x0  }
0x9e: {  	[sflag:s7] =	ssyncadd.s32 $0xFFFFC000  }
0x9f: {  	_ =	sfence.sel $0x180000  }
0xa0: {  	[bflag:$0x0] =	sbarrier.arrive $0xFFFF  }
0xa1: {  	p0 =	sne.s32 s1, $0x0;
	_ =	strace $0x90000047  }
0xa2: {  	s0 =	sadd.s32 @!p0 $0x100000, s0;
	[bflag:$0x2] =	sbarrier.arrive $0xFFFF  }
0xa3: {  	[sflag:s0] =	ssyncadd.tile.s32 @!p0 $0x1;
	_ =	shalt  }
.Lfunc_end2:
_tile_overlayer_lowered:
.L_overlay_start_2:
0xa4: {  	(tag) =	ssettag $0x2  }
0xa5: {  	s0 =	rddreg [dreg:$0x0];
	s2 =	stileid.u32  }
0xa6: {  	s1 =	rddreg [dreg:$0x1];
	p0 =	sne.s32 s2, $0x0  }
0xa7: {  	s3 =	rddreg [dreg:$0x2];
	[bflag:$0x3] =	sbarrier.arrive $0xFFFF;
	s2 =	simm.s32 @!p0 $0x1C02  }
0xa8: {  	[timem:s3], [sflag:s2] =	dma.local @!p0 [hbm:s0], s1  }
0xa9: {  	s0 =	simm.s32 @!p0 $0x2  }
0xaa: {  	_ =	swait.ge @!p0 [sflag:s0], s1  }
0xab: {  	s1 =	ssub.s32 @!p0 $0x0, s1;
	[sflag:s0] =	ssyncset.done @!p0 $0x0  }
0xac: {  	[sflag:s0] =	ssyncadd.s32 @!p0 s1  }
0xad: {  	[bflag:$0x3] =	sbarrier.arrive $0xFFFF  }
0xae: {  	_ =	shalt  }

</sc_bundles>
